<compile_context>
chip_gen: v7x
topology: tpu7x:2x2x1
jax: 0.10.2.dev20260603
libtpu: 0.0.44.dev20260713+nightly
codegen_flags: <defaults>
</compile_context>

<pallas_src>
import jax
import jax.numpy as jnp
from jax import lax
from jax.experimental import pallas as pl
from jax.experimental.pallas import tpu as pltpu
from jax.experimental.pallas import tpu_sc as plsc

BSZ, BEAM, V = 32, 8, 32768
K = 2 * BEAM
NROW = BSZ * BEAM
NW = 32
RPW = NROW // NW
NGRP = V // 256
NEG = float("-inf")
BIG = 1 << 30



def _sc_body(lp0_hbm, lp1_hbm, scb0_hbm, scb1_hbm,
             tv0_hbm, ti0_hbm, tv1_hbm, ti1_hbm,
             rowA, rowB, gms, tidx_v, scv0, scv1,
             otv0, oti0, otv1, oti1, semA, semB):
    wid = lax.axis_index("s") * 2 + lax.axis_index("c")
    base = wid * RPW
    lane = lax.iota(jnp.int32, K)
    zeros16 = jnp.zeros((K,), jnp.int32)

    pltpu.sync_copy(scb0_hbm.at[pl.ds(base * K, RPW * K)], scv0)
    pltpu.sync_copy(scb1_hbm.at[pl.ds(base * K, RPW * K)], scv1)

    def scan_row(row_v, s, obase, otv, oti):
        @plsc.parallel_loop(0, NGRP, 1, unroll=2)
        def pass_a(g):
            off = g * 256
            ms = [row_v[pl.ds(off + c * K, K)] for c in range(16)]
            while len(ms) > 1:
                ms = [jnp.maximum(ms[i], ms[i + 1])
                      for i in range(0, len(ms), 2)]
            gm = jnp.max(ms[0])
            gms[pl.ds(g * K, K)] = jnp.full((K,), gm, jnp.float32)

        Ts = Ti = None
        for k in range(8):
            gmk = plsc.load_gather(gms, [lane * 17 + 256 * k])
            gik = lane + 16 * k
            sv, si = plsc.sort_key_val(gmk, gik, descending=True)
            if Ts is None:
                Ts, Ti = sv, si
            else:
                bv = lax.rev(sv, (0,))
                bi = lax.rev(si, (0,))
                keep = (Ts > bv) | ((Ts == bv) & (Ti < bi))
                Ts, Ti = plsc.sort_key_val(jnp.where(keep, Ts, bv),
                                           jnp.where(keep, Ti, bi),
                                           descending=True)
        tidx_v[...] = Ti

        def hot(r, carry):
            cv, ci = carry
            gsp = plsc.load_gather(tidx_v, [zeros16 + r])
            g = gsp[0]
            off = g * 256
            leaves = []
            for c in range(16):
                x = row_v[pl.ds(off + c * K, K)] + s
                xi = lane + (off + c * K)
                leaves.append(plsc.sort_key_val(x, xi, descending=True))

            def mrg(a, b):
                av, ai = a
                bv = lax.rev(b[0], (0,))
                bi = lax.rev(b[1], (0,))
                keep = (av > bv) | ((av == bv) & (ai < bi))
                return plsc.sort_key_val(jnp.where(keep, av, bv),
                                         jnp.where(keep, ai, bi),
                                         descending=True)

            while len(leaves) > 1:
                leaves = [mrg(leaves[i], leaves[i + 1])
                          for i in range(0, len(leaves), 2)]
            gv, gi = leaves[0]
            keep = (cv > gv) | ((cv == gv) & (ci < gi))
            mv = jnp.where(keep, cv, gv)
            mi = jnp.where(keep, ci, gi)
            cv, ci = plsc.sort_key_val(mv, mi, descending=False)
            return cv, ci

        cv0 = jnp.full((K,), NEG, jnp.float32)
        ci0 = jnp.zeros((K,), jnp.int32)
        cv, ci = lax.fori_loop(0, 16, hot, (cv0, ci0))
        otv[pl.ds(obase, K)] = lax.rev(cv, (0,))
        oti[pl.ds(obase, K)] = lax.rev(ci, (0,))

    pltpu.async_copy(lp0_hbm.at[base], rowA, semA)

    def rowloop(j, carry):
        row = base + j
        pltpu.make_async_copy(lp0_hbm.at[0], rowA, semA).wait()
        pltpu.async_copy(lp1_hbm.at[row], rowB, semB)
        scan_row(rowA, scv0[pl.ds(j * K, K)], j * K, otv0, oti0)
        pltpu.make_async_copy(lp1_hbm.at[0], rowB, semB).wait()
        nxt = jnp.minimum(row + 1, NROW - 1)
        pltpu.async_copy(lp0_hbm.at[nxt], rowA, semA)
        scan_row(rowB, scv1[pl.ds(j * K, K)], j * K, otv1, oti1)
        return carry

    lax.fori_loop(0, RPW, rowloop, 0)
    pltpu.make_async_copy(lp0_hbm.at[0], rowA, semA).wait()

    pltpu.sync_copy(otv0, tv0_hbm.at[pl.ds(base * K, RPW * K)])
    pltpu.sync_copy(oti0, ti0_hbm.at[pl.ds(base * K, RPW * K)])
    pltpu.sync_copy(otv1, tv1_hbm.at[pl.ds(base * K, RPW * K)])
    pltpu.sync_copy(oti1, ti1_hbm.at[pl.ds(base * K, RPW * K)])


def _sc_topk(lp0, lp1, scb0, scb1):
    f32 = jnp.float32
    i32 = jnp.int32
    run = pl.kernel(
        _sc_body,
        out_type=(
            jax.ShapeDtypeStruct((NROW * K,), f32),
            jax.ShapeDtypeStruct((NROW * K,), i32),
            jax.ShapeDtypeStruct((NROW * K,), f32),
            jax.ShapeDtypeStruct((NROW * K,), i32),
        ),
        mesh=plsc.VectorSubcoreMesh(core_axis_name="c", subcore_axis_name="s"),
        compiler_params=pltpu.CompilerParams(needs_layout_passes=False),
        scratch_types=[
            pltpu.VMEM((V,), f32),
            pltpu.VMEM((V,), f32),
            pltpu.VMEM((V // 16,), f32),
            pltpu.VMEM((K,), i32),
            pltpu.VMEM((RPW * K,), f32),
            pltpu.VMEM((RPW * K,), f32),
            pltpu.VMEM((RPW * K,), f32),
            pltpu.VMEM((RPW * K,), i32),
            pltpu.VMEM((RPW * K,), f32),
            pltpu.VMEM((RPW * K,), i32),
            pltpu.SemaphoreType.DMA,
            pltpu.SemaphoreType.DMA,
        ],
    )
    return run(lp0, lp1, scb0, scb1)



def _combine_body(tv0_ref, ti0_ref, tv1_ref, ti1_ref,
                  s0_ref, s1_ref, t0_ref, t1_ref, ib_ref):
    lane4 = jax.lax.broadcasted_iota(jnp.int32, (1, 1, 1, K), 3)

    def rerank(va, ia):
        ve = va[:, :, :, None]
        vf = va[:, :, None, :]
        ie = ia[:, :, :, None]
        if_ = ia[:, :, None, :]
        cond = (vf > ve) | ((vf == ve) & (if_ < ie))
        rank = jnp.sum(cond.astype(jnp.int32), axis=3)
        oh = rank[:, :, :, None] == lane4
        vs = jnp.sum(jnp.where(oh, ve, 0.0), axis=2)
        is_ = jnp.sum(jnp.where(oh, ie, 0), axis=2)
        return vs, is_

    tv0, ti0 = rerank(tv0_ref[...], ti0_ref[...])
    tv1, ti1 = rerank(tv1_ref[...], ti1_ref[...])

    ss = (tv0[:, :, :, None] + tv1[:, :, None, :]).reshape(BSZ, BEAM * K * K)
    fidx = jax.lax.broadcasted_iota(jnp.int32, (BSZ, BEAM * K * K), 1)
    lane16 = jax.lax.broadcasted_iota(jnp.int32, (1, K), 1)

    vacc = jnp.zeros((BSZ, K), jnp.float32)
    iacc = jnp.zeros((BSZ, K), jnp.int32)
    for t in range(K):
        m = jnp.max(ss, axis=1, keepdims=True)
        idx = jnp.min(jnp.where(ss == m, fidx, BIG), axis=1,
                      keepdims=True)
        ss = jnp.where(fidx == idx, NEG, ss)
        oh = lane16 == t
        vacc = vacc + jnp.where(oh, m, 0.0)
        iacc = iacc + jnp.where(oh, idx, 0)

    ib = iacc >> 8
    rem = iacc & 255
    i0 = rem >> 4
    i1 = rem & 15

    beam_i = jax.lax.broadcasted_iota(jnp.int32, (1, 1, BEAM, K), 2)
    col_i = jax.lax.broadcasted_iota(jnp.int32, (1, 1, BEAM, K), 3)
    sel0 = ((ib[:, :, None, None] == beam_i)
            & (i0[:, :, None, None] == col_i))
    sel1 = ((ib[:, :, None, None] == beam_i)
            & (i1[:, :, None, None] == col_i))
    s0_ref[...] = jnp.sum(jnp.where(sel0, tv0[:, None], 0.0), axis=(2, 3))
    s1_ref[...] = jnp.sum(jnp.where(sel1, tv1[:, None], 0.0), axis=(2, 3))
    t0_ref[...] = jnp.sum(jnp.where(sel0, ti0[:, None], 0), axis=(2, 3))
    t1_ref[...] = jnp.sum(jnp.where(sel1, ti1[:, None], 0), axis=(2, 3))
    ib_ref[...] = ib


def _tc_combine(tv0, ti0, tv1, ti1):
    out_shapes = tuple(
        jax.ShapeDtypeStruct((BSZ, K), dt)
        for dt in (jnp.float32, jnp.float32, jnp.int32, jnp.int32, jnp.int32))
    return pl.pallas_call(
        _combine_body,
        out_shape=out_shapes,
    )(tv0, ti0, tv1, ti1)


def kernel(step, lprobs_ch0, lprobs_ch1, scores_ch0, scores_ch1):
    sc0 = jax.lax.dynamic_index_in_dim(scores_ch0, step - 1, axis=2,
                                       keepdims=False)
    sc1 = jax.lax.dynamic_index_in_dim(scores_ch1, step - 1, axis=2,
                                       keepdims=False)
    lp0 = lprobs_ch0.reshape(NROW, V)
    lp1 = lprobs_ch1.reshape(NROW, V)
    scb0 = jnp.broadcast_to(sc0.reshape(NROW, 1), (NROW, K)).reshape(NROW * K)
    scb1 = jnp.broadcast_to(sc1.reshape(NROW, 1), (NROW, K)).reshape(NROW * K)

    tv0, ti0, tv1, ti1 = _sc_topk(lp0, lp1, scb0, scb1)
    tv0 = tv0.reshape(NROW, K)
    ti0 = ti0.reshape(NROW, K)
    tv1 = tv1.reshape(NROW, K)
    ti1 = ti1.reshape(NROW, K)

    s0, s1, t0, t1, ib = _tc_combine(
        tv0.reshape(BSZ, BEAM, K), ti0.reshape(BSZ, BEAM, K),
        tv1.reshape(BSZ, BEAM, K), ti1.reshape(BSZ, BEAM, K))
    return (s0, s1, t0, t1, ib)

# --- scband reference (transcript-rebuilt; emitter-appended) ---
"""Pipeline reference for scband-multichannel-beam-search-61495341744238 (READ-ONLY COPY).

The authoritative reference and input builder live on the scoring server;
editing this copy changes nothing except your own understanding.
"""

import jax, jax.numpy as jnp
import numpy as np

BSZ, BEAM, V0, V1 = 32, 8, 32768, 32768

def setup_inputs(seed: int = 0) -> dict:
    key = jax.random.key(seed)
    k0, k1, k2, k3 = jax.random.split(key, 4)
    return {
        'step': 1,
        'lprobs_ch0': jax.random.normal(k0, (BSZ, BEAM, V0), dtype=jnp.float32),
        'lprobs_ch1': jax.random.normal(k1, (BSZ, BEAM, V1), dtype=jnp.float32),
        'scores_ch0': jax.random.normal(k2, (BSZ, BEAM, 1), dtype=jnp.float32),
        'scores_ch1': jax.random.normal(k3, (BSZ, BEAM, 1), dtype=jnp.float32),
    }

def reference(step, lprobs_ch0, lprobs_ch1, scores_ch0, scores_ch1):
    # MultichannelBeamSearch.step with step > 0: add running hypothesis scores
    lp0 = lprobs_ch0 + scores_ch0[:, :, step - 1][..., None]
    lp1 = lprobs_ch1 + scores_ch1[:, :, step - 1][..., None]
    bsz, beam, _ = lp0.shape
    k = 2 * beam
    # per-channel top-k over vocab
    k0 = min(k, lp0.shape[-1])
    k1 = min(k, lp1.shape[-1])
    tv0, ti0 = jax.lax.top_k(lp0, k0)   # (bsz, beam, k0)
    tv1, ti1 = jax.lax.top_k(lp1, k1)   # (bsz, beam, k1)
    # sum combination grid: (bsz, beam, k0, k1)
    ssum = tv0[:, :, :, None] + tv1[:, :, None, :]
    flat = ssum.reshape(bsz, -1)
    vals, idx = jax.lax.top_k(flat, k)  # (bsz, k)
    # unravel over (beam, k0, k1)
    i_beam = idx // (k0 * k1)
    rem = idx % (k0 * k1)
    i0 = rem // k1
    i1 = rem % k1
    b = jnp.arange(bsz)[:, None]
    true0 = ti0[b, i_beam, i0]          # vocab indices for channel 0 (bsz, k)
    true1 = ti1[b, i_beam, i1]          # vocab indices for channel 1 (bsz, k)
    # scores_buf: gather the per-channel (score-augmented) lprobs at chosen (beam, vocab)
    s0 = lp0[b, i_beam, true0]
    s1 = lp1[b, i_beam, true1]
    return (s0, s1, true0, true1, i_beam)

if __name__ == "__main__":
    import jax
    _d = setup_inputs()
    print(jax.jit(kernel)(*tuple(_d.values())))

</pallas_src>

<mosaic_0001>
#map = affine_map<(d0, d1) -> (0, 0)>
#map1 = affine_map<(d0, d1) -> (0)>
module attributes {stable_mosaic.version = 14 : i64} {
  func.func @_sc_body(%arg0: i32, %arg1: i32, %arg2: memref<256x32768xf32, #tpu.memory_space<hbm>>, %arg3: memref<256x32768xf32, #tpu.memory_space<hbm>>, %arg4: memref<4096xf32, #tpu.memory_space<hbm>>, %arg5: memref<4096xf32, #tpu.memory_space<hbm>>, %arg6: memref<4096xf32, #tpu.memory_space<hbm>>, %arg7: memref<4096xi32, #tpu.memory_space<hbm>>, %arg8: memref<4096xf32, #tpu.memory_space<hbm>>, %arg9: memref<4096xi32, #tpu.memory_space<hbm>>, %arg10: memref<32768xf32, #tpu.memory_space<vmem>>, %arg11: memref<32768xf32, #tpu.memory_space<vmem>>, %arg12: memref<2048xf32, #tpu.memory_space<vmem>>, %arg13: memref<16xi32, #tpu.memory_space<vmem>>, %arg14: memref<128xf32, #tpu.memory_space<vmem>>, %arg15: memref<128xf32, #tpu.memory_space<vmem>>, %arg16: memref<128xf32, #tpu.memory_space<vmem>>, %arg17: memref<128xi32, #tpu.memory_space<vmem>>, %arg18: memref<128xf32, #tpu.memory_space<vmem>>, %arg19: memref<128xi32, #tpu.memory_space<vmem>>, %arg20: memref<!tpu.dma_semaphore, #tpu.memory_space<semaphore_mem>>, %arg21: memref<!tpu.dma_semaphore, #tpu.memory_space<semaphore_mem>>) attributes {dimension_semantics = [#tpu.dimension_semantics<core_parallel>, #tpu.dimension_semantics<subcore_parallel>], iteration_bounds = array<i64: 2, 16>, scalar_prefetch = 0 : i64, scratch_operands = 12 : i64, tpu.core_type = #tpu.core_type<sc_vector_subcore>, window_params = [{transform_indices = #map}, {transform_indices = #map}, {transform_indices = #map1}, {transform_indices = #map1}, {transform_indices = #map1}, {transform_indices = #map1}, {transform_indices = #map1}, {transform_indices = #map1}]} {
    %mul3A = arith.constant 2 : i32
    %mul3A_0 = arith.muli %arg1, %mul3A : i32
    %add3A = arith.addi %mul3A_0, %arg0 : i32
    %mul3A_1 = arith.constant 8 : i32
    %mul3A_2 = arith.muli %add3A, %mul3A_1 : i32
    %iota3A = tpu.iota {dimensions = array<i32: 0>} : vector<16xi32>
    %broadcast_in_dim3A = arith.constant 0 : i32
    %broadcast_in_dim3A_3 = vector.broadcast %broadcast_in_dim3A : i32 to vector<16xi32>
    %mul3A_4 = arith.constant 16 : i32
    %mul3A_5 = arith.muli %mul3A_2, %mul3A_4 : i32
    "tpu.region"() ({
      %run_scoped3A = tpu.sem_alloc : memref<!tpu.dma_semaphore, #tpu.memory_space<semaphore_mem>>
      %dma_start3A_32 = tpu.memref_slice %arg4[%mul3A_5] : memref<4096xf32, #tpu.memory_space<hbm>> -> memref<128xf32, #tpu.memory_space<hbm>>
      %dma_start3A_33 = tpu.memref_slice %arg4[%mul3A_5] : memref<4096xf32, #tpu.memory_space<hbm>> -> memref<128xf32, #tpu.memory_space<hbm>>
      tpu.enqueue_dma source(%dma_start3A_33 : memref<128xf32, #tpu.memory_space<hbm>>) target(%arg14 : memref<128xf32, #tpu.memory_space<vmem>>) target_semaphore(%run_scoped3A : memref<!tpu.dma_semaphore, #tpu.memory_space<semaphore_mem>>)
      %dma_wait3A_34 = tpu.memref_slice %arg4[%mul3A_5] : memref<4096xf32, #tpu.memory_space<hbm>> -> memref<128xf32, #tpu.memory_space<hbm>>
      %dma_wait3A_35 = tpu.memref_slice %arg4[%mul3A_5] : memref<4096xf32, #tpu.memory_space<hbm>> -> memref<128xf32, #tpu.memory_space<hbm>>
      tpu.wait_dma2 semaphore(%run_scoped3A : memref<!tpu.dma_semaphore, #tpu.memory_space<semaphore_mem>>) src(%dma_wait3A_35 : memref<128xf32, #tpu.memory_space<hbm>>) dst(%arg14 : memref<128xf32, #tpu.memory_space<vmem>>)
      tpu.yield
    }) : () -> ()
    %mul3A_6 = arith.constant 16 : i32
    %mul3A_7 = arith.muli %mul3A_2, %mul3A_6 : i32
    "tpu.region"() ({
      %run_scoped3A = tpu.sem_alloc : memref<!tpu.dma_semaphore, #tpu.memory_space<semaphore_mem>>
      %dma_start3A_32 = tpu.memref_slice %arg5[%mul3A_7] : memref<4096xf32, #tpu.memory_space<hbm>> -> memref<128xf32, #tpu.memory_space<hbm>>
      %dma_start3A_33 = tpu.memref_slice %arg5[%mul3A_7] : memref<4096xf32, #tpu.memory_space<hbm>> -> memref<128xf32, #tpu.memory_space<hbm>>
      tpu.enqueue_dma source(%dma_start3A_33 : memref<128xf32, #tpu.memory_space<hbm>>) target(%arg15 : memref<128xf32, #tpu.memory_space<vmem>>) target_semaphore(%run_scoped3A : memref<!tpu.dma_semaphore, #tpu.memory_space<semaphore_mem>>)
      %dma_wait3A_34 = tpu.memref_slice %arg5[%mul3A_7] : memref<4096xf32, #tpu.memory_space<hbm>> -> memref<128xf32, #tpu.memory_space<hbm>>
      %dma_wait3A_35 = tpu.memref_slice %arg5[%mul3A_7] : memref<4096xf32, #tpu.memory_space<hbm>> -> memref<128xf32, #tpu.memory_space<hbm>>
      tpu.wait_dma2 semaphore(%run_scoped3A : memref<!tpu.dma_semaphore, #tpu.memory_space<semaphore_mem>>) src(%dma_wait3A_35 : memref<128xf32, #tpu.memory_space<hbm>>) dst(%arg15 : memref<128xf32, #tpu.memory_space<vmem>>)
      tpu.yield
    }) : () -> ()
    %dma_start3A = arith.constant 0 : i32
    %dma_start3A_8 = tpu.memref_slice %arg2[%mul3A_2, %dma_start3A] : memref<256x32768xf32, #tpu.memory_space<hbm>> -> memref<1x32768xf32, #tpu.memory_space<hbm>>
    %dma_start3A_9 = tpu.memref_squeeze %dma_start3A_8 : memref<1x32768xf32, #tpu.memory_space<hbm>> -> memref<32768xf32, #tpu.memory_space<hbm>>
    %dma_start3A_10 = arith.constant 0 : i32
    %dma_start3A_11 = tpu.memref_slice %arg2[%mul3A_2, %dma_start3A_10] : memref<256x32768xf32, #tpu.memory_space<hbm>> -> memref<1x32768xf32, #tpu.memory_space<hbm>>
    %dma_start3A_12 = tpu.memref_squeeze %dma_start3A_11 : memref<1x32768xf32, #tpu.memory_space<hbm>> -> memref<32768xf32, #tpu.memory_space<hbm>>
    tpu.enqueue_dma source(%dma_start3A_12 : memref<32768xf32, #tpu.memory_space<hbm>>) target(%arg10 : memref<32768xf32, #tpu.memory_space<vmem>>) target_semaphore(%arg20 : memref<!tpu.dma_semaphore, #tpu.memory_space<semaphore_mem>>)
    %scan3A = arith.constant 0 : i32
    %scan3A_13 = arith.constant 0 : i32
    %scan3A_14 = arith.constant 8 : i32
    %scan3A_15 = arith.addi %scan3A_13, %scan3A_14 : i32
    %scan3A_16 = arith.constant 1 : i32
    scf.for %scan3A_32 = %scan3A_13 to %scan3A_15 step %scan3A_16  : i32 {
      %add3A_33 = arith.addi %mul3A_2, %scan3A_32 : i32
      %dma_wait3A_34 = arith.constant 0 : i32
      %dma_wait3A_35 = arith.constant 0 : i32
      %dma_wait3A_36 = tpu.memref_slice %arg2[%dma_wait3A_34, %dma_wait3A_35] : memref<256x32768xf32, #tpu.memory_space<hbm>> -> memref<1x32768xf32, #tpu.memory_space<hbm>>
      %dma_wait3A_37 = tpu.memref_squeeze %dma_wait3A_36 : memref<1x32768xf32, #tpu.memory_space<hbm>> -> memref<32768xf32, #tpu.memory_space<hbm>>
      %dma_wait3A_38 = arith.constant 0 : i32
      %dma_wait3A_39 = tpu.memref_slice %arg2[%dma_wait3A_34, %dma_wait3A_38] : memref<256x32768xf32, #tpu.memory_space<hbm>> -> memref<1x32768xf32, #tpu.memory_space<hbm>>
      %dma_wait3A_40 = tpu.memref_squeeze %dma_wait3A_39 : memref<1x32768xf32, #tpu.memory_space<hbm>> -> memref<32768xf32, #tpu.memory_space<hbm>>
      tpu.wait_dma2 semaphore(%arg20 : memref<!tpu.dma_semaphore, #tpu.memory_space<semaphore_mem>>) src(%dma_wait3A_40 : memref<32768xf32, #tpu.memory_space<hbm>>) dst(%arg10 : memref<32768xf32, #tpu.memory_space<vmem>>)
      %dma_start3A_41 = arith.constant 0 : i32
      %dma_start3A_42 = tpu.memref_slice %arg3[%add3A_33, %dma_start3A_41] : memref<256x32768xf32, #tpu.memory_space<hbm>> -> memref<1x32768xf32, #tpu.memory_space<hbm>>
      %dma_start3A_43 = tpu.memref_squeeze %dma_start3A_42 : memref<1x32768xf32, #tpu.memory_space<hbm>> -> memref<32768xf32, #tpu.memory_space<hbm>>
      %dma_start3A_44 = arith.constant 0 : i32
      %dma_start3A_45 = tpu.memref_slice %arg3[%add3A_33, %dma_start3A_44] : memref<256x32768xf32, #tpu.memory_space<hbm>> -> memref<1x32768xf32, #tpu.memory_space<hbm>>
      %dma_start3A_46 = tpu.memref_squeeze %dma_start3A_45 : memref<1x32768xf32, #tpu.memory_space<hbm>> -> memref<32768xf32, #tpu.memory_space<hbm>>
      tpu.enqueue_dma source(%dma_start3A_46 : memref<32768xf32, #tpu.memory_space<hbm>>) target(%arg11 : memref<32768xf32, #tpu.memory_space<vmem>>) target_semaphore(%arg21 : memref<!tpu.dma_semaphore, #tpu.memory_space<semaphore_mem>>)
      %mul3A_47 = arith.constant 16 : i32
      %mul3A_48 = arith.muli %scan3A_32, %mul3A_47 : i32
      %get3A = arith.index_cast %mul3A_48 : i32 to index
      %get3A_49 = tpu.vector_load %arg14[%get3A] {strides = array<i32>} : memref<128xf32, #tpu.memory_space<vmem>>, vector<16xf32>,
      %mul3A_50 = arith.constant 16 : i32
      %mul3A_51 = arith.muli %scan3A_32, %mul3A_50 : i32
      %parallel_loop3A = arith.constant 0 : i32
      %parallel_loop3A_52 = arith.constant 128 : i32
      %parallel_loop3A_53 = arith.constant 1 : i32
      scf.for %parallel_loop3A_639 = %parallel_loop3A to %parallel_loop3A_52 step %parallel_loop3A_53  : i32 {
        %parallel_loop3A_640 = arith.constant 256 : i32
        %parallel_loop3A_641 = arith.muli %parallel_loop3A_639, %parallel_loop3A_640 : i32
        %parallel_loop3A_642 = arith.constant 0 : i32
        %parallel_loop3A_643 = arith.addi %parallel_loop3A_641, %parallel_loop3A_642 : i32
        %parallel_loop3A_644 = arith.index_cast %parallel_loop3A_643 : i32 to index
        %parallel_loop3A_645 = tpu.vector_load %arg10[%parallel_loop3A_644] {strides = array<i32>} : memref<32768xf32, #tpu.memory_space<vmem>>, vector<16xf32>,
        %parallel_loop3A_646 = arith.constant 16 : i32
        %parallel_loop3A_647 = arith.addi %parallel_loop3A_641, %parallel_loop3A_646 : i32
        %parallel_loop3A_648 = arith.index_cast %parallel_loop3A_647 : i32 to index
        %parallel_loop3A_649 = tpu.vector_load %arg10[%parallel_loop3A_648] {strides = array<i32>} : memref<32768xf32, #tpu.memory_space<vmem>>, vector<16xf32>,
        %parallel_loop3A_650 = arith.constant 32 : i32
        %parallel_loop3A_651 = arith.addi %parallel_loop3A_641, %parallel_loop3A_650 : i32
        %parallel_loop3A_652 = arith.index_cast %parallel_loop3A_651 : i32 to index
        %parallel_loop3A_653 = tpu.vector_load %arg10[%parallel_loop3A_652] {strides = array<i32>} : memref<32768xf32, #tpu.memory_space<vmem>>, vector<16xf32>,
        %parallel_loop3A_654 = arith.constant 48 : i32
        %parallel_loop3A_655 = arith.addi %parallel_loop3A_641, %parallel_loop3A_654 : i32
        %parallel_loop3A_656 = arith.index_cast %parallel_loop3A_655 : i32 to index
        %parallel_loop3A_657 = tpu.vector_load %arg10[%parallel_loop3A_656] {strides = array<i32>} : memref<32768xf32, #tpu.memory_space<vmem>>, vector<16xf32>,
        %parallel_loop3A_658 = arith.constant 64 : i32
        %parallel_loop3A_659 = arith.addi %parallel_loop3A_641, %parallel_loop3A_658 : i32
        %parallel_loop3A_660 = arith.index_cast %parallel_loop3A_659 : i32 to index
        %parallel_loop3A_661 = tpu.vector_load %arg10[%parallel_loop3A_660] {strides = array<i32>} : memref<32768xf32, #tpu.memory_space<vmem>>, vector<16xf32>,
        %parallel_loop3A_662 = arith.constant 80 : i32
        %parallel_loop3A_663 = arith.addi %parallel_loop3A_641, %parallel_loop3A_662 : i32
        %parallel_loop3A_664 = arith.index_cast %parallel_loop3A_663 : i32 to index
        %parallel_loop3A_665 = tpu.vector_load %arg10[%parallel_loop3A_664] {strides = array<i32>} : memref<32768xf32, #tpu.memory_space<vmem>>, vector<16xf32>,
        %parallel_loop3A_666 = arith.constant 96 : i32
        %parallel_loop3A_667 = arith.addi %parallel_loop3A_641, %parallel_loop3A_666 : i32
        %parallel_loop3A_668 = arith.index_cast %parallel_loop3A_667 : i32 to index
        %parallel_loop3A_669 = tpu.vector_load %arg10[%parallel_loop3A_668] {strides = array<i32>} : memref<32768xf32, #tpu.memory_space<vmem>>, vector<16xf32>,
        %parallel_loop3A_670 = arith.constant 112 : i32
        %parallel_loop3A_671 = arith.addi %parallel_loop3A_641, %parallel_loop3A_670 : i32
        %parallel_loop3A_672 = arith.index_cast %parallel_loop3A_671 : i32 to index
        %parallel_loop3A_673 = tpu.vector_load %arg10[%parallel_loop3A_672] {strides = array<i32>} : memref<32768xf32, #tpu.memory_space<vmem>>, vector<16xf32>,
        %parallel_loop3A_674 = arith.constant 128 : i32
        %parallel_loop3A_675 = arith.addi %parallel_loop3A_641, %parallel_loop3A_674 : i32
        %parallel_loop3A_676 = arith.index_cast %parallel_loop3A_675 : i32 to index
        %parallel_loop3A_677 = tpu.vector_load %arg10[%parallel_loop3A_676] {strides = array<i32>} : memref<32768xf32, #tpu.memory_space<vmem>>, vector<16xf32>,
        %parallel_loop3A_678 = arith.constant 144 : i32
        %parallel_loop3A_679 = arith.addi %parallel_loop3A_641, %parallel_loop3A_678 : i32
        %parallel_loop3A_680 = arith.index_cast %parallel_loop3A_679 : i32 to index
        %parallel_loop3A_681 = tpu.vector_load %arg10[%parallel_loop3A_680] {strides = array<i32>} : memref<32768xf32, #tpu.memory_space<vmem>>, vector<16xf32>,
        %parallel_loop3A_682 = arith.constant 160 : i32
        %parallel_loop3A_683 = arith.addi %parallel_loop3A_641, %parallel_loop3A_682 : i32
        %parallel_loop3A_684 = arith.index_cast %parallel_loop3A_683 : i32 to index
        %parallel_loop3A_685 = tpu.vector_load %arg10[%parallel_loop3A_684] {strides = array<i32>} : memref<32768xf32, #tpu.memory_space<vmem>>, vector<16xf32>,
        %parallel_loop3A_686 = arith.constant 176 : i32
        %parallel_loop3A_687 = arith.addi %parallel_loop3A_641, %parallel_loop3A_686 : i32
        %parallel_loop3A_688 = arith.index_cast %parallel_loop3A_687 : i32 to index
        %parallel_loop3A_689 = tpu.vector_load %arg10[%parallel_loop3A_688] {strides = array<i32>} : memref<32768xf32, #tpu.memory_space<vmem>>, vector<16xf32>,
        %parallel_loop3A_690 = arith.constant 192 : i32
        %parallel_loop3A_691 = arith.addi %parallel_loop3A_641, %parallel_loop3A_690 : i32
        %parallel_loop3A_692 = arith.index_cast %parallel_loop3A_691 : i32 to index
        %parallel_loop3A_693 = tpu.vector_load %arg10[%parallel_loop3A_692] {strides = array<i32>} : memref<32768xf32, #tpu.memory_space<vmem>>, vector<16xf32>,
        %parallel_loop3A_694 = arith.constant 208 : i32
        %parallel_loop3A_695 = arith.addi %parallel_loop3A_641, %parallel_loop3A_694 : i32
        %parallel_loop3A_696 = arith.index_cast %parallel_loop3A_695 : i32 to index
        %parallel_loop3A_697 = tpu.vector_load %arg10[%parallel_loop3A_696] {strides = array<i32>} : memref<32768xf32, #tpu.memory_space<vmem>>, vector<16xf32>,
        %parallel_loop3A_698 = arith.constant 224 : i32
        %parallel_loop3A_699 = arith.addi %parallel_loop3A_641, %parallel_loop3A_698 : i32
        %parallel_loop3A_700 = arith.index_cast %parallel_loop3A_699 : i32 to index
        %parallel_loop3A_701 = tpu.vector_load %arg10[%parallel_loop3A_700] {strides = array<i32>} : memref<32768xf32, #tpu.memory_space<vmem>>, vector<16xf32>,
        %parallel_loop3A_702 = arith.constant 240 : i32
        %parallel_loop3A_703 = arith.addi %parallel_loop3A_641, %parallel_loop3A_702 : i32
        %parallel_loop3A_704 = arith.index_cast %parallel_loop3A_703 : i32 to index
        %parallel_loop3A_705 = tpu.vector_load %arg10[%parallel_loop3A_704] {strides = array<i32>} : memref<32768xf32, #tpu.memory_space<vmem>>, vector<16xf32>,
        %parallel_loop3A_706 = arith.maximumf %parallel_loop3A_645, %parallel_loop3A_649 : vector<16xf32>
        %parallel_loop3A_707 = arith.maximumf %parallel_loop3A_653, %parallel_loop3A_657 : vector<16xf32>
        %parallel_loop3A_708 = arith.maximumf %parallel_loop3A_661, %parallel_loop3A_665 : vector<16xf32>
        %parallel_loop3A_709 = arith.maximumf %parallel_loop3A_669, %parallel_loop3A_673 : vector<16xf32>
        %parallel_loop3A_710 = arith.maximumf %parallel_loop3A_677, %parallel_loop3A_681 : vector<16xf32>
        %parallel_loop3A_711 = arith.maximumf %parallel_loop3A_685, %parallel_loop3A_689 : vector<16xf32>
        %parallel_loop3A_712 = arith.maximumf %parallel_loop3A_693, %parallel_loop3A_697 : vector<16xf32>
        %parallel_loop3A_713 = arith.maximumf %parallel_loop3A_701, %parallel_loop3A_705 : vector<16xf32>
        %parallel_loop3A_714 = arith.maximumf %parallel_loop3A_706, %parallel_loop3A_707 : vector<16xf32>
        %parallel_loop3A_715 = arith.maximumf %parallel_loop3A_708, %parallel_loop3A_709 : vector<16xf32>
        %parallel_loop3A_716 = arith.maximumf %parallel_loop3A_710, %parallel_loop3A_711 : vector<16xf32>
        %parallel_loop3A_717 = arith.maximumf %parallel_loop3A_712, %parallel_loop3A_713 : vector<16xf32>
        %parallel_loop3A_718 = arith.maximumf %parallel_loop3A_714, %parallel_loop3A_715 : vector<16xf32>
        %parallel_loop3A_719 = arith.maximumf %parallel_loop3A_716, %parallel_loop3A_717 : vector<16xf32>
        %parallel_loop3A_720 = arith.maximumf %parallel_loop3A_718, %parallel_loop3A_719 : vector<16xf32>
        %parallel_loop3A_721 = arith.constant true
        %parallel_loop3A_722 = vector.broadcast %parallel_loop3A_721 : i1 to vector<16xi1>
        %parallel_loop3A_723 = tpu.scan <max>, %parallel_loop3A_720 masked %parallel_loop3A_722 : vector<16xf32>, vector<16xi1> -> vector<16xf32>
        %parallel_loop3A_724 = vector.extract %parallel_loop3A_723[15] : f32 from vector<16xf32>
        %parallel_loop3A_725 = vector.broadcast %parallel_loop3A_724 : f32 to vector<16xf32>
        %parallel_loop3A_726 = arith.constant 16 : i32
        %parallel_loop3A_727 = arith.muli %parallel_loop3A_639, %parallel_loop3A_726 : i32
        %parallel_loop3A_728 = arith.index_cast %parallel_loop3A_727 : i32 to index
        %parallel_loop3A_729 = tpu.vector_load %arg12[%parallel_loop3A_728] {strides = array<i32>} : memref<2048xf32, #tpu.memory_space<vmem>>, vector<16xf32>,
        tpu.vector_store %arg12[%parallel_loop3A_728], %parallel_loop3A_725 {strides = array<i32>} : memref<2048xf32, #tpu.memory_space<vmem>>, vector<16xf32>,
      } {sc.loop_unroll_factor = 2 : i64, sc.parallel_access}
      %mul3A_54 = arith.constant 17 : i32
      %mul3A_55 = vector.broadcast %mul3A_54 : i32 to vector<16xi32>
      %mul3A_56 = arith.muli %iota3A, %mul3A_55 : vector<16xi32>
      %add3A_57 = arith.constant 0 : i32
      %add3A_58 = vector.broadcast %add3A_57 : i32 to vector<16xi32>
      %add3A_59 = arith.addi %mul3A_56, %add3A_58 : vector<16xi32>
      %gather3A = tpu.vector_load_idx %arg12[%add3A_59] : memref<2048xf32, #tpu.memory_space<vmem>>[vector<16xi32>], vector<16xf32>,
      %add3A_60 = arith.constant 0 : i32
      %add3A_61 = vector.broadcast %add3A_60 : i32 to vector<16xi32>
      %add3A_62 = arith.addi %iota3A, %add3A_61 : vector<16xi32>
      %masked_sort3A = arith.constant dense<true> : vector<16xi1>
      %masked_sort3A_63, %masked_sort3A_64, %masked_sort3A_65 = tpu.sort %gather3A, %add3A_62 masked %masked_sort3A {descending = true} : (vector<16xf32>, vector<16xi32>, vector<16xi1>) -> (vector<16xi1>, vector<16xf32>, vector<16xi32>)
      %mul3A_66 = arith.constant 17 : i32
      %mul3A_67 = vector.broadcast %mul3A_66 : i32 to vector<16xi32>
      %mul3A_68 = arith.muli %iota3A, %mul3A_67 : vector<16xi32>
      %add3A_69 = arith.constant 256 : i32
      %add3A_70 = vector.broadcast %add3A_69 : i32 to vector<16xi32>
      %add3A_71 = arith.addi %mul3A_68, %add3A_70 : vector<16xi32>
      %gather3A_72 = tpu.vector_load_idx %arg12[%add3A_71] : memref<2048xf32, #tpu.memory_space<vmem>>[vector<16xi32>], vector<16xf32>,
      %add3A_73 = arith.constant 16 : i32
      %add3A_74 = vector.broadcast %add3A_73 : i32 to vector<16xi32>
      %add3A_75 = arith.addi %iota3A, %add3A_74 : vector<16xi32>
      %masked_sort3A_76 = arith.constant dense<true> : vector<16xi1>
      %masked_sort3A_77, %masked_sort3A_78, %masked_sort3A_79 = tpu.sort %gather3A_72, %add3A_75 masked %masked_sort3A_76 {descending = true} : (vector<16xf32>, vector<16xi32>, vector<16xi1>) -> (vector<16xi1>, vector<16xf32>, vector<16xi32>)
      %rev3A = arith.constant 15 : i32
      %rev3A_80 = vector.broadcast %rev3A : i32 to vector<16xi32>
      %rev3A_81 = tpu.iota {dimensions = array<i32: 0>} : vector<16xi32>
      %rev3A_82 = arith.subi %rev3A_80, %rev3A_81 : vector<16xi32>
      %rev3A_83 = tpu.dynamic_gather %masked_sort3A_78[%rev3A_82] in [0] : vector<16xf32>, vector<16xi32> -> vector<16xf32>
      %rev3A_84 = arith.constant 15 : i32
      %rev3A_85 = vector.broadcast %rev3A_84 : i32 to vector<16xi32>
      %rev3A_86 = tpu.iota {dimensions = array<i32: 0>} : vector<16xi32>
      %rev3A_87 = arith.subi %rev3A_85, %rev3A_86 : vector<16xi32>
      %rev3A_88 = tpu.dynamic_gather %masked_sort3A_79[%rev3A_87] in [0] : vector<16xi32>, vector<16xi32> -> vector<16xi32>
      %gt3A = arith.cmpf ogt, %masked_sort3A_64, %rev3A_83 : vector<16xf32>
      %eq3A = arith.cmpf oeq, %masked_sort3A_64, %rev3A_83 : vector<16xf32>
      %lt3A = arith.cmpi slt, %masked_sort3A_65, %rev3A_88 : vector<16xi32>
      %and3A = arith.andi %eq3A, %lt3A : vector<16xi1>
      %or3A = arith.ori %gt3A, %and3A : vector<16xi1>
      %select_n3A = arith.select %or3A, %masked_sort3A_64, %rev3A_83 : vector<16xi1>, vector<16xf32>
      %select_n3A_89 = arith.select %or3A, %masked_sort3A_65, %rev3A_88 : vector<16xi1>, vector<16xi32>
      %masked_sort3A_90 = arith.constant dense<true> : vector<16xi1>
      %masked_sort3A_91, %masked_sort3A_92, %masked_sort3A_93 = tpu.sort %select_n3A, %select_n3A_89 masked %masked_sort3A_90 {descending = true} : (vector<16xf32>, vector<16xi32>, vector<16xi1>) -> (vector<16xi1>, vector<16xf32>, vector<16xi32>)
      %mul3A_94 = arith.constant 17 : i32
      %mul3A_95 = vector.broadcast %mul3A_94 : i32 to vector<16xi32>
      %mul3A_96 = arith.muli %iota3A, %mul3A_95 : vector<16xi32>
      %add3A_97 = arith.constant 512 : i32
      %add3A_98 = vector.broadcast %add3A_97 : i32 to vector<16xi32>
      %add3A_99 = arith.addi %mul3A_96, %add3A_98 : vector<16xi32>
      %gather3A_100 = tpu.vector_load_idx %arg12[%add3A_99] : memref<2048xf32, #tpu.memory_space<vmem>>[vector<16xi32>], vector<16xf32>,
      %add3A_101 = arith.constant 32 : i32
      %add3A_102 = vector.broadcast %add3A_101 : i32 to vector<16xi32>
      %add3A_103 = arith.addi %iota3A, %add3A_102 : vector<16xi32>
      %masked_sort3A_104 = arith.constant dense<true> : vector<16xi1>
      %masked_sort3A_105, %masked_sort3A_106, %masked_sort3A_107 = tpu.sort %gather3A_100, %add3A_103 masked %masked_sort3A_104 {descending = true} : (vector<16xf32>, vector<16xi32>, vector<16xi1>) -> (vector<16xi1>, vector<16xf32>, vector<16xi32>)
      %rev3A_108 = arith.constant 15 : i32
      %rev3A_109 = vector.broadcast %rev3A_108 : i32 to vector<16xi32>
      %rev3A_110 = tpu.iota {dimensions = array<i32: 0>} : vector<16xi32>
      %rev3A_111 = arith.subi %rev3A_109, %rev3A_110 : vector<16xi32>
      %rev3A_112 = tpu.dynamic_gather %masked_sort3A_106[%rev3A_111] in [0] : vector<16xf32>, vector<16xi32> -> vector<16xf32>
      %rev3A_113 = arith.constant 15 : i32
      %rev3A_114 = vector.broadcast %rev3A_113 : i32 to vector<16xi32>
      %rev3A_115 = tpu.iota {dimensions = array<i32: 0>} : vector<16xi32>
      %rev3A_116 = arith.subi %rev3A_114, %rev3A_115 : vector<16xi32>
      %rev3A_117 = tpu.dynamic_gather %masked_sort3A_107[%rev3A_116] in [0] : vector<16xi32>, vector<16xi32> -> vector<16xi32>
      %gt3A_118 = arith.cmpf ogt, %masked_sort3A_92, %rev3A_112 : vector<16xf32>
      %eq3A_119 = arith.cmpf oeq, %masked_sort3A_92, %rev3A_112 : vector<16xf32>
      %lt3A_120 = arith.cmpi slt, %masked_sort3A_93, %rev3A_117 : vector<16xi32>
      %and3A_121 = arith.andi %eq3A_119, %lt3A_120 : vector<16xi1>
      %or3A_122 = arith.ori %gt3A_118, %and3A_121 : vector<16xi1>
      %select_n3A_123 = arith.select %or3A_122, %masked_sort3A_92, %rev3A_112 : vector<16xi1>, vector<16xf32>
      %select_n3A_124 = arith.select %or3A_122, %masked_sort3A_93, %rev3A_117 : vector<16xi1>, vector<16xi32>
      %masked_sort3A_125 = arith.constant dense<true> : vector<16xi1>
      %masked_sort3A_126, %masked_sort3A_127, %masked_sort3A_128 = tpu.sort %select_n3A_123, %select_n3A_124 masked %masked_sort3A_125 {descending = true} : (vector<16xf32>, vector<16xi32>, vector<16xi1>) -> (vector<16xi1>, vector<16xf32>, vector<16xi32>)
      %mul3A_129 = arith.constant 17 : i32
      %mul3A_130 = vector.broadcast %mul3A_129 : i32 to vector<16xi32>
      %mul3A_131 = arith.muli %iota3A, %mul3A_130 : vector<16xi32>
      %add3A_132 = arith.constant 768 : i32
      %add3A_133 = vector.broadcast %add3A_132 : i32 to vector<16xi32>
      %add3A_134 = arith.addi %mul3A_131, %add3A_133 : vector<16xi32>
      %gather3A_135 = tpu.vector_load_idx %arg12[%add3A_134] : memref<2048xf32, #tpu.memory_space<vmem>>[vector<16xi32>], vector<16xf32>,
      %add3A_136 = arith.constant 48 : i32
      %add3A_137 = vector.broadcast %add3A_136 : i32 to vector<16xi32>
      %add3A_138 = arith.addi %iota3A, %add3A_137 : vector<16xi32>
      %masked_sort3A_139 = arith.constant dense<true> : vector<16xi1>
      %masked_sort3A_140, %masked_sort3A_141, %masked_sort3A_142 = tpu.sort %gather3A_135, %add3A_138 masked %masked_sort3A_139 {descending = true} : (vector<16xf32>, vector<16xi32>, vector<16xi1>) -> (vector<16xi1>, vector<16xf32>, vector<16xi32>)
      %rev3A_143 = arith.constant 15 : i32
      %rev3A_144 = vector.broadcast %rev3A_143 : i32 to vector<16xi32>
      %rev3A_145 = tpu.iota {dimensions = array<i32: 0>} : vector<16xi32>
      %rev3A_146 = arith.subi %rev3A_144, %rev3A_145 : vector<16xi32>
      %rev3A_147 = tpu.dynamic_gather %masked_sort3A_141[%rev3A_146] in [0] : vector<16xf32>, vector<16xi32> -> vector<16xf32>
      %rev3A_148 = arith.constant 15 : i32
      %rev3A_149 = vector.broadcast %rev3A_148 : i32 to vector<16xi32>
      %rev3A_150 = tpu.iota {dimensions = array<i32: 0>} : vector<16xi32>
      %rev3A_151 = arith.subi %rev3A_149, %rev3A_150 : vector<16xi32>
      %rev3A_152 = tpu.dynamic_gather %masked_sort3A_142[%rev3A_151] in [0] : vector<16xi32>, vector<16xi32> -> vector<16xi32>
      %gt3A_153 = arith.cmpf ogt, %masked_sort3A_127, %rev3A_147 : vector<16xf32>
      %eq3A_154 = arith.cmpf oeq, %masked_sort3A_127, %rev3A_147 : vector<16xf32>
      %lt3A_155 = arith.cmpi slt, %masked_sort3A_128, %rev3A_152 : vector<16xi32>
      %and3A_156 = arith.andi %eq3A_154, %lt3A_155 : vector<16xi1>
      %or3A_157 = arith.ori %gt3A_153, %and3A_156 : vector<16xi1>
      %select_n3A_158 = arith.select %or3A_157, %masked_sort3A_127, %rev3A_147 : vector<16xi1>, vector<16xf32>
      %select_n3A_159 = arith.select %or3A_157, %masked_sort3A_128, %rev3A_152 : vector<16xi1>, vector<16xi32>
      %masked_sort3A_160 = arith.constant dense<true> : vector<16xi1>
      %masked_sort3A_161, %masked_sort3A_162, %masked_sort3A_163 = tpu.sort %select_n3A_158, %select_n3A_159 masked %masked_sort3A_160 {descending = true} : (vector<16xf32>, vector<16xi32>, vector<16xi1>) -> (vector<16xi1>, vector<16xf32>, vector<16xi32>)
      %mul3A_164 = arith.constant 17 : i32
      %mul3A_165 = vector.broadcast %mul3A_164 : i32 to vector<16xi32>
      %mul3A_166 = arith.muli %iota3A, %mul3A_165 : vector<16xi32>
      %add3A_167 = arith.constant 1024 : i32
      %add3A_168 = vector.broadcast %add3A_167 : i32 to vector<16xi32>
      %add3A_169 = arith.addi %mul3A_166, %add3A_168 : vector<16xi32>
      %gather3A_170 = tpu.vector_load_idx %arg12[%add3A_169] : memref<2048xf32, #tpu.memory_space<vmem>>[vector<16xi32>], vector<16xf32>,
      %add3A_171 = arith.constant 64 : i32
      %add3A_172 = vector.broadcast %add3A_171 : i32 to vector<16xi32>
      %add3A_173 = arith.addi %iota3A, %add3A_172 : vector<16xi32>
      %masked_sort3A_174 = arith.constant dense<true> : vector<16xi1>
      %masked_sort3A_175, %masked_sort3A_176, %masked_sort3A_177 = tpu.sort %gather3A_170, %add3A_173 masked %masked_sort3A_174 {descending = true} : (vector<16xf32>, vector<16xi32>, vector<16xi1>) -> (vector<16xi1>, vector<16xf32>, vector<16xi32>)
      %rev3A_178 = arith.constant 15 : i32
      %rev3A_179 = vector.broadcast %rev3A_178 : i32 to vector<16xi32>
      %rev3A_180 = tpu.iota {dimensions = array<i32: 0>} : vector<16xi32>
      %rev3A_181 = arith.subi %rev3A_179, %rev3A_180 : vector<16xi32>
      %rev3A_182 = tpu.dynamic_gather %masked_sort3A_176[%rev3A_181] in [0] : vector<16xf32>, vector<16xi32> -> vector<16xf32>
      %rev3A_183 = arith.constant 15 : i32
      %rev3A_184 = vector.broadcast %rev3A_183 : i32 to vector<16xi32>
      %rev3A_185 = tpu.iota {dimensions = array<i32: 0>} : vector<16xi32>
      %rev3A_186 = arith.subi %rev3A_184, %rev3A_185 : vector<16xi32>
      %rev3A_187 = tpu.dynamic_gather %masked_sort3A_177[%rev3A_186] in [0] : vector<16xi32>, vector<16xi32> -> vector<16xi32>
      %gt3A_188 = arith.cmpf ogt, %masked_sort3A_162, %rev3A_182 : vector<16xf32>
      %eq3A_189 = arith.cmpf oeq, %masked_sort3A_162, %rev3A_182 : vector<16xf32>
      %lt3A_190 = arith.cmpi slt, %masked_sort3A_163, %rev3A_187 : vector<16xi32>
      %and3A_191 = arith.andi %eq3A_189, %lt3A_190 : vector<16xi1>
      %or3A_192 = arith.ori %gt3A_188, %and3A_191 : vector<16xi1>
      %select_n3A_193 = arith.select %or3A_192, %masked_sort3A_162, %rev3A_182 : vector<16xi1>, vector<16xf32>
      %select_n3A_194 = arith.select %or3A_192, %masked_sort3A_163, %rev3A_187 : vector<16xi1>, vector<16xi32>
      %masked_sort3A_195 = arith.constant dense<true> : vector<16xi1>
      %masked_sort3A_196, %masked_sort3A_197, %masked_sort3A_198 = tpu.sort %select_n3A_193, %select_n3A_194 masked %masked_sort3A_195 {descending = true} : (vector<16xf32>, vector<16xi32>, vector<16xi1>) -> (vector<16xi1>, vector<16xf32>, vector<16xi32>)
      %mul3A_199 = arith.constant 17 : i32
      %mul3A_200 = vector.broadcast %mul3A_199 : i32 to vector<16xi32>
      %mul3A_201 = arith.muli %iota3A, %mul3A_200 : vector<16xi32>
      %add3A_202 = arith.constant 1280 : i32
      %add3A_203 = vector.broadcast %add3A_202 : i32 to vector<16xi32>
      %add3A_204 = arith.addi %mul3A_201, %add3A_203 : vector<16xi32>
      %gather3A_205 = tpu.vector_load_idx %arg12[%add3A_204] : memref<2048xf32, #tpu.memory_space<vmem>>[vector<16xi32>], vector<16xf32>,
      %add3A_206 = arith.constant 80 : i32
      %add3A_207 = vector.broadcast %add3A_206 : i32 to vector<16xi32>
      %add3A_208 = arith.addi %iota3A, %add3A_207 : vector<16xi32>
      %masked_sort3A_209 = arith.constant dense<true> : vector<16xi1>
      %masked_sort3A_210, %masked_sort3A_211, %masked_sort3A_212 = tpu.sort %gather3A_205, %add3A_208 masked %masked_sort3A_209 {descending = true} : (vector<16xf32>, vector<16xi32>, vector<16xi1>) -> (vector<16xi1>, vector<16xf32>, vector<16xi32>)
      %rev3A_213 = arith.constant 15 : i32
      %rev3A_214 = vector.broadcast %rev3A_213 : i32 to vector<16xi32>
      %rev3A_215 = tpu.iota {dimensions = array<i32: 0>} : vector<16xi32>
      %rev3A_216 = arith.subi %rev3A_214, %rev3A_215 : vector<16xi32>
      %rev3A_217 = tpu.dynamic_gather %masked_sort3A_211[%rev3A_216] in [0] : vector<16xf32>, vector<16xi32> -> vector<16xf32>
      %rev3A_218 = arith.constant 15 : i32
      %rev3A_219 = vector.broadcast %rev3A_218 : i32 to vector<16xi32>
      %rev3A_220 = tpu.iota {dimensions = array<i32: 0>} : vector<16xi32>
      %rev3A_221 = arith.subi %rev3A_219, %rev3A_220 : vector<16xi32>
      %rev3A_222 = tpu.dynamic_gather %masked_sort3A_212[%rev3A_221] in [0] : vector<16xi32>, vector<16xi32> -> vector<16xi32>
      %gt3A_223 = arith.cmpf ogt, %masked_sort3A_197, %rev3A_217 : vector<16xf32>
      %eq3A_224 = arith.cmpf oeq, %masked_sort3A_197, %rev3A_217 : vector<16xf32>
      %lt3A_225 = arith.cmpi slt, %masked_sort3A_198, %rev3A_222 : vector<16xi32>
      %and3A_226 = arith.andi %eq3A_224, %lt3A_225 : vector<16xi1>
      %or3A_227 = arith.ori %gt3A_223, %and3A_226 : vector<16xi1>
      %select_n3A_228 = arith.select %or3A_227, %masked_sort3A_197, %rev3A_217 : vector<16xi1>, vector<16xf32>
      %select_n3A_229 = arith.select %or3A_227, %masked_sort3A_198, %rev3A_222 : vector<16xi1>, vector<16xi32>
      %masked_sort3A_230 = arith.constant dense<true> : vector<16xi1>
      %masked_sort3A_231, %masked_sort3A_232, %masked_sort3A_233 = tpu.sort %select_n3A_228, %select_n3A_229 masked %masked_sort3A_230 {descending = true} : (vector<16xf32>, vector<16xi32>, vector<16xi1>) -> (vector<16xi1>, vector<16xf32>, vector<16xi32>)
      %mul3A_234 = arith.constant 17 : i32
      %mul3A_235 = vector.broadcast %mul3A_234 : i32 to vector<16xi32>
      %mul3A_236 = arith.muli %iota3A, %mul3A_235 : vector<16xi32>
      %add3A_237 = arith.constant 1536 : i32
      %add3A_238 = vector.broadcast %add3A_237 : i32 to vector<16xi32>
      %add3A_239 = arith.addi %mul3A_236, %add3A_238 : vector<16xi32>
      %gather3A_240 = tpu.vector_load_idx %arg12[%add3A_239] : memref<2048xf32, #tpu.memory_space<vmem>>[vector<16xi32>], vector<16xf32>,
      %add3A_241 = arith.constant 96 : i32
      %add3A_242 = vector.broadcast %add3A_241 : i32 to vector<16xi32>
      %add3A_243 = arith.addi %iota3A, %add3A_242 : vector<16xi32>
      %masked_sort3A_244 = arith.constant dense<true> : vector<16xi1>
      %masked_sort3A_245, %masked_sort3A_246, %masked_sort3A_247 = tpu.sort %gather3A_240, %add3A_243 masked %masked_sort3A_244 {descending = true} : (vector<16xf32>, vector<16xi32>, vector<16xi1>) -> (vector<16xi1>, vector<16xf32>, vector<16xi32>)
      %rev3A_248 = arith.constant 15 : i32
      %rev3A_249 = vector.broadcast %rev3A_248 : i32 to vector<16xi32>
      %rev3A_250 = tpu.iota {dimensions = array<i32: 0>} : vector<16xi32>
      %rev3A_251 = arith.subi %rev3A_249, %rev3A_250 : vector<16xi32>
      %rev3A_252 = tpu.dynamic_gather %masked_sort3A_246[%rev3A_251] in [0] : vector<16xf32>, vector<16xi32> -> vector<16xf32>
      %rev3A_253 = arith.constant 15 : i32
      %rev3A_254 = vector.broadcast %rev3A_253 : i32 to vector<16xi32>
      %rev3A_255 = tpu.iota {dimensions = array<i32: 0>} : vector<16xi32>
      %rev3A_256 = arith.subi %rev3A_254, %rev3A_255 : vector<16xi32>
      %rev3A_257 = tpu.dynamic_gather %masked_sort3A_247[%rev3A_256] in [0] : vector<16xi32>, vector<16xi32> -> vector<16xi32>
      %gt3A_258 = arith.cmpf ogt, %masked_sort3A_232, %rev3A_252 : vector<16xf32>
      %eq3A_259 = arith.cmpf oeq, %masked_sort3A_232, %rev3A_252 : vector<16xf32>
      %lt3A_260 = arith.cmpi slt, %masked_sort3A_233, %rev3A_257 : vector<16xi32>
      %and3A_261 = arith.andi %eq3A_259, %lt3A_260 : vector<16xi1>
      %or3A_262 = arith.ori %gt3A_258, %and3A_261 : vector<16xi1>
      %select_n3A_263 = arith.select %or3A_262, %masked_sort3A_232, %rev3A_252 : vector<16xi1>, vector<16xf32>
      %select_n3A_264 = arith.select %or3A_262, %masked_sort3A_233, %rev3A_257 : vector<16xi1>, vector<16xi32>
      %masked_sort3A_265 = arith.constant dense<true> : vector<16xi1>
      %masked_sort3A_266, %masked_sort3A_267, %masked_sort3A_268 = tpu.sort %select_n3A_263, %select_n3A_264 masked %masked_sort3A_265 {descending = true} : (vector<16xf32>, vector<16xi32>, vector<16xi1>) -> (vector<16xi1>, vector<16xf32>, vector<16xi32>)
      %mul3A_269 = arith.constant 17 : i32
      %mul3A_270 = vector.broadcast %mul3A_269 : i32 to vector<16xi32>
      %mul3A_271 = arith.muli %iota3A, %mul3A_270 : vector<16xi32>
      %add3A_272 = arith.constant 1792 : i32
      %add3A_273 = vector.broadcast %add3A_272 : i32 to vector<16xi32>
      %add3A_274 = arith.addi %mul3A_271, %add3A_273 : vector<16xi32>
      %gather3A_275 = tpu.vector_load_idx %arg12[%add3A_274] : memref<2048xf32, #tpu.memory_space<vmem>>[vector<16xi32>], vector<16xf32>,
      %add3A_276 = arith.constant 112 : i32
      %add3A_277 = vector.broadcast %add3A_276 : i32 to vector<16xi32>
      %add3A_278 = arith.addi %iota3A, %add3A_277 : vector<16xi32>
      %masked_sort3A_279 = arith.constant dense<true> : vector<16xi1>
      %masked_sort3A_280, %masked_sort3A_281, %masked_sort3A_282 = tpu.sort %gather3A_275, %add3A_278 masked %masked_sort3A_279 {descending = true} : (vector<16xf32>, vector<16xi32>, vector<16xi1>) -> (vector<16xi1>, vector<16xf32>, vector<16xi32>)
      %rev3A_283 = arith.constant 15 : i32
      %rev3A_284 = vector.broadcast %rev3A_283 : i32 to vector<16xi32>
      %rev3A_285 = tpu.iota {dimensions = array<i32: 0>} : vector<16xi32>
      %rev3A_286 = arith.subi %rev3A_284, %rev3A_285 : vector<16xi32>
      %rev3A_287 = tpu.dynamic_gather %masked_sort3A_281[%rev3A_286] in [0] : vector<16xf32>, vector<16xi32> -> vector<16xf32>
      %rev3A_288 = arith.constant 15 : i32
      %rev3A_289 = vector.broadcast %rev3A_288 : i32 to vector<16xi32>
      %rev3A_290 = tpu.iota {dimensions = array<i32: 0>} : vector<16xi32>
      %rev3A_291 = arith.subi %rev3A_289, %rev3A_290 : vector<16xi32>
      %rev3A_292 = tpu.dynamic_gather %masked_sort3A_282[%rev3A_291] in [0] : vector<16xi32>, vector<16xi32> -> vector<16xi32>
      %gt3A_293 = arith.cmpf ogt, %masked_sort3A_267, %rev3A_287 : vector<16xf32>
      %eq3A_294 = arith.cmpf oeq, %masked_sort3A_267, %rev3A_287 : vector<16xf32>
      %lt3A_295 = arith.cmpi slt, %masked_sort3A_268, %rev3A_292 : vector<16xi32>
      %and3A_296 = arith.andi %eq3A_294, %lt3A_295 : vector<16xi1>
      %or3A_297 = arith.ori %gt3A_293, %and3A_296 : vector<16xi1>
      %select_n3A_298 = arith.select %or3A_297, %masked_sort3A_267, %rev3A_287 : vector<16xi1>, vector<16xf32>
      %select_n3A_299 = arith.select %or3A_297, %masked_sort3A_268, %rev3A_292 : vector<16xi1>, vector<16xi32>
      %masked_sort3A_300 = arith.constant dense<true> : vector<16xi1>
      %masked_sort3A_301, %masked_sort3A_302, %masked_sort3A_303 = tpu.sort %select_n3A_298, %select_n3A_299 masked %masked_sort3A_300 {descending = true} : (vector<16xf32>, vector<16xi32>, vector<16xi1>) -> (vector<16xi1>, vector<16xf32>, vector<16xi32>)
      %swap3A = arith.constant 0 : index
      %swap3A_304 = tpu.vector_load %arg13[%swap3A] {strides = array<i32>} : memref<16xi32, #tpu.memory_space<vmem>>, vector<16xi32>,
      tpu.vector_store %arg13[%swap3A], %masked_sort3A_303 {strides = array<i32>} : memref<16xi32, #tpu.memory_space<vmem>>, vector<16xi32>,
      %broadcast_in_dim3A_305 = arith.constant 0xFF800000 : f32
      %broadcast_in_dim3A_306 = vector.broadcast %broadcast_in_dim3A_305 : f32 to vector<16xf32>
      %broadcast_in_dim3A_307 = arith.constant 0 : i32
      %broadcast_in_dim3A_308 = vector.broadcast %broadcast_in_dim3A_307 : i32 to vector<16xi32>
      %scan3A_309 = arith.constant 0 : i32
      %scan3A_310 = arith.constant 16 : i32
      %scan3A_311 = arith.addi %scan3A_309, %scan3A_310 : i32
      %scan3A_312 = arith.constant 1 : i32
      %scan3A_313:2 = scf.for %scan3A_639 = %scan3A_309 to %scan3A_311 step %scan3A_312 iter_args(%scan3A_640 = %broadcast_in_dim3A_306, %scan3A_641 = %broadcast_in_dim3A_308) -> (vector<16xf32>, vector<16xi32>)  : i32 {
        %add3A_642 = vector.broadcast %scan3A_639 : i32 to vector<16xi32>
        %add3A_643 = arith.addi %broadcast_in_dim3A_3, %add3A_642 : vector<16xi32>
        %gather3A_644 = tpu.vector_load_idx %arg13[%add3A_643] : memref<16xi32, #tpu.memory_space<vmem>>[vector<16xi32>], vector<16xi32>,
        %slice3A = vector.extract_strided_slice %gather3A_644 {offsets = [0], sizes = [1], strides = [1]} : vector<16xi32> to vector<1xi32>
        %squeeze3A = vector.extract %slice3A[0] : i32 from vector<1xi32>
        %mul3A_645 = arith.constant 256 : i32
        %mul3A_646 = arith.muli %squeeze3A, %mul3A_645 : i32
        %add3A_647 = arith.constant 0 : i32
        %add3A_648 = arith.addi %mul3A_646, %add3A_647 : i32
        %get3A_649 = arith.index_cast %add3A_648 : i32 to index
        %get3A_650 = tpu.vector_load %arg10[%get3A_649] {strides = array<i32>} : memref<32768xf32, #tpu.memory_space<vmem>>, vector<16xf32>,
        %add3A_651 = arith.addf %get3A_650, %get3A_49 : vector<16xf32>
        %add3A_652 = arith.constant 0 : i32
        %add3A_653 = arith.addi %mul3A_646, %add3A_652 : i32
        %add3A_654 = vector.broadcast %add3A_653 : i32 to vector<16xi32>
        %add3A_655 = arith.addi %iota3A, %add3A_654 : vector<16xi32>
        %masked_sort3A_656 = arith.constant dense<true> : vector<16xi1>
        %masked_sort3A_657, %masked_sort3A_658, %masked_sort3A_659 = tpu.sort %add3A_651, %add3A_655 masked %masked_sort3A_656 {descending = true} : (vector<16xf32>, vector<16xi32>, vector<16xi1>) -> (vector<16xi1>, vector<16xf32>, vector<16xi32>)
        %add3A_660 = arith.constant 16 : i32
        %add3A_661 = arith.addi %mul3A_646, %add3A_660 : i32
        %get3A_662 = arith.index_cast %add3A_661 : i32 to index
        %get3A_663 = tpu.vector_load %arg10[%get3A_662] {strides = array<i32>} : memref<32768xf32, #tpu.memory_space<vmem>>, vector<16xf32>,
        %add3A_664 = arith.addf %get3A_663, %get3A_49 : vector<16xf32>
        %add3A_665 = arith.constant 16 : i32
        %add3A_666 = arith.addi %mul3A_646, %add3A_665 : i32
        %add3A_667 = vector.broadcast %add3A_666 : i32 to vector<16xi32>
        %add3A_668 = arith.addi %iota3A, %add3A_667 : vector<16xi32>
        %masked_sort3A_669 = arith.constant dense<true> : vector<16xi1>
        %masked_sort3A_670, %masked_sort3A_671, %masked_sort3A_672 = tpu.sort %add3A_664, %add3A_668 masked %masked_sort3A_669 {descending = true} : (vector<16xf32>, vector<16xi32>, vector<16xi1>) -> (vector<16xi1>, vector<16xf32>, vector<16xi32>)
        %add3A_673 = arith.constant 32 : i32
        %add3A_674 = arith.addi %mul3A_646, %add3A_673 : i32
        %get3A_675 = arith.index_cast %add3A_674 : i32 to index
        %get3A_676 = tpu.vector_load %arg10[%get3A_675] {strides = array<i32>} : memref<32768xf32, #tpu.memory_space<vmem>>, vector<16xf32>,
        %add3A_677 = arith.addf %get3A_676, %get3A_49 : vector<16xf32>
        %add3A_678 = arith.constant 32 : i32
        %add3A_679 = arith.addi %mul3A_646, %add3A_678 : i32
        %add3A_680 = vector.broadcast %add3A_679 : i32 to vector<16xi32>
        %add3A_681 = arith.addi %iota3A, %add3A_680 : vector<16xi32>
        %masked_sort3A_682 = arith.constant dense<true> : vector<16xi1>
        %masked_sort3A_683, %masked_sort3A_684, %masked_sort3A_685 = tpu.sort %add3A_677, %add3A_681 masked %masked_sort3A_682 {descending = true} : (vector<16xf32>, vector<16xi32>, vector<16xi1>) -> (vector<16xi1>, vector<16xf32>, vector<16xi32>)
        %add3A_686 = arith.constant 48 : i32
        %add3A_687 = arith.addi %mul3A_646, %add3A_686 : i32
        %get3A_688 = arith.index_cast %add3A_687 : i32 to index
        %get3A_689 = tpu.vector_load %arg10[%get3A_688] {strides = array<i32>} : memref<32768xf32, #tpu.memory_space<vmem>>, vector<16xf32>,
        %add3A_690 = arith.addf %get3A_689, %get3A_49 : vector<16xf32>
        %add3A_691 = arith.constant 48 : i32
        %add3A_692 = arith.addi %mul3A_646, %add3A_691 : i32
        %add3A_693 = vector.broadcast %add3A_692 : i32 to vector<16xi32>
        %add3A_694 = arith.addi %iota3A, %add3A_693 : vector<16xi32>
        %masked_sort3A_695 = arith.constant dense<true> : vector<16xi1>
        %masked_sort3A_696, %masked_sort3A_697, %masked_sort3A_698 = tpu.sort %add3A_690, %add3A_694 masked %masked_sort3A_695 {descending = true} : (vector<16xf32>, vector<16xi32>, vector<16xi1>) -> (vector<16xi1>, vector<16xf32>, vector<16xi32>)
        %add3A_699 = arith.constant 64 : i32
        %add3A_700 = arith.addi %mul3A_646, %add3A_699 : i32
        %get3A_701 = arith.index_cast %add3A_700 : i32 to index
        %get3A_702 = tpu.vector_load %arg10[%get3A_701] {strides = array<i32>} : memref<32768xf32, #tpu.memory_space<vmem>>, vector<16xf32>,
        %add3A_703 = arith.addf %get3A_702, %get3A_49 : vector<16xf32>
        %add3A_704 = arith.constant 64 : i32
        %add3A_705 = arith.addi %mul3A_646, %add3A_704 : i32
        %add3A_706 = vector.broadcast %add3A_705 : i32 to vector<16xi32>
        %add3A_707 = arith.addi %iota3A, %add3A_706 : vector<16xi32>
        %masked_sort3A_708 = arith.constant dense<true> : vector<16xi1>
        %masked_sort3A_709, %masked_sort3A_710, %masked_sort3A_711 = tpu.sort %add3A_703, %add3A_707 masked %masked_sort3A_708 {descending = true} : (vector<16xf32>, vector<16xi32>, vector<16xi1>) -> (vector<16xi1>, vector<16xf32>, vector<16xi32>)
        %add3A_712 = arith.constant 80 : i32
        %add3A_713 = arith.addi %mul3A_646, %add3A_712 : i32
        %get3A_714 = arith.index_cast %add3A_713 : i32 to index
        %get3A_715 = tpu.vector_load %arg10[%get3A_714] {strides = array<i32>} : memref<32768xf32, #tpu.memory_space<vmem>>, vector<16xf32>,
        %add3A_716 = arith.addf %get3A_715, %get3A_49 : vector<16xf32>
        %add3A_717 = arith.constant 80 : i32
        %add3A_718 = arith.addi %mul3A_646, %add3A_717 : i32
        %add3A_719 = vector.broadcast %add3A_718 : i32 to vector<16xi32>
        %add3A_720 = arith.addi %iota3A, %add3A_719 : vector<16xi32>
        %masked_sort3A_721 = arith.constant dense<true> : vector<16xi1>
        %masked_sort3A_722, %masked_sort3A_723, %masked_sort3A_724 = tpu.sort %add3A_716, %add3A_720 masked %masked_sort3A_721 {descending = true} : (vector<16xf32>, vector<16xi32>, vector<16xi1>) -> (vector<16xi1>, vector<16xf32>, vector<16xi32>)
        %add3A_725 = arith.constant 96 : i32
        %add3A_726 = arith.addi %mul3A_646, %add3A_725 : i32
        %get3A_727 = arith.index_cast %add3A_726 : i32 to index
        %get3A_728 = tpu.vector_load %arg10[%get3A_727] {strides = array<i32>} : memref<32768xf32, #tpu.memory_space<vmem>>, vector<16xf32>,
        %add3A_729 = arith.addf %get3A_728, %get3A_49 : vector<16xf32>
        %add3A_730 = arith.constant 96 : i32
        %add3A_731 = arith.addi %mul3A_646, %add3A_730 : i32
        %add3A_732 = vector.broadcast %add3A_731 : i32 to vector<16xi32>
        %add3A_733 = arith.addi %iota3A, %add3A_732 : vector<16xi32>
        %masked_sort3A_734 = arith.constant dense<true> : vector<16xi1>
        %masked_sort3A_735, %masked_sort3A_736, %masked_sort3A_737 = tpu.sort %add3A_729, %add3A_733 masked %masked_sort3A_734 {descending = true} : (vector<16xf32>, vector<16xi32>, vector<16xi1>) -> (vector<16xi1>, vector<16xf32>, vector<16xi32>)
        %add3A_738 = arith.constant 112 : i32
        %add3A_739 = arith.addi %mul3A_646, %add3A_738 : i32
        %get3A_740 = arith.index_cast %add3A_739 : i32 to index
        %get3A_741 = tpu.vector_load %arg10[%get3A_740] {strides = array<i32>} : memref<32768xf32, #tpu.memory_space<vmem>>, vector<16xf32>,
        %add3A_742 = arith.addf %get3A_741, %get3A_49 : vector<16xf32>
        %add3A_743 = arith.constant 112 : i32
        %add3A_744 = arith.addi %mul3A_646, %add3A_743 : i32
        %add3A_745 = vector.broadcast %add3A_744 : i32 to vector<16xi32>
        %add3A_746 = arith.addi %iota3A, %add3A_745 : vector<16xi32>
        %masked_sort3A_747 = arith.constant dense<true> : vector<16xi1>
        %masked_sort3A_748, %masked_sort3A_749, %masked_sort3A_750 = tpu.sort %add3A_742, %add3A_746 masked %masked_sort3A_747 {descending = true} : (vector<16xf32>, vector<16xi32>, vector<16xi1>) -> (vector<16xi1>, vector<16xf32>, vector<16xi32>)
        %add3A_751 = arith.constant 128 : i32
        %add3A_752 = arith.addi %mul3A_646, %add3A_751 : i32
        %get3A_753 = arith.index_cast %add3A_752 : i32 to index
        %get3A_754 = tpu.vector_load %arg10[%get3A_753] {strides = array<i32>} : memref<32768xf32, #tpu.memory_space<vmem>>, vector<16xf32>,
        %add3A_755 = arith.addf %get3A_754, %get3A_49 : vector<16xf32>
        %add3A_756 = arith.constant 128 : i32
        %add3A_757 = arith.addi %mul3A_646, %add3A_756 : i32
        %add3A_758 = vector.broadcast %add3A_757 : i32 to vector<16xi32>
        %add3A_759 = arith.addi %iota3A, %add3A_758 : vector<16xi32>
        %masked_sort3A_760 = arith.constant dense<true> : vector<16xi1>
        %masked_sort3A_761, %masked_sort3A_762, %masked_sort3A_763 = tpu.sort %add3A_755, %add3A_759 masked %masked_sort3A_760 {descending = true} : (vector<16xf32>, vector<16xi32>, vector<16xi1>) -> (vector<16xi1>, vector<16xf32>, vector<16xi32>)
        %add3A_764 = arith.constant 144 : i32
        %add3A_765 = arith.addi %mul3A_646, %add3A_764 : i32
        %get3A_766 = arith.index_cast %add3A_765 : i32 to index
        %get3A_767 = tpu.vector_load %arg10[%get3A_766] {strides = array<i32>} : memref<32768xf32, #tpu.memory_space<vmem>>, vector<16xf32>,
        %add3A_768 = arith.addf %get3A_767, %get3A_49 : vector<16xf32>
        %add3A_769 = arith.constant 144 : i32
        %add3A_770 = arith.addi %mul3A_646, %add3A_769 : i32
        %add3A_771 = vector.broadcast %add3A_770 : i32 to vector<16xi32>
        %add3A_772 = arith.addi %iota3A, %add3A_771 : vector<16xi32>
        %masked_sort3A_773 = arith.constant dense<true> : vector<16xi1>
        %masked_sort3A_774, %masked_sort3A_775, %masked_sort3A_776 = tpu.sort %add3A_768, %add3A_772 masked %masked_sort3A_773 {descending = true} : (vector<16xf32>, vector<16xi32>, vector<16xi1>) -> (vector<16xi1>, vector<16xf32>, vector<16xi32>)
        %add3A_777 = arith.constant 160 : i32
        %add3A_778 = arith.addi %mul3A_646, %add3A_777 : i32
        %get3A_779 = arith.index_cast %add3A_778 : i32 to index
        %get3A_780 = tpu.vector_load %arg10[%get3A_779] {strides = array<i32>} : memref<32768xf32, #tpu.memory_space<vmem>>, vector<16xf32>,
        %add3A_781 = arith.addf %get3A_780, %get3A_49 : vector<16xf32>
        %add3A_782 = arith.constant 160 : i32
        %add3A_783 = arith.addi %mul3A_646, %add3A_782 : i32
        %add3A_784 = vector.broadcast %add3A_783 : i32 to vector<16xi32>
        %add3A_785 = arith.addi %iota3A, %add3A_784 : vector<16xi32>
        %masked_sort3A_786 = arith.constant dense<true> : vector<16xi1>
        %masked_sort3A_787, %masked_sort3A_788, %masked_sort3A_789 = tpu.sort %add3A_781, %add3A_785 masked %masked_sort3A_786 {descending = true} : (vector<16xf32>, vector<16xi32>, vector<16xi1>) -> (vector<16xi1>, vector<16xf32>, vector<16xi32>)
        %add3A_790 = arith.constant 176 : i32
        %add3A_791 = arith.addi %mul3A_646, %add3A_790 : i32
        %get3A_792 = arith.index_cast %add3A_791 : i32 to index
        %get3A_793 = tpu.vector_load %arg10[%get3A_792] {strides = array<i32>} : memref<32768xf32, #tpu.memory_space<vmem>>, vector<16xf32>,
        %add3A_794 = arith.addf %get3A_793, %get3A_49 : vector<16xf32>
        %add3A_795 = arith.constant 176 : i32
        %add3A_796 = arith.addi %mul3A_646, %add3A_795 : i32
        %add3A_797 = vector.broadcast %add3A_796 : i32 to vector<16xi32>
        %add3A_798 = arith.addi %iota3A, %add3A_797 : vector<16xi32>
        %masked_sort3A_799 = arith.constant dense<true> : vector<16xi1>
        %masked_sort3A_800, %masked_sort3A_801, %masked_sort3A_802 = tpu.sort %add3A_794, %add3A_798 masked %masked_sort3A_799 {descending = true} : (vector<16xf32>, vector<16xi32>, vector<16xi1>) -> (vector<16xi1>, vector<16xf32>, vector<16xi32>)
        %add3A_803 = arith.constant 192 : i32
        %add3A_804 = arith.addi %mul3A_646, %add3A_803 : i32
        %get3A_805 = arith.index_cast %add3A_804 : i32 to index
        %get3A_806 = tpu.vector_load %arg10[%get3A_805] {strides = array<i32>} : memref<32768xf32, #tpu.memory_space<vmem>>, vector<16xf32>,
        %add3A_807 = arith.addf %get3A_806, %get3A_49 : vector<16xf32>
        %add3A_808 = arith.constant 192 : i32
        %add3A_809 = arith.addi %mul3A_646, %add3A_808 : i32
        %add3A_810 = vector.broadcast %add3A_809 : i32 to vector<16xi32>
        %add3A_811 = arith.addi %iota3A, %add3A_810 : vector<16xi32>
        %masked_sort3A_812 = arith.constant dense<true> : vector<16xi1>
        %masked_sort3A_813, %masked_sort3A_814, %masked_sort3A_815 = tpu.sort %add3A_807, %add3A_811 masked %masked_sort3A_812 {descending = true} : (vector<16xf32>, vector<16xi32>, vector<16xi1>) -> (vector<16xi1>, vector<16xf32>, vector<16xi32>)
        %add3A_816 = arith.constant 208 : i32
        %add3A_817 = arith.addi %mul3A_646, %add3A_816 : i32
        %get3A_818 = arith.index_cast %add3A_817 : i32 to index
        %get3A_819 = tpu.vector_load %arg10[%get3A_818] {strides = array<i32>} : memref<32768xf32, #tpu.memory_space<vmem>>, vector<16xf32>,
        %add3A_820 = arith.addf %get3A_819, %get3A_49 : vector<16xf32>
        %add3A_821 = arith.constant 208 : i32
        %add3A_822 = arith.addi %mul3A_646, %add3A_821 : i32
        %add3A_823 = vector.broadcast %add3A_822 : i32 to vector<16xi32>
        %add3A_824 = arith.addi %iota3A, %add3A_823 : vector<16xi32>
        %masked_sort3A_825 = arith.constant dense<true> : vector<16xi1>
        %masked_sort3A_826, %masked_sort3A_827, %masked_sort3A_828 = tpu.sort %add3A_820, %add3A_824 masked %masked_sort3A_825 {descending = true} : (vector<16xf32>, vector<16xi32>, vector<16xi1>) -> (vector<16xi1>, vector<16xf32>, vector<16xi32>)
        %add3A_829 = arith.constant 224 : i32
        %add3A_830 = arith.addi %mul3A_646, %add3A_829 : i32
        %get3A_831 = arith.index_cast %add3A_830 : i32 to index
        %get3A_832 = tpu.vector_load %arg10[%get3A_831] {strides = array<i32>} : memref<32768xf32, #tpu.memory_space<vmem>>, vector<16xf32>,
        %add3A_833 = arith.addf %get3A_832, %get3A_49 : vector<16xf32>
        %add3A_834 = arith.constant 224 : i32
        %add3A_835 = arith.addi %mul3A_646, %add3A_834 : i32
        %add3A_836 = vector.broadcast %add3A_835 : i32 to vector<16xi32>
        %add3A_837 = arith.addi %iota3A, %add3A_836 : vector<16xi32>
        %masked_sort3A_838 = arith.constant dense<true> : vector<16xi1>
        %masked_sort3A_839, %masked_sort3A_840, %masked_sort3A_841 = tpu.sort %add3A_833, %add3A_837 masked %masked_sort3A_838 {descending = true} : (vector<16xf32>, vector<16xi32>, vector<16xi1>) -> (vector<16xi1>, vector<16xf32>, vector<16xi32>)
        %add3A_842 = arith.constant 240 : i32
        %add3A_843 = arith.addi %mul3A_646, %add3A_842 : i32
        %get3A_844 = arith.index_cast %add3A_843 : i32 to index
        %get3A_845 = tpu.vector_load %arg10[%get3A_844] {strides = array<i32>} : memref<32768xf32, #tpu.memory_space<vmem>>, vector<16xf32>,
        %add3A_846 = arith.addf %get3A_845, %get3A_49 : vector<16xf32>
        %add3A_847 = arith.constant 240 : i32
        %add3A_848 = arith.addi %mul3A_646, %add3A_847 : i32
        %add3A_849 = vector.broadcast %add3A_848 : i32 to vector<16xi32>
        %add3A_850 = arith.addi %iota3A, %add3A_849 : vector<16xi32>
        %masked_sort3A_851 = arith.constant dense<true> : vector<16xi1>
        %masked_sort3A_852, %masked_sort3A_853, %masked_sort3A_854 = tpu.sort %add3A_846, %add3A_850 masked %masked_sort3A_851 {descending = true} : (vector<16xf32>, vector<16xi32>, vector<16xi1>) -> (vector<16xi1>, vector<16xf32>, vector<16xi32>)
        %rev3A_855 = arith.constant 15 : i32
        %rev3A_856 = vector.broadcast %rev3A_855 : i32 to vector<16xi32>
        %rev3A_857 = tpu.iota {dimensions = array<i32: 0>} : vector<16xi32>
        %rev3A_858 = arith.subi %rev3A_856, %rev3A_857 : vector<16xi32>
        %rev3A_859 = tpu.dynamic_gather %masked_sort3A_671[%rev3A_858] in [0] : vector<16xf32>, vector<16xi32> -> vector<16xf32>
        %rev3A_860 = arith.constant 15 : i32
        %rev3A_861 = vector.broadcast %rev3A_860 : i32 to vector<16xi32>
        %rev3A_862 = tpu.iota {dimensions = array<i32: 0>} : vector<16xi32>
        %rev3A_863 = arith.subi %rev3A_861, %rev3A_862 : vector<16xi32>
        %rev3A_864 = tpu.dynamic_gather %masked_sort3A_672[%rev3A_863] in [0] : vector<16xi32>, vector<16xi32> -> vector<16xi32>
        %gt3A_865 = arith.cmpf ogt, %masked_sort3A_658, %rev3A_859 : vector<16xf32>
        %eq3A_866 = arith.cmpf oeq, %masked_sort3A_658, %rev3A_859 : vector<16xf32>
        %lt3A_867 = arith.cmpi slt, %masked_sort3A_659, %rev3A_864 : vector<16xi32>
        %and3A_868 = arith.andi %eq3A_866, %lt3A_867 : vector<16xi1>
        %or3A_869 = arith.ori %gt3A_865, %and3A_868 : vector<16xi1>
        %select_n3A_870 = arith.select %or3A_869, %masked_sort3A_658, %rev3A_859 : vector<16xi1>, vector<16xf32>
        %select_n3A_871 = arith.select %or3A_869, %masked_sort3A_659, %rev3A_864 : vector<16xi1>, vector<16xi32>
        %masked_sort3A_872 = arith.constant dense<true> : vector<16xi1>
        %masked_sort3A_873, %masked_sort3A_874, %masked_sort3A_875 = tpu.sort %select_n3A_870, %select_n3A_871 masked %masked_sort3A_872 {descending = true} : (vector<16xf32>, vector<16xi32>, vector<16xi1>) -> (vector<16xi1>, vector<16xf32>, vector<16xi32>)
        %rev3A_876 = arith.constant 15 : i32
        %rev3A_877 = vector.broadcast %rev3A_876 : i32 to vector<16xi32>
        %rev3A_878 = tpu.iota {dimensions = array<i32: 0>} : vector<16xi32>
        %rev3A_879 = arith.subi %rev3A_877, %rev3A_878 : vector<16xi32>
        %rev3A_880 = tpu.dynamic_gather %masked_sort3A_697[%rev3A_879] in [0] : vector<16xf32>, vector<16xi32> -> vector<16xf32>
        %rev3A_881 = arith.constant 15 : i32
        %rev3A_882 = vector.broadcast %rev3A_881 : i32 to vector<16xi32>
        %rev3A_883 = tpu.iota {dimensions = array<i32: 0>} : vector<16xi32>
        %rev3A_884 = arith.subi %rev3A_882, %rev3A_883 : vector<16xi32>
        %rev3A_885 = tpu.dynamic_gather %masked_sort3A_698[%rev3A_884] in [0] : vector<16xi32>, vector<16xi32> -> vector<16xi32>
        %gt3A_886 = arith.cmpf ogt, %masked_sort3A_684, %rev3A_880 : vector<16xf32>
        %eq3A_887 = arith.cmpf oeq, %masked_sort3A_684, %rev3A_880 : vector<16xf32>
        %lt3A_888 = arith.cmpi slt, %masked_sort3A_685, %rev3A_885 : vector<16xi32>
        %and3A_889 = arith.andi %eq3A_887, %lt3A_888 : vector<16xi1>
        %or3A_890 = arith.ori %gt3A_886, %and3A_889 : vector<16xi1>
        %select_n3A_891 = arith.select %or3A_890, %masked_sort3A_684, %rev3A_880 : vector<16xi1>, vector<16xf32>
        %select_n3A_892 = arith.select %or3A_890, %masked_sort3A_685, %rev3A_885 : vector<16xi1>, vector<16xi32>
        %masked_sort3A_893 = arith.constant dense<true> : vector<16xi1>
        %masked_sort3A_894, %masked_sort3A_895, %masked_sort3A_896 = tpu.sort %select_n3A_891, %select_n3A_892 masked %masked_sort3A_893 {descending = true} : (vector<16xf32>, vector<16xi32>, vector<16xi1>) -> (vector<16xi1>, vector<16xf32>, vector<16xi32>)
        %rev3A_897 = arith.constant 15 : i32
        %rev3A_898 = vector.broadcast %rev3A_897 : i32 to vector<16xi32>
        %rev3A_899 = tpu.iota {dimensions = array<i32: 0>} : vector<16xi32>
        %rev3A_900 = arith.subi %rev3A_898, %rev3A_899 : vector<16xi32>
        %rev3A_901 = tpu.dynamic_gather %masked_sort3A_723[%rev3A_900] in [0] : vector<16xf32>, vector<16xi32> -> vector<16xf32>
        %rev3A_902 = arith.constant 15 : i32
        %rev3A_903 = vector.broadcast %rev3A_902 : i32 to vector<16xi32>
        %rev3A_904 = tpu.iota {dimensions = array<i32: 0>} : vector<16xi32>
        %rev3A_905 = arith.subi %rev3A_903, %rev3A_904 : vector<16xi32>
        %rev3A_906 = tpu.dynamic_gather %masked_sort3A_724[%rev3A_905] in [0] : vector<16xi32>, vector<16xi32> -> vector<16xi32>
        %gt3A_907 = arith.cmpf ogt, %masked_sort3A_710, %rev3A_901 : vector<16xf32>
        %eq3A_908 = arith.cmpf oeq, %masked_sort3A_710, %rev3A_901 : vector<16xf32>
        %lt3A_909 = arith.cmpi slt, %masked_sort3A_711, %rev3A_906 : vector<16xi32>
        %and3A_910 = arith.andi %eq3A_908, %lt3A_909 : vector<16xi1>
        %or3A_911 = arith.ori %gt3A_907, %and3A_910 : vector<16xi1>
        %select_n3A_912 = arith.select %or3A_911, %masked_sort3A_710, %rev3A_901 : vector<16xi1>, vector<16xf32>
        %select_n3A_913 = arith.select %or3A_911, %masked_sort3A_711, %rev3A_906 : vector<16xi1>, vector<16xi32>
        %masked_sort3A_914 = arith.constant dense<true> : vector<16xi1>
        %masked_sort3A_915, %masked_sort3A_916, %masked_sort3A_917 = tpu.sort %select_n3A_912, %select_n3A_913 masked %masked_sort3A_914 {descending = true} : (vector<16xf32>, vector<16xi32>, vector<16xi1>) -> (vector<16xi1>, vector<16xf32>, vector<16xi32>)
        %rev3A_918 = arith.constant 15 : i32
        %rev3A_919 = vector.broadcast %rev3A_918 : i32 to vector<16xi32>
        %rev3A_920 = tpu.iota {dimensions = array<i32: 0>} : vector<16xi32>
        %rev3A_921 = arith.subi %rev3A_919, %rev3A_920 : vector<16xi32>
        %rev3A_922 = tpu.dynamic_gather %masked_sort3A_749[%rev3A_921] in [0] : vector<16xf32>, vector<16xi32> -> vector<16xf32>
        %rev3A_923 = arith.constant 15 : i32
        %rev3A_924 = vector.broadcast %rev3A_923 : i32 to vector<16xi32>
        %rev3A_925 = tpu.iota {dimensions = array<i32: 0>} : vector<16xi32>
        %rev3A_926 = arith.subi %rev3A_924, %rev3A_925 : vector<16xi32>
        %rev3A_927 = tpu.dynamic_gather %masked_sort3A_750[%rev3A_926] in [0] : vector<16xi32>, vector<16xi32> -> vector<16xi32>
        %gt3A_928 = arith.cmpf ogt, %masked_sort3A_736, %rev3A_922 : vector<16xf32>
        %eq3A_929 = arith.cmpf oeq, %masked_sort3A_736, %rev3A_922 : vector<16xf32>
        %lt3A_930 = arith.cmpi slt, %masked_sort3A_737, %rev3A_927 : vector<16xi32>
        %and3A_931 = arith.andi %eq3A_929, %lt3A_930 : vector<16xi1>
        %or3A_932 = arith.ori %gt3A_928, %and3A_931 : vector<16xi1>
        %select_n3A_933 = arith.select %or3A_932, %masked_sort3A_736, %rev3A_922 : vector<16xi1>, vector<16xf32>
        %select_n3A_934 = arith.select %or3A_932, %masked_sort3A_737, %rev3A_927 : vector<16xi1>, vector<16xi32>
        %masked_sort3A_935 = arith.constant dense<true> : vector<16xi1>
        %masked_sort3A_936, %masked_sort3A_937, %masked_sort3A_938 = tpu.sort %select_n3A_933, %select_n3A_934 masked %masked_sort3A_935 {descending = true} : (vector<16xf32>, vector<16xi32>, vector<16xi1>) -> (vector<16xi1>, vector<16xf32>, vector<16xi32>)
        %rev3A_939 = arith.constant 15 : i32
        %rev3A_940 = vector.broadcast %rev3A_939 : i32 to vector<16xi32>
        %rev3A_941 = tpu.iota {dimensions = array<i32: 0>} : vector<16xi32>
        %rev3A_942 = arith.subi %rev3A_940, %rev3A_941 : vector<16xi32>
        %rev3A_943 = tpu.dynamic_gather %masked_sort3A_775[%rev3A_942] in [0] : vector<16xf32>, vector<16xi32> -> vector<16xf32>
        %rev3A_944 = arith.constant 15 : i32
        %rev3A_945 = vector.broadcast %rev3A_944 : i32 to vector<16xi32>
        %rev3A_946 = tpu.iota {dimensions = array<i32: 0>} : vector<16xi32>
        %rev3A_947 = arith.subi %rev3A_945, %rev3A_946 : vector<16xi32>
        %rev3A_948 = tpu.dynamic_gather %masked_sort3A_776[%rev3A_947] in [0] : vector<16xi32>, vector<16xi32> -> vector<16xi32>
        %gt3A_949 = arith.cmpf ogt, %masked_sort3A_762, %rev3A_943 : vector<16xf32>
        %eq3A_950 = arith.cmpf oeq, %masked_sort3A_762, %rev3A_943 : vector<16xf32>
        %lt3A_951 = arith.cmpi slt, %masked_sort3A_763, %rev3A_948 : vector<16xi32>
        %and3A_952 = arith.andi %eq3A_950, %lt3A_951 : vector<16xi1>
        %or3A_953 = arith.ori %gt3A_949, %and3A_952 : vector<16xi1>
        %select_n3A_954 = arith.select %or3A_953, %masked_sort3A_762, %rev3A_943 : vector<16xi1>, vector<16xf32>
        %select_n3A_955 = arith.select %or3A_953, %masked_sort3A_763, %rev3A_948 : vector<16xi1>, vector<16xi32>
        %masked_sort3A_956 = arith.constant dense<true> : vector<16xi1>
        %masked_sort3A_957, %masked_sort3A_958, %masked_sort3A_959 = tpu.sort %select_n3A_954, %select_n3A_955 masked %masked_sort3A_956 {descending = true} : (vector<16xf32>, vector<16xi32>, vector<16xi1>) -> (vector<16xi1>, vector<16xf32>, vector<16xi32>)
        %rev3A_960 = arith.constant 15 : i32
        %rev3A_961 = vector.broadcast %rev3A_960 : i32 to vector<16xi32>
        %rev3A_962 = tpu.iota {dimensions = array<i32: 0>} : vector<16xi32>
        %rev3A_963 = arith.subi %rev3A_961, %rev3A_962 : vector<16xi32>
        %rev3A_964 = tpu.dynamic_gather %masked_sort3A_801[%rev3A_963] in [0] : vector<16xf32>, vector<16xi32> -> vector<16xf32>
        %rev3A_965 = arith.constant 15 : i32
        %rev3A_966 = vector.broadcast %rev3A_965 : i32 to vector<16xi32>
        %rev3A_967 = tpu.iota {dimensions = array<i32: 0>} : vector<16xi32>
        %rev3A_968 = arith.subi %rev3A_966, %rev3A_967 : vector<16xi32>
        %rev3A_969 = tpu.dynamic_gather %masked_sort3A_802[%rev3A_968] in [0] : vector<16xi32>, vector<16xi32> -> vector<16xi32>
        %gt3A_970 = arith.cmpf ogt, %masked_sort3A_788, %rev3A_964 : vector<16xf32>
        %eq3A_971 = arith.cmpf oeq, %masked_sort3A_788, %rev3A_964 : vector<16xf32>
        %lt3A_972 = arith.cmpi slt, %masked_sort3A_789, %rev3A_969 : vector<16xi32>
        %and3A_973 = arith.andi %eq3A_971, %lt3A_972 : vector<16xi1>
        %or3A_974 = arith.ori %gt3A_970, %and3A_973 : vector<16xi1>
        %select_n3A_975 = arith.select %or3A_974, %masked_sort3A_788, %rev3A_964 : vector<16xi1>, vector<16xf32>
        %select_n3A_976 = arith.select %or3A_974, %masked_sort3A_789, %rev3A_969 : vector<16xi1>, vector<16xi32>
        %masked_sort3A_977 = arith.constant dense<true> : vector<16xi1>
        %masked_sort3A_978, %masked_sort3A_979, %masked_sort3A_980 = tpu.sort %select_n3A_975, %select_n3A_976 masked %masked_sort3A_977 {descending = true} : (vector<16xf32>, vector<16xi32>, vector<16xi1>) -> (vector<16xi1>, vector<16xf32>, vector<16xi32>)
        %rev3A_981 = arith.constant 15 : i32
        %rev3A_982 = vector.broadcast %rev3A_981 : i32 to vector<16xi32>
        %rev3A_983 = tpu.iota {dimensions = array<i32: 0>} : vector<16xi32>
        %rev3A_984 = arith.subi %rev3A_982, %rev3A_983 : vector<16xi32>
        %rev3A_985 = tpu.dynamic_gather %masked_sort3A_827[%rev3A_984] in [0] : vector<16xf32>, vector<16xi32> -> vector<16xf32>
        %rev3A_986 = arith.constant 15 : i32
        %rev3A_987 = vector.broadcast %rev3A_986 : i32 to vector<16xi32>
        %rev3A_988 = tpu.iota {dimensions = array<i32: 0>} : vector<16xi32>
        %rev3A_989 = arith.subi %rev3A_987, %rev3A_988 : vector<16xi32>
        %rev3A_990 = tpu.dynamic_gather %masked_sort3A_828[%rev3A_989] in [0] : vector<16xi32>, vector<16xi32> -> vector<16xi32>
        %gt3A_991 = arith.cmpf ogt, %masked_sort3A_814, %rev3A_985 : vector<16xf32>
        %eq3A_992 = arith.cmpf oeq, %masked_sort3A_814, %rev3A_985 : vector<16xf32>
        %lt3A_993 = arith.cmpi slt, %masked_sort3A_815, %rev3A_990 : vector<16xi32>
        %and3A_994 = arith.andi %eq3A_992, %lt3A_993 : vector<16xi1>
        %or3A_995 = arith.ori %gt3A_991, %and3A_994 : vector<16xi1>
        %select_n3A_996 = arith.select %or3A_995, %masked_sort3A_814, %rev3A_985 : vector<16xi1>, vector<16xf32>
        %select_n3A_997 = arith.select %or3A_995, %masked_sort3A_815, %rev3A_990 : vector<16xi1>, vector<16xi32>
        %masked_sort3A_998 = arith.constant dense<true> : vector<16xi1>
        %masked_sort3A_999, %masked_sort3A_1000, %masked_sort3A_1001 = tpu.sort %select_n3A_996, %select_n3A_997 masked %masked_sort3A_998 {descending = true} : (vector<16xf32>, vector<16xi32>, vector<16xi1>) -> (vector<16xi1>, vector<16xf32>, vector<16xi32>)
        %rev3A_1002 = arith.constant 15 : i32
        %rev3A_1003 = vector.broadcast %rev3A_1002 : i32 to vector<16xi32>
        %rev3A_1004 = tpu.iota {dimensions = array<i32: 0>} : vector<16xi32>
        %rev3A_1005 = arith.subi %rev3A_1003, %rev3A_1004 : vector<16xi32>
        %rev3A_1006 = tpu.dynamic_gather %masked_sort3A_853[%rev3A_1005] in [0] : vector<16xf32>, vector<16xi32> -> vector<16xf32>
        %rev3A_1007 = arith.constant 15 : i32
        %rev3A_1008 = vector.broadcast %rev3A_1007 : i32 to vector<16xi32>
        %rev3A_1009 = tpu.iota {dimensions = array<i32: 0>} : vector<16xi32>
        %rev3A_1010 = arith.subi %rev3A_1008, %rev3A_1009 : vector<16xi32>
        %rev3A_1011 = tpu.dynamic_gather %masked_sort3A_854[%rev3A_1010] in [0] : vector<16xi32>, vector<16xi32> -> vector<16xi32>
        %gt3A_1012 = arith.cmpf ogt, %masked_sort3A_840, %rev3A_1006 : vector<16xf32>
        %eq3A_1013 = arith.cmpf oeq, %masked_sort3A_840, %rev3A_1006 : vector<16xf32>
        %lt3A_1014 = arith.cmpi slt, %masked_sort3A_841, %rev3A_1011 : vector<16xi32>
        %and3A_1015 = arith.andi %eq3A_1013, %lt3A_1014 : vector<16xi1>
        %or3A_1016 = arith.ori %gt3A_1012, %and3A_1015 : vector<16xi1>
        %select_n3A_1017 = arith.select %or3A_1016, %masked_sort3A_840, %rev3A_1006 : vector<16xi1>, vector<16xf32>
        %select_n3A_1018 = arith.select %or3A_1016, %masked_sort3A_841, %rev3A_1011 : vector<16xi1>, vector<16xi32>
        %masked_sort3A_1019 = arith.constant dense<true> : vector<16xi1>
        %masked_sort3A_1020, %masked_sort3A_1021, %masked_sort3A_1022 = tpu.sort %select_n3A_1017, %select_n3A_1018 masked %masked_sort3A_1019 {descending = true} : (vector<16xf32>, vector<16xi32>, vector<16xi1>) -> (vector<16xi1>, vector<16xf32>, vector<16xi32>)
        %rev3A_1023 = arith.constant 15 : i32
        %rev3A_1024 = vector.broadcast %rev3A_1023 : i32 to vector<16xi32>
        %rev3A_1025 = tpu.iota {dimensions = array<i32: 0>} : vector<16xi32>
        %rev3A_1026 = arith.subi %rev3A_1024, %rev3A_1025 : vector<16xi32>
        %rev3A_1027 = tpu.dynamic_gather %masked_sort3A_895[%rev3A_1026] in [0] : vector<16xf32>, vector<16xi32> -> vector<16xf32>
        %rev3A_1028 = arith.constant 15 : i32
        %rev3A_1029 = vector.broadcast %rev3A_1028 : i32 to vector<16xi32>
        %rev3A_1030 = tpu.iota {dimensions = array<i32: 0>} : vector<16xi32>
        %rev3A_1031 = arith.subi %rev3A_1029, %rev3A_1030 : vector<16xi32>
        %rev3A_1032 = tpu.dynamic_gather %masked_sort3A_896[%rev3A_1031] in [0] : vector<16xi32>, vector<16xi32> -> vector<16xi32>
        %gt3A_1033 = arith.cmpf ogt, %masked_sort3A_874, %rev3A_1027 : vector<16xf32>
        %eq3A_1034 = arith.cmpf oeq, %masked_sort3A_874, %rev3A_1027 : vector<16xf32>
        %lt3A_1035 = arith.cmpi slt, %masked_sort3A_875, %rev3A_1032 : vector<16xi32>
        %and3A_1036 = arith.andi %eq3A_1034, %lt3A_1035 : vector<16xi1>
        %or3A_1037 = arith.ori %gt3A_1033, %and3A_1036 : vector<16xi1>
        %select_n3A_1038 = arith.select %or3A_1037, %masked_sort3A_874, %rev3A_1027 : vector<16xi1>, vector<16xf32>
        %select_n3A_1039 = arith.select %or3A_1037, %masked_sort3A_875, %rev3A_1032 : vector<16xi1>, vector<16xi32>
        %masked_sort3A_1040 = arith.constant dense<true> : vector<16xi1>
        %masked_sort3A_1041, %masked_sort3A_1042, %masked_sort3A_1043 = tpu.sort %select_n3A_1038, %select_n3A_1039 masked %masked_sort3A_1040 {descending = true} : (vector<16xf32>, vector<16xi32>, vector<16xi1>) -> (vector<16xi1>, vector<16xf32>, vector<16xi32>)
        %rev3A_1044 = arith.constant 15 : i32
        %rev3A_1045 = vector.broadcast %rev3A_1044 : i32 to vector<16xi32>
        %rev3A_1046 = tpu.iota {dimensions = array<i32: 0>} : vector<16xi32>
        %rev3A_1047 = arith.subi %rev3A_1045, %rev3A_1046 : vector<16xi32>
        %rev3A_1048 = tpu.dynamic_gather %masked_sort3A_937[%rev3A_1047] in [0] : vector<16xf32>, vector<16xi32> -> vector<16xf32>
        %rev3A_1049 = arith.constant 15 : i32
        %rev3A_1050 = vector.broadcast %rev3A_1049 : i32 to vector<16xi32>
        %rev3A_1051 = tpu.iota {dimensions = array<i32: 0>} : vector<16xi32>
        %rev3A_1052 = arith.subi %rev3A_1050, %rev3A_1051 : vector<16xi32>
        %rev3A_1053 = tpu.dynamic_gather %masked_sort3A_938[%rev3A_1052] in [0] : vector<16xi32>, vector<16xi32> -> vector<16xi32>
        %gt3A_1054 = arith.cmpf ogt, %masked_sort3A_916, %rev3A_1048 : vector<16xf32>
        %eq3A_1055 = arith.cmpf oeq, %masked_sort3A_916, %rev3A_1048 : vector<16xf32>
        %lt3A_1056 = arith.cmpi slt, %masked_sort3A_917, %rev3A_1053 : vector<16xi32>
        %and3A_1057 = arith.andi %eq3A_1055, %lt3A_1056 : vector<16xi1>
        %or3A_1058 = arith.ori %gt3A_1054, %and3A_1057 : vector<16xi1>
        %select_n3A_1059 = arith.select %or3A_1058, %masked_sort3A_916, %rev3A_1048 : vector<16xi1>, vector<16xf32>
        %select_n3A_1060 = arith.select %or3A_1058, %masked_sort3A_917, %rev3A_1053 : vector<16xi1>, vector<16xi32>
        %masked_sort3A_1061 = arith.constant dense<true> : vector<16xi1>
        %masked_sort3A_1062, %masked_sort3A_1063, %masked_sort3A_1064 = tpu.sort %select_n3A_1059, %select_n3A_1060 masked %masked_sort3A_1061 {descending = true} : (vector<16xf32>, vector<16xi32>, vector<16xi1>) -> (vector<16xi1>, vector<16xf32>, vector<16xi32>)
        %rev3A_1065 = arith.constant 15 : i32
        %rev3A_1066 = vector.broadcast %rev3A_1065 : i32 to vector<16xi32>
        %rev3A_1067 = tpu.iota {dimensions = array<i32: 0>} : vector<16xi32>
        %rev3A_1068 = arith.subi %rev3A_1066, %rev3A_1067 : vector<16xi32>
        %rev3A_1069 = tpu.dynamic_gather %masked_sort3A_979[%rev3A_1068] in [0] : vector<16xf32>, vector<16xi32> -> vector<16xf32>
        %rev3A_1070 = arith.constant 15 : i32
        %rev3A_1071 = vector.broadcast %rev3A_1070 : i32 to vector<16xi32>
        %rev3A_1072 = tpu.iota {dimensions = array<i32: 0>} : vector<16xi32>
        %rev3A_1073 = arith.subi %rev3A_1071, %rev3A_1072 : vector<16xi32>
        %rev3A_1074 = tpu.dynamic_gather %masked_sort3A_980[%rev3A_1073] in [0] : vector<16xi32>, vector<16xi32> -> vector<16xi32>
        %gt3A_1075 = arith.cmpf ogt, %masked_sort3A_958, %rev3A_1069 : vector<16xf32>
        %eq3A_1076 = arith.cmpf oeq, %masked_sort3A_958, %rev3A_1069 : vector<16xf32>
        %lt3A_1077 = arith.cmpi slt, %masked_sort3A_959, %rev3A_1074 : vector<16xi32>
        %and3A_1078 = arith.andi %eq3A_1076, %lt3A_1077 : vector<16xi1>
        %or3A_1079 = arith.ori %gt3A_1075, %and3A_1078 : vector<16xi1>
        %select_n3A_1080 = arith.select %or3A_1079, %masked_sort3A_958, %rev3A_1069 : vector<16xi1>, vector<16xf32>
        %select_n3A_1081 = arith.select %or3A_1079, %masked_sort3A_959, %rev3A_1074 : vector<16xi1>, vector<16xi32>
        %masked_sort3A_1082 = arith.constant dense<true> : vector<16xi1>
        %masked_sort3A_1083, %masked_sort3A_1084, %masked_sort3A_1085 = tpu.sort %select_n3A_1080, %select_n3A_1081 masked %masked_sort3A_1082 {descending = true} : (vector<16xf32>, vector<16xi32>, vector<16xi1>) -> (vector<16xi1>, vector<16xf32>, vector<16xi32>)
        %rev3A_1086 = arith.constant 15 : i32
        %rev3A_1087 = vector.broadcast %rev3A_1086 : i32 to vector<16xi32>
        %rev3A_1088 = tpu.iota {dimensions = array<i32: 0>} : vector<16xi32>
        %rev3A_1089 = arith.subi %rev3A_1087, %rev3A_1088 : vector<16xi32>
        %rev3A_1090 = tpu.dynamic_gather %masked_sort3A_1021[%rev3A_1089] in [0] : vector<16xf32>, vector<16xi32> -> vector<16xf32>
        %rev3A_1091 = arith.constant 15 : i32
        %rev3A_1092 = vector.broadcast %rev3A_1091 : i32 to vector<16xi32>
        %rev3A_1093 = tpu.iota {dimensions = array<i32: 0>} : vector<16xi32>
        %rev3A_1094 = arith.subi %rev3A_1092, %rev3A_1093 : vector<16xi32>
        %rev3A_1095 = tpu.dynamic_gather %masked_sort3A_1022[%rev3A_1094] in [0] : vector<16xi32>, vector<16xi32> -> vector<16xi32>
        %gt3A_1096 = arith.cmpf ogt, %masked_sort3A_1000, %rev3A_1090 : vector<16xf32>
        %eq3A_1097 = arith.cmpf oeq, %masked_sort3A_1000, %rev3A_1090 : vector<16xf32>
        %lt3A_1098 = arith.cmpi slt, %masked_sort3A_1001, %rev3A_1095 : vector<16xi32>
        %and3A_1099 = arith.andi %eq3A_1097, %lt3A_1098 : vector<16xi1>
        %or3A_1100 = arith.ori %gt3A_1096, %and3A_1099 : vector<16xi1>
        %select_n3A_1101 = arith.select %or3A_1100, %masked_sort3A_1000, %rev3A_1090 : vector<16xi1>, vector<16xf32>
        %select_n3A_1102 = arith.select %or3A_1100, %masked_sort3A_1001, %rev3A_1095 : vector<16xi1>, vector<16xi32>
        %masked_sort3A_1103 = arith.constant dense<true> : vector<16xi1>
        %masked_sort3A_1104, %masked_sort3A_1105, %masked_sort3A_1106 = tpu.sort %select_n3A_1101, %select_n3A_1102 masked %masked_sort3A_1103 {descending = true} : (vector<16xf32>, vector<16xi32>, vector<16xi1>) -> (vector<16xi1>, vector<16xf32>, vector<16xi32>)
        %rev3A_1107 = arith.constant 15 : i32
        %rev3A_1108 = vector.broadcast %rev3A_1107 : i32 to vector<16xi32>
        %rev3A_1109 = tpu.iota {dimensions = array<i32: 0>} : vector<16xi32>
        %rev3A_1110 = arith.subi %rev3A_1108, %rev3A_1109 : vector<16xi32>
        %rev3A_1111 = tpu.dynamic_gather %masked_sort3A_1063[%rev3A_1110] in [0] : vector<16xf32>, vector<16xi32> -> vector<16xf32>
        %rev3A_1112 = arith.constant 15 : i32
        %rev3A_1113 = vector.broadcast %rev3A_1112 : i32 to vector<16xi32>
        %rev3A_1114 = tpu.iota {dimensions = array<i32: 0>} : vector<16xi32>
        %rev3A_1115 = arith.subi %rev3A_1113, %rev3A_1114 : vector<16xi32>
        %rev3A_1116 = tpu.dynamic_gather %masked_sort3A_1064[%rev3A_1115] in [0] : vector<16xi32>, vector<16xi32> -> vector<16xi32>
        %gt3A_1117 = arith.cmpf ogt, %masked_sort3A_1042, %rev3A_1111 : vector<16xf32>
        %eq3A_1118 = arith.cmpf oeq, %masked_sort3A_1042, %rev3A_1111 : vector<16xf32>
        %lt3A_1119 = arith.cmpi slt, %masked_sort3A_1043, %rev3A_1116 : vector<16xi32>
        %and3A_1120 = arith.andi %eq3A_1118, %lt3A_1119 : vector<16xi1>
        %or3A_1121 = arith.ori %gt3A_1117, %and3A_1120 : vector<16xi1>
        %select_n3A_1122 = arith.select %or3A_1121, %masked_sort3A_1042, %rev3A_1111 : vector<16xi1>, vector<16xf32>
        %select_n3A_1123 = arith.select %or3A_1121, %masked_sort3A_1043, %rev3A_1116 : vector<16xi1>, vector<16xi32>
        %masked_sort3A_1124 = arith.constant dense<true> : vector<16xi1>
        %masked_sort3A_1125, %masked_sort3A_1126, %masked_sort3A_1127 = tpu.sort %select_n3A_1122, %select_n3A_1123 masked %masked_sort3A_1124 {descending = true} : (vector<16xf32>, vector<16xi32>, vector<16xi1>) -> (vector<16xi1>, vector<16xf32>, vector<16xi32>)
        %rev3A_1128 = arith.constant 15 : i32
        %rev3A_1129 = vector.broadcast %rev3A_1128 : i32 to vector<16xi32>
        %rev3A_1130 = tpu.iota {dimensions = array<i32: 0>} : vector<16xi32>
        %rev3A_1131 = arith.subi %rev3A_1129, %rev3A_1130 : vector<16xi32>
        %rev3A_1132 = tpu.dynamic_gather %masked_sort3A_1105[%rev3A_1131] in [0] : vector<16xf32>, vector<16xi32> -> vector<16xf32>
        %rev3A_1133 = arith.constant 15 : i32
        %rev3A_1134 = vector.broadcast %rev3A_1133 : i32 to vector<16xi32>
        %rev3A_1135 = tpu.iota {dimensions = array<i32: 0>} : vector<16xi32>
        %rev3A_1136 = arith.subi %rev3A_1134, %rev3A_1135 : vector<16xi32>
        %rev3A_1137 = tpu.dynamic_gather %masked_sort3A_1106[%rev3A_1136] in [0] : vector<16xi32>, vector<16xi32> -> vector<16xi32>
        %gt3A_1138 = arith.cmpf ogt, %masked_sort3A_1084, %rev3A_1132 : vector<16xf32>
        %eq3A_1139 = arith.cmpf oeq, %masked_sort3A_1084, %rev3A_1132 : vector<16xf32>
        %lt3A_1140 = arith.cmpi slt, %masked_sort3A_1085, %rev3A_1137 : vector<16xi32>
        %and3A_1141 = arith.andi %eq3A_1139, %lt3A_1140 : vector<16xi1>
        %or3A_1142 = arith.ori %gt3A_1138, %and3A_1141 : vector<16xi1>
        %select_n3A_1143 = arith.select %or3A_1142, %masked_sort3A_1084, %rev3A_1132 : vector<16xi1>, vector<16xf32>
        %select_n3A_1144 = arith.select %or3A_1142, %masked_sort3A_1085, %rev3A_1137 : vector<16xi1>, vector<16xi32>
        %masked_sort3A_1145 = arith.constant dense<true> : vector<16xi1>
        %masked_sort3A_1146, %masked_sort3A_1147, %masked_sort3A_1148 = tpu.sort %select_n3A_1143, %select_n3A_1144 masked %masked_sort3A_1145 {descending = true} : (vector<16xf32>, vector<16xi32>, vector<16xi1>) -> (vector<16xi1>, vector<16xf32>, vector<16xi32>)
        %rev3A_1149 = arith.constant 15 : i32
        %rev3A_1150 = vector.broadcast %rev3A_1149 : i32 to vector<16xi32>
        %rev3A_1151 = tpu.iota {dimensions = array<i32: 0>} : vector<16xi32>
        %rev3A_1152 = arith.subi %rev3A_1150, %rev3A_1151 : vector<16xi32>
        %rev3A_1153 = tpu.dynamic_gather %masked_sort3A_1147[%rev3A_1152] in [0] : vector<16xf32>, vector<16xi32> -> vector<16xf32>
        %rev3A_1154 = arith.constant 15 : i32
        %rev3A_1155 = vector.broadcast %rev3A_1154 : i32 to vector<16xi32>
        %rev3A_1156 = tpu.iota {dimensions = array<i32: 0>} : vector<16xi32>
        %rev3A_1157 = arith.subi %rev3A_1155, %rev3A_1156 : vector<16xi32>
        %rev3A_1158 = tpu.dynamic_gather %masked_sort3A_1148[%rev3A_1157] in [0] : vector<16xi32>, vector<16xi32> -> vector<16xi32>
        %gt3A_1159 = arith.cmpf ogt, %masked_sort3A_1126, %rev3A_1153 : vector<16xf32>
        %eq3A_1160 = arith.cmpf oeq, %masked_sort3A_1126, %rev3A_1153 : vector<16xf32>
        %lt3A_1161 = arith.cmpi slt, %masked_sort3A_1127, %rev3A_1158 : vector<16xi32>
        %and3A_1162 = arith.andi %eq3A_1160, %lt3A_1161 : vector<16xi1>
        %or3A_1163 = arith.ori %gt3A_1159, %and3A_1162 : vector<16xi1>
        %select_n3A_1164 = arith.select %or3A_1163, %masked_sort3A_1126, %rev3A_1153 : vector<16xi1>, vector<16xf32>
        %select_n3A_1165 = arith.select %or3A_1163, %masked_sort3A_1127, %rev3A_1158 : vector<16xi1>, vector<16xi32>
        %masked_sort3A_1166 = arith.constant dense<true> : vector<16xi1>
        %masked_sort3A_1167, %masked_sort3A_1168, %masked_sort3A_1169 = tpu.sort %select_n3A_1164, %select_n3A_1165 masked %masked_sort3A_1166 {descending = true} : (vector<16xf32>, vector<16xi32>, vector<16xi1>) -> (vector<16xi1>, vector<16xf32>, vector<16xi32>)
        %gt3A_1170 = arith.cmpf ogt, %scan3A_640, %masked_sort3A_1168 : vector<16xf32>
        %eq3A_1171 = arith.cmpf oeq, %scan3A_640, %masked_sort3A_1168 : vector<16xf32>
        %lt3A_1172 = arith.cmpi slt, %scan3A_641, %masked_sort3A_1169 : vector<16xi32>
        %and3A_1173 = arith.andi %eq3A_1171, %lt3A_1172 : vector<16xi1>
        %or3A_1174 = arith.ori %gt3A_1170, %and3A_1173 : vector<16xi1>
        %select_n3A_1175 = arith.select %or3A_1174, %scan3A_640, %masked_sort3A_1168 : vector<16xi1>, vector<16xf32>
        %select_n3A_1176 = arith.select %or3A_1174, %scan3A_641, %masked_sort3A_1169 : vector<16xi1>, vector<16xi32>
        %masked_sort3A_1177 = arith.constant dense<true> : vector<16xi1>
        %masked_sort3A_1178, %masked_sort3A_1179, %masked_sort3A_1180 = tpu.sort %select_n3A_1175, %select_n3A_1176 masked %masked_sort3A_1177 : (vector<16xf32>, vector<16xi32>, vector<16xi1>) -> (vector<16xi1>, vector<16xf32>, vector<16xi32>)
        scf.yield %masked_sort3A_1179, %masked_sort3A_1180 : vector<16xf32>, vector<16xi32>
      }
      %scan3A_314 = arith.constant 16 : i32
      %rev3A_315 = arith.constant 15 : i32
      %rev3A_316 = vector.broadcast %rev3A_315 : i32 to vector<16xi32>
      %rev3A_317 = tpu.iota {dimensions = array<i32: 0>} : vector<16xi32>
      %rev3A_318 = arith.subi %rev3A_316, %rev3A_317 : vector<16xi32>
      %rev3A_319 = tpu.dynamic_gather %scan3A_313#0[%rev3A_318] in [0] : vector<16xf32>, vector<16xi32> -> vector<16xf32>
      %swap3A_320 = arith.index_cast %mul3A_51 : i32 to index
      %swap3A_321 = tpu.vector_load %arg16[%swap3A_320] {strides = array<i32>} : memref<128xf32, #tpu.memory_space<vmem>>, vector<16xf32>,
      tpu.vector_store %arg16[%swap3A_320], %rev3A_319 {strides = array<i32>} : memref<128xf32, #tpu.memory_space<vmem>>, vector<16xf32>,
      %rev3A_322 = arith.constant 15 : i32
      %rev3A_323 = vector.broadcast %rev3A_322 : i32 to vector<16xi32>
      %rev3A_324 = tpu.iota {dimensions = array<i32: 0>} : vector<16xi32>
      %rev3A_325 = arith.subi %rev3A_323, %rev3A_324 : vector<16xi32>
      %rev3A_326 = tpu.dynamic_gather %scan3A_313#1[%rev3A_325] in [0] : vector<16xi32>, vector<16xi32> -> vector<16xi32>
      %swap3A_327 = arith.index_cast %mul3A_51 : i32 to index
      %swap3A_328 = tpu.vector_load %arg17[%swap3A_327] {strides = array<i32>} : memref<128xi32, #tpu.memory_space<vmem>>, vector<16xi32>,
      tpu.vector_store %arg17[%swap3A_327], %rev3A_326 {strides = array<i32>} : memref<128xi32, #tpu.memory_space<vmem>>, vector<16xi32>,
      %dma_wait3A_329 = arith.constant 0 : i32
      %dma_wait3A_330 = arith.constant 0 : i32
      %dma_wait3A_331 = tpu.memref_slice %arg3[%dma_wait3A_329, %dma_wait3A_330] : memref<256x32768xf32, #tpu.memory_space<hbm>> -> memref<1x32768xf32, #tpu.memory_space<hbm>>
      %dma_wait3A_332 = tpu.memref_squeeze %dma_wait3A_331 : memref<1x32768xf32, #tpu.memory_space<hbm>> -> memref<32768xf32, #tpu.memory_space<hbm>>
      %dma_wait3A_333 = arith.constant 0 : i32
      %dma_wait3A_334 = tpu.memref_slice %arg3[%dma_wait3A_329, %dma_wait3A_333] : memref<256x32768xf32, #tpu.memory_space<hbm>> -> memref<1x32768xf32, #tpu.memory_space<hbm>>
      %dma_wait3A_335 = tpu.memref_squeeze %dma_wait3A_334 : memref<1x32768xf32, #tpu.memory_space<hbm>> -> memref<32768xf32, #tpu.memory_space<hbm>>
      tpu.wait_dma2 semaphore(%arg21 : memref<!tpu.dma_semaphore, #tpu.memory_space<semaphore_mem>>) src(%dma_wait3A_335 : memref<32768xf32, #tpu.memory_space<hbm>>) dst(%arg11 : memref<32768xf32, #tpu.memory_space<vmem>>)
      %add3A_336 = arith.constant 1 : i32
      %add3A_337 = arith.addi %add3A_33, %add3A_336 : i32
      %min3A = arith.constant 255 : i32
      %min3A_338 = arith.minsi %add3A_337, %min3A : i32
      %dma_start3A_339 = arith.constant 0 : i32
      %dma_start3A_340 = tpu.memref_slice %arg2[%min3A_338, %dma_start3A_339] : memref<256x32768xf32, #tpu.memory_space<hbm>> -> memref<1x32768xf32, #tpu.memory_space<hbm>>
      %dma_start3A_341 = tpu.memref_squeeze %dma_start3A_340 : memref<1x32768xf32, #tpu.memory_space<hbm>> -> memref<32768xf32, #tpu.memory_space<hbm>>
      %dma_start3A_342 = arith.constant 0 : i32
      %dma_start3A_343 = tpu.memref_slice %arg2[%min3A_338, %dma_start3A_342] : memref<256x32768xf32, #tpu.memory_space<hbm>> -> memref<1x32768xf32, #tpu.memory_space<hbm>>
      %dma_start3A_344 = tpu.memref_squeeze %dma_start3A_343 : memref<1x32768xf32, #tpu.memory_space<hbm>> -> memref<32768xf32, #tpu.memory_space<hbm>>
      tpu.enqueue_dma source(%dma_start3A_344 : memref<32768xf32, #tpu.memory_space<hbm>>) target(%arg10 : memref<32768xf32, #tpu.memory_space<vmem>>) target_semaphore(%arg20 : memref<!tpu.dma_semaphore, #tpu.memory_space<semaphore_mem>>)
      %mul3A_345 = arith.constant 16 : i32
      %mul3A_346 = arith.muli %scan3A_32, %mul3A_345 : i32
      %get3A_347 = arith.index_cast %mul3A_346 : i32 to index
      %get3A_348 = tpu.vector_load %arg15[%get3A_347] {strides = array<i32>} : memref<128xf32, #tpu.memory_space<vmem>>, vector<16xf32>,
      %mul3A_349 = arith.constant 16 : i32
      %mul3A_350 = arith.muli %scan3A_32, %mul3A_349 : i32
      %parallel_loop3A_351 = arith.constant 0 : i32
      %parallel_loop3A_352 = arith.constant 128 : i32
      %parallel_loop3A_353 = arith.constant 1 : i32
      scf.for %parallel_loop3A_639 = %parallel_loop3A_351 to %parallel_loop3A_352 step %parallel_loop3A_353  : i32 {
        %parallel_loop3A_640 = arith.constant 256 : i32
        %parallel_loop3A_641 = arith.muli %parallel_loop3A_639, %parallel_loop3A_640 : i32
        %parallel_loop3A_642 = arith.constant 0 : i32
        %parallel_loop3A_643 = arith.addi %parallel_loop3A_641, %parallel_loop3A_642 : i32
        %parallel_loop3A_644 = arith.index_cast %parallel_loop3A_643 : i32 to index
        %parallel_loop3A_645 = tpu.vector_load %arg11[%parallel_loop3A_644] {strides = array<i32>} : memref<32768xf32, #tpu.memory_space<vmem>>, vector<16xf32>,
        %parallel_loop3A_646 = arith.constant 16 : i32
        %parallel_loop3A_647 = arith.addi %parallel_loop3A_641, %parallel_loop3A_646 : i32
        %parallel_loop3A_648 = arith.index_cast %parallel_loop3A_647 : i32 to index
        %parallel_loop3A_649 = tpu.vector_load %arg11[%parallel_loop3A_648] {strides = array<i32>} : memref<32768xf32, #tpu.memory_space<vmem>>, vector<16xf32>,
        %parallel_loop3A_650 = arith.constant 32 : i32
        %parallel_loop3A_651 = arith.addi %parallel_loop3A_641, %parallel_loop3A_650 : i32
        %parallel_loop3A_652 = arith.index_cast %parallel_loop3A_651 : i32 to index
        %parallel_loop3A_653 = tpu.vector_load %arg11[%parallel_loop3A_652] {strides = array<i32>} : memref<32768xf32, #tpu.memory_space<vmem>>, vector<16xf32>,
        %parallel_loop3A_654 = arith.constant 48 : i32
        %parallel_loop3A_655 = arith.addi %parallel_loop3A_641, %parallel_loop3A_654 : i32
        %parallel_loop3A_656 = arith.index_cast %parallel_loop3A_655 : i32 to index
        %parallel_loop3A_657 = tpu.vector_load %arg11[%parallel_loop3A_656] {strides = array<i32>} : memref<32768xf32, #tpu.memory_space<vmem>>, vector<16xf32>,
        %parallel_loop3A_658 = arith.constant 64 : i32
        %parallel_loop3A_659 = arith.addi %parallel_loop3A_641, %parallel_loop3A_658 : i32
        %parallel_loop3A_660 = arith.index_cast %parallel_loop3A_659 : i32 to index
        %parallel_loop3A_661 = tpu.vector_load %arg11[%parallel_loop3A_660] {strides = array<i32>} : memref<32768xf32, #tpu.memory_space<vmem>>, vector<16xf32>,
        %parallel_loop3A_662 = arith.constant 80 : i32
        %parallel_loop3A_663 = arith.addi %parallel_loop3A_641, %parallel_loop3A_662 : i32
        %parallel_loop3A_664 = arith.index_cast %parallel_loop3A_663 : i32 to index
        %parallel_loop3A_665 = tpu.vector_load %arg11[%parallel_loop3A_664] {strides = array<i32>} : memref<32768xf32, #tpu.memory_space<vmem>>, vector<16xf32>,
        %parallel_loop3A_666 = arith.constant 96 : i32
        %parallel_loop3A_667 = arith.addi %parallel_loop3A_641, %parallel_loop3A_666 : i32
        %parallel_loop3A_668 = arith.index_cast %parallel_loop3A_667 : i32 to index
        %parallel_loop3A_669 = tpu.vector_load %arg11[%parallel_loop3A_668] {strides = array<i32>} : memref<32768xf32, #tpu.memory_space<vmem>>, vector<16xf32>,
        %parallel_loop3A_670 = arith.constant 112 : i32
        %parallel_loop3A_671 = arith.addi %parallel_loop3A_641, %parallel_loop3A_670 : i32
        %parallel_loop3A_672 = arith.index_cast %parallel_loop3A_671 : i32 to index
        %parallel_loop3A_673 = tpu.vector_load %arg11[%parallel_loop3A_672] {strides = array<i32>} : memref<32768xf32, #tpu.memory_space<vmem>>, vector<16xf32>,
        %parallel_loop3A_674 = arith.constant 128 : i32
        %parallel_loop3A_675 = arith.addi %parallel_loop3A_641, %parallel_loop3A_674 : i32
        %parallel_loop3A_676 = arith.index_cast %parallel_loop3A_675 : i32 to index
        %parallel_loop3A_677 = tpu.vector_load %arg11[%parallel_loop3A_676] {strides = array<i32>} : memref<32768xf32, #tpu.memory_space<vmem>>, vector<16xf32>,
        %parallel_loop3A_678 = arith.constant 144 : i32
        %parallel_loop3A_679 = arith.addi %parallel_loop3A_641, %parallel_loop3A_678 : i32
        %parallel_loop3A_680 = arith.index_cast %parallel_loop3A_679 : i32 to index
        %parallel_loop3A_681 = tpu.vector_load %arg11[%parallel_loop3A_680] {strides = array<i32>} : memref<32768xf32, #tpu.memory_space<vmem>>, vector<16xf32>,
        %parallel_loop3A_682 = arith.constant 160 : i32
        %parallel_loop3A_683 = arith.addi %parallel_loop3A_641, %parallel_loop3A_682 : i32
        %parallel_loop3A_684 = arith.index_cast %parallel_loop3A_683 : i32 to index
        %parallel_loop3A_685 = tpu.vector_load %arg11[%parallel_loop3A_684] {strides = array<i32>} : memref<32768xf32, #tpu.memory_space<vmem>>, vector<16xf32>,
        %parallel_loop3A_686 = arith.constant 176 : i32
        %parallel_loop3A_687 = arith.addi %parallel_loop3A_641, %parallel_loop3A_686 : i32
        %parallel_loop3A_688 = arith.index_cast %parallel_loop3A_687 : i32 to index
        %parallel_loop3A_689 = tpu.vector_load %arg11[%parallel_loop3A_688] {strides = array<i32>} : memref<32768xf32, #tpu.memory_space<vmem>>, vector<16xf32>,
        %parallel_loop3A_690 = arith.constant 192 : i32
        %parallel_loop3A_691 = arith.addi %parallel_loop3A_641, %parallel_loop3A_690 : i32
        %parallel_loop3A_692 = arith.index_cast %parallel_loop3A_691 : i32 to index
        %parallel_loop3A_693 = tpu.vector_load %arg11[%parallel_loop3A_692] {strides = array<i32>} : memref<32768xf32, #tpu.memory_space<vmem>>, vector<16xf32>,
        %parallel_loop3A_694 = arith.constant 208 : i32
        %parallel_loop3A_695 = arith.addi %parallel_loop3A_641, %parallel_loop3A_694 : i32
        %parallel_loop3A_696 = arith.index_cast %parallel_loop3A_695 : i32 to index
        %parallel_loop3A_697 = tpu.vector_load %arg11[%parallel_loop3A_696] {strides = array<i32>} : memref<32768xf32, #tpu.memory_space<vmem>>, vector<16xf32>,
        %parallel_loop3A_698 = arith.constant 224 : i32
        %parallel_loop3A_699 = arith.addi %parallel_loop3A_641, %parallel_loop3A_698 : i32
        %parallel_loop3A_700 = arith.index_cast %parallel_loop3A_699 : i32 to index
        %parallel_loop3A_701 = tpu.vector_load %arg11[%parallel_loop3A_700] {strides = array<i32>} : memref<32768xf32, #tpu.memory_space<vmem>>, vector<16xf32>,
        %parallel_loop3A_702 = arith.constant 240 : i32
        %parallel_loop3A_703 = arith.addi %parallel_loop3A_641, %parallel_loop3A_702 : i32
        %parallel_loop3A_704 = arith.index_cast %parallel_loop3A_703 : i32 to index
        %parallel_loop3A_705 = tpu.vector_load %arg11[%parallel_loop3A_704] {strides = array<i32>} : memref<32768xf32, #tpu.memory_space<vmem>>, vector<16xf32>,
        %parallel_loop3A_706 = arith.maximumf %parallel_loop3A_645, %parallel_loop3A_649 : vector<16xf32>
        %parallel_loop3A_707 = arith.maximumf %parallel_loop3A_653, %parallel_loop3A_657 : vector<16xf32>
        %parallel_loop3A_708 = arith.maximumf %parallel_loop3A_661, %parallel_loop3A_665 : vector<16xf32>
        %parallel_loop3A_709 = arith.maximumf %parallel_loop3A_669, %parallel_loop3A_673 : vector<16xf32>
        %parallel_loop3A_710 = arith.maximumf %parallel_loop3A_677, %parallel_loop3A_681 : vector<16xf32>
        %parallel_loop3A_711 = arith.maximumf %parallel_loop3A_685, %parallel_loop3A_689 : vector<16xf32>
        %parallel_loop3A_712 = arith.maximumf %parallel_loop3A_693, %parallel_loop3A_697 : vector<16xf32>
        %parallel_loop3A_713 = arith.maximumf %parallel_loop3A_701, %parallel_loop3A_705 : vector<16xf32>
        %parallel_loop3A_714 = arith.maximumf %parallel_loop3A_706, %parallel_loop3A_707 : vector<16xf32>
        %parallel_loop3A_715 = arith.maximumf %parallel_loop3A_708, %parallel_loop3A_709 : vector<16xf32>
        %parallel_loop3A_716 = arith.maximumf %parallel_loop3A_710, %parallel_loop3A_711 : vector<16xf32>
        %parallel_loop3A_717 = arith.maximumf %parallel_loop3A_712, %parallel_loop3A_713 : vector<16xf32>
        %parallel_loop3A_718 = arith.maximumf %parallel_loop3A_714, %parallel_loop3A_715 : vector<16xf32>
        %parallel_loop3A_719 = arith.maximumf %parallel_loop3A_716, %parallel_loop3A_717 : vector<16xf32>
        %parallel_loop3A_720 = arith.maximumf %parallel_loop3A_718, %parallel_loop3A_719 : vector<16xf32>
        %parallel_loop3A_721 = arith.constant true
        %parallel_loop3A_722 = vector.broadcast %parallel_loop3A_721 : i1 to vector<16xi1>
        %parallel_loop3A_723 = tpu.scan <max>, %parallel_loop3A_720 masked %parallel_loop3A_722 : vector<16xf32>, vector<16xi1> -> vector<16xf32>
        %parallel_loop3A_724 = vector.extract %parallel_loop3A_723[15] : f32 from vector<16xf32>
        %parallel_loop3A_725 = vector.broadcast %parallel_loop3A_724 : f32 to vector<16xf32>
        %parallel_loop3A_726 = arith.constant 16 : i32
        %parallel_loop3A_727 = arith.muli %parallel_loop3A_639, %parallel_loop3A_726 : i32
        %parallel_loop3A_728 = arith.index_cast %parallel_loop3A_727 : i32 to index
        %parallel_loop3A_729 = tpu.vector_load %arg12[%parallel_loop3A_728] {strides = array<i32>} : memref<2048xf32, #tpu.memory_space<vmem>>, vector<16xf32>,
        tpu.vector_store %arg12[%parallel_loop3A_728], %parallel_loop3A_725 {strides = array<i32>} : memref<2048xf32, #tpu.memory_space<vmem>>, vector<16xf32>,
      } {sc.loop_unroll_factor = 2 : i64, sc.parallel_access}
      %mul3A_354 = arith.constant 17 : i32
      %mul3A_355 = vector.broadcast %mul3A_354 : i32 to vector<16xi32>
      %mul3A_356 = arith.muli %iota3A, %mul3A_355 : vector<16xi32>
      %add3A_357 = arith.constant 0 : i32
      %add3A_358 = vector.broadcast %add3A_357 : i32 to vector<16xi32>
      %add3A_359 = arith.addi %mul3A_356, %add3A_358 : vector<16xi32>
      %gather3A_360 = tpu.vector_load_idx %arg12[%add3A_359] : memref<2048xf32, #tpu.memory_space<vmem>>[vector<16xi32>], vector<16xf32>,
      %add3A_361 = arith.constant 0 : i32
      %add3A_362 = vector.broadcast %add3A_361 : i32 to vector<16xi32>
      %add3A_363 = arith.addi %iota3A, %add3A_362 : vector<16xi32>
      %masked_sort3A_364 = arith.constant dense<true> : vector<16xi1>
      %masked_sort3A_365, %masked_sort3A_366, %masked_sort3A_367 = tpu.sort %gather3A_360, %add3A_363 masked %masked_sort3A_364 {descending = true} : (vector<16xf32>, vector<16xi32>, vector<16xi1>) -> (vector<16xi1>, vector<16xf32>, vector<16xi32>)
      %mul3A_368 = arith.constant 17 : i32
      %mul3A_369 = vector.broadcast %mul3A_368 : i32 to vector<16xi32>
      %mul3A_370 = arith.muli %iota3A, %mul3A_369 : vector<16xi32>
      %add3A_371 = arith.constant 256 : i32
      %add3A_372 = vector.broadcast %add3A_371 : i32 to vector<16xi32>
      %add3A_373 = arith.addi %mul3A_370, %add3A_372 : vector<16xi32>
      %gather3A_374 = tpu.vector_load_idx %arg12[%add3A_373] : memref<2048xf32, #tpu.memory_space<vmem>>[vector<16xi32>], vector<16xf32>,
      %add3A_375 = arith.constant 16 : i32
      %add3A_376 = vector.broadcast %add3A_375 : i32 to vector<16xi32>
      %add3A_377 = arith.addi %iota3A, %add3A_376 : vector<16xi32>
      %masked_sort3A_378 = arith.constant dense<true> : vector<16xi1>
      %masked_sort3A_379, %masked_sort3A_380, %masked_sort3A_381 = tpu.sort %gather3A_374, %add3A_377 masked %masked_sort3A_378 {descending = true} : (vector<16xf32>, vector<16xi32>, vector<16xi1>) -> (vector<16xi1>, vector<16xf32>, vector<16xi32>)
      %rev3A_382 = arith.constant 15 : i32
      %rev3A_383 = vector.broadcast %rev3A_382 : i32 to vector<16xi32>
      %rev3A_384 = tpu.iota {dimensions = array<i32: 0>} : vector<16xi32>
      %rev3A_385 = arith.subi %rev3A_383, %rev3A_384 : vector<16xi32>
      %rev3A_386 = tpu.dynamic_gather %masked_sort3A_380[%rev3A_385] in [0] : vector<16xf32>, vector<16xi32> -> vector<16xf32>
      %rev3A_387 = arith.constant 15 : i32
      %rev3A_388 = vector.broadcast %rev3A_387 : i32 to vector<16xi32>
      %rev3A_389 = tpu.iota {dimensions = array<i32: 0>} : vector<16xi32>
      %rev3A_390 = arith.subi %rev3A_388, %rev3A_389 : vector<16xi32>
      %rev3A_391 = tpu.dynamic_gather %masked_sort3A_381[%rev3A_390] in [0] : vector<16xi32>, vector<16xi32> -> vector<16xi32>
      %gt3A_392 = arith.cmpf ogt, %masked_sort3A_366, %rev3A_386 : vector<16xf32>
      %eq3A_393 = arith.cmpf oeq, %masked_sort3A_366, %rev3A_386 : vector<16xf32>
      %lt3A_394 = arith.cmpi slt, %masked_sort3A_367, %rev3A_391 : vector<16xi32>
      %and3A_395 = arith.andi %eq3A_393, %lt3A_394 : vector<16xi1>
      %or3A_396 = arith.ori %gt3A_392, %and3A_395 : vector<16xi1>
      %select_n3A_397 = arith.select %or3A_396, %masked_sort3A_366, %rev3A_386 : vector<16xi1>, vector<16xf32>
      %select_n3A_398 = arith.select %or3A_396, %masked_sort3A_367, %rev3A_391 : vector<16xi1>, vector<16xi32>
      %masked_sort3A_399 = arith.constant dense<true> : vector<16xi1>
      %masked_sort3A_400, %masked_sort3A_401, %masked_sort3A_402 = tpu.sort %select_n3A_397, %select_n3A_398 masked %masked_sort3A_399 {descending = true} : (vector<16xf32>, vector<16xi32>, vector<16xi1>) -> (vector<16xi1>, vector<16xf32>, vector<16xi32>)
      %mul3A_403 = arith.constant 17 : i32
      %mul3A_404 = vector.broadcast %mul3A_403 : i32 to vector<16xi32>
      %mul3A_405 = arith.muli %iota3A, %mul3A_404 : vector<16xi32>
      %add3A_406 = arith.constant 512 : i32
      %add3A_407 = vector.broadcast %add3A_406 : i32 to vector<16xi32>
      %add3A_408 = arith.addi %mul3A_405, %add3A_407 : vector<16xi32>
      %gather3A_409 = tpu.vector_load_idx %arg12[%add3A_408] : memref<2048xf32, #tpu.memory_space<vmem>>[vector<16xi32>], vector<16xf32>,
      %add3A_410 = arith.constant 32 : i32
      %add3A_411 = vector.broadcast %add3A_410 : i32 to vector<16xi32>
      %add3A_412 = arith.addi %iota3A, %add3A_411 : vector<16xi32>
      %masked_sort3A_413 = arith.constant dense<true> : vector<16xi1>
      %masked_sort3A_414, %masked_sort3A_415, %masked_sort3A_416 = tpu.sort %gather3A_409, %add3A_412 masked %masked_sort3A_413 {descending = true} : (vector<16xf32>, vector<16xi32>, vector<16xi1>) -> (vector<16xi1>, vector<16xf32>, vector<16xi32>)
      %rev3A_417 = arith.constant 15 : i32
      %rev3A_418 = vector.broadcast %rev3A_417 : i32 to vector<16xi32>
      %rev3A_419 = tpu.iota {dimensions = array<i32: 0>} : vector<16xi32>
      %rev3A_420 = arith.subi %rev3A_418, %rev3A_419 : vector<16xi32>
      %rev3A_421 = tpu.dynamic_gather %masked_sort3A_415[%rev3A_420] in [0] : vector<16xf32>, vector<16xi32> -> vector<16xf32>
      %rev3A_422 = arith.constant 15 : i32
      %rev3A_423 = vector.broadcast %rev3A_422 : i32 to vector<16xi32>
      %rev3A_424 = tpu.iota {dimensions = array<i32: 0>} : vector<16xi32>
      %rev3A_425 = arith.subi %rev3A_423, %rev3A_424 : vector<16xi32>
      %rev3A_426 = tpu.dynamic_gather %masked_sort3A_416[%rev3A_425] in [0] : vector<16xi32>, vector<16xi32> -> vector<16xi32>
      %gt3A_427 = arith.cmpf ogt, %masked_sort3A_401, %rev3A_421 : vector<16xf32>
      %eq3A_428 = arith.cmpf oeq, %masked_sort3A_401, %rev3A_421 : vector<16xf32>
      %lt3A_429 = arith.cmpi slt, %masked_sort3A_402, %rev3A_426 : vector<16xi32>
      %and3A_430 = arith.andi %eq3A_428, %lt3A_429 : vector<16xi1>
      %or3A_431 = arith.ori %gt3A_427, %and3A_430 : vector<16xi1>
      %select_n3A_432 = arith.select %or3A_431, %masked_sort3A_401, %rev3A_421 : vector<16xi1>, vector<16xf32>
      %select_n3A_433 = arith.select %or3A_431, %masked_sort3A_402, %rev3A_426 : vector<16xi1>, vector<16xi32>
      %masked_sort3A_434 = arith.constant dense<true> : vector<16xi1>
      %masked_sort3A_435, %masked_sort3A_436, %masked_sort3A_437 = tpu.sort %select_n3A_432, %select_n3A_433 masked %masked_sort3A_434 {descending = true} : (vector<16xf32>, vector<16xi32>, vector<16xi1>) -> (vector<16xi1>, vector<16xf32>, vector<16xi32>)
      %mul3A_438 = arith.constant 17 : i32
      %mul3A_439 = vector.broadcast %mul3A_438 : i32 to vector<16xi32>
      %mul3A_440 = arith.muli %iota3A, %mul3A_439 : vector<16xi32>
      %add3A_441 = arith.constant 768 : i32
      %add3A_442 = vector.broadcast %add3A_441 : i32 to vector<16xi32>
      %add3A_443 = arith.addi %mul3A_440, %add3A_442 : vector<16xi32>
      %gather3A_444 = tpu.vector_load_idx %arg12[%add3A_443] : memref<2048xf32, #tpu.memory_space<vmem>>[vector<16xi32>], vector<16xf32>,
      %add3A_445 = arith.constant 48 : i32
      %add3A_446 = vector.broadcast %add3A_445 : i32 to vector<16xi32>
      %add3A_447 = arith.addi %iota3A, %add3A_446 : vector<16xi32>
      %masked_sort3A_448 = arith.constant dense<true> : vector<16xi1>
      %masked_sort3A_449, %masked_sort3A_450, %masked_sort3A_451 = tpu.sort %gather3A_444, %add3A_447 masked %masked_sort3A_448 {descending = true} : (vector<16xf32>, vector<16xi32>, vector<16xi1>) -> (vector<16xi1>, vector<16xf32>, vector<16xi32>)
      %rev3A_452 = arith.constant 15 : i32
      %rev3A_453 = vector.broadcast %rev3A_452 : i32 to vector<16xi32>
      %rev3A_454 = tpu.iota {dimensions = array<i32: 0>} : vector<16xi32>
      %rev3A_455 = arith.subi %rev3A_453, %rev3A_454 : vector<16xi32>
      %rev3A_456 = tpu.dynamic_gather %masked_sort3A_450[%rev3A_455] in [0] : vector<16xf32>, vector<16xi32> -> vector<16xf32>
      %rev3A_457 = arith.constant 15 : i32
      %rev3A_458 = vector.broadcast %rev3A_457 : i32 to vector<16xi32>
      %rev3A_459 = tpu.iota {dimensions = array<i32: 0>} : vector<16xi32>
      %rev3A_460 = arith.subi %rev3A_458, %rev3A_459 : vector<16xi32>
      %rev3A_461 = tpu.dynamic_gather %masked_sort3A_451[%rev3A_460] in [0] : vector<16xi32>, vector<16xi32> -> vector<16xi32>
      %gt3A_462 = arith.cmpf ogt, %masked_sort3A_436, %rev3A_456 : vector<16xf32>
      %eq3A_463 = arith.cmpf oeq, %masked_sort3A_436, %rev3A_456 : vector<16xf32>
      %lt3A_464 = arith.cmpi slt, %masked_sort3A_437, %rev3A_461 : vector<16xi32>
      %and3A_465 = arith.andi %eq3A_463, %lt3A_464 : vector<16xi1>
      %or3A_466 = arith.ori %gt3A_462, %and3A_465 : vector<16xi1>
      %select_n3A_467 = arith.select %or3A_466, %masked_sort3A_436, %rev3A_456 : vector<16xi1>, vector<16xf32>
      %select_n3A_468 = arith.select %or3A_466, %masked_sort3A_437, %rev3A_461 : vector<16xi1>, vector<16xi32>
      %masked_sort3A_469 = arith.constant dense<true> : vector<16xi1>
      %masked_sort3A_470, %masked_sort3A_471, %masked_sort3A_472 = tpu.sort %select_n3A_467, %select_n3A_468 masked %masked_sort3A_469 {descending = true} : (vector<16xf32>, vector<16xi32>, vector<16xi1>) -> (vector<16xi1>, vector<16xf32>, vector<16xi32>)
      %mul3A_473 = arith.constant 17 : i32
      %mul3A_474 = vector.broadcast %mul3A_473 : i32 to vector<16xi32>
      %mul3A_475 = arith.muli %iota3A, %mul3A_474 : vector<16xi32>
      %add3A_476 = arith.constant 1024 : i32
      %add3A_477 = vector.broadcast %add3A_476 : i32 to vector<16xi32>
      %add3A_478 = arith.addi %mul3A_475, %add3A_477 : vector<16xi32>
      %gather3A_479 = tpu.vector_load_idx %arg12[%add3A_478] : memref<2048xf32, #tpu.memory_space<vmem>>[vector<16xi32>], vector<16xf32>,
      %add3A_480 = arith.constant 64 : i32
      %add3A_481 = vector.broadcast %add3A_480 : i32 to vector<16xi32>
      %add3A_482 = arith.addi %iota3A, %add3A_481 : vector<16xi32>
      %masked_sort3A_483 = arith.constant dense<true> : vector<16xi1>
      %masked_sort3A_484, %masked_sort3A_485, %masked_sort3A_486 = tpu.sort %gather3A_479, %add3A_482 masked %masked_sort3A_483 {descending = true} : (vector<16xf32>, vector<16xi32>, vector<16xi1>) -> (vector<16xi1>, vector<16xf32>, vector<16xi32>)
      %rev3A_487 = arith.constant 15 : i32
      %rev3A_488 = vector.broadcast %rev3A_487 : i32 to vector<16xi32>
      %rev3A_489 = tpu.iota {dimensions = array<i32: 0>} : vector<16xi32>
      %rev3A_490 = arith.subi %rev3A_488, %rev3A_489 : vector<16xi32>
      %rev3A_491 = tpu.dynamic_gather %masked_sort3A_485[%rev3A_490] in [0] : vector<16xf32>, vector<16xi32> -> vector<16xf32>
      %rev3A_492 = arith.constant 15 : i32
      %rev3A_493 = vector.broadcast %rev3A_492 : i32 to vector<16xi32>
      %rev3A_494 = tpu.iota {dimensions = array<i32: 0>} : vector<16xi32>
      %rev3A_495 = arith.subi %rev3A_493, %rev3A_494 : vector<16xi32>
      %rev3A_496 = tpu.dynamic_gather %masked_sort3A_486[%rev3A_495] in [0] : vector<16xi32>, vector<16xi32> -> vector<16xi32>
      %gt3A_497 = arith.cmpf ogt, %masked_sort3A_471, %rev3A_491 : vector<16xf32>
      %eq3A_498 = arith.cmpf oeq, %masked_sort3A_471, %rev3A_491 : vector<16xf32>
      %lt3A_499 = arith.cmpi slt, %masked_sort3A_472, %rev3A_496 : vector<16xi32>
      %and3A_500 = arith.andi %eq3A_498, %lt3A_499 : vector<16xi1>
      %or3A_501 = arith.ori %gt3A_497, %and3A_500 : vector<16xi1>
      %select_n3A_502 = arith.select %or3A_501, %masked_sort3A_471, %rev3A_491 : vector<16xi1>, vector<16xf32>
      %select_n3A_503 = arith.select %or3A_501, %masked_sort3A_472, %rev3A_496 : vector<16xi1>, vector<16xi32>
      %masked_sort3A_504 = arith.constant dense<true> : vector<16xi1>
      %masked_sort3A_505, %masked_sort3A_506, %masked_sort3A_507 = tpu.sort %select_n3A_502, %select_n3A_503 masked %masked_sort3A_504 {descending = true} : (vector<16xf32>, vector<16xi32>, vector<16xi1>) -> (vector<16xi1>, vector<16xf32>, vector<16xi32>)
      %mul3A_508 = arith.constant 17 : i32
      %mul3A_509 = vector.broadcast %mul3A_508 : i32 to vector<16xi32>
      %mul3A_510 = arith.muli %iota3A, %mul3A_509 : vector<16xi32>
      %add3A_511 = arith.constant 1280 : i32
      %add3A_512 = vector.broadcast %add3A_511 : i32 to vector<16xi32>
      %add3A_513 = arith.addi %mul3A_510, %add3A_512 : vector<16xi32>
      %gather3A_514 = tpu.vector_load_idx %arg12[%add3A_513] : memref<2048xf32, #tpu.memory_space<vmem>>[vector<16xi32>], vector<16xf32>,
      %add3A_515 = arith.constant 80 : i32
      %add3A_516 = vector.broadcast %add3A_515 : i32 to vector<16xi32>
      %add3A_517 = arith.addi %iota3A, %add3A_516 : vector<16xi32>
      %masked_sort3A_518 = arith.constant dense<true> : vector<16xi1>
      %masked_sort3A_519, %masked_sort3A_520, %masked_sort3A_521 = tpu.sort %gather3A_514, %add3A_517 masked %masked_sort3A_518 {descending = true} : (vector<16xf32>, vector<16xi32>, vector<16xi1>) -> (vector<16xi1>, vector<16xf32>, vector<16xi32>)
      %rev3A_522 = arith.constant 15 : i32
      %rev3A_523 = vector.broadcast %rev3A_522 : i32 to vector<16xi32>
      %rev3A_524 = tpu.iota {dimensions = array<i32: 0>} : vector<16xi32>
      %rev3A_525 = arith.subi %rev3A_523, %rev3A_524 : vector<16xi32>
      %rev3A_526 = tpu.dynamic_gather %masked_sort3A_520[%rev3A_525] in [0] : vector<16xf32>, vector<16xi32> -> vector<16xf32>
      %rev3A_527 = arith.constant 15 : i32
      %rev3A_528 = vector.broadcast %rev3A_527 : i32 to vector<16xi32>
      %rev3A_529 = tpu.iota {dimensions = array<i32: 0>} : vector<16xi32>
      %rev3A_530 = arith.subi %rev3A_528, %rev3A_529 : vector<16xi32>
      %rev3A_531 = tpu.dynamic_gather %masked_sort3A_521[%rev3A_530] in [0] : vector<16xi32>, vector<16xi32> -> vector<16xi32>
      %gt3A_532 = arith.cmpf ogt, %masked_sort3A_506, %rev3A_526 : vector<16xf32>
      %eq3A_533 = arith.cmpf oeq, %masked_sort3A_506, %rev3A_526 : vector<16xf32>
      %lt3A_534 = arith.cmpi slt, %masked_sort3A_507, %rev3A_531 : vector<16xi32>
      %and3A_535 = arith.andi %eq3A_533, %lt3A_534 : vector<16xi1>
      %or3A_536 = arith.ori %gt3A_532, %and3A_535 : vector<16xi1>
      %select_n3A_537 = arith.select %or3A_536, %masked_sort3A_506, %rev3A_526 : vector<16xi1>, vector<16xf32>
      %select_n3A_538 = arith.select %or3A_536, %masked_sort3A_507, %rev3A_531 : vector<16xi1>, vector<16xi32>
      %masked_sort3A_539 = arith.constant dense<true> : vector<16xi1>
      %masked_sort3A_540, %masked_sort3A_541, %masked_sort3A_542 = tpu.sort %select_n3A_537, %select_n3A_538 masked %masked_sort3A_539 {descending = true} : (vector<16xf32>, vector<16xi32>, vector<16xi1>) -> (vector<16xi1>, vector<16xf32>, vector<16xi32>)
      %mul3A_543 = arith.constant 17 : i32
      %mul3A_544 = vector.broadcast %mul3A_543 : i32 to vector<16xi32>
      %mul3A_545 = arith.muli %iota3A, %mul3A_544 : vector<16xi32>
      %add3A_546 = arith.constant 1536 : i32
      %add3A_547 = vector.broadcast %add3A_546 : i32 to vector<16xi32>
      %add3A_548 = arith.addi %mul3A_545, %add3A_547 : vector<16xi32>
      %gather3A_549 = tpu.vector_load_idx %arg12[%add3A_548] : memref<2048xf32, #tpu.memory_space<vmem>>[vector<16xi32>], vector<16xf32>,
      %add3A_550 = arith.constant 96 : i32
      %add3A_551 = vector.broadcast %add3A_550 : i32 to vector<16xi32>
      %add3A_552 = arith.addi %iota3A, %add3A_551 : vector<16xi32>
      %masked_sort3A_553 = arith.constant dense<true> : vector<16xi1>
      %masked_sort3A_554, %masked_sort3A_555, %masked_sort3A_556 = tpu.sort %gather3A_549, %add3A_552 masked %masked_sort3A_553 {descending = true} : (vector<16xf32>, vector<16xi32>, vector<16xi1>) -> (vector<16xi1>, vector<16xf32>, vector<16xi32>)
      %rev3A_557 = arith.constant 15 : i32
      %rev3A_558 = vector.broadcast %rev3A_557 : i32 to vector<16xi32>
      %rev3A_559 = tpu.iota {dimensions = array<i32: 0>} : vector<16xi32>
      %rev3A_560 = arith.subi %rev3A_558, %rev3A_559 : vector<16xi32>
      %rev3A_561 = tpu.dynamic_gather %masked_sort3A_555[%rev3A_560] in [0] : vector<16xf32>, vector<16xi32> -> vector<16xf32>
      %rev3A_562 = arith.constant 15 : i32
      %rev3A_563 = vector.broadcast %rev3A_562 : i32 to vector<16xi32>
      %rev3A_564 = tpu.iota {dimensions = array<i32: 0>} : vector<16xi32>
      %rev3A_565 = arith.subi %rev3A_563, %rev3A_564 : vector<16xi32>
      %rev3A_566 = tpu.dynamic_gather %masked_sort3A_556[%rev3A_565] in [0] : vector<16xi32>, vector<16xi32> -> vector<16xi32>
      %gt3A_567 = arith.cmpf ogt, %masked_sort3A_541, %rev3A_561 : vector<16xf32>
      %eq3A_568 = arith.cmpf oeq, %masked_sort3A_541, %rev3A_561 : vector<16xf32>
      %lt3A_569 = arith.cmpi slt, %masked_sort3A_542, %rev3A_566 : vector<16xi32>
      %and3A_570 = arith.andi %eq3A_568, %lt3A_569 : vector<16xi1>
      %or3A_571 = arith.ori %gt3A_567, %and3A_570 : vector<16xi1>
      %select_n3A_572 = arith.select %or3A_571, %masked_sort3A_541, %rev3A_561 : vector<16xi1>, vector<16xf32>
      %select_n3A_573 = arith.select %or3A_571, %masked_sort3A_542, %rev3A_566 : vector<16xi1>, vector<16xi32>
      %masked_sort3A_574 = arith.constant dense<true> : vector<16xi1>
      %masked_sort3A_575, %masked_sort3A_576, %masked_sort3A_577 = tpu.sort %select_n3A_572, %select_n3A_573 masked %masked_sort3A_574 {descending = true} : (vector<16xf32>, vector<16xi32>, vector<16xi1>) -> (vector<16xi1>, vector<16xf32>, vector<16xi32>)
      %mul3A_578 = arith.constant 17 : i32
      %mul3A_579 = vector.broadcast %mul3A_578 : i32 to vector<16xi32>
      %mul3A_580 = arith.muli %iota3A, %mul3A_579 : vector<16xi32>
      %add3A_581 = arith.constant 1792 : i32
      %add3A_582 = vector.broadcast %add3A_581 : i32 to vector<16xi32>
      %add3A_583 = arith.addi %mul3A_580, %add3A_582 : vector<16xi32>
      %gather3A_584 = tpu.vector_load_idx %arg12[%add3A_583] : memref<2048xf32, #tpu.memory_space<vmem>>[vector<16xi32>], vector<16xf32>,
      %add3A_585 = arith.constant 112 : i32
      %add3A_586 = vector.broadcast %add3A_585 : i32 to vector<16xi32>
      %add3A_587 = arith.addi %iota3A, %add3A_586 : vector<16xi32>
      %masked_sort3A_588 = arith.constant dense<true> : vector<16xi1>
      %masked_sort3A_589, %masked_sort3A_590, %masked_sort3A_591 = tpu.sort %gather3A_584, %add3A_587 masked %masked_sort3A_588 {descending = true} : (vector<16xf32>, vector<16xi32>, vector<16xi1>) -> (vector<16xi1>, vector<16xf32>, vector<16xi32>)
      %rev3A_592 = arith.constant 15 : i32
      %rev3A_593 = vector.broadcast %rev3A_592 : i32 to vector<16xi32>
      %rev3A_594 = tpu.iota {dimensions = array<i32: 0>} : vector<16xi32>
      %rev3A_595 = arith.subi %rev3A_593, %rev3A_594 : vector<16xi32>
      %rev3A_596 = tpu.dynamic_gather %masked_sort3A_590[%rev3A_595] in [0] : vector<16xf32>, vector<16xi32> -> vector<16xf32>
      %rev3A_597 = arith.constant 15 : i32
      %rev3A_598 = vector.broadcast %rev3A_597 : i32 to vector<16xi32>
      %rev3A_599 = tpu.iota {dimensions = array<i32: 0>} : vector<16xi32>
      %rev3A_600 = arith.subi %rev3A_598, %rev3A_599 : vector<16xi32>
      %rev3A_601 = tpu.dynamic_gather %masked_sort3A_591[%rev3A_600] in [0] : vector<16xi32>, vector<16xi32> -> vector<16xi32>
      %gt3A_602 = arith.cmpf ogt, %masked_sort3A_576, %rev3A_596 : vector<16xf32>
      %eq3A_603 = arith.cmpf oeq, %masked_sort3A_576, %rev3A_596 : vector<16xf32>
      %lt3A_604 = arith.cmpi slt, %masked_sort3A_577, %rev3A_601 : vector<16xi32>
      %and3A_605 = arith.andi %eq3A_603, %lt3A_604 : vector<16xi1>
      %or3A_606 = arith.ori %gt3A_602, %and3A_605 : vector<16xi1>
      %select_n3A_607 = arith.select %or3A_606, %masked_sort3A_576, %rev3A_596 : vector<16xi1>, vector<16xf32>
      %select_n3A_608 = arith.select %or3A_606, %masked_sort3A_577, %rev3A_601 : vector<16xi1>, vector<16xi32>
      %masked_sort3A_609 = arith.constant dense<true> : vector<16xi1>
      %masked_sort3A_610, %masked_sort3A_611, %masked_sort3A_612 = tpu.sort %select_n3A_607, %select_n3A_608 masked %masked_sort3A_609 {descending = true} : (vector<16xf32>, vector<16xi32>, vector<16xi1>) -> (vector<16xi1>, vector<16xf32>, vector<16xi32>)
      %swap3A_613 = arith.constant 0 : index
      %swap3A_614 = tpu.vector_load %arg13[%swap3A_613] {strides = array<i32>} : memref<16xi32, #tpu.memory_space<vmem>>, vector<16xi32>,
      tpu.vector_store %arg13[%swap3A_613], %masked_sort3A_612 {strides = array<i32>} : memref<16xi32, #tpu.memory_space<vmem>>, vector<16xi32>,
      %broadcast_in_dim3A_615 = arith.constant 0xFF800000 : f32
      %broadcast_in_dim3A_616 = vector.broadcast %broadcast_in_dim3A_615 : f32 to vector<16xf32>
      %broadcast_in_dim3A_617 = arith.constant 0 : i32
      %broadcast_in_dim3A_618 = vector.broadcast %broadcast_in_dim3A_617 : i32 to vector<16xi32>
      %scan3A_619 = arith.constant 0 : i32
      %scan3A_620 = arith.constant 16 : i32
      %scan3A_621 = arith.addi %scan3A_619, %scan3A_620 : i32
      %scan3A_622 = arith.constant 1 : i32
      %scan3A_623:2 = scf.for %scan3A_639 = %scan3A_619 to %scan3A_621 step %scan3A_622 iter_args(%scan3A_640 = %broadcast_in_dim3A_616, %scan3A_641 = %broadcast_in_dim3A_618) -> (vector<16xf32>, vector<16xi32>)  : i32 {
        %add3A_642 = vector.broadcast %scan3A_639 : i32 to vector<16xi32>
        %add3A_643 = arith.addi %broadcast_in_dim3A_3, %add3A_642 : vector<16xi32>
        %gather3A_644 = tpu.vector_load_idx %arg13[%add3A_643] : memref<16xi32, #tpu.memory_space<vmem>>[vector<16xi32>], vector<16xi32>,
        %slice3A = vector.extract_strided_slice %gather3A_644 {offsets = [0], sizes = [1], strides = [1]} : vector<16xi32> to vector<1xi32>
        %squeeze3A = vector.extract %slice3A[0] : i32 from vector<1xi32>
        %mul3A_645 = arith.constant 256 : i32
        %mul3A_646 = arith.muli %squeeze3A, %mul3A_645 : i32
        %add3A_647 = arith.constant 0 : i32
        %add3A_648 = arith.addi %mul3A_646, %add3A_647 : i32
        %get3A_649 = arith.index_cast %add3A_648 : i32 to index
        %get3A_650 = tpu.vector_load %arg11[%get3A_649] {strides = array<i32>} : memref<32768xf32, #tpu.memory_space<vmem>>, vector<16xf32>,
        %add3A_651 = arith.addf %get3A_650, %get3A_348 : vector<16xf32>
        %add3A_652 = arith.constant 0 : i32
        %add3A_653 = arith.addi %mul3A_646, %add3A_652 : i32
        %add3A_654 = vector.broadcast %add3A_653 : i32 to vector<16xi32>
        %add3A_655 = arith.addi %iota3A, %add3A_654 : vector<16xi32>
        %masked_sort3A_656 = arith.constant dense<true> : vector<16xi1>
        %masked_sort3A_657, %masked_sort3A_658, %masked_sort3A_659 = tpu.sort %add3A_651, %add3A_655 masked %masked_sort3A_656 {descending = true} : (vector<16xf32>, vector<16xi32>, vector<16xi1>) -> (vector<16xi1>, vector<16xf32>, vector<16xi32>)
        %add3A_660 = arith.constant 16 : i32
        %add3A_661 = arith.addi %mul3A_646, %add3A_660 : i32
        %get3A_662 = arith.index_cast %add3A_661 : i32 to index
        %get3A_663 = tpu.vector_load %arg11[%get3A_662] {strides = array<i32>} : memref<32768xf32, #tpu.memory_space<vmem>>, vector<16xf32>,
        %add3A_664 = arith.addf %get3A_663, %get3A_348 : vector<16xf32>
        %add3A_665 = arith.constant 16 : i32
        %add3A_666 = arith.addi %mul3A_646, %add3A_665 : i32
        %add3A_667 = vector.broadcast %add3A_666 : i32 to vector<16xi32>
        %add3A_668 = arith.addi %iota3A, %add3A_667 : vector<16xi32>
        %masked_sort3A_669 = arith.constant dense<true> : vector<16xi1>
        %masked_sort3A_670, %masked_sort3A_671, %masked_sort3A_672 = tpu.sort %add3A_664, %add3A_668 masked %masked_sort3A_669 {descending = true} : (vector<16xf32>, vector<16xi32>, vector<16xi1>) -> (vector<16xi1>, vector<16xf32>, vector<16xi32>)
        %add3A_673 = arith.constant 32 : i32
        %add3A_674 = arith.addi %mul3A_646, %add3A_673 : i32
        %get3A_675 = arith.index_cast %add3A_674 : i32 to index
        %get3A_676 = tpu.vector_load %arg11[%get3A_675] {strides = array<i32>} : memref<32768xf32, #tpu.memory_space<vmem>>, vector<16xf32>,
        %add3A_677 = arith.addf %get3A_676, %get3A_348 : vector<16xf32>
        %add3A_678 = arith.constant 32 : i32
        %add3A_679 = arith.addi %mul3A_646, %add3A_678 : i32
        %add3A_680 = vector.broadcast %add3A_679 : i32 to vector<16xi32>
        %add3A_681 = arith.addi %iota3A, %add3A_680 : vector<16xi32>
        %masked_sort3A_682 = arith.constant dense<true> : vector<16xi1>
        %masked_sort3A_683, %masked_sort3A_684, %masked_sort3A_685 = tpu.sort %add3A_677, %add3A_681 masked %masked_sort3A_682 {descending = true} : (vector<16xf32>, vector<16xi32>, vector<16xi1>) -> (vector<16xi1>, vector<16xf32>, vector<16xi32>)
        %add3A_686 = arith.constant 48 : i32
        %add3A_687 = arith.addi %mul3A_646, %add3A_686 : i32
        %get3A_688 = arith.index_cast %add3A_687 : i32 to index
        %get3A_689 = tpu.vector_load %arg11[%get3A_688] {strides = array<i32>} : memref<32768xf32, #tpu.memory_space<vmem>>, vector<16xf32>,
        %add3A_690 = arith.addf %get3A_689, %get3A_348 : vector<16xf32>
        %add3A_691 = arith.constant 48 : i32
        %add3A_692 = arith.addi %mul3A_646, %add3A_691 : i32
        %add3A_693 = vector.broadcast %add3A_692 : i32 to vector<16xi32>
        %add3A_694 = arith.addi %iota3A, %add3A_693 : vector<16xi32>
        %masked_sort3A_695 = arith.constant dense<true> : vector<16xi1>
        %masked_sort3A_696, %masked_sort3A_697, %masked_sort3A_698 = tpu.sort %add3A_690, %add3A_694 masked %masked_sort3A_695 {descending = true} : (vector<16xf32>, vector<16xi32>, vector<16xi1>) -> (vector<16xi1>, vector<16xf32>, vector<16xi32>)
        %add3A_699 = arith.constant 64 : i32
        %add3A_700 = arith.addi %mul3A_646, %add3A_699 : i32
        %get3A_701 = arith.index_cast %add3A_700 : i32 to index
        %get3A_702 = tpu.vector_load %arg11[%get3A_701] {strides = array<i32>} : memref<32768xf32, #tpu.memory_space<vmem>>, vector<16xf32>,
        %add3A_703 = arith.addf %get3A_702, %get3A_348 : vector<16xf32>
        %add3A_704 = arith.constant 64 : i32
        %add3A_705 = arith.addi %mul3A_646, %add3A_704 : i32
        %add3A_706 = vector.broadcast %add3A_705 : i32 to vector<16xi32>
        %add3A_707 = arith.addi %iota3A, %add3A_706 : vector<16xi32>
        %masked_sort3A_708 = arith.constant dense<true> : vector<16xi1>
        %masked_sort3A_709, %masked_sort3A_710, %masked_sort3A_711 = tpu.sort %add3A_703, %add3A_707 masked %masked_sort3A_708 {descending = true} : (vector<16xf32>, vector<16xi32>, vector<16xi1>) -> (vector<16xi1>, vector<16xf32>, vector<16xi32>)
        %add3A_712 = arith.constant 80 : i32
        %add3A_713 = arith.addi %mul3A_646, %add3A_712 : i32
        %get3A_714 = arith.index_cast %add3A_713 : i32 to index
        %get3A_715 = tpu.vector_load %arg11[%get3A_714] {strides = array<i32>} : memref<32768xf32, #tpu.memory_space<vmem>>, vector<16xf32>,
        %add3A_716 = arith.addf %get3A_715, %get3A_348 : vector<16xf32>
        %add3A_717 = arith.constant 80 : i32
        %add3A_718 = arith.addi %mul3A_646, %add3A_717 : i32
        %add3A_719 = vector.broadcast %add3A_718 : i32 to vector<16xi32>
        %add3A_720 = arith.addi %iota3A, %add3A_719 : vector<16xi32>
        %masked_sort3A_721 = arith.constant dense<true> : vector<16xi1>
        %masked_sort3A_722, %masked_sort3A_723, %masked_sort3A_724 = tpu.sort %add3A_716, %add3A_720 masked %masked_sort3A_721 {descending = true} : (vector<16xf32>, vector<16xi32>, vector<16xi1>) -> (vector<16xi1>, vector<16xf32>, vector<16xi32>)
        %add3A_725 = arith.constant 96 : i32
        %add3A_726 = arith.addi %mul3A_646, %add3A_725 : i32
        %get3A_727 = arith.index_cast %add3A_726 : i32 to index
        %get3A_728 = tpu.vector_load %arg11[%get3A_727] {strides = array<i32>} : memref<32768xf32, #tpu.memory_space<vmem>>, vector<16xf32>,
        %add3A_729 = arith.addf %get3A_728, %get3A_348 : vector<16xf32>
        %add3A_730 = arith.constant 96 : i32
        %add3A_731 = arith.addi %mul3A_646, %add3A_730 : i32
        %add3A_732 = vector.broadcast %add3A_731 : i32 to vector<16xi32>
        %add3A_733 = arith.addi %iota3A, %add3A_732 : vector<16xi32>
        %masked_sort3A_734 = arith.constant dense<true> : vector<16xi1>
        %masked_sort3A_735, %masked_sort3A_736, %masked_sort3A_737 = tpu.sort %add3A_729, %add3A_733 masked %masked_sort3A_734 {descending = true} : (vector<16xf32>, vector<16xi32>, vector<16xi1>) -> (vector<16xi1>, vector<16xf32>, vector<16xi32>)
        %add3A_738 = arith.constant 112 : i32
        %add3A_739 = arith.addi %mul3A_646, %add3A_738 : i32
        %get3A_740 = arith.index_cast %add3A_739 : i32 to index
        %get3A_741 = tpu.vector_load %arg11[%get3A_740] {strides = array<i32>} : memref<32768xf32, #tpu.memory_space<vmem>>, vector<16xf32>,
        %add3A_742 = arith.addf %get3A_741, %get3A_348 : vector<16xf32>
        %add3A_743 = arith.constant 112 : i32
        %add3A_744 = arith.addi %mul3A_646, %add3A_743 : i32
        %add3A_745 = vector.broadcast %add3A_744 : i32 to vector<16xi32>
        %add3A_746 = arith.addi %iota3A, %add3A_745 : vector<16xi32>
        %masked_sort3A_747 = arith.constant dense<true> : vector<16xi1>
        %masked_sort3A_748, %masked_sort3A_749, %masked_sort3A_750 = tpu.sort %add3A_742, %add3A_746 masked %masked_sort3A_747 {descending = true} : (vector<16xf32>, vector<16xi32>, vector<16xi1>) -> (vector<16xi1>, vector<16xf32>, vector<16xi32>)
        %add3A_751 = arith.constant 128 : i32
        %add3A_752 = arith.addi %mul3A_646, %add3A_751 : i32
        %get3A_753 = arith.index_cast %add3A_752 : i32 to index
        %get3A_754 = tpu.vector_load %arg11[%get3A_753] {strides = array<i32>} : memref<32768xf32, #tpu.memory_space<vmem>>, vector<16xf32>,
        %add3A_755 = arith.addf %get3A_754, %get3A_348 : vector<16xf32>
        %add3A_756 = arith.constant 128 : i32
        %add3A_757 = arith.addi %mul3A_646, %add3A_756 : i32
        %add3A_758 = vector.broadcast %add3A_757 : i32 to vector<16xi32>
        %add3A_759 = arith.addi %iota3A, %add3A_758 : vector<16xi32>
        %masked_sort3A_760 = arith.constant dense<true> : vector<16xi1>
        %masked_sort3A_761, %masked_sort3A_762, %masked_sort3A_763 = tpu.sort %add3A_755, %add3A_759 masked %masked_sort3A_760 {descending = true} : (vector<16xf32>, vector<16xi32>, vector<16xi1>) -> (vector<16xi1>, vector<16xf32>, vector<16xi32>)
        %add3A_764 = arith.constant 144 : i32
        %add3A_765 = arith.addi %mul3A_646, %add3A_764 : i32
        %get3A_766 = arith.index_cast %add3A_765 : i32 to index
        %get3A_767 = tpu.vector_load %arg11[%get3A_766] {strides = array<i32>} : memref<32768xf32, #tpu.memory_space<vmem>>, vector<16xf32>,
        %add3A_768 = arith.addf %get3A_767, %get3A_348 : vector<16xf32>
        %add3A_769 = arith.constant 144 : i32
        %add3A_770 = arith.addi %mul3A_646, %add3A_769 : i32
        %add3A_771 = vector.broadcast %add3A_770 : i32 to vector<16xi32>
        %add3A_772 = arith.addi %iota3A, %add3A_771 : vector<16xi32>
        %masked_sort3A_773 = arith.constant dense<true> : vector<16xi1>
        %masked_sort3A_774, %masked_sort3A_775, %masked_sort3A_776 = tpu.sort %add3A_768, %add3A_772 masked %masked_sort3A_773 {descending = true} : (vector<16xf32>, vector<16xi32>, vector<16xi1>) -> (vector<16xi1>, vector<16xf32>, vector<16xi32>)
        %add3A_777 = arith.constant 160 : i32
        %add3A_778 = arith.addi %mul3A_646, %add3A_777 : i32
        %get3A_779 = arith.index_cast %add3A_778 : i32 to index
        %get3A_780 = tpu.vector_load %arg11[%get3A_779] {strides = array<i32>} : memref<32768xf32, #tpu.memory_space<vmem>>, vector<16xf32>,
        %add3A_781 = arith.addf %get3A_780, %get3A_348 : vector<16xf32>
        %add3A_782 = arith.constant 160 : i32
        %add3A_783 = arith.addi %mul3A_646, %add3A_782 : i32
        %add3A_784 = vector.broadcast %add3A_783 : i32 to vector<16xi32>
        %add3A_785 = arith.addi %iota3A, %add3A_784 : vector<16xi32>
        %masked_sort3A_786 = arith.constant dense<true> : vector<16xi1>
        %masked_sort3A_787, %masked_sort3A_788, %masked_sort3A_789 = tpu.sort %add3A_781, %add3A_785 masked %masked_sort3A_786 {descending = true} : (vector<16xf32>, vector<16xi32>, vector<16xi1>) -> (vector<16xi1>, vector<16xf32>, vector<16xi32>)
        %add3A_790 = arith.constant 176 : i32
        %add3A_791 = arith.addi %mul3A_646, %add3A_790 : i32
        %get3A_792 = arith.index_cast %add3A_791 : i32 to index
        %get3A_793 = tpu.vector_load %arg11[%get3A_792] {strides = array<i32>} : memref<32768xf32, #tpu.memory_space<vmem>>, vector<16xf32>,
        %add3A_794 = arith.addf %get3A_793, %get3A_348 : vector<16xf32>
        %add3A_795 = arith.constant 176 : i32
        %add3A_796 = arith.addi %mul3A_646, %add3A_795 : i32
        %add3A_797 = vector.broadcast %add3A_796 : i32 to vector<16xi32>
        %add3A_798 = arith.addi %iota3A, %add3A_797 : vector<16xi32>
        %masked_sort3A_799 = arith.constant dense<true> : vector<16xi1>
        %masked_sort3A_800, %masked_sort3A_801, %masked_sort3A_802 = tpu.sort %add3A_794, %add3A_798 masked %masked_sort3A_799 {descending = true} : (vector<16xf32>, vector<16xi32>, vector<16xi1>) -> (vector<16xi1>, vector<16xf32>, vector<16xi32>)
        %add3A_803 = arith.constant 192 : i32
        %add3A_804 = arith.addi %mul3A_646, %add3A_803 : i32
        %get3A_805 = arith.index_cast %add3A_804 : i32 to index
        %get3A_806 = tpu.vector_load %arg11[%get3A_805] {strides = array<i32>} : memref<32768xf32, #tpu.memory_space<vmem>>, vector<16xf32>,
        %add3A_807 = arith.addf %get3A_806, %get3A_348 : vector<16xf32>
        %add3A_808 = arith.constant 192 : i32
        %add3A_809 = arith.addi %mul3A_646, %add3A_808 : i32
        %add3A_810 = vector.broadcast %add3A_809 : i32 to vector<16xi32>
        %add3A_811 = arith.addi %iota3A, %add3A_810 : vector<16xi32>
        %masked_sort3A_812 = arith.constant dense<true> : vector<16xi1>
        %masked_sort3A_813, %masked_sort3A_814, %masked_sort3A_815 = tpu.sort %add3A_807, %add3A_811 masked %masked_sort3A_812 {descending = true} : (vector<16xf32>, vector<16xi32>, vector<16xi1>) -> (vector<16xi1>, vector<16xf32>, vector<16xi32>)
        %add3A_816 = arith.constant 208 : i32
        %add3A_817 = arith.addi %mul3A_646, %add3A_816 : i32
        %get3A_818 = arith.index_cast %add3A_817 : i32 to index
        %get3A_819 = tpu.vector_load %arg11[%get3A_818] {strides = array<i32>} : memref<32768xf32, #tpu.memory_space<vmem>>, vector<16xf32>,
        %add3A_820 = arith.addf %get3A_819, %get3A_348 : vector<16xf32>
        %add3A_821 = arith.constant 208 : i32
        %add3A_822 = arith.addi %mul3A_646, %add3A_821 : i32
        %add3A_823 = vector.broadcast %add3A_822 : i32 to vector<16xi32>
        %add3A_824 = arith.addi %iota3A, %add3A_823 : vector<16xi32>
        %masked_sort3A_825 = arith.constant dense<true> : vector<16xi1>
        %masked_sort3A_826, %masked_sort3A_827, %masked_sort3A_828 = tpu.sort %add3A_820, %add3A_824 masked %masked_sort3A_825 {descending = true} : (vector<16xf32>, vector<16xi32>, vector<16xi1>) -> (vector<16xi1>, vector<16xf32>, vector<16xi32>)
        %add3A_829 = arith.constant 224 : i32
        %add3A_830 = arith.addi %mul3A_646, %add3A_829 : i32
        %get3A_831 = arith.index_cast %add3A_830 : i32 to index
        %get3A_832 = tpu.vector_load %arg11[%get3A_831] {strides = array<i32>} : memref<32768xf32, #tpu.memory_space<vmem>>, vector<16xf32>,
        %add3A_833 = arith.addf %get3A_832, %get3A_348 : vector<16xf32>
        %add3A_834 = arith.constant 224 : i32
        %add3A_835 = arith.addi %mul3A_646, %add3A_834 : i32
        %add3A_836 = vector.broadcast %add3A_835 : i32 to vector<16xi32>
        %add3A_837 = arith.addi %iota3A, %add3A_836 : vector<16xi32>
        %masked_sort3A_838 = arith.constant dense<true> : vector<16xi1>
        %masked_sort3A_839, %masked_sort3A_840, %masked_sort3A_841 = tpu.sort %add3A_833, %add3A_837 masked %masked_sort3A_838 {descending = true} : (vector<16xf32>, vector<16xi32>, vector<16xi1>) -> (vector<16xi1>, vector<16xf32>, vector<16xi32>)
        %add3A_842 = arith.constant 240 : i32
        %add3A_843 = arith.addi %mul3A_646, %add3A_842 : i32
        %get3A_844 = arith.index_cast %add3A_843 : i32 to index
        %get3A_845 = tpu.vector_load %arg11[%get3A_844] {strides = array<i32>} : memref<32768xf32, #tpu.memory_space<vmem>>, vector<16xf32>,
        %add3A_846 = arith.addf %get3A_845, %get3A_348 : vector<16xf32>
        %add3A_847 = arith.constant 240 : i32
        %add3A_848 = arith.addi %mul3A_646, %add3A_847 : i32
        %add3A_849 = vector.broadcast %add3A_848 : i32 to vector<16xi32>
        %add3A_850 = arith.addi %iota3A, %add3A_849 : vector<16xi32>
        %masked_sort3A_851 = arith.constant dense<true> : vector<16xi1>
        %masked_sort3A_852, %masked_sort3A_853, %masked_sort3A_854 = tpu.sort %add3A_846, %add3A_850 masked %masked_sort3A_851 {descending = true} : (vector<16xf32>, vector<16xi32>, vector<16xi1>) -> (vector<16xi1>, vector<16xf32>, vector<16xi32>)
        %rev3A_855 = arith.constant 15 : i32
        %rev3A_856 = vector.broadcast %rev3A_855 : i32 to vector<16xi32>
        %rev3A_857 = tpu.iota {dimensions = array<i32: 0>} : vector<16xi32>
        %rev3A_858 = arith.subi %rev3A_856, %rev3A_857 : vector<16xi32>
        %rev3A_859 = tpu.dynamic_gather %masked_sort3A_671[%rev3A_858] in [0] : vector<16xf32>, vector<16xi32> -> vector<16xf32>
        %rev3A_860 = arith.constant 15 : i32
        %rev3A_861 = vector.broadcast %rev3A_860 : i32 to vector<16xi32>
        %rev3A_862 = tpu.iota {dimensions = array<i32: 0>} : vector<16xi32>
        %rev3A_863 = arith.subi %rev3A_861, %rev3A_862 : vector<16xi32>
        %rev3A_864 = tpu.dynamic_gather %masked_sort3A_672[%rev3A_863] in [0] : vector<16xi32>, vector<16xi32> -> vector<16xi32>
        %gt3A_865 = arith.cmpf ogt, %masked_sort3A_658, %rev3A_859 : vector<16xf32>
        %eq3A_866 = arith.cmpf oeq, %masked_sort3A_658, %rev3A_859 : vector<16xf32>
        %lt3A_867 = arith.cmpi slt, %masked_sort3A_659, %rev3A_864 : vector<16xi32>
        %and3A_868 = arith.andi %eq3A_866, %lt3A_867 : vector<16xi1>
        %or3A_869 = arith.ori %gt3A_865, %and3A_868 : vector<16xi1>
        %select_n3A_870 = arith.select %or3A_869, %masked_sort3A_658, %rev3A_859 : vector<16xi1>, vector<16xf32>
        %select_n3A_871 = arith.select %or3A_869, %masked_sort3A_659, %rev3A_864 : vector<16xi1>, vector<16xi32>
        %masked_sort3A_872 = arith.constant dense<true> : vector<16xi1>
        %masked_sort3A_873, %masked_sort3A_874, %masked_sort3A_875 = tpu.sort %select_n3A_870, %select_n3A_871 masked %masked_sort3A_872 {descending = true} : (vector<16xf32>, vector<16xi32>, vector<16xi1>) -> (vector<16xi1>, vector<16xf32>, vector<16xi32>)
        %rev3A_876 = arith.constant 15 : i32
        %rev3A_877 = vector.broadcast %rev3A_876 : i32 to vector<16xi32>
        %rev3A_878 = tpu.iota {dimensions = array<i32: 0>} : vector<16xi32>
        %rev3A_879 = arith.subi %rev3A_877, %rev3A_878 : vector<16xi32>
        %rev3A_880 = tpu.dynamic_gather %masked_sort3A_697[%rev3A_879] in [0] : vector<16xf32>, vector<16xi32> -> vector<16xf32>
        %rev3A_881 = arith.constant 15 : i32
        %rev3A_882 = vector.broadcast %rev3A_881 : i32 to vector<16xi32>
        %rev3A_883 = tpu.iota {dimensions = array<i32: 0>} : vector<16xi32>
        %rev3A_884 = arith.subi %rev3A_882, %rev3A_883 : vector<16xi32>
        %rev3A_885 = tpu.dynamic_gather %masked_sort3A_698[%rev3A_884] in [0] : vector<16xi32>, vector<16xi32> -> vector<16xi32>
        %gt3A_886 = arith.cmpf ogt, %masked_sort3A_684, %rev3A_880 : vector<16xf32>
        %eq3A_887 = arith.cmpf oeq, %masked_sort3A_684, %rev3A_880 : vector<16xf32>
        %lt3A_888 = arith.cmpi slt, %masked_sort3A_685, %rev3A_885 : vector<16xi32>
        %and3A_889 = arith.andi %eq3A_887, %lt3A_888 : vector<16xi1>
        %or3A_890 = arith.ori %gt3A_886, %and3A_889 : vector<16xi1>
        %select_n3A_891 = arith.select %or3A_890, %masked_sort3A_684, %rev3A_880 : vector<16xi1>, vector<16xf32>
        %select_n3A_892 = arith.select %or3A_890, %masked_sort3A_685, %rev3A_885 : vector<16xi1>, vector<16xi32>
        %masked_sort3A_893 = arith.constant dense<true> : vector<16xi1>
        %masked_sort3A_894, %masked_sort3A_895, %masked_sort3A_896 = tpu.sort %select_n3A_891, %select_n3A_892 masked %masked_sort3A_893 {descending = true} : (vector<16xf32>, vector<16xi32>, vector<16xi1>) -> (vector<16xi1>, vector<16xf32>, vector<16xi32>)
        %rev3A_897 = arith.constant 15 : i32
        %rev3A_898 = vector.broadcast %rev3A_897 : i32 to vector<16xi32>
        %rev3A_899 = tpu.iota {dimensions = array<i32: 0>} : vector<16xi32>
        %rev3A_900 = arith.subi %rev3A_898, %rev3A_899 : vector<16xi32>
        %rev3A_901 = tpu.dynamic_gather %masked_sort3A_723[%rev3A_900] in [0] : vector<16xf32>, vector<16xi32> -> vector<16xf32>
        %rev3A_902 = arith.constant 15 : i32
        %rev3A_903 = vector.broadcast %rev3A_902 : i32 to vector<16xi32>
        %rev3A_904 = tpu.iota {dimensions = array<i32: 0>} : vector<16xi32>
        %rev3A_905 = arith.subi %rev3A_903, %rev3A_904 : vector<16xi32>
        %rev3A_906 = tpu.dynamic_gather %masked_sort3A_724[%rev3A_905] in [0] : vector<16xi32>, vector<16xi32> -> vector<16xi32>
        %gt3A_907 = arith.cmpf ogt, %masked_sort3A_710, %rev3A_901 : vector<16xf32>
        %eq3A_908 = arith.cmpf oeq, %masked_sort3A_710, %rev3A_901 : vector<16xf32>
        %lt3A_909 = arith.cmpi slt, %masked_sort3A_711, %rev3A_906 : vector<16xi32>
        %and3A_910 = arith.andi %eq3A_908, %lt3A_909 : vector<16xi1>
        %or3A_911 = arith.ori %gt3A_907, %and3A_910 : vector<16xi1>
        %select_n3A_912 = arith.select %or3A_911, %masked_sort3A_710, %rev3A_901 : vector<16xi1>, vector<16xf32>
        %select_n3A_913 = arith.select %or3A_911, %masked_sort3A_711, %rev3A_906 : vector<16xi1>, vector<16xi32>
        %masked_sort3A_914 = arith.constant dense<true> : vector<16xi1>
        %masked_sort3A_915, %masked_sort3A_916, %masked_sort3A_917 = tpu.sort %select_n3A_912, %select_n3A_913 masked %masked_sort3A_914 {descending = true} : (vector<16xf32>, vector<16xi32>, vector<16xi1>) -> (vector<16xi1>, vector<16xf32>, vector<16xi32>)
        %rev3A_918 = arith.constant 15 : i32
        %rev3A_919 = vector.broadcast %rev3A_918 : i32 to vector<16xi32>
        %rev3A_920 = tpu.iota {dimensions = array<i32: 0>} : vector<16xi32>
        %rev3A_921 = arith.subi %rev3A_919, %rev3A_920 : vector<16xi32>
        %rev3A_922 = tpu.dynamic_gather %masked_sort3A_749[%rev3A_921] in [0] : vector<16xf32>, vector<16xi32> -> vector<16xf32>
        %rev3A_923 = arith.constant 15 : i32
        %rev3A_924 = vector.broadcast %rev3A_923 : i32 to vector<16xi32>
        %rev3A_925 = tpu.iota {dimensions = array<i32: 0>} : vector<16xi32>
        %rev3A_926 = arith.subi %rev3A_924, %rev3A_925 : vector<16xi32>
        %rev3A_927 = tpu.dynamic_gather %masked_sort3A_750[%rev3A_926] in [0] : vector<16xi32>, vector<16xi32> -> vector<16xi32>
        %gt3A_928 = arith.cmpf ogt, %masked_sort3A_736, %rev3A_922 : vector<16xf32>
        %eq3A_929 = arith.cmpf oeq, %masked_sort3A_736, %rev3A_922 : vector<16xf32>
        %lt3A_930 = arith.cmpi slt, %masked_sort3A_737, %rev3A_927 : vector<16xi32>
        %and3A_931 = arith.andi %eq3A_929, %lt3A_930 : vector<16xi1>
        %or3A_932 = arith.ori %gt3A_928, %and3A_931 : vector<16xi1>
        %select_n3A_933 = arith.select %or3A_932, %masked_sort3A_736, %rev3A_922 : vector<16xi1>, vector<16xf32>
        %select_n3A_934 = arith.select %or3A_932, %masked_sort3A_737, %rev3A_927 : vector<16xi1>, vector<16xi32>
        %masked_sort3A_935 = arith.constant dense<true> : vector<16xi1>
        %masked_sort3A_936, %masked_sort3A_937, %masked_sort3A_938 = tpu.sort %select_n3A_933, %select_n3A_934 masked %masked_sort3A_935 {descending = true} : (vector<16xf32>, vector<16xi32>, vector<16xi1>) -> (vector<16xi1>, vector<16xf32>, vector<16xi32>)
        %rev3A_939 = arith.constant 15 : i32
        %rev3A_940 = vector.broadcast %rev3A_939 : i32 to vector<16xi32>
        %rev3A_941 = tpu.iota {dimensions = array<i32: 0>} : vector<16xi32>
        %rev3A_942 = arith.subi %rev3A_940, %rev3A_941 : vector<16xi32>
        %rev3A_943 = tpu.dynamic_gather %masked_sort3A_775[%rev3A_942] in [0] : vector<16xf32>, vector<16xi32> -> vector<16xf32>
        %rev3A_944 = arith.constant 15 : i32
        %rev3A_945 = vector.broadcast %rev3A_944 : i32 to vector<16xi32>
        %rev3A_946 = tpu.iota {dimensions = array<i32: 0>} : vector<16xi32>
        %rev3A_947 = arith.subi %rev3A_945, %rev3A_946 : vector<16xi32>
        %rev3A_948 = tpu.dynamic_gather %masked_sort3A_776[%rev3A_947] in [0] : vector<16xi32>, vector<16xi32> -> vector<16xi32>
        %gt3A_949 = arith.cmpf ogt, %masked_sort3A_762, %rev3A_943 : vector<16xf32>
        %eq3A_950 = arith.cmpf oeq, %masked_sort3A_762, %rev3A_943 : vector<16xf32>
        %lt3A_951 = arith.cmpi slt, %masked_sort3A_763, %rev3A_948 : vector<16xi32>
        %and3A_952 = arith.andi %eq3A_950, %lt3A_951 : vector<16xi1>
        %or3A_953 = arith.ori %gt3A_949, %and3A_952 : vector<16xi1>
        %select_n3A_954 = arith.select %or3A_953, %masked_sort3A_762, %rev3A_943 : vector<16xi1>, vector<16xf32>
        %select_n3A_955 = arith.select %or3A_953, %masked_sort3A_763, %rev3A_948 : vector<16xi1>, vector<16xi32>
        %masked_sort3A_956 = arith.constant dense<true> : vector<16xi1>
        %masked_sort3A_957, %masked_sort3A_958, %masked_sort3A_959 = tpu.sort %select_n3A_954, %select_n3A_955 masked %masked_sort3A_956 {descending = true} : (vector<16xf32>, vector<16xi32>, vector<16xi1>) -> (vector<16xi1>, vector<16xf32>, vector<16xi32>)
        %rev3A_960 = arith.constant 15 : i32
        %rev3A_961 = vector.broadcast %rev3A_960 : i32 to vector<16xi32>
        %rev3A_962 = tpu.iota {dimensions = array<i32: 0>} : vector<16xi32>
        %rev3A_963 = arith.subi %rev3A_961, %rev3A_962 : vector<16xi32>
        %rev3A_964 = tpu.dynamic_gather %masked_sort3A_801[%rev3A_963] in [0] : vector<16xf32>, vector<16xi32> -> vector<16xf32>
        %rev3A_965 = arith.constant 15 : i32
        %rev3A_966 = vector.broadcast %rev3A_965 : i32 to vector<16xi32>
        %rev3A_967 = tpu.iota {dimensions = array<i32: 0>} : vector<16xi32>
        %rev3A_968 = arith.subi %rev3A_966, %rev3A_967 : vector<16xi32>
        %rev3A_969 = tpu.dynamic_gather %masked_sort3A_802[%rev3A_968] in [0] : vector<16xi32>, vector<16xi32> -> vector<16xi32>
        %gt3A_970 = arith.cmpf ogt, %masked_sort3A_788, %rev3A_964 : vector<16xf32>
        %eq3A_971 = arith.cmpf oeq, %masked_sort3A_788, %rev3A_964 : vector<16xf32>
        %lt3A_972 = arith.cmpi slt, %masked_sort3A_789, %rev3A_969 : vector<16xi32>
        %and3A_973 = arith.andi %eq3A_971, %lt3A_972 : vector<16xi1>
        %or3A_974 = arith.ori %gt3A_970, %and3A_973 : vector<16xi1>
        %select_n3A_975 = arith.select %or3A_974, %masked_sort3A_788, %rev3A_964 : vector<16xi1>, vector<16xf32>
        %select_n3A_976 = arith.select %or3A_974, %masked_sort3A_789, %rev3A_969 : vector<16xi1>, vector<16xi32>
        %masked_sort3A_977 = arith.constant dense<true> : vector<16xi1>
        %masked_sort3A_978, %masked_sort3A_979, %masked_sort3A_980 = tpu.sort %select_n3A_975, %select_n3A_976 masked %masked_sort3A_977 {descending = true} : (vector<16xf32>, vector<16xi32>, vector<16xi1>) -> (vector<16xi1>, vector<16xf32>, vector<16xi32>)
        %rev3A_981 = arith.constant 15 : i32
        %rev3A_982 = vector.broadcast %rev3A_981 : i32 to vector<16xi32>
        %rev3A_983 = tpu.iota {dimensions = array<i32: 0>} : vector<16xi32>
        %rev3A_984 = arith.subi %rev3A_982, %rev3A_983 : vector<16xi32>
        %rev3A_985 = tpu.dynamic_gather %masked_sort3A_827[%rev3A_984] in [0] : vector<16xf32>, vector<16xi32> -> vector<16xf32>
        %rev3A_986 = arith.constant 15 : i32
        %rev3A_987 = vector.broadcast %rev3A_986 : i32 to vector<16xi32>
        %rev3A_988 = tpu.iota {dimensions = array<i32: 0>} : vector<16xi32>
        %rev3A_989 = arith.subi %rev3A_987, %rev3A_988 : vector<16xi32>
        %rev3A_990 = tpu.dynamic_gather %masked_sort3A_828[%rev3A_989] in [0] : vector<16xi32>, vector<16xi32> -> vector<16xi32>
        %gt3A_991 = arith.cmpf ogt, %masked_sort3A_814, %rev3A_985 : vector<16xf32>
        %eq3A_992 = arith.cmpf oeq, %masked_sort3A_814, %rev3A_985 : vector<16xf32>
        %lt3A_993 = arith.cmpi slt, %masked_sort3A_815, %rev3A_990 : vector<16xi32>
        %and3A_994 = arith.andi %eq3A_992, %lt3A_993 : vector<16xi1>
        %or3A_995 = arith.ori %gt3A_991, %and3A_994 : vector<16xi1>
        %select_n3A_996 = arith.select %or3A_995, %masked_sort3A_814, %rev3A_985 : vector<16xi1>, vector<16xf32>
        %select_n3A_997 = arith.select %or3A_995, %masked_sort3A_815, %rev3A_990 : vector<16xi1>, vector<16xi32>
        %masked_sort3A_998 = arith.constant dense<true> : vector<16xi1>
        %masked_sort3A_999, %masked_sort3A_1000, %masked_sort3A_1001 = tpu.sort %select_n3A_996, %select_n3A_997 masked %masked_sort3A_998 {descending = true} : (vector<16xf32>, vector<16xi32>, vector<16xi1>) -> (vector<16xi1>, vector<16xf32>, vector<16xi32>)
        %rev3A_1002 = arith.constant 15 : i32
        %rev3A_1003 = vector.broadcast %rev3A_1002 : i32 to vector<16xi32>
        %rev3A_1004 = tpu.iota {dimensions = array<i32: 0>} : vector<16xi32>
        %rev3A_1005 = arith.subi %rev3A_1003, %rev3A_1004 : vector<16xi32>
        %rev3A_1006 = tpu.dynamic_gather %masked_sort3A_853[%rev3A_1005] in [0] : vector<16xf32>, vector<16xi32> -> vector<16xf32>
        %rev3A_1007 = arith.constant 15 : i32
        %rev3A_1008 = vector.broadcast %rev3A_1007 : i32 to vector<16xi32>
        %rev3A_1009 = tpu.iota {dimensions = array<i32: 0>} : vector<16xi32>
        %rev3A_1010 = arith.subi %rev3A_1008, %rev3A_1009 : vector<16xi32>
        %rev3A_1011 = tpu.dynamic_gather %masked_sort3A_854[%rev3A_1010] in [0] : vector<16xi32>, vector<16xi32> -> vector<16xi32>
        %gt3A_1012 = arith.cmpf ogt, %masked_sort3A_840, %rev3A_1006 : vector<16xf32>
        %eq3A_1013 = arith.cmpf oeq, %masked_sort3A_840, %rev3A_1006 : vector<16xf32>
        %lt3A_1014 = arith.cmpi slt, %masked_sort3A_841, %rev3A_1011 : vector<16xi32>
        %and3A_1015 = arith.andi %eq3A_1013, %lt3A_1014 : vector<16xi1>
        %or3A_1016 = arith.ori %gt3A_1012, %and3A_1015 : vector<16xi1>
        %select_n3A_1017 = arith.select %or3A_1016, %masked_sort3A_840, %rev3A_1006 : vector<16xi1>, vector<16xf32>
        %select_n3A_1018 = arith.select %or3A_1016, %masked_sort3A_841, %rev3A_1011 : vector<16xi1>, vector<16xi32>
        %masked_sort3A_1019 = arith.constant dense<true> : vector<16xi1>
        %masked_sort3A_1020, %masked_sort3A_1021, %masked_sort3A_1022 = tpu.sort %select_n3A_1017, %select_n3A_1018 masked %masked_sort3A_1019 {descending = true} : (vector<16xf32>, vector<16xi32>, vector<16xi1>) -> (vector<16xi1>, vector<16xf32>, vector<16xi32>)
        %rev3A_1023 = arith.constant 15 : i32
        %rev3A_1024 = vector.broadcast %rev3A_1023 : i32 to vector<16xi32>
        %rev3A_1025 = tpu.iota {dimensions = array<i32: 0>} : vector<16xi32>
        %rev3A_1026 = arith.subi %rev3A_1024, %rev3A_1025 : vector<16xi32>
        %rev3A_1027 = tpu.dynamic_gather %masked_sort3A_895[%rev3A_1026] in [0] : vector<16xf32>, vector<16xi32> -> vector<16xf32>
        %rev3A_1028 = arith.constant 15 : i32
        %rev3A_1029 = vector.broadcast %rev3A_1028 : i32 to vector<16xi32>
        %rev3A_1030 = tpu.iota {dimensions = array<i32: 0>} : vector<16xi32>
        %rev3A_1031 = arith.subi %rev3A_1029, %rev3A_1030 : vector<16xi32>
        %rev3A_1032 = tpu.dynamic_gather %masked_sort3A_896[%rev3A_1031] in [0] : vector<16xi32>, vector<16xi32> -> vector<16xi32>
        %gt3A_1033 = arith.cmpf ogt, %masked_sort3A_874, %rev3A_1027 : vector<16xf32>
        %eq3A_1034 = arith.cmpf oeq, %masked_sort3A_874, %rev3A_1027 : vector<16xf32>
        %lt3A_1035 = arith.cmpi slt, %masked_sort3A_875, %rev3A_1032 : vector<16xi32>
        %and3A_1036 = arith.andi %eq3A_1034, %lt3A_1035 : vector<16xi1>
        %or3A_1037 = arith.ori %gt3A_1033, %and3A_1036 : vector<16xi1>
        %select_n3A_1038 = arith.select %or3A_1037, %masked_sort3A_874, %rev3A_1027 : vector<16xi1>, vector<16xf32>
        %select_n3A_1039 = arith.select %or3A_1037, %masked_sort3A_875, %rev3A_1032 : vector<16xi1>, vector<16xi32>
        %masked_sort3A_1040 = arith.constant dense<true> : vector<16xi1>
        %masked_sort3A_1041, %masked_sort3A_1042, %masked_sort3A_1043 = tpu.sort %select_n3A_1038, %select_n3A_1039 masked %masked_sort3A_1040 {descending = true} : (vector<16xf32>, vector<16xi32>, vector<16xi1>) -> (vector<16xi1>, vector<16xf32>, vector<16xi32>)
        %rev3A_1044 = arith.constant 15 : i32
        %rev3A_1045 = vector.broadcast %rev3A_1044 : i32 to vector<16xi32>
        %rev3A_1046 = tpu.iota {dimensions = array<i32: 0>} : vector<16xi32>
        %rev3A_1047 = arith.subi %rev3A_1045, %rev3A_1046 : vector<16xi32>
        %rev3A_1048 = tpu.dynamic_gather %masked_sort3A_937[%rev3A_1047] in [0] : vector<16xf32>, vector<16xi32> -> vector<16xf32>
        %rev3A_1049 = arith.constant 15 : i32
        %rev3A_1050 = vector.broadcast %rev3A_1049 : i32 to vector<16xi32>
        %rev3A_1051 = tpu.iota {dimensions = array<i32: 0>} : vector<16xi32>
        %rev3A_1052 = arith.subi %rev3A_1050, %rev3A_1051 : vector<16xi32>
        %rev3A_1053 = tpu.dynamic_gather %masked_sort3A_938[%rev3A_1052] in [0] : vector<16xi32>, vector<16xi32> -> vector<16xi32>
        %gt3A_1054 = arith.cmpf ogt, %masked_sort3A_916, %rev3A_1048 : vector<16xf32>
        %eq3A_1055 = arith.cmpf oeq, %masked_sort3A_916, %rev3A_1048 : vector<16xf32>
        %lt3A_1056 = arith.cmpi slt, %masked_sort3A_917, %rev3A_1053 : vector<16xi32>
        %and3A_1057 = arith.andi %eq3A_1055, %lt3A_1056 : vector<16xi1>
        %or3A_1058 = arith.ori %gt3A_1054, %and3A_1057 : vector<16xi1>
        %select_n3A_1059 = arith.select %or3A_1058, %masked_sort3A_916, %rev3A_1048 : vector<16xi1>, vector<16xf32>
        %select_n3A_1060 = arith.select %or3A_1058, %masked_sort3A_917, %rev3A_1053 : vector<16xi1>, vector<16xi32>
        %masked_sort3A_1061 = arith.constant dense<true> : vector<16xi1>
        %masked_sort3A_1062, %masked_sort3A_1063, %masked_sort3A_1064 = tpu.sort %select_n3A_1059, %select_n3A_1060 masked %masked_sort3A_1061 {descending = true} : (vector<16xf32>, vector<16xi32>, vector<16xi1>) -> (vector<16xi1>, vector<16xf32>, vector<16xi32>)
        %rev3A_1065 = arith.constant 15 : i32
        %rev3A_1066 = vector.broadcast %rev3A_1065 : i32 to vector<16xi32>
        %rev3A_1067 = tpu.iota {dimensions = array<i32: 0>} : vector<16xi32>
        %rev3A_1068 = arith.subi %rev3A_1066, %rev3A_1067 : vector<16xi32>
        %rev3A_1069 = tpu.dynamic_gather %masked_sort3A_979[%rev3A_1068] in [0] : vector<16xf32>, vector<16xi32> -> vector<16xf32>
        %rev3A_1070 = arith.constant 15 : i32
        %rev3A_1071 = vector.broadcast %rev3A_1070 : i32 to vector<16xi32>
        %rev3A_1072 = tpu.iota {dimensions = array<i32: 0>} : vector<16xi32>
        %rev3A_1073 = arith.subi %rev3A_1071, %rev3A_1072 : vector<16xi32>
        %rev3A_1074 = tpu.dynamic_gather %masked_sort3A_980[%rev3A_1073] in [0] : vector<16xi32>, vector<16xi32> -> vector<16xi32>
        %gt3A_1075 = arith.cmpf ogt, %masked_sort3A_958, %rev3A_1069 : vector<16xf32>
        %eq3A_1076 = arith.cmpf oeq, %masked_sort3A_958, %rev3A_1069 : vector<16xf32>
        %lt3A_1077 = arith.cmpi slt, %masked_sort3A_959, %rev3A_1074 : vector<16xi32>
        %and3A_1078 = arith.andi %eq3A_1076, %lt3A_1077 : vector<16xi1>
        %or3A_1079 = arith.ori %gt3A_1075, %and3A_1078 : vector<16xi1>
        %select_n3A_1080 = arith.select %or3A_1079, %masked_sort3A_958, %rev3A_1069 : vector<16xi1>, vector<16xf32>
        %select_n3A_1081 = arith.select %or3A_1079, %masked_sort3A_959, %rev3A_1074 : vector<16xi1>, vector<16xi32>
        %masked_sort3A_1082 = arith.constant dense<true> : vector<16xi1>
        %masked_sort3A_1083, %masked_sort3A_1084, %masked_sort3A_1085 = tpu.sort %select_n3A_1080, %select_n3A_1081 masked %masked_sort3A_1082 {descending = true} : (vector<16xf32>, vector<16xi32>, vector<16xi1>) -> (vector<16xi1>, vector<16xf32>, vector<16xi32>)
        %rev3A_1086 = arith.constant 15 : i32
        %rev3A_1087 = vector.broadcast %rev3A_1086 : i32 to vector<16xi32>
        %rev3A_1088 = tpu.iota {dimensions = array<i32: 0>} : vector<16xi32>
        %rev3A_1089 = arith.subi %rev3A_1087, %rev3A_1088 : vector<16xi32>
        %rev3A_1090 = tpu.dynamic_gather %masked_sort3A_1021[%rev3A_1089] in [0] : vector<16xf32>, vector<16xi32> -> vector<16xf32>
        %rev3A_1091 = arith.constant 15 : i32
        %rev3A_1092 = vector.broadcast %rev3A_1091 : i32 to vector<16xi32>
        %rev3A_1093 = tpu.iota {dimensions = array<i32: 0>} : vector<16xi32>
        %rev3A_1094 = arith.subi %rev3A_1092, %rev3A_1093 : vector<16xi32>
        %rev3A_1095 = tpu.dynamic_gather %masked_sort3A_1022[%rev3A_1094] in [0] : vector<16xi32>, vector<16xi32> -> vector<16xi32>
        %gt3A_1096 = arith.cmpf ogt, %masked_sort3A_1000, %rev3A_1090 : vector<16xf32>
        %eq3A_1097 = arith.cmpf oeq, %masked_sort3A_1000, %rev3A_1090 : vector<16xf32>
        %lt3A_1098 = arith.cmpi slt, %masked_sort3A_1001, %rev3A_1095 : vector<16xi32>
        %and3A_1099 = arith.andi %eq3A_1097, %lt3A_1098 : vector<16xi1>
        %or3A_1100 = arith.ori %gt3A_1096, %and3A_1099 : vector<16xi1>
        %select_n3A_1101 = arith.select %or3A_1100, %masked_sort3A_1000, %rev3A_1090 : vector<16xi1>, vector<16xf32>
        %select_n3A_1102 = arith.select %or3A_1100, %masked_sort3A_1001, %rev3A_1095 : vector<16xi1>, vector<16xi32>
        %masked_sort3A_1103 = arith.constant dense<true> : vector<16xi1>
        %masked_sort3A_1104, %masked_sort3A_1105, %masked_sort3A_1106 = tpu.sort %select_n3A_1101, %select_n3A_1102 masked %masked_sort3A_1103 {descending = true} : (vector<16xf32>, vector<16xi32>, vector<16xi1>) -> (vector<16xi1>, vector<16xf32>, vector<16xi32>)
        %rev3A_1107 = arith.constant 15 : i32
        %rev3A_1108 = vector.broadcast %rev3A_1107 : i32 to vector<16xi32>
        %rev3A_1109 = tpu.iota {dimensions = array<i32: 0>} : vector<16xi32>
        %rev3A_1110 = arith.subi %rev3A_1108, %rev3A_1109 : vector<16xi32>
        %rev3A_1111 = tpu.dynamic_gather %masked_sort3A_1063[%rev3A_1110] in [0] : vector<16xf32>, vector<16xi32> -> vector<16xf32>
        %rev3A_1112 = arith.constant 15 : i32
        %rev3A_1113 = vector.broadcast %rev3A_1112 : i32 to vector<16xi32>
        %rev3A_1114 = tpu.iota {dimensions = array<i32: 0>} : vector<16xi32>
        %rev3A_1115 = arith.subi %rev3A_1113, %rev3A_1114 : vector<16xi32>
        %rev3A_1116 = tpu.dynamic_gather %masked_sort3A_1064[%rev3A_1115] in [0] : vector<16xi32>, vector<16xi32> -> vector<16xi32>
        %gt3A_1117 = arith.cmpf ogt, %masked_sort3A_1042, %rev3A_1111 : vector<16xf32>
        %eq3A_1118 = arith.cmpf oeq, %masked_sort3A_1042, %rev3A_1111 : vector<16xf32>
        %lt3A_1119 = arith.cmpi slt, %masked_sort3A_1043, %rev3A_1116 : vector<16xi32>
        %and3A_1120 = arith.andi %eq3A_1118, %lt3A_1119 : vector<16xi1>
        %or3A_1121 = arith.ori %gt3A_1117, %and3A_1120 : vector<16xi1>
        %select_n3A_1122 = arith.select %or3A_1121, %masked_sort3A_1042, %rev3A_1111 : vector<16xi1>, vector<16xf32>
        %select_n3A_1123 = arith.select %or3A_1121, %masked_sort3A_1043, %rev3A_1116 : vector<16xi1>, vector<16xi32>
        %masked_sort3A_1124 = arith.constant dense<true> : vector<16xi1>
        %masked_sort3A_1125, %masked_sort3A_1126, %masked_sort3A_1127 = tpu.sort %select_n3A_1122, %select_n3A_1123 masked %masked_sort3A_1124 {descending = true} : (vector<16xf32>, vector<16xi32>, vector<16xi1>) -> (vector<16xi1>, vector<16xf32>, vector<16xi32>)
        %rev3A_1128 = arith.constant 15 : i32
        %rev3A_1129 = vector.broadcast %rev3A_1128 : i32 to vector<16xi32>
        %rev3A_1130 = tpu.iota {dimensions = array<i32: 0>} : vector<16xi32>
        %rev3A_1131 = arith.subi %rev3A_1129, %rev3A_1130 : vector<16xi32>
        %rev3A_1132 = tpu.dynamic_gather %masked_sort3A_1105[%rev3A_1131] in [0] : vector<16xf32>, vector<16xi32> -> vector<16xf32>
        %rev3A_1133 = arith.constant 15 : i32
        %rev3A_1134 = vector.broadcast %rev3A_1133 : i32 to vector<16xi32>
        %rev3A_1135 = tpu.iota {dimensions = array<i32: 0>} : vector<16xi32>
        %rev3A_1136 = arith.subi %rev3A_1134, %rev3A_1135 : vector<16xi32>
        %rev3A_1137 = tpu.dynamic_gather %masked_sort3A_1106[%rev3A_1136] in [0] : vector<16xi32>, vector<16xi32> -> vector<16xi32>
        %gt3A_1138 = arith.cmpf ogt, %masked_sort3A_1084, %rev3A_1132 : vector<16xf32>
        %eq3A_1139 = arith.cmpf oeq, %masked_sort3A_1084, %rev3A_1132 : vector<16xf32>
        %lt3A_1140 = arith.cmpi slt, %masked_sort3A_1085, %rev3A_1137 : vector<16xi32>
        %and3A_1141 = arith.andi %eq3A_1139, %lt3A_1140 : vector<16xi1>
        %or3A_1142 = arith.ori %gt3A_1138, %and3A_1141 : vector<16xi1>
        %select_n3A_1143 = arith.select %or3A_1142, %masked_sort3A_1084, %rev3A_1132 : vector<16xi1>, vector<16xf32>
        %select_n3A_1144 = arith.select %or3A_1142, %masked_sort3A_1085, %rev3A_1137 : vector<16xi1>, vector<16xi32>
        %masked_sort3A_1145 = arith.constant dense<true> : vector<16xi1>
        %masked_sort3A_1146, %masked_sort3A_1147, %masked_sort3A_1148 = tpu.sort %select_n3A_1143, %select_n3A_1144 masked %masked_sort3A_1145 {descending = true} : (vector<16xf32>, vector<16xi32>, vector<16xi1>) -> (vector<16xi1>, vector<16xf32>, vector<16xi32>)
        %rev3A_1149 = arith.constant 15 : i32
        %rev3A_1150 = vector.broadcast %rev3A_1149 : i32 to vector<16xi32>
        %rev3A_1151 = tpu.iota {dimensions = array<i32: 0>} : vector<16xi32>
        %rev3A_1152 = arith.subi %rev3A_1150, %rev3A_1151 : vector<16xi32>
        %rev3A_1153 = tpu.dynamic_gather %masked_sort3A_1147[%rev3A_1152] in [0] : vector<16xf32>, vector<16xi32> -> vector<16xf32>
        %rev3A_1154 = arith.constant 15 : i32
        %rev3A_1155 = vector.broadcast %rev3A_1154 : i32 to vector<16xi32>
        %rev3A_1156 = tpu.iota {dimensions = array<i32: 0>} : vector<16xi32>
        %rev3A_1157 = arith.subi %rev3A_1155, %rev3A_1156 : vector<16xi32>
        %rev3A_1158 = tpu.dynamic_gather %masked_sort3A_1148[%rev3A_1157] in [0] : vector<16xi32>, vector<16xi32> -> vector<16xi32>
        %gt3A_1159 = arith.cmpf ogt, %masked_sort3A_1126, %rev3A_1153 : vector<16xf32>
        %eq3A_1160 = arith.cmpf oeq, %masked_sort3A_1126, %rev3A_1153 : vector<16xf32>
        %lt3A_1161 = arith.cmpi slt, %masked_sort3A_1127, %rev3A_1158 : vector<16xi32>
        %and3A_1162 = arith.andi %eq3A_1160, %lt3A_1161 : vector<16xi1>
        %or3A_1163 = arith.ori %gt3A_1159, %and3A_1162 : vector<16xi1>
        %select_n3A_1164 = arith.select %or3A_1163, %masked_sort3A_1126, %rev3A_1153 : vector<16xi1>, vector<16xf32>
        %select_n3A_1165 = arith.select %or3A_1163, %masked_sort3A_1127, %rev3A_1158 : vector<16xi1>, vector<16xi32>
        %masked_sort3A_1166 = arith.constant dense<true> : vector<16xi1>
        %masked_sort3A_1167, %masked_sort3A_1168, %masked_sort3A_1169 = tpu.sort %select_n3A_1164, %select_n3A_1165 masked %masked_sort3A_1166 {descending = true} : (vector<16xf32>, vector<16xi32>, vector<16xi1>) -> (vector<16xi1>, vector<16xf32>, vector<16xi32>)
        %gt3A_1170 = arith.cmpf ogt, %scan3A_640, %masked_sort3A_1168 : vector<16xf32>
        %eq3A_1171 = arith.cmpf oeq, %scan3A_640, %masked_sort3A_1168 : vector<16xf32>
        %lt3A_1172 = arith.cmpi slt, %scan3A_641, %masked_sort3A_1169 : vector<16xi32>
        %and3A_1173 = arith.andi %eq3A_1171, %lt3A_1172 : vector<16xi1>
        %or3A_1174 = arith.ori %gt3A_1170, %and3A_1173 : vector<16xi1>
        %select_n3A_1175 = arith.select %or3A_1174, %scan3A_640, %masked_sort3A_1168 : vector<16xi1>, vector<16xf32>
        %select_n3A_1176 = arith.select %or3A_1174, %scan3A_641, %masked_sort3A_1169 : vector<16xi1>, vector<16xi32>
        %masked_sort3A_1177 = arith.constant dense<true> : vector<16xi1>
        %masked_sort3A_1178, %masked_sort3A_1179, %masked_sort3A_1180 = tpu.sort %select_n3A_1175, %select_n3A_1176 masked %masked_sort3A_1177 : (vector<16xf32>, vector<16xi32>, vector<16xi1>) -> (vector<16xi1>, vector<16xf32>, vector<16xi32>)
        scf.yield %masked_sort3A_1179, %masked_sort3A_1180 : vector<16xf32>, vector<16xi32>
      }
      %scan3A_624 = arith.constant 16 : i32
      %rev3A_625 = arith.constant 15 : i32
      %rev3A_626 = vector.broadcast %rev3A_625 : i32 to vector<16xi32>
      %rev3A_627 = tpu.iota {dimensions = array<i32: 0>} : vector<16xi32>
      %rev3A_628 = arith.subi %rev3A_626, %rev3A_627 : vector<16xi32>
      %rev3A_629 = tpu.dynamic_gather %scan3A_623#0[%rev3A_628] in [0] : vector<16xf32>, vector<16xi32> -> vector<16xf32>
      %swap3A_630 = arith.index_cast %mul3A_350 : i32 to index
      %swap3A_631 = tpu.vector_load %arg18[%swap3A_630] {strides = array<i32>} : memref<128xf32, #tpu.memory_space<vmem>>, vector<16xf32>,
      tpu.vector_store %arg18[%swap3A_630], %rev3A_629 {strides = array<i32>} : memref<128xf32, #tpu.memory_space<vmem>>, vector<16xf32>,
      %rev3A_632 = arith.constant 15 : i32
      %rev3A_633 = vector.broadcast %rev3A_632 : i32 to vector<16xi32>
      %rev3A_634 = tpu.iota {dimensions = array<i32: 0>} : vector<16xi32>
      %rev3A_635 = arith.subi %rev3A_633, %rev3A_634 : vector<16xi32>
      %rev3A_636 = tpu.dynamic_gather %scan3A_623#1[%rev3A_635] in [0] : vector<16xi32>, vector<16xi32> -> vector<16xi32>
      %swap3A_637 = arith.index_cast %mul3A_350 : i32 to index
      %swap3A_638 = tpu.vector_load %arg19[%swap3A_637] {strides = array<i32>} : memref<128xi32, #tpu.memory_space<vmem>>, vector<16xi32>,
      tpu.vector_store %arg19[%swap3A_637], %rev3A_636 {strides = array<i32>} : memref<128xi32, #tpu.memory_space<vmem>>, vector<16xi32>,
    }
    %scan3A_17 = arith.constant 8 : i32
    %dma_wait3A = arith.constant 0 : i32
    %dma_wait3A_18 = arith.constant 0 : i32
    %dma_wait3A_19 = tpu.memref_slice %arg2[%dma_wait3A, %dma_wait3A_18] : memref<256x32768xf32, #tpu.memory_space<hbm>> -> memref<1x32768xf32, #tpu.memory_space<hbm>>
    %dma_wait3A_20 = tpu.memref_squeeze %dma_wait3A_19 : memref<1x32768xf32, #tpu.memory_space<hbm>> -> memref<32768xf32, #tpu.memory_space<hbm>>
    %dma_wait3A_21 = arith.constant 0 : i32
    %dma_wait3A_22 = tpu.memref_slice %arg2[%dma_wait3A, %dma_wait3A_21] : memref<256x32768xf32, #tpu.memory_space<hbm>> -> memref<1x32768xf32, #tpu.memory_space<hbm>>
    %dma_wait3A_23 = tpu.memref_squeeze %dma_wait3A_22 : memref<1x32768xf32, #tpu.memory_space<hbm>> -> memref<32768xf32, #tpu.memory_space<hbm>>
    tpu.wait_dma2 semaphore(%arg20 : memref<!tpu.dma_semaphore, #tpu.memory_space<semaphore_mem>>) src(%dma_wait3A_23 : memref<32768xf32, #tpu.memory_space<hbm>>) dst(%arg10 : memref<32768xf32, #tpu.memory_space<vmem>>)
    %mul3A_24 = arith.constant 16 : i32
    %mul3A_25 = arith.muli %mul3A_2, %mul3A_24 : i32
    "tpu.region"() ({
      %run_scoped3A = tpu.sem_alloc : memref<!tpu.dma_semaphore, #tpu.memory_space<semaphore_mem>>
      %dma_start3A_32 = tpu.memref_slice %arg6[%mul3A_25] : memref<4096xf32, #tpu.memory_space<hbm>> -> memref<128xf32, #tpu.memory_space<hbm>>
      %dma_start3A_33 = tpu.memref_slice %arg6[%mul3A_25] : memref<4096xf32, #tpu.memory_space<hbm>> -> memref<128xf32, #tpu.memory_space<hbm>>
      tpu.enqueue_dma source(%arg16 : memref<128xf32, #tpu.memory_space<vmem>>) target(%dma_start3A_33 : memref<128xf32, #tpu.memory_space<hbm>>) target_semaphore(%run_scoped3A : memref<!tpu.dma_semaphore, #tpu.memory_space<semaphore_mem>>)
      %dma_wait3A_34 = tpu.memref_slice %arg6[%mul3A_25] : memref<4096xf32, #tpu.memory_space<hbm>> -> memref<128xf32, #tpu.memory_space<hbm>>
      %dma_wait3A_35 = tpu.memref_slice %arg6[%mul3A_25] : memref<4096xf32, #tpu.memory_space<hbm>> -> memref<128xf32, #tpu.memory_space<hbm>>
      tpu.wait_dma2 semaphore(%run_scoped3A : memref<!tpu.dma_semaphore, #tpu.memory_space<semaphore_mem>>) src(%arg16 : memref<128xf32, #tpu.memory_space<vmem>>) dst(%dma_wait3A_35 : memref<128xf32, #tpu.memory_space<hbm>>)
      tpu.yield
    }) : () -> ()
    %mul3A_26 = arith.constant 16 : i32
    %mul3A_27 = arith.muli %mul3A_2, %mul3A_26 : i32
    "tpu.region"() ({
      %run_scoped3A = tpu.sem_alloc : memref<!tpu.dma_semaphore, #tpu.memory_space<semaphore_mem>>
      %dma_start3A_32 = tpu.memref_slice %arg7[%mul3A_27] : memref<4096xi32, #tpu.memory_space<hbm>> -> memref<128xi32, #tpu.memory_space<hbm>>
      %dma_start3A_33 = tpu.memref_slice %arg7[%mul3A_27] : memref<4096xi32, #tpu.memory_space<hbm>> -> memref<128xi32, #tpu.memory_space<hbm>>
      tpu.enqueue_dma source(%arg17 : memref<128xi32, #tpu.memory_space<vmem>>) target(%dma_start3A_33 : memref<128xi32, #tpu.memory_space<hbm>>) target_semaphore(%run_scoped3A : memref<!tpu.dma_semaphore, #tpu.memory_space<semaphore_mem>>)
      %dma_wait3A_34 = tpu.memref_slice %arg7[%mul3A_27] : memref<4096xi32, #tpu.memory_space<hbm>> -> memref<128xi32, #tpu.memory_space<hbm>>
      %dma_wait3A_35 = tpu.memref_slice %arg7[%mul3A_27] : memref<4096xi32, #tpu.memory_space<hbm>> -> memref<128xi32, #tpu.memory_space<hbm>>
      tpu.wait_dma2 semaphore(%run_scoped3A : memref<!tpu.dma_semaphore, #tpu.memory_space<semaphore_mem>>) src(%arg17 : memref<128xi32, #tpu.memory_space<vmem>>) dst(%dma_wait3A_35 : memref<128xi32, #tpu.memory_space<hbm>>)
      tpu.yield
    }) : () -> ()
    %mul3A_28 = arith.constant 16 : i32
    %mul3A_29 = arith.muli %mul3A_2, %mul3A_28 : i32
    "tpu.region"() ({
      %run_scoped3A = tpu.sem_alloc : memref<!tpu.dma_semaphore, #tpu.memory_space<semaphore_mem>>
      %dma_start3A_32 = tpu.memref_slice %arg8[%mul3A_29] : memref<4096xf32, #tpu.memory_space<hbm>> -> memref<128xf32, #tpu.memory_space<hbm>>
      %dma_start3A_33 = tpu.memref_slice %arg8[%mul3A_29] : memref<4096xf32, #tpu.memory_space<hbm>> -> memref<128xf32, #tpu.memory_space<hbm>>
      tpu.enqueue_dma source(%arg18 : memref<128xf32, #tpu.memory_space<vmem>>) target(%dma_start3A_33 : memref<128xf32, #tpu.memory_space<hbm>>) target_semaphore(%run_scoped3A : memref<!tpu.dma_semaphore, #tpu.memory_space<semaphore_mem>>)
      %dma_wait3A_34 = tpu.memref_slice %arg8[%mul3A_29] : memref<4096xf32, #tpu.memory_space<hbm>> -> memref<128xf32, #tpu.memory_space<hbm>>
      %dma_wait3A_35 = tpu.memref_slice %arg8[%mul3A_29] : memref<4096xf32, #tpu.memory_space<hbm>> -> memref<128xf32, #tpu.memory_space<hbm>>
      tpu.wait_dma2 semaphore(%run_scoped3A : memref<!tpu.dma_semaphore, #tpu.memory_space<semaphore_mem>>) src(%arg18 : memref<128xf32, #tpu.memory_space<vmem>>) dst(%dma_wait3A_35 : memref<128xf32, #tpu.memory_space<hbm>>)
      tpu.yield
    }) : () -> ()
    %mul3A_30 = arith.constant 16 : i32
    %mul3A_31 = arith.muli %mul3A_2, %mul3A_30 : i32
    "tpu.region"() ({
      %run_scoped3A = tpu.sem_alloc : memref<!tpu.dma_semaphore, #tpu.memory_space<semaphore_mem>>
      %dma_start3A_32 = tpu.memref_slice %arg9[%mul3A_31] : memref<4096xi32, #tpu.memory_space<hbm>> -> memref<128xi32, #tpu.memory_space<hbm>>
      %dma_start3A_33 = tpu.memref_slice %arg9[%mul3A_31] : memref<4096xi32, #tpu.memory_space<hbm>> -> memref<128xi32, #tpu.memory_space<hbm>>
      tpu.enqueue_dma source(%arg19 : memref<128xi32, #tpu.memory_space<vmem>>) target(%dma_start3A_33 : memref<128xi32, #tpu.memory_space<hbm>>) target_semaphore(%run_scoped3A : memref<!tpu.dma_semaphore, #tpu.memory_space<semaphore_mem>>)
      %dma_wait3A_34 = tpu.memref_slice %arg9[%mul3A_31] : memref<4096xi32, #tpu.memory_space<hbm>> -> memref<128xi32, #tpu.memory_space<hbm>>
      %dma_wait3A_35 = tpu.memref_slice %arg9[%mul3A_31] : memref<4096xi32, #tpu.memory_space<hbm>> -> memref<128xi32, #tpu.memory_space<hbm>>
      tpu.wait_dma2 semaphore(%run_scoped3A : memref<!tpu.dma_semaphore, #tpu.memory_space<semaphore_mem>>) src(%arg19 : memref<128xi32, #tpu.memory_space<vmem>>) dst(%dma_wait3A_35 : memref<128xi32, #tpu.memory_space<hbm>>)
      tpu.yield
    }) : () -> ()
    return
  }
}

module attributes {stable_mosaic.version = 14 : i64} {
  func.func @_combine_body(%arg0: memref<32x8x16xf32, #tpu.memory_space<vmem>>, %arg1: memref<32x8x16xi32, #tpu.memory_space<vmem>>, %arg2: memref<32x8x16xf32, #tpu.memory_space<vmem>>, %arg3: memref<32x8x16xi32, #tpu.memory_space<vmem>>, %arg4: memref<32x16xf32, #tpu.memory_space<vmem>>, %arg5: memref<32x16xf32, #tpu.memory_space<vmem>>, %arg6: memref<32x16xi32, #tpu.memory_space<vmem>>, %arg7: memref<32x16xi32, #tpu.memory_space<vmem>>, %arg8: memref<32x16xi32, #tpu.memory_space<vmem>>) attributes {dimension_semantics = [], scalar_prefetch = 0 : i64, scratch_operands = 0 : i64, tpu.core_type = #tpu.core_type<tc>} {
    %iota3A = tpu.iota {dimensions = array<i32: 3>} : vector<1x1x1x16xi32>
    %get3A = arith.constant 0 : index
    %get3A_0 = arith.constant 0 : index
    %get3A_1 = arith.constant 0 : index
    %get3A_2 = vector.load %arg0[%get3A, %get3A_0, %get3A_1] : memref<32x8x16xf32, #tpu.memory_space<vmem>>, vector<32x8x16xf32>
    %get3A_3 = arith.constant 0 : index
    %get3A_4 = arith.constant 0 : index
    %get3A_5 = arith.constant 0 : index
    %get3A_6 = vector.load %arg1[%get3A_3, %get3A_4, %get3A_5] : memref<32x8x16xi32, #tpu.memory_space<vmem>>, vector<32x8x16xi32>
    %broadcast_in_dim3A = vector.shape_cast %get3A_2 : vector<32x8x16xf32> to vector<32x8x16x1xf32>
    %broadcast_in_dim3A_7 = vector.shape_cast %get3A_2 : vector<32x8x16xf32> to vector<32x8x1x16xf32>
    %broadcast_in_dim3A_8 = vector.shape_cast %get3A_6 : vector<32x8x16xi32> to vector<32x8x16x1xi32>
    %broadcast_in_dim3A_9 = vector.shape_cast %get3A_6 : vector<32x8x16xi32> to vector<32x8x1x16xi32>
    %gt3A = vector.broadcast %broadcast_in_dim3A_7 : vector<32x8x1x16xf32> to vector<32x8x16x16xf32>
    %gt3A_10 = vector.broadcast %broadcast_in_dim3A : vector<32x8x16x1xf32> to vector<32x8x16x16xf32>
    %gt3A_11 = arith.cmpf ogt, %gt3A, %gt3A_10 : vector<32x8x16x16xf32>
    %eq3A = vector.broadcast %broadcast_in_dim3A_7 : vector<32x8x1x16xf32> to vector<32x8x16x16xf32>
    %eq3A_12 = vector.broadcast %broadcast_in_dim3A : vector<32x8x16x1xf32> to vector<32x8x16x16xf32>
    %eq3A_13 = arith.cmpf oeq, %eq3A, %eq3A_12 : vector<32x8x16x16xf32>
    %lt3A = vector.broadcast %broadcast_in_dim3A_9 : vector<32x8x1x16xi32> to vector<32x8x16x16xi32>
    %lt3A_14 = vector.broadcast %broadcast_in_dim3A_8 : vector<32x8x16x1xi32> to vector<32x8x16x16xi32>
    %lt3A_15 = arith.cmpi slt, %lt3A, %lt3A_14 : vector<32x8x16x16xi32>
    %and3A = arith.andi %eq3A_13, %lt3A_15 : vector<32x8x16x16xi1>
    %or3A = arith.ori %gt3A_11, %and3A : vector<32x8x16x16xi1>
    %convert_element_type3A = arith.extui %or3A : vector<32x8x16x16xi1> to vector<32x8x16x16xi32>
    %reduce_sum3A = arith.constant dense<0> : vector<32x8x16xi32>
    %reduce_sum3A_16 = vector.multi_reduction <add>, %convert_element_type3A, %reduce_sum3A [3] : vector<32x8x16x16xi32> to vector<32x8x16xi32>
    %broadcast_in_dim3A_17 = vector.shape_cast %reduce_sum3A_16 : vector<32x8x16xi32> to vector<32x8x16x1xi32>
    %eq3A_18 = vector.broadcast %broadcast_in_dim3A_17 : vector<32x8x16x1xi32> to vector<32x8x16x16xi32>
    %eq3A_19 = vector.broadcast %iota3A : vector<1x1x1x16xi32> to vector<32x8x16x16xi32>
    %eq3A_20 = arith.cmpi eq, %eq3A_18, %eq3A_19 : vector<32x8x16x16xi32>
    %jit3A = arith.constant 0.000000e+00 : f32
    %broadcast_in_dim3A_21 = vector.shape_cast %broadcast_in_dim3A : vector<32x8x16x1xf32> to vector<32x8x16x1xf32>
    %broadcast_in_dim3A_22 = vector.broadcast %broadcast_in_dim3A_21 : vector<32x8x16x1xf32> to vector<32x8x16x16xf32>
    %broadcast_in_dim3A_23 = vector.broadcast %jit3A : f32 to vector<32x8x16x16xf32>
    %select_n3A = arith.select %eq3A_20, %broadcast_in_dim3A_22, %broadcast_in_dim3A_23 : vector<32x8x16x16xi1>, vector<32x8x16x16xf32>
    %reduce_sum3A_24 = arith.constant dense<0.000000e+00> : vector<32x8x16xf32>
    %reduce_sum3A_25 = vector.multi_reduction <add>, %select_n3A, %reduce_sum3A_24 [2] : vector<32x8x16x16xf32> to vector<32x8x16xf32>
    %jit3A_26 = arith.constant 0 : i32
    %broadcast_in_dim3A_27 = vector.shape_cast %broadcast_in_dim3A_8 : vector<32x8x16x1xi32> to vector<32x8x16x1xi32>
    %broadcast_in_dim3A_28 = vector.broadcast %broadcast_in_dim3A_27 : vector<32x8x16x1xi32> to vector<32x8x16x16xi32>
    %broadcast_in_dim3A_29 = vector.broadcast %jit3A_26 : i32 to vector<32x8x16x16xi32>
    %select_n3A_30 = arith.select %eq3A_20, %broadcast_in_dim3A_28, %broadcast_in_dim3A_29 : vector<32x8x16x16xi1>, vector<32x8x16x16xi32>
    %reduce_sum3A_31 = arith.constant dense<0> : vector<32x8x16xi32>
    %reduce_sum3A_32 = vector.multi_reduction <add>, %select_n3A_30, %reduce_sum3A_31 [2] : vector<32x8x16x16xi32> to vector<32x8x16xi32>
    %get3A_33 = arith.constant 0 : index
    %get3A_34 = arith.constant 0 : index
    %get3A_35 = arith.constant 0 : index
    %get3A_36 = vector.load %arg2[%get3A_33, %get3A_34, %get3A_35] : memref<32x8x16xf32, #tpu.memory_space<vmem>>, vector<32x8x16xf32>
    %get3A_37 = arith.constant 0 : index
    %get3A_38 = arith.constant 0 : index
    %get3A_39 = arith.constant 0 : index
    %get3A_40 = vector.load %arg3[%get3A_37, %get3A_38, %get3A_39] : memref<32x8x16xi32, #tpu.memory_space<vmem>>, vector<32x8x16xi32>
    %broadcast_in_dim3A_41 = vector.shape_cast %get3A_36 : vector<32x8x16xf32> to vector<32x8x16x1xf32>
    %broadcast_in_dim3A_42 = vector.shape_cast %get3A_36 : vector<32x8x16xf32> to vector<32x8x1x16xf32>
    %broadcast_in_dim3A_43 = vector.shape_cast %get3A_40 : vector<32x8x16xi32> to vector<32x8x16x1xi32>
    %broadcast_in_dim3A_44 = vector.shape_cast %get3A_40 : vector<32x8x16xi32> to vector<32x8x1x16xi32>
    %gt3A_45 = vector.broadcast %broadcast_in_dim3A_42 : vector<32x8x1x16xf32> to vector<32x8x16x16xf32>
    %gt3A_46 = vector.broadcast %broadcast_in_dim3A_41 : vector<32x8x16x1xf32> to vector<32x8x16x16xf32>
    %gt3A_47 = arith.cmpf ogt, %gt3A_45, %gt3A_46 : vector<32x8x16x16xf32>
    %eq3A_48 = vector.broadcast %broadcast_in_dim3A_42 : vector<32x8x1x16xf32> to vector<32x8x16x16xf32>
    %eq3A_49 = vector.broadcast %broadcast_in_dim3A_41 : vector<32x8x16x1xf32> to vector<32x8x16x16xf32>
    %eq3A_50 = arith.cmpf oeq, %eq3A_48, %eq3A_49 : vector<32x8x16x16xf32>
    %lt3A_51 = vector.broadcast %broadcast_in_dim3A_44 : vector<32x8x1x16xi32> to vector<32x8x16x16xi32>
    %lt3A_52 = vector.broadcast %broadcast_in_dim3A_43 : vector<32x8x16x1xi32> to vector<32x8x16x16xi32>
    %lt3A_53 = arith.cmpi slt, %lt3A_51, %lt3A_52 : vector<32x8x16x16xi32>
    %and3A_54 = arith.andi %eq3A_50, %lt3A_53 : vector<32x8x16x16xi1>
    %or3A_55 = arith.ori %gt3A_47, %and3A_54 : vector<32x8x16x16xi1>
    %convert_element_type3A_56 = arith.extui %or3A_55 : vector<32x8x16x16xi1> to vector<32x8x16x16xi32>
    %reduce_sum3A_57 = arith.constant dense<0> : vector<32x8x16xi32>
    %reduce_sum3A_58 = vector.multi_reduction <add>, %convert_element_type3A_56, %reduce_sum3A_57 [3] : vector<32x8x16x16xi32> to vector<32x8x16xi32>
    %broadcast_in_dim3A_59 = vector.shape_cast %reduce_sum3A_58 : vector<32x8x16xi32> to vector<32x8x16x1xi32>
    %eq3A_60 = vector.broadcast %broadcast_in_dim3A_59 : vector<32x8x16x1xi32> to vector<32x8x16x16xi32>
    %eq3A_61 = vector.broadcast %iota3A : vector<1x1x1x16xi32> to vector<32x8x16x16xi32>
    %eq3A_62 = arith.cmpi eq, %eq3A_60, %eq3A_61 : vector<32x8x16x16xi32>
    %jit3A_63 = arith.constant 0.000000e+00 : f32
    %broadcast_in_dim3A_64 = vector.shape_cast %broadcast_in_dim3A_41 : vector<32x8x16x1xf32> to vector<32x8x16x1xf32>
    %broadcast_in_dim3A_65 = vector.broadcast %broadcast_in_dim3A_64 : vector<32x8x16x1xf32> to vector<32x8x16x16xf32>
    %broadcast_in_dim3A_66 = vector.broadcast %jit3A_63 : f32 to vector<32x8x16x16xf32>
    %select_n3A_67 = arith.select %eq3A_62, %broadcast_in_dim3A_65, %broadcast_in_dim3A_66 : vector<32x8x16x16xi1>, vector<32x8x16x16xf32>
    %reduce_sum3A_68 = arith.constant dense<0.000000e+00> : vector<32x8x16xf32>
    %reduce_sum3A_69 = vector.multi_reduction <add>, %select_n3A_67, %reduce_sum3A_68 [2] : vector<32x8x16x16xf32> to vector<32x8x16xf32>
    %jit3A_70 = arith.constant 0 : i32
    %broadcast_in_dim3A_71 = vector.shape_cast %broadcast_in_dim3A_43 : vector<32x8x16x1xi32> to vector<32x8x16x1xi32>
    %broadcast_in_dim3A_72 = vector.broadcast %broadcast_in_dim3A_71 : vector<32x8x16x1xi32> to vector<32x8x16x16xi32>
    %broadcast_in_dim3A_73 = vector.broadcast %jit3A_70 : i32 to vector<32x8x16x16xi32>
    %select_n3A_74 = arith.select %eq3A_62, %broadcast_in_dim3A_72, %broadcast_in_dim3A_73 : vector<32x8x16x16xi1>, vector<32x8x16x16xi32>
    %reduce_sum3A_75 = arith.constant dense<0> : vector<32x8x16xi32>
    %reduce_sum3A_76 = vector.multi_reduction <add>, %select_n3A_74, %reduce_sum3A_75 [2] : vector<32x8x16x16xi32> to vector<32x8x16xi32>
    %broadcast_in_dim3A_77 = vector.shape_cast %reduce_sum3A_25 : vector<32x8x16xf32> to vector<32x8x16x1xf32>
    %broadcast_in_dim3A_78 = vector.shape_cast %reduce_sum3A_69 : vector<32x8x16xf32> to vector<32x8x1x16xf32>
    %add3A = vector.broadcast %broadcast_in_dim3A_77 : vector<32x8x16x1xf32> to vector<32x8x16x16xf32>
    %add3A_79 = vector.broadcast %broadcast_in_dim3A_78 : vector<32x8x1x16xf32> to vector<32x8x16x16xf32>
    %add3A_80 = arith.addf %add3A, %add3A_79 : vector<32x8x16x16xf32>
    %reshape3A = vector.shape_cast %add3A_80 : vector<32x8x16x16xf32> to vector<32x2048xf32>
    %iota3A_81 = tpu.iota {dimensions = array<i32: 1>} : vector<32x2048xi32>
    %iota3A_82 = tpu.iota {dimensions = array<i32: 1>} : vector<1x16xi32>
    %broadcast_in_dim3A_83 = arith.constant 0 : i32
    %broadcast_in_dim3A_84 = vector.broadcast %broadcast_in_dim3A_83 : i32 to vector<32x16xi32>
    %reduce_max3A = arith.constant dense<0xFF800000> : vector<32xf32>
    %reduce_max3A_85 = vector.multi_reduction <maximumf>, %reshape3A, %reduce_max3A [1] : vector<32x2048xf32> to vector<32xf32>
    %broadcast_in_dim3A_86 = vector.shape_cast %reduce_max3A_85 : vector<32xf32> to vector<32x1xf32>
    %eq3A_87 = vector.broadcast %broadcast_in_dim3A_86 : vector<32x1xf32> to vector<32x2048xf32>
    %eq3A_88 = arith.cmpf oeq, %reshape3A, %eq3A_87 : vector<32x2048xf32>
    %jit3A_89 = arith.constant 1073741824 : i32
    %broadcast_in_dim3A_90 = vector.broadcast %jit3A_89 : i32 to vector<32x2048xi32>
    %select_n3A_91 = arith.select %eq3A_88, %iota3A_81, %broadcast_in_dim3A_90 : vector<32x2048xi1>, vector<32x2048xi32>
    %reduce_min3A = arith.constant dense<2147483647> : vector<32xi32>
    %reduce_min3A_92 = vector.multi_reduction <minsi>, %select_n3A_91, %reduce_min3A [1] : vector<32x2048xi32> to vector<32xi32>
    %broadcast_in_dim3A_93 = vector.shape_cast %reduce_min3A_92 : vector<32xi32> to vector<32x1xi32>
    %eq3A_94 = vector.broadcast %broadcast_in_dim3A_93 : vector<32x1xi32> to vector<32x2048xi32>
    %eq3A_95 = arith.cmpi eq, %iota3A_81, %eq3A_94 : vector<32x2048xi32>
    %jit3A_96 = arith.constant 0xFF800000 : f32
    %broadcast_in_dim3A_97 = vector.broadcast %jit3A_96 : f32 to vector<32x2048xf32>
    %select_n3A_98 = arith.select %eq3A_95, %broadcast_in_dim3A_97, %reshape3A : vector<32x2048xi1>, vector<32x2048xf32>
    %eq3A_99 = arith.constant 0 : i32
    %eq3A_100 = vector.broadcast %eq3A_99 : i32 to vector<1x16xi32>
    %eq3A_101 = arith.cmpi eq, %iota3A_82, %eq3A_100 : vector<1x16xi32>
    %jit3A_102 = arith.constant 0 : i32
    %broadcast_in_dim3A_103 = vector.shape_cast %eq3A_101 : vector<1x16xi1> to vector<1x16xi1>
    %broadcast_in_dim3A_104 = vector.broadcast %broadcast_in_dim3A_103 : vector<1x16xi1> to vector<32x16xi1>
    %broadcast_in_dim3A_105 = vector.shape_cast %broadcast_in_dim3A_93 : vector<32x1xi32> to vector<32x1xi32>
    %broadcast_in_dim3A_106 = vector.broadcast %broadcast_in_dim3A_105 : vector<32x1xi32> to vector<32x16xi32>
    %broadcast_in_dim3A_107 = vector.broadcast %jit3A_102 : i32 to vector<32x16xi32>
    %select_n3A_108 = arith.select %broadcast_in_dim3A_104, %broadcast_in_dim3A_106, %broadcast_in_dim3A_107 : vector<32x16xi1>, vector<32x16xi32>
    %add3A_109 = arith.addi %broadcast_in_dim3A_84, %select_n3A_108 : vector<32x16xi32>
    %reduce_max3A_110 = arith.constant dense<0xFF800000> : vector<32xf32>
    %reduce_max3A_111 = vector.multi_reduction <maximumf>, %select_n3A_98, %reduce_max3A_110 [1] : vector<32x2048xf32> to vector<32xf32>
    %broadcast_in_dim3A_112 = vector.shape_cast %reduce_max3A_111 : vector<32xf32> to vector<32x1xf32>
    %eq3A_113 = vector.broadcast %broadcast_in_dim3A_112 : vector<32x1xf32> to vector<32x2048xf32>
    %eq3A_114 = arith.cmpf oeq, %select_n3A_98, %eq3A_113 : vector<32x2048xf32>
    %jit3A_115 = arith.constant 1073741824 : i32
    %broadcast_in_dim3A_116 = vector.broadcast %jit3A_115 : i32 to vector<32x2048xi32>
    %select_n3A_117 = arith.select %eq3A_114, %iota3A_81, %broadcast_in_dim3A_116 : vector<32x2048xi1>, vector<32x2048xi32>
    %reduce_min3A_118 = arith.constant dense<2147483647> : vector<32xi32>
    %reduce_min3A_119 = vector.multi_reduction <minsi>, %select_n3A_117, %reduce_min3A_118 [1] : vector<32x2048xi32> to vector<32xi32>
    %broadcast_in_dim3A_120 = vector.shape_cast %reduce_min3A_119 : vector<32xi32> to vector<32x1xi32>
    %eq3A_121 = vector.broadcast %broadcast_in_dim3A_120 : vector<32x1xi32> to vector<32x2048xi32>
    %eq3A_122 = arith.cmpi eq, %iota3A_81, %eq3A_121 : vector<32x2048xi32>
    %jit3A_123 = arith.constant 0xFF800000 : f32
    %broadcast_in_dim3A_124 = vector.broadcast %jit3A_123 : f32 to vector<32x2048xf32>
    %select_n3A_125 = arith.select %eq3A_122, %broadcast_in_dim3A_124, %select_n3A_98 : vector<32x2048xi1>, vector<32x2048xf32>
    %eq3A_126 = arith.constant 1 : i32
    %eq3A_127 = vector.broadcast %eq3A_126 : i32 to vector<1x16xi32>
    %eq3A_128 = arith.cmpi eq, %iota3A_82, %eq3A_127 : vector<1x16xi32>
    %jit3A_129 = arith.constant 0 : i32
    %broadcast_in_dim3A_130 = vector.shape_cast %eq3A_128 : vector<1x16xi1> to vector<1x16xi1>
    %broadcast_in_dim3A_131 = vector.broadcast %broadcast_in_dim3A_130 : vector<1x16xi1> to vector<32x16xi1>
    %broadcast_in_dim3A_132 = vector.shape_cast %broadcast_in_dim3A_120 : vector<32x1xi32> to vector<32x1xi32>
    %broadcast_in_dim3A_133 = vector.broadcast %broadcast_in_dim3A_132 : vector<32x1xi32> to vector<32x16xi32>
    %broadcast_in_dim3A_134 = vector.broadcast %jit3A_129 : i32 to vector<32x16xi32>
    %select_n3A_135 = arith.select %broadcast_in_dim3A_131, %broadcast_in_dim3A_133, %broadcast_in_dim3A_134 : vector<32x16xi1>, vector<32x16xi32>
    %add3A_136 = arith.addi %add3A_109, %select_n3A_135 : vector<32x16xi32>
    %reduce_max3A_137 = arith.constant dense<0xFF800000> : vector<32xf32>
    %reduce_max3A_138 = vector.multi_reduction <maximumf>, %select_n3A_125, %reduce_max3A_137 [1] : vector<32x2048xf32> to vector<32xf32>
    %broadcast_in_dim3A_139 = vector.shape_cast %reduce_max3A_138 : vector<32xf32> to vector<32x1xf32>
    %eq3A_140 = vector.broadcast %broadcast_in_dim3A_139 : vector<32x1xf32> to vector<32x2048xf32>
    %eq3A_141 = arith.cmpf oeq, %select_n3A_125, %eq3A_140 : vector<32x2048xf32>
    %jit3A_142 = arith.constant 1073741824 : i32
    %broadcast_in_dim3A_143 = vector.broadcast %jit3A_142 : i32 to vector<32x2048xi32>
    %select_n3A_144 = arith.select %eq3A_141, %iota3A_81, %broadcast_in_dim3A_143 : vector<32x2048xi1>, vector<32x2048xi32>
    %reduce_min3A_145 = arith.constant dense<2147483647> : vector<32xi32>
    %reduce_min3A_146 = vector.multi_reduction <minsi>, %select_n3A_144, %reduce_min3A_145 [1] : vector<32x2048xi32> to vector<32xi32>
    %broadcast_in_dim3A_147 = vector.shape_cast %reduce_min3A_146 : vector<32xi32> to vector<32x1xi32>
    %eq3A_148 = vector.broadcast %broadcast_in_dim3A_147 : vector<32x1xi32> to vector<32x2048xi32>
    %eq3A_149 = arith.cmpi eq, %iota3A_81, %eq3A_148 : vector<32x2048xi32>
    %jit3A_150 = arith.constant 0xFF800000 : f32
    %broadcast_in_dim3A_151 = vector.broadcast %jit3A_150 : f32 to vector<32x2048xf32>
    %select_n3A_152 = arith.select %eq3A_149, %broadcast_in_dim3A_151, %select_n3A_125 : vector<32x2048xi1>, vector<32x2048xf32>
    %eq3A_153 = arith.constant 2 : i32
    %eq3A_154 = vector.broadcast %eq3A_153 : i32 to vector<1x16xi32>
    %eq3A_155 = arith.cmpi eq, %iota3A_82, %eq3A_154 : vector<1x16xi32>
    %jit3A_156 = arith.constant 0 : i32
    %broadcast_in_dim3A_157 = vector.shape_cast %eq3A_155 : vector<1x16xi1> to vector<1x16xi1>
    %broadcast_in_dim3A_158 = vector.broadcast %broadcast_in_dim3A_157 : vector<1x16xi1> to vector<32x16xi1>
    %broadcast_in_dim3A_159 = vector.shape_cast %broadcast_in_dim3A_147 : vector<32x1xi32> to vector<32x1xi32>
    %broadcast_in_dim3A_160 = vector.broadcast %broadcast_in_dim3A_159 : vector<32x1xi32> to vector<32x16xi32>
    %broadcast_in_dim3A_161 = vector.broadcast %jit3A_156 : i32 to vector<32x16xi32>
    %select_n3A_162 = arith.select %broadcast_in_dim3A_158, %broadcast_in_dim3A_160, %broadcast_in_dim3A_161 : vector<32x16xi1>, vector<32x16xi32>
    %add3A_163 = arith.addi %add3A_136, %select_n3A_162 : vector<32x16xi32>
    %reduce_max3A_164 = arith.constant dense<0xFF800000> : vector<32xf32>
    %reduce_max3A_165 = vector.multi_reduction <maximumf>, %select_n3A_152, %reduce_max3A_164 [1] : vector<32x2048xf32> to vector<32xf32>
    %broadcast_in_dim3A_166 = vector.shape_cast %reduce_max3A_165 : vector<32xf32> to vector<32x1xf32>
    %eq3A_167 = vector.broadcast %broadcast_in_dim3A_166 : vector<32x1xf32> to vector<32x2048xf32>
    %eq3A_168 = arith.cmpf oeq, %select_n3A_152, %eq3A_167 : vector<32x2048xf32>
    %jit3A_169 = arith.constant 1073741824 : i32
    %broadcast_in_dim3A_170 = vector.broadcast %jit3A_169 : i32 to vector<32x2048xi32>
    %select_n3A_171 = arith.select %eq3A_168, %iota3A_81, %broadcast_in_dim3A_170 : vector<32x2048xi1>, vector<32x2048xi32>
    %reduce_min3A_172 = arith.constant dense<2147483647> : vector<32xi32>
    %reduce_min3A_173 = vector.multi_reduction <minsi>, %select_n3A_171, %reduce_min3A_172 [1] : vector<32x2048xi32> to vector<32xi32>
    %broadcast_in_dim3A_174 = vector.shape_cast %reduce_min3A_173 : vector<32xi32> to vector<32x1xi32>
    %eq3A_175 = vector.broadcast %broadcast_in_dim3A_174 : vector<32x1xi32> to vector<32x2048xi32>
    %eq3A_176 = arith.cmpi eq, %iota3A_81, %eq3A_175 : vector<32x2048xi32>
    %jit3A_177 = arith.constant 0xFF800000 : f32
    %broadcast_in_dim3A_178 = vector.broadcast %jit3A_177 : f32 to vector<32x2048xf32>
    %select_n3A_179 = arith.select %eq3A_176, %broadcast_in_dim3A_178, %select_n3A_152 : vector<32x2048xi1>, vector<32x2048xf32>
    %eq3A_180 = arith.constant 3 : i32
    %eq3A_181 = vector.broadcast %eq3A_180 : i32 to vector<1x16xi32>
    %eq3A_182 = arith.cmpi eq, %iota3A_82, %eq3A_181 : vector<1x16xi32>
    %jit3A_183 = arith.constant 0 : i32
    %broadcast_in_dim3A_184 = vector.shape_cast %eq3A_182 : vector<1x16xi1> to vector<1x16xi1>
    %broadcast_in_dim3A_185 = vector.broadcast %broadcast_in_dim3A_184 : vector<1x16xi1> to vector<32x16xi1>
    %broadcast_in_dim3A_186 = vector.shape_cast %broadcast_in_dim3A_174 : vector<32x1xi32> to vector<32x1xi32>
    %broadcast_in_dim3A_187 = vector.broadcast %broadcast_in_dim3A_186 : vector<32x1xi32> to vector<32x16xi32>
    %broadcast_in_dim3A_188 = vector.broadcast %jit3A_183 : i32 to vector<32x16xi32>
    %select_n3A_189 = arith.select %broadcast_in_dim3A_185, %broadcast_in_dim3A_187, %broadcast_in_dim3A_188 : vector<32x16xi1>, vector<32x16xi32>
    %add3A_190 = arith.addi %add3A_163, %select_n3A_189 : vector<32x16xi32>
    %reduce_max3A_191 = arith.constant dense<0xFF800000> : vector<32xf32>
    %reduce_max3A_192 = vector.multi_reduction <maximumf>, %select_n3A_179, %reduce_max3A_191 [1] : vector<32x2048xf32> to vector<32xf32>
    %broadcast_in_dim3A_193 = vector.shape_cast %reduce_max3A_192 : vector<32xf32> to vector<32x1xf32>
    %eq3A_194 = vector.broadcast %broadcast_in_dim3A_193 : vector<32x1xf32> to vector<32x2048xf32>
    %eq3A_195 = arith.cmpf oeq, %select_n3A_179, %eq3A_194 : vector<32x2048xf32>
    %jit3A_196 = arith.constant 1073741824 : i32
    %broadcast_in_dim3A_197 = vector.broadcast %jit3A_196 : i32 to vector<32x2048xi32>
    %select_n3A_198 = arith.select %eq3A_195, %iota3A_81, %broadcast_in_dim3A_197 : vector<32x2048xi1>, vector<32x2048xi32>
    %reduce_min3A_199 = arith.constant dense<2147483647> : vector<32xi32>
    %reduce_min3A_200 = vector.multi_reduction <minsi>, %select_n3A_198, %reduce_min3A_199 [1] : vector<32x2048xi32> to vector<32xi32>
    %broadcast_in_dim3A_201 = vector.shape_cast %reduce_min3A_200 : vector<32xi32> to vector<32x1xi32>
    %eq3A_202 = vector.broadcast %broadcast_in_dim3A_201 : vector<32x1xi32> to vector<32x2048xi32>
    %eq3A_203 = arith.cmpi eq, %iota3A_81, %eq3A_202 : vector<32x2048xi32>
    %jit3A_204 = arith.constant 0xFF800000 : f32
    %broadcast_in_dim3A_205 = vector.broadcast %jit3A_204 : f32 to vector<32x2048xf32>
    %select_n3A_206 = arith.select %eq3A_203, %broadcast_in_dim3A_205, %select_n3A_179 : vector<32x2048xi1>, vector<32x2048xf32>
    %eq3A_207 = arith.constant 4 : i32
    %eq3A_208 = vector.broadcast %eq3A_207 : i32 to vector<1x16xi32>
    %eq3A_209 = arith.cmpi eq, %iota3A_82, %eq3A_208 : vector<1x16xi32>
    %jit3A_210 = arith.constant 0 : i32
    %broadcast_in_dim3A_211 = vector.shape_cast %eq3A_209 : vector<1x16xi1> to vector<1x16xi1>
    %broadcast_in_dim3A_212 = vector.broadcast %broadcast_in_dim3A_211 : vector<1x16xi1> to vector<32x16xi1>
    %broadcast_in_dim3A_213 = vector.shape_cast %broadcast_in_dim3A_201 : vector<32x1xi32> to vector<32x1xi32>
    %broadcast_in_dim3A_214 = vector.broadcast %broadcast_in_dim3A_213 : vector<32x1xi32> to vector<32x16xi32>
    %broadcast_in_dim3A_215 = vector.broadcast %jit3A_210 : i32 to vector<32x16xi32>
    %select_n3A_216 = arith.select %broadcast_in_dim3A_212, %broadcast_in_dim3A_214, %broadcast_in_dim3A_215 : vector<32x16xi1>, vector<32x16xi32>
    %add3A_217 = arith.addi %add3A_190, %select_n3A_216 : vector<32x16xi32>
    %reduce_max3A_218 = arith.constant dense<0xFF800000> : vector<32xf32>
    %reduce_max3A_219 = vector.multi_reduction <maximumf>, %select_n3A_206, %reduce_max3A_218 [1] : vector<32x2048xf32> to vector<32xf32>
    %broadcast_in_dim3A_220 = vector.shape_cast %reduce_max3A_219 : vector<32xf32> to vector<32x1xf32>
    %eq3A_221 = vector.broadcast %broadcast_in_dim3A_220 : vector<32x1xf32> to vector<32x2048xf32>
    %eq3A_222 = arith.cmpf oeq, %select_n3A_206, %eq3A_221 : vector<32x2048xf32>
    %jit3A_223 = arith.constant 1073741824 : i32
    %broadcast_in_dim3A_224 = vector.broadcast %jit3A_223 : i32 to vector<32x2048xi32>
    %select_n3A_225 = arith.select %eq3A_222, %iota3A_81, %broadcast_in_dim3A_224 : vector<32x2048xi1>, vector<32x2048xi32>
    %reduce_min3A_226 = arith.constant dense<2147483647> : vector<32xi32>
    %reduce_min3A_227 = vector.multi_reduction <minsi>, %select_n3A_225, %reduce_min3A_226 [1] : vector<32x2048xi32> to vector<32xi32>
    %broadcast_in_dim3A_228 = vector.shape_cast %reduce_min3A_227 : vector<32xi32> to vector<32x1xi32>
    %eq3A_229 = vector.broadcast %broadcast_in_dim3A_228 : vector<32x1xi32> to vector<32x2048xi32>
    %eq3A_230 = arith.cmpi eq, %iota3A_81, %eq3A_229 : vector<32x2048xi32>
    %jit3A_231 = arith.constant 0xFF800000 : f32
    %broadcast_in_dim3A_232 = vector.broadcast %jit3A_231 : f32 to vector<32x2048xf32>
    %select_n3A_233 = arith.select %eq3A_230, %broadcast_in_dim3A_232, %select_n3A_206 : vector<32x2048xi1>, vector<32x2048xf32>
    %eq3A_234 = arith.constant 5 : i32
    %eq3A_235 = vector.broadcast %eq3A_234 : i32 to vector<1x16xi32>
    %eq3A_236 = arith.cmpi eq, %iota3A_82, %eq3A_235 : vector<1x16xi32>
    %jit3A_237 = arith.constant 0 : i32
    %broadcast_in_dim3A_238 = vector.shape_cast %eq3A_236 : vector<1x16xi1> to vector<1x16xi1>
    %broadcast_in_dim3A_239 = vector.broadcast %broadcast_in_dim3A_238 : vector<1x16xi1> to vector<32x16xi1>
    %broadcast_in_dim3A_240 = vector.shape_cast %broadcast_in_dim3A_228 : vector<32x1xi32> to vector<32x1xi32>
    %broadcast_in_dim3A_241 = vector.broadcast %broadcast_in_dim3A_240 : vector<32x1xi32> to vector<32x16xi32>
    %broadcast_in_dim3A_242 = vector.broadcast %jit3A_237 : i32 to vector<32x16xi32>
    %select_n3A_243 = arith.select %broadcast_in_dim3A_239, %broadcast_in_dim3A_241, %broadcast_in_dim3A_242 : vector<32x16xi1>, vector<32x16xi32>
    %add3A_244 = arith.addi %add3A_217, %select_n3A_243 : vector<32x16xi32>
    %reduce_max3A_245 = arith.constant dense<0xFF800000> : vector<32xf32>
    %reduce_max3A_246 = vector.multi_reduction <maximumf>, %select_n3A_233, %reduce_max3A_245 [1] : vector<32x2048xf32> to vector<32xf32>
    %broadcast_in_dim3A_247 = vector.shape_cast %reduce_max3A_246 : vector<32xf32> to vector<32x1xf32>
    %eq3A_248 = vector.broadcast %broadcast_in_dim3A_247 : vector<32x1xf32> to vector<32x2048xf32>
    %eq3A_249 = arith.cmpf oeq, %select_n3A_233, %eq3A_248 : vector<32x2048xf32>
    %jit3A_250 = arith.constant 1073741824 : i32
    %broadcast_in_dim3A_251 = vector.broadcast %jit3A_250 : i32 to vector<32x2048xi32>
    %select_n3A_252 = arith.select %eq3A_249, %iota3A_81, %broadcast_in_dim3A_251 : vector<32x2048xi1>, vector<32x2048xi32>
    %reduce_min3A_253 = arith.constant dense<2147483647> : vector<32xi32>
    %reduce_min3A_254 = vector.multi_reduction <minsi>, %select_n3A_252, %reduce_min3A_253 [1] : vector<32x2048xi32> to vector<32xi32>
    %broadcast_in_dim3A_255 = vector.shape_cast %reduce_min3A_254 : vector<32xi32> to vector<32x1xi32>
    %eq3A_256 = vector.broadcast %broadcast_in_dim3A_255 : vector<32x1xi32> to vector<32x2048xi32>
    %eq3A_257 = arith.cmpi eq, %iota3A_81, %eq3A_256 : vector<32x2048xi32>
    %jit3A_258 = arith.constant 0xFF800000 : f32
    %broadcast_in_dim3A_259 = vector.broadcast %jit3A_258 : f32 to vector<32x2048xf32>
    %select_n3A_260 = arith.select %eq3A_257, %broadcast_in_dim3A_259, %select_n3A_233 : vector<32x2048xi1>, vector<32x2048xf32>
    %eq3A_261 = arith.constant 6 : i32
    %eq3A_262 = vector.broadcast %eq3A_261 : i32 to vector<1x16xi32>
    %eq3A_263 = arith.cmpi eq, %iota3A_82, %eq3A_262 : vector<1x16xi32>
    %jit3A_264 = arith.constant 0 : i32
    %broadcast_in_dim3A_265 = vector.shape_cast %eq3A_263 : vector<1x16xi1> to vector<1x16xi1>
    %broadcast_in_dim3A_266 = vector.broadcast %broadcast_in_dim3A_265 : vector<1x16xi1> to vector<32x16xi1>
    %broadcast_in_dim3A_267 = vector.shape_cast %broadcast_in_dim3A_255 : vector<32x1xi32> to vector<32x1xi32>
    %broadcast_in_dim3A_268 = vector.broadcast %broadcast_in_dim3A_267 : vector<32x1xi32> to vector<32x16xi32>
    %broadcast_in_dim3A_269 = vector.broadcast %jit3A_264 : i32 to vector<32x16xi32>
    %select_n3A_270 = arith.select %broadcast_in_dim3A_266, %broadcast_in_dim3A_268, %broadcast_in_dim3A_269 : vector<32x16xi1>, vector<32x16xi32>
    %add3A_271 = arith.addi %add3A_244, %select_n3A_270 : vector<32x16xi32>
    %reduce_max3A_272 = arith.constant dense<0xFF800000> : vector<32xf32>
    %reduce_max3A_273 = vector.multi_reduction <maximumf>, %select_n3A_260, %reduce_max3A_272 [1] : vector<32x2048xf32> to vector<32xf32>
    %broadcast_in_dim3A_274 = vector.shape_cast %reduce_max3A_273 : vector<32xf32> to vector<32x1xf32>
    %eq3A_275 = vector.broadcast %broadcast_in_dim3A_274 : vector<32x1xf32> to vector<32x2048xf32>
    %eq3A_276 = arith.cmpf oeq, %select_n3A_260, %eq3A_275 : vector<32x2048xf32>
    %jit3A_277 = arith.constant 1073741824 : i32
    %broadcast_in_dim3A_278 = vector.broadcast %jit3A_277 : i32 to vector<32x2048xi32>
    %select_n3A_279 = arith.select %eq3A_276, %iota3A_81, %broadcast_in_dim3A_278 : vector<32x2048xi1>, vector<32x2048xi32>
    %reduce_min3A_280 = arith.constant dense<2147483647> : vector<32xi32>
    %reduce_min3A_281 = vector.multi_reduction <minsi>, %select_n3A_279, %reduce_min3A_280 [1] : vector<32x2048xi32> to vector<32xi32>
    %broadcast_in_dim3A_282 = vector.shape_cast %reduce_min3A_281 : vector<32xi32> to vector<32x1xi32>
    %eq3A_283 = vector.broadcast %broadcast_in_dim3A_282 : vector<32x1xi32> to vector<32x2048xi32>
    %eq3A_284 = arith.cmpi eq, %iota3A_81, %eq3A_283 : vector<32x2048xi32>
    %jit3A_285 = arith.constant 0xFF800000 : f32
    %broadcast_in_dim3A_286 = vector.broadcast %jit3A_285 : f32 to vector<32x2048xf32>
    %select_n3A_287 = arith.select %eq3A_284, %broadcast_in_dim3A_286, %select_n3A_260 : vector<32x2048xi1>, vector<32x2048xf32>
    %eq3A_288 = arith.constant 7 : i32
    %eq3A_289 = vector.broadcast %eq3A_288 : i32 to vector<1x16xi32>
    %eq3A_290 = arith.cmpi eq, %iota3A_82, %eq3A_289 : vector<1x16xi32>
    %jit3A_291 = arith.constant 0 : i32
    %broadcast_in_dim3A_292 = vector.shape_cast %eq3A_290 : vector<1x16xi1> to vector<1x16xi1>
    %broadcast_in_dim3A_293 = vector.broadcast %broadcast_in_dim3A_292 : vector<1x16xi1> to vector<32x16xi1>
    %broadcast_in_dim3A_294 = vector.shape_cast %broadcast_in_dim3A_282 : vector<32x1xi32> to vector<32x1xi32>
    %broadcast_in_dim3A_295 = vector.broadcast %broadcast_in_dim3A_294 : vector<32x1xi32> to vector<32x16xi32>
    %broadcast_in_dim3A_296 = vector.broadcast %jit3A_291 : i32 to vector<32x16xi32>
    %select_n3A_297 = arith.select %broadcast_in_dim3A_293, %broadcast_in_dim3A_295, %broadcast_in_dim3A_296 : vector<32x16xi1>, vector<32x16xi32>
    %add3A_298 = arith.addi %add3A_271, %select_n3A_297 : vector<32x16xi32>
    %reduce_max3A_299 = arith.constant dense<0xFF800000> : vector<32xf32>
    %reduce_max3A_300 = vector.multi_reduction <maximumf>, %select_n3A_287, %reduce_max3A_299 [1] : vector<32x2048xf32> to vector<32xf32>
    %broadcast_in_dim3A_301 = vector.shape_cast %reduce_max3A_300 : vector<32xf32> to vector<32x1xf32>
    %eq3A_302 = vector.broadcast %broadcast_in_dim3A_301 : vector<32x1xf32> to vector<32x2048xf32>
    %eq3A_303 = arith.cmpf oeq, %select_n3A_287, %eq3A_302 : vector<32x2048xf32>
    %jit3A_304 = arith.constant 1073741824 : i32
    %broadcast_in_dim3A_305 = vector.broadcast %jit3A_304 : i32 to vector<32x2048xi32>
    %select_n3A_306 = arith.select %eq3A_303, %iota3A_81, %broadcast_in_dim3A_305 : vector<32x2048xi1>, vector<32x2048xi32>
    %reduce_min3A_307 = arith.constant dense<2147483647> : vector<32xi32>
    %reduce_min3A_308 = vector.multi_reduction <minsi>, %select_n3A_306, %reduce_min3A_307 [1] : vector<32x2048xi32> to vector<32xi32>
    %broadcast_in_dim3A_309 = vector.shape_cast %reduce_min3A_308 : vector<32xi32> to vector<32x1xi32>
    %eq3A_310 = vector.broadcast %broadcast_in_dim3A_309 : vector<32x1xi32> to vector<32x2048xi32>
    %eq3A_311 = arith.cmpi eq, %iota3A_81, %eq3A_310 : vector<32x2048xi32>
    %jit3A_312 = arith.constant 0xFF800000 : f32
    %broadcast_in_dim3A_313 = vector.broadcast %jit3A_312 : f32 to vector<32x2048xf32>
    %select_n3A_314 = arith.select %eq3A_311, %broadcast_in_dim3A_313, %select_n3A_287 : vector<32x2048xi1>, vector<32x2048xf32>
    %eq3A_315 = arith.constant 8 : i32
    %eq3A_316 = vector.broadcast %eq3A_315 : i32 to vector<1x16xi32>
    %eq3A_317 = arith.cmpi eq, %iota3A_82, %eq3A_316 : vector<1x16xi32>
    %jit3A_318 = arith.constant 0 : i32
    %broadcast_in_dim3A_319 = vector.shape_cast %eq3A_317 : vector<1x16xi1> to vector<1x16xi1>
    %broadcast_in_dim3A_320 = vector.broadcast %broadcast_in_dim3A_319 : vector<1x16xi1> to vector<32x16xi1>
    %broadcast_in_dim3A_321 = vector.shape_cast %broadcast_in_dim3A_309 : vector<32x1xi32> to vector<32x1xi32>
    %broadcast_in_dim3A_322 = vector.broadcast %broadcast_in_dim3A_321 : vector<32x1xi32> to vector<32x16xi32>
    %broadcast_in_dim3A_323 = vector.broadcast %jit3A_318 : i32 to vector<32x16xi32>
    %select_n3A_324 = arith.select %broadcast_in_dim3A_320, %broadcast_in_dim3A_322, %broadcast_in_dim3A_323 : vector<32x16xi1>, vector<32x16xi32>
    %add3A_325 = arith.addi %add3A_298, %select_n3A_324 : vector<32x16xi32>
    %reduce_max3A_326 = arith.constant dense<0xFF800000> : vector<32xf32>
    %reduce_max3A_327 = vector.multi_reduction <maximumf>, %select_n3A_314, %reduce_max3A_326 [1] : vector<32x2048xf32> to vector<32xf32>
    %broadcast_in_dim3A_328 = vector.shape_cast %reduce_max3A_327 : vector<32xf32> to vector<32x1xf32>
    %eq3A_329 = vector.broadcast %broadcast_in_dim3A_328 : vector<32x1xf32> to vector<32x2048xf32>
    %eq3A_330 = arith.cmpf oeq, %select_n3A_314, %eq3A_329 : vector<32x2048xf32>
    %jit3A_331 = arith.constant 1073741824 : i32
    %broadcast_in_dim3A_332 = vector.broadcast %jit3A_331 : i32 to vector<32x2048xi32>
    %select_n3A_333 = arith.select %eq3A_330, %iota3A_81, %broadcast_in_dim3A_332 : vector<32x2048xi1>, vector<32x2048xi32>
    %reduce_min3A_334 = arith.constant dense<2147483647> : vector<32xi32>
    %reduce_min3A_335 = vector.multi_reduction <minsi>, %select_n3A_333, %reduce_min3A_334 [1] : vector<32x2048xi32> to vector<32xi32>
    %broadcast_in_dim3A_336 = vector.shape_cast %reduce_min3A_335 : vector<32xi32> to vector<32x1xi32>
    %eq3A_337 = vector.broadcast %broadcast_in_dim3A_336 : vector<32x1xi32> to vector<32x2048xi32>
    %eq3A_338 = arith.cmpi eq, %iota3A_81, %eq3A_337 : vector<32x2048xi32>
    %jit3A_339 = arith.constant 0xFF800000 : f32
    %broadcast_in_dim3A_340 = vector.broadcast %jit3A_339 : f32 to vector<32x2048xf32>
    %select_n3A_341 = arith.select %eq3A_338, %broadcast_in_dim3A_340, %select_n3A_314 : vector<32x2048xi1>, vector<32x2048xf32>
    %eq3A_342 = arith.constant 9 : i32
    %eq3A_343 = vector.broadcast %eq3A_342 : i32 to vector<1x16xi32>
    %eq3A_344 = arith.cmpi eq, %iota3A_82, %eq3A_343 : vector<1x16xi32>
    %jit3A_345 = arith.constant 0 : i32
    %broadcast_in_dim3A_346 = vector.shape_cast %eq3A_344 : vector<1x16xi1> to vector<1x16xi1>
    %broadcast_in_dim3A_347 = vector.broadcast %broadcast_in_dim3A_346 : vector<1x16xi1> to vector<32x16xi1>
    %broadcast_in_dim3A_348 = vector.shape_cast %broadcast_in_dim3A_336 : vector<32x1xi32> to vector<32x1xi32>
    %broadcast_in_dim3A_349 = vector.broadcast %broadcast_in_dim3A_348 : vector<32x1xi32> to vector<32x16xi32>
    %broadcast_in_dim3A_350 = vector.broadcast %jit3A_345 : i32 to vector<32x16xi32>
    %select_n3A_351 = arith.select %broadcast_in_dim3A_347, %broadcast_in_dim3A_349, %broadcast_in_dim3A_350 : vector<32x16xi1>, vector<32x16xi32>
    %add3A_352 = arith.addi %add3A_325, %select_n3A_351 : vector<32x16xi32>
    %reduce_max3A_353 = arith.constant dense<0xFF800000> : vector<32xf32>
    %reduce_max3A_354 = vector.multi_reduction <maximumf>, %select_n3A_341, %reduce_max3A_353 [1] : vector<32x2048xf32> to vector<32xf32>
    %broadcast_in_dim3A_355 = vector.shape_cast %reduce_max3A_354 : vector<32xf32> to vector<32x1xf32>
    %eq3A_356 = vector.broadcast %broadcast_in_dim3A_355 : vector<32x1xf32> to vector<32x2048xf32>
    %eq3A_357 = arith.cmpf oeq, %select_n3A_341, %eq3A_356 : vector<32x2048xf32>
    %jit3A_358 = arith.constant 1073741824 : i32
    %broadcast_in_dim3A_359 = vector.broadcast %jit3A_358 : i32 to vector<32x2048xi32>
    %select_n3A_360 = arith.select %eq3A_357, %iota3A_81, %broadcast_in_dim3A_359 : vector<32x2048xi1>, vector<32x2048xi32>
    %reduce_min3A_361 = arith.constant dense<2147483647> : vector<32xi32>
    %reduce_min3A_362 = vector.multi_reduction <minsi>, %select_n3A_360, %reduce_min3A_361 [1] : vector<32x2048xi32> to vector<32xi32>
    %broadcast_in_dim3A_363 = vector.shape_cast %reduce_min3A_362 : vector<32xi32> to vector<32x1xi32>
    %eq3A_364 = vector.broadcast %broadcast_in_dim3A_363 : vector<32x1xi32> to vector<32x2048xi32>
    %eq3A_365 = arith.cmpi eq, %iota3A_81, %eq3A_364 : vector<32x2048xi32>
    %jit3A_366 = arith.constant 0xFF800000 : f32
    %broadcast_in_dim3A_367 = vector.broadcast %jit3A_366 : f32 to vector<32x2048xf32>
    %select_n3A_368 = arith.select %eq3A_365, %broadcast_in_dim3A_367, %select_n3A_341 : vector<32x2048xi1>, vector<32x2048xf32>
    %eq3A_369 = arith.constant 10 : i32
    %eq3A_370 = vector.broadcast %eq3A_369 : i32 to vector<1x16xi32>
    %eq3A_371 = arith.cmpi eq, %iota3A_82, %eq3A_370 : vector<1x16xi32>
    %jit3A_372 = arith.constant 0 : i32
    %broadcast_in_dim3A_373 = vector.shape_cast %eq3A_371 : vector<1x16xi1> to vector<1x16xi1>
    %broadcast_in_dim3A_374 = vector.broadcast %broadcast_in_dim3A_373 : vector<1x16xi1> to vector<32x16xi1>
    %broadcast_in_dim3A_375 = vector.shape_cast %broadcast_in_dim3A_363 : vector<32x1xi32> to vector<32x1xi32>
    %broadcast_in_dim3A_376 = vector.broadcast %broadcast_in_dim3A_375 : vector<32x1xi32> to vector<32x16xi32>
    %broadcast_in_dim3A_377 = vector.broadcast %jit3A_372 : i32 to vector<32x16xi32>
    %select_n3A_378 = arith.select %broadcast_in_dim3A_374, %broadcast_in_dim3A_376, %broadcast_in_dim3A_377 : vector<32x16xi1>, vector<32x16xi32>
    %add3A_379 = arith.addi %add3A_352, %select_n3A_378 : vector<32x16xi32>
    %reduce_max3A_380 = arith.constant dense<0xFF800000> : vector<32xf32>
    %reduce_max3A_381 = vector.multi_reduction <maximumf>, %select_n3A_368, %reduce_max3A_380 [1] : vector<32x2048xf32> to vector<32xf32>
    %broadcast_in_dim3A_382 = vector.shape_cast %reduce_max3A_381 : vector<32xf32> to vector<32x1xf32>
    %eq3A_383 = vector.broadcast %broadcast_in_dim3A_382 : vector<32x1xf32> to vector<32x2048xf32>
    %eq3A_384 = arith.cmpf oeq, %select_n3A_368, %eq3A_383 : vector<32x2048xf32>
    %jit3A_385 = arith.constant 1073741824 : i32
    %broadcast_in_dim3A_386 = vector.broadcast %jit3A_385 : i32 to vector<32x2048xi32>
    %select_n3A_387 = arith.select %eq3A_384, %iota3A_81, %broadcast_in_dim3A_386 : vector<32x2048xi1>, vector<32x2048xi32>
    %reduce_min3A_388 = arith.constant dense<2147483647> : vector<32xi32>
    %reduce_min3A_389 = vector.multi_reduction <minsi>, %select_n3A_387, %reduce_min3A_388 [1] : vector<32x2048xi32> to vector<32xi32>
    %broadcast_in_dim3A_390 = vector.shape_cast %reduce_min3A_389 : vector<32xi32> to vector<32x1xi32>
    %eq3A_391 = vector.broadcast %broadcast_in_dim3A_390 : vector<32x1xi32> to vector<32x2048xi32>
    %eq3A_392 = arith.cmpi eq, %iota3A_81, %eq3A_391 : vector<32x2048xi32>
    %jit3A_393 = arith.constant 0xFF800000 : f32
    %broadcast_in_dim3A_394 = vector.broadcast %jit3A_393 : f32 to vector<32x2048xf32>
    %select_n3A_395 = arith.select %eq3A_392, %broadcast_in_dim3A_394, %select_n3A_368 : vector<32x2048xi1>, vector<32x2048xf32>
    %eq3A_396 = arith.constant 11 : i32
    %eq3A_397 = vector.broadcast %eq3A_396 : i32 to vector<1x16xi32>
    %eq3A_398 = arith.cmpi eq, %iota3A_82, %eq3A_397 : vector<1x16xi32>
    %jit3A_399 = arith.constant 0 : i32
    %broadcast_in_dim3A_400 = vector.shape_cast %eq3A_398 : vector<1x16xi1> to vector<1x16xi1>
    %broadcast_in_dim3A_401 = vector.broadcast %broadcast_in_dim3A_400 : vector<1x16xi1> to vector<32x16xi1>
    %broadcast_in_dim3A_402 = vector.shape_cast %broadcast_in_dim3A_390 : vector<32x1xi32> to vector<32x1xi32>
    %broadcast_in_dim3A_403 = vector.broadcast %broadcast_in_dim3A_402 : vector<32x1xi32> to vector<32x16xi32>
    %broadcast_in_dim3A_404 = vector.broadcast %jit3A_399 : i32 to vector<32x16xi32>
    %select_n3A_405 = arith.select %broadcast_in_dim3A_401, %broadcast_in_dim3A_403, %broadcast_in_dim3A_404 : vector<32x16xi1>, vector<32x16xi32>
    %add3A_406 = arith.addi %add3A_379, %select_n3A_405 : vector<32x16xi32>
    %reduce_max3A_407 = arith.constant dense<0xFF800000> : vector<32xf32>
    %reduce_max3A_408 = vector.multi_reduction <maximumf>, %select_n3A_395, %reduce_max3A_407 [1] : vector<32x2048xf32> to vector<32xf32>
    %broadcast_in_dim3A_409 = vector.shape_cast %reduce_max3A_408 : vector<32xf32> to vector<32x1xf32>
    %eq3A_410 = vector.broadcast %broadcast_in_dim3A_409 : vector<32x1xf32> to vector<32x2048xf32>
    %eq3A_411 = arith.cmpf oeq, %select_n3A_395, %eq3A_410 : vector<32x2048xf32>
    %jit3A_412 = arith.constant 1073741824 : i32
    %broadcast_in_dim3A_413 = vector.broadcast %jit3A_412 : i32 to vector<32x2048xi32>
    %select_n3A_414 = arith.select %eq3A_411, %iota3A_81, %broadcast_in_dim3A_413 : vector<32x2048xi1>, vector<32x2048xi32>
    %reduce_min3A_415 = arith.constant dense<2147483647> : vector<32xi32>
    %reduce_min3A_416 = vector.multi_reduction <minsi>, %select_n3A_414, %reduce_min3A_415 [1] : vector<32x2048xi32> to vector<32xi32>
    %broadcast_in_dim3A_417 = vector.shape_cast %reduce_min3A_416 : vector<32xi32> to vector<32x1xi32>
    %eq3A_418 = vector.broadcast %broadcast_in_dim3A_417 : vector<32x1xi32> to vector<32x2048xi32>
    %eq3A_419 = arith.cmpi eq, %iota3A_81, %eq3A_418 : vector<32x2048xi32>
    %jit3A_420 = arith.constant 0xFF800000 : f32
    %broadcast_in_dim3A_421 = vector.broadcast %jit3A_420 : f32 to vector<32x2048xf32>
    %select_n3A_422 = arith.select %eq3A_419, %broadcast_in_dim3A_421, %select_n3A_395 : vector<32x2048xi1>, vector<32x2048xf32>
    %eq3A_423 = arith.constant 12 : i32
    %eq3A_424 = vector.broadcast %eq3A_423 : i32 to vector<1x16xi32>
    %eq3A_425 = arith.cmpi eq, %iota3A_82, %eq3A_424 : vector<1x16xi32>
    %jit3A_426 = arith.constant 0 : i32
    %broadcast_in_dim3A_427 = vector.shape_cast %eq3A_425 : vector<1x16xi1> to vector<1x16xi1>
    %broadcast_in_dim3A_428 = vector.broadcast %broadcast_in_dim3A_427 : vector<1x16xi1> to vector<32x16xi1>
    %broadcast_in_dim3A_429 = vector.shape_cast %broadcast_in_dim3A_417 : vector<32x1xi32> to vector<32x1xi32>
    %broadcast_in_dim3A_430 = vector.broadcast %broadcast_in_dim3A_429 : vector<32x1xi32> to vector<32x16xi32>
    %broadcast_in_dim3A_431 = vector.broadcast %jit3A_426 : i32 to vector<32x16xi32>
    %select_n3A_432 = arith.select %broadcast_in_dim3A_428, %broadcast_in_dim3A_430, %broadcast_in_dim3A_431 : vector<32x16xi1>, vector<32x16xi32>
    %add3A_433 = arith.addi %add3A_406, %select_n3A_432 : vector<32x16xi32>
    %reduce_max3A_434 = arith.constant dense<0xFF800000> : vector<32xf32>
    %reduce_max3A_435 = vector.multi_reduction <maximumf>, %select_n3A_422, %reduce_max3A_434 [1] : vector<32x2048xf32> to vector<32xf32>
    %broadcast_in_dim3A_436 = vector.shape_cast %reduce_max3A_435 : vector<32xf32> to vector<32x1xf32>
    %eq3A_437 = vector.broadcast %broadcast_in_dim3A_436 : vector<32x1xf32> to vector<32x2048xf32>
    %eq3A_438 = arith.cmpf oeq, %select_n3A_422, %eq3A_437 : vector<32x2048xf32>
    %jit3A_439 = arith.constant 1073741824 : i32
    %broadcast_in_dim3A_440 = vector.broadcast %jit3A_439 : i32 to vector<32x2048xi32>
    %select_n3A_441 = arith.select %eq3A_438, %iota3A_81, %broadcast_in_dim3A_440 : vector<32x2048xi1>, vector<32x2048xi32>
    %reduce_min3A_442 = arith.constant dense<2147483647> : vector<32xi32>
    %reduce_min3A_443 = vector.multi_reduction <minsi>, %select_n3A_441, %reduce_min3A_442 [1] : vector<32x2048xi32> to vector<32xi32>
    %broadcast_in_dim3A_444 = vector.shape_cast %reduce_min3A_443 : vector<32xi32> to vector<32x1xi32>
    %eq3A_445 = vector.broadcast %broadcast_in_dim3A_444 : vector<32x1xi32> to vector<32x2048xi32>
    %eq3A_446 = arith.cmpi eq, %iota3A_81, %eq3A_445 : vector<32x2048xi32>
    %jit3A_447 = arith.constant 0xFF800000 : f32
    %broadcast_in_dim3A_448 = vector.broadcast %jit3A_447 : f32 to vector<32x2048xf32>
    %select_n3A_449 = arith.select %eq3A_446, %broadcast_in_dim3A_448, %select_n3A_422 : vector<32x2048xi1>, vector<32x2048xf32>
    %eq3A_450 = arith.constant 13 : i32
    %eq3A_451 = vector.broadcast %eq3A_450 : i32 to vector<1x16xi32>
    %eq3A_452 = arith.cmpi eq, %iota3A_82, %eq3A_451 : vector<1x16xi32>
    %jit3A_453 = arith.constant 0 : i32
    %broadcast_in_dim3A_454 = vector.shape_cast %eq3A_452 : vector<1x16xi1> to vector<1x16xi1>
    %broadcast_in_dim3A_455 = vector.broadcast %broadcast_in_dim3A_454 : vector<1x16xi1> to vector<32x16xi1>
    %broadcast_in_dim3A_456 = vector.shape_cast %broadcast_in_dim3A_444 : vector<32x1xi32> to vector<32x1xi32>
    %broadcast_in_dim3A_457 = vector.broadcast %broadcast_in_dim3A_456 : vector<32x1xi32> to vector<32x16xi32>
    %broadcast_in_dim3A_458 = vector.broadcast %jit3A_453 : i32 to vector<32x16xi32>
    %select_n3A_459 = arith.select %broadcast_in_dim3A_455, %broadcast_in_dim3A_457, %broadcast_in_dim3A_458 : vector<32x16xi1>, vector<32x16xi32>
    %add3A_460 = arith.addi %add3A_433, %select_n3A_459 : vector<32x16xi32>
    %reduce_max3A_461 = arith.constant dense<0xFF800000> : vector<32xf32>
    %reduce_max3A_462 = vector.multi_reduction <maximumf>, %select_n3A_449, %reduce_max3A_461 [1] : vector<32x2048xf32> to vector<32xf32>
    %broadcast_in_dim3A_463 = vector.shape_cast %reduce_max3A_462 : vector<32xf32> to vector<32x1xf32>
    %eq3A_464 = vector.broadcast %broadcast_in_dim3A_463 : vector<32x1xf32> to vector<32x2048xf32>
    %eq3A_465 = arith.cmpf oeq, %select_n3A_449, %eq3A_464 : vector<32x2048xf32>
    %jit3A_466 = arith.constant 1073741824 : i32
    %broadcast_in_dim3A_467 = vector.broadcast %jit3A_466 : i32 to vector<32x2048xi32>
    %select_n3A_468 = arith.select %eq3A_465, %iota3A_81, %broadcast_in_dim3A_467 : vector<32x2048xi1>, vector<32x2048xi32>
    %reduce_min3A_469 = arith.constant dense<2147483647> : vector<32xi32>
    %reduce_min3A_470 = vector.multi_reduction <minsi>, %select_n3A_468, %reduce_min3A_469 [1] : vector<32x2048xi32> to vector<32xi32>
    %broadcast_in_dim3A_471 = vector.shape_cast %reduce_min3A_470 : vector<32xi32> to vector<32x1xi32>
    %eq3A_472 = vector.broadcast %broadcast_in_dim3A_471 : vector<32x1xi32> to vector<32x2048xi32>
    %eq3A_473 = arith.cmpi eq, %iota3A_81, %eq3A_472 : vector<32x2048xi32>
    %jit3A_474 = arith.constant 0xFF800000 : f32
    %broadcast_in_dim3A_475 = vector.broadcast %jit3A_474 : f32 to vector<32x2048xf32>
    %select_n3A_476 = arith.select %eq3A_473, %broadcast_in_dim3A_475, %select_n3A_449 : vector<32x2048xi1>, vector<32x2048xf32>
    %eq3A_477 = arith.constant 14 : i32
    %eq3A_478 = vector.broadcast %eq3A_477 : i32 to vector<1x16xi32>
    %eq3A_479 = arith.cmpi eq, %iota3A_82, %eq3A_478 : vector<1x16xi32>
    %jit3A_480 = arith.constant 0 : i32
    %broadcast_in_dim3A_481 = vector.shape_cast %eq3A_479 : vector<1x16xi1> to vector<1x16xi1>
    %broadcast_in_dim3A_482 = vector.broadcast %broadcast_in_dim3A_481 : vector<1x16xi1> to vector<32x16xi1>
    %broadcast_in_dim3A_483 = vector.shape_cast %broadcast_in_dim3A_471 : vector<32x1xi32> to vector<32x1xi32>
    %broadcast_in_dim3A_484 = vector.broadcast %broadcast_in_dim3A_483 : vector<32x1xi32> to vector<32x16xi32>
    %broadcast_in_dim3A_485 = vector.broadcast %jit3A_480 : i32 to vector<32x16xi32>
    %select_n3A_486 = arith.select %broadcast_in_dim3A_482, %broadcast_in_dim3A_484, %broadcast_in_dim3A_485 : vector<32x16xi1>, vector<32x16xi32>
    %add3A_487 = arith.addi %add3A_460, %select_n3A_486 : vector<32x16xi32>
    %reduce_max3A_488 = arith.constant dense<0xFF800000> : vector<32xf32>
    %reduce_max3A_489 = vector.multi_reduction <maximumf>, %select_n3A_476, %reduce_max3A_488 [1] : vector<32x2048xf32> to vector<32xf32>
    %broadcast_in_dim3A_490 = vector.shape_cast %reduce_max3A_489 : vector<32xf32> to vector<32x1xf32>
    %eq3A_491 = vector.broadcast %broadcast_in_dim3A_490 : vector<32x1xf32> to vector<32x2048xf32>
    %eq3A_492 = arith.cmpf oeq, %select_n3A_476, %eq3A_491 : vector<32x2048xf32>
    %jit3A_493 = arith.constant 1073741824 : i32
    %broadcast_in_dim3A_494 = vector.broadcast %jit3A_493 : i32 to vector<32x2048xi32>
    %select_n3A_495 = arith.select %eq3A_492, %iota3A_81, %broadcast_in_dim3A_494 : vector<32x2048xi1>, vector<32x2048xi32>
    %reduce_min3A_496 = arith.constant dense<2147483647> : vector<32xi32>
    %reduce_min3A_497 = vector.multi_reduction <minsi>, %select_n3A_495, %reduce_min3A_496 [1] : vector<32x2048xi32> to vector<32xi32>
    %broadcast_in_dim3A_498 = vector.shape_cast %reduce_min3A_497 : vector<32xi32> to vector<32x1xi32>
    %eq3A_499 = arith.constant 15 : i32
    %eq3A_500 = vector.broadcast %eq3A_499 : i32 to vector<1x16xi32>
    %eq3A_501 = arith.cmpi eq, %iota3A_82, %eq3A_500 : vector<1x16xi32>
    %jit3A_502 = arith.constant 0 : i32
    %broadcast_in_dim3A_503 = vector.shape_cast %eq3A_501 : vector<1x16xi1> to vector<1x16xi1>
    %broadcast_in_dim3A_504 = vector.broadcast %broadcast_in_dim3A_503 : vector<1x16xi1> to vector<32x16xi1>
    %broadcast_in_dim3A_505 = vector.shape_cast %broadcast_in_dim3A_498 : vector<32x1xi32> to vector<32x1xi32>
    %broadcast_in_dim3A_506 = vector.broadcast %broadcast_in_dim3A_505 : vector<32x1xi32> to vector<32x16xi32>
    %broadcast_in_dim3A_507 = vector.broadcast %jit3A_502 : i32 to vector<32x16xi32>
    %select_n3A_508 = arith.select %broadcast_in_dim3A_504, %broadcast_in_dim3A_506, %broadcast_in_dim3A_507 : vector<32x16xi1>, vector<32x16xi32>
    %add3A_509 = arith.addi %add3A_487, %select_n3A_508 : vector<32x16xi32>
    %shift_right_arithmetic3A = arith.constant 8 : i32
    %shift_right_arithmetic3A_510 = vector.broadcast %shift_right_arithmetic3A : i32 to vector<32x16xi32>
    %shift_right_arithmetic3A_511 = arith.shrsi %add3A_509, %shift_right_arithmetic3A_510 : vector<32x16xi32>
    %and3A_512 = arith.constant 255 : i32
    %and3A_513 = vector.broadcast %and3A_512 : i32 to vector<32x16xi32>
    %and3A_514 = arith.andi %add3A_509, %and3A_513 : vector<32x16xi32>
    %shift_right_arithmetic3A_515 = arith.constant 4 : i32
    %shift_right_arithmetic3A_516 = vector.broadcast %shift_right_arithmetic3A_515 : i32 to vector<32x16xi32>
    %shift_right_arithmetic3A_517 = arith.shrsi %and3A_514, %shift_right_arithmetic3A_516 : vector<32x16xi32>
    %and3A_518 = arith.constant 15 : i32
    %and3A_519 = vector.broadcast %and3A_518 : i32 to vector<32x16xi32>
    %and3A_520 = arith.andi %and3A_514, %and3A_519 : vector<32x16xi32>
    %iota3A_521 = tpu.iota {dimensions = array<i32: 2>} : vector<1x1x8x16xi32>
    %iota3A_522 = tpu.iota {dimensions = array<i32: 3>} : vector<1x1x8x16xi32>
    %broadcast_in_dim3A_523 = vector.shape_cast %shift_right_arithmetic3A_511 : vector<32x16xi32> to vector<32x16x1x1xi32>
    %eq3A_524 = vector.broadcast %broadcast_in_dim3A_523 : vector<32x16x1x1xi32> to vector<32x16x8x16xi32>
    %eq3A_525 = vector.broadcast %iota3A_521 : vector<1x1x8x16xi32> to vector<32x16x8x16xi32>
    %eq3A_526 = arith.cmpi eq, %eq3A_524, %eq3A_525 : vector<32x16x8x16xi32>
    %broadcast_in_dim3A_527 = vector.shape_cast %shift_right_arithmetic3A_517 : vector<32x16xi32> to vector<32x16x1x1xi32>
    %eq3A_528 = vector.broadcast %broadcast_in_dim3A_527 : vector<32x16x1x1xi32> to vector<32x16x8x16xi32>
    %eq3A_529 = vector.broadcast %iota3A_522 : vector<1x1x8x16xi32> to vector<32x16x8x16xi32>
    %eq3A_530 = arith.cmpi eq, %eq3A_528, %eq3A_529 : vector<32x16x8x16xi32>
    %and3A_531 = arith.andi %eq3A_526, %eq3A_530 : vector<32x16x8x16xi1>
    %broadcast_in_dim3A_532 = vector.shape_cast %shift_right_arithmetic3A_511 : vector<32x16xi32> to vector<32x16x1x1xi32>
    %eq3A_533 = vector.broadcast %broadcast_in_dim3A_532 : vector<32x16x1x1xi32> to vector<32x16x8x16xi32>
    %eq3A_534 = vector.broadcast %iota3A_521 : vector<1x1x8x16xi32> to vector<32x16x8x16xi32>
    %eq3A_535 = arith.cmpi eq, %eq3A_533, %eq3A_534 : vector<32x16x8x16xi32>
    %broadcast_in_dim3A_536 = vector.shape_cast %and3A_520 : vector<32x16xi32> to vector<32x16x1x1xi32>
    %eq3A_537 = vector.broadcast %broadcast_in_dim3A_536 : vector<32x16x1x1xi32> to vector<32x16x8x16xi32>
    %eq3A_538 = vector.broadcast %iota3A_522 : vector<1x1x8x16xi32> to vector<32x16x8x16xi32>
    %eq3A_539 = arith.cmpi eq, %eq3A_537, %eq3A_538 : vector<32x16x8x16xi32>
    %and3A_540 = arith.andi %eq3A_535, %eq3A_539 : vector<32x16x8x16xi1>
    %broadcast_in_dim3A_541 = vector.shape_cast %reduce_sum3A_25 : vector<32x8x16xf32> to vector<32x1x8x16xf32>
    %jit3A_542 = arith.constant 0.000000e+00 : f32
    %broadcast_in_dim3A_543 = vector.shape_cast %broadcast_in_dim3A_541 : vector<32x1x8x16xf32> to vector<32x1x8x16xf32>
    %broadcast_in_dim3A_544 = vector.broadcast %broadcast_in_dim3A_543 : vector<32x1x8x16xf32> to vector<32x16x8x16xf32>
    %broadcast_in_dim3A_545 = vector.broadcast %jit3A_542 : f32 to vector<32x16x8x16xf32>
    %select_n3A_546 = arith.select %and3A_531, %broadcast_in_dim3A_544, %broadcast_in_dim3A_545 : vector<32x16x8x16xi1>, vector<32x16x8x16xf32>
    %reduce_sum3A_547 = arith.constant dense<0.000000e+00> : vector<32x16xf32>
    %reduce_sum3A_548 = vector.multi_reduction <add>, %select_n3A_546, %reduce_sum3A_547 [2, 3] : vector<32x16x8x16xf32> to vector<32x16xf32>
    %swap3A = arith.constant 0 : index
    %swap3A_549 = arith.constant 0 : index
    %swap3A_550 = vector.load %arg4[%swap3A, %swap3A_549] : memref<32x16xf32, #tpu.memory_space<vmem>>, vector<32x16xf32>
    tpu.vector_store %arg4[%swap3A, %swap3A_549], %reduce_sum3A_548 {strides = array<i32>} : memref<32x16xf32, #tpu.memory_space<vmem>>, vector<32x16xf32>,
    %broadcast_in_dim3A_551 = vector.shape_cast %reduce_sum3A_69 : vector<32x8x16xf32> to vector<32x1x8x16xf32>
    %jit3A_552 = arith.constant 0.000000e+00 : f32
    %broadcast_in_dim3A_553 = vector.shape_cast %broadcast_in_dim3A_551 : vector<32x1x8x16xf32> to vector<32x1x8x16xf32>
    %broadcast_in_dim3A_554 = vector.broadcast %broadcast_in_dim3A_553 : vector<32x1x8x16xf32> to vector<32x16x8x16xf32>
    %broadcast_in_dim3A_555 = vector.broadcast %jit3A_552 : f32 to vector<32x16x8x16xf32>
    %select_n3A_556 = arith.select %and3A_540, %broadcast_in_dim3A_554, %broadcast_in_dim3A_555 : vector<32x16x8x16xi1>, vector<32x16x8x16xf32>
    %reduce_sum3A_557 = arith.constant dense<0.000000e+00> : vector<32x16xf32>
    %reduce_sum3A_558 = vector.multi_reduction <add>, %select_n3A_556, %reduce_sum3A_557 [2, 3] : vector<32x16x8x16xf32> to vector<32x16xf32>
    %swap3A_559 = arith.constant 0 : index
    %swap3A_560 = arith.constant 0 : index
    %swap3A_561 = vector.load %arg5[%swap3A_559, %swap3A_560] : memref<32x16xf32, #tpu.memory_space<vmem>>, vector<32x16xf32>
    tpu.vector_store %arg5[%swap3A_559, %swap3A_560], %reduce_sum3A_558 {strides = array<i32>} : memref<32x16xf32, #tpu.memory_space<vmem>>, vector<32x16xf32>,
    %broadcast_in_dim3A_562 = vector.shape_cast %reduce_sum3A_32 : vector<32x8x16xi32> to vector<32x1x8x16xi32>
    %jit3A_563 = arith.constant 0 : i32
    %broadcast_in_dim3A_564 = vector.shape_cast %broadcast_in_dim3A_562 : vector<32x1x8x16xi32> to vector<32x1x8x16xi32>
    %broadcast_in_dim3A_565 = vector.broadcast %broadcast_in_dim3A_564 : vector<32x1x8x16xi32> to vector<32x16x8x16xi32>
    %broadcast_in_dim3A_566 = vector.broadcast %jit3A_563 : i32 to vector<32x16x8x16xi32>
    %select_n3A_567 = arith.select %and3A_531, %broadcast_in_dim3A_565, %broadcast_in_dim3A_566 : vector<32x16x8x16xi1>, vector<32x16x8x16xi32>
    %reduce_sum3A_568 = arith.constant dense<0> : vector<32x16xi32>
    %reduce_sum3A_569 = vector.multi_reduction <add>, %select_n3A_567, %reduce_sum3A_568 [2, 3] : vector<32x16x8x16xi32> to vector<32x16xi32>
    %swap3A_570 = arith.constant 0 : index
    %swap3A_571 = arith.constant 0 : index
    %swap3A_572 = vector.load %arg6[%swap3A_570, %swap3A_571] : memref<32x16xi32, #tpu.memory_space<vmem>>, vector<32x16xi32>
    tpu.vector_store %arg6[%swap3A_570, %swap3A_571], %reduce_sum3A_569 {strides = array<i32>} : memref<32x16xi32, #tpu.memory_space<vmem>>, vector<32x16xi32>,
    %broadcast_in_dim3A_573 = vector.shape_cast %reduce_sum3A_76 : vector<32x8x16xi32> to vector<32x1x8x16xi32>
    %jit3A_574 = arith.constant 0 : i32
    %broadcast_in_dim3A_575 = vector.shape_cast %broadcast_in_dim3A_573 : vector<32x1x8x16xi32> to vector<32x1x8x16xi32>
    %broadcast_in_dim3A_576 = vector.broadcast %broadcast_in_dim3A_575 : vector<32x1x8x16xi32> to vector<32x16x8x16xi32>
    %broadcast_in_dim3A_577 = vector.broadcast %jit3A_574 : i32 to vector<32x16x8x16xi32>
    %select_n3A_578 = arith.select %and3A_540, %broadcast_in_dim3A_576, %broadcast_in_dim3A_577 : vector<32x16x8x16xi1>, vector<32x16x8x16xi32>
    %reduce_sum3A_579 = arith.constant dense<0> : vector<32x16xi32>
    %reduce_sum3A_580 = vector.multi_reduction <add>, %select_n3A_578, %reduce_sum3A_579 [2, 3] : vector<32x16x8x16xi32> to vector<32x16xi32>
    %swap3A_581 = arith.constant 0 : index
    %swap3A_582 = arith.constant 0 : index
    %swap3A_583 = vector.load %arg7[%swap3A_581, %swap3A_582] : memref<32x16xi32, #tpu.memory_space<vmem>>, vector<32x16xi32>
    tpu.vector_store %arg7[%swap3A_581, %swap3A_582], %reduce_sum3A_580 {strides = array<i32>} : memref<32x16xi32, #tpu.memory_space<vmem>>, vector<32x16xi32>,
    %swap3A_584 = arith.constant 0 : index
    %swap3A_585 = arith.constant 0 : index
    %swap3A_586 = vector.load %arg8[%swap3A_584, %swap3A_585] : memref<32x16xi32, #tpu.memory_space<vmem>>, vector<32x16xi32>
    tpu.vector_store %arg8[%swap3A_584, %swap3A_585], %shift_right_arithmetic3A_511 {strides = array<i32>} : memref<32x16xi32, #tpu.memory_space<vmem>>, vector<32x16xi32>,
    return
  }
}

</mosaic_0001>

<sc_bundles>
// kernel: kernel.4.cloned.1.call-start
scs
__scs_entry_jumppad:
0x0: {  	(pc) =	sbr.rel $0x88, $3  }
0x1: {  	(tag) =	ssettag $0x0;
	lr =	simm.s32 $0x1  }
0x2: {  	[smem:$0x3F9C] =	sst lr;
	_ =	strace $0xD0000000  }
0x3: {  	_ = 	snop  }
0x4: {  	_ = 	snop  }
0x5: {  	_ = 	snop  }
0x6: {  	_ = 	snop  }
0x7: {  	_ = 	snop  }
__scs_overlays_trampoline_lowered:
0x8: {  	[smem:$0x3FAB] =	sst s0  }
0x9: {  	[smem:$0x3FAC] =	sst s1  }
0xa: {  	[smem:$0x3FAD] =	sst s2  }
0xb: {  	[smem:$0x3FAE] =	sst s3  }
0xc: {  	[smem:$0x3FAF] =	sst s4  }
0xd: {  	[smem:$0x3FB0] =	sst s5  }
0xe: {  	[smem:$0x3FB1] =	sst s6  }
0xf: {  	[smem:$0x3FB2] =	sst s7  }
0x10: {  	[smem:$0x3FB3] =	sst s8  }
0x11: {  	[smem:$0x3FB4] =	sst s9;
	s0 =	simm.s32 @!p0 $0x0  }
0x12: {  	s1 =	sld [smem:$0x3F9A];
	s0 =	simm.s32 @p0 $0x1  }
0x13: {  	[smem:$0x3FB5] =	sst s0;
	s0 =	simm.s32 @!p1 $0x0  }
0x14: {  	s2 =	sld [smem:$0x3F99];
	s0 =	simm.s32 @p1 $0x1  }
0x15: {  	[smem:$0x3FB6] =	sst s0;
	s0 =	simm.s32 @!p2 $0x0  }
0x16: {  	s3 =	sld [smem:$0x3FDB];
	s0 =	simm.s32 @p2 $0x1  }
0x17: {  	s4 =	simm.s32 $0x1BF5;
	[smem:$0x3FB8] =	sst s0  }
0x18: {  	s0 =	sld [smem:$0x3F9B];
	_ =	swait.ge [sflag:s4], $0x0  }
0x19: {  	s7 =	sld [smem:$0x3F9C]  }
0x1a: {  	s8 =	sadd.s32 $0xFFFFE003, lr  }
0x1b: {  	s9 =	sadd.s32 $0xFFFFFEF7, lr;
	s5 =	simm.s32 $0xFFFFFFFF;
	p2 =	slt.u32 s8, $0xFFFFF086  }
0x1c: {  	p1 =	slt.u32 s9, $0xF7A;
	s5 =	simm.s32 @!p2 $0x0  }
0x1d: {  	s5 =	simm.s32 @p1 $0x1;
	p0 =	seq.s32 s7, s2  }
0x1e: {  	s7 =	smul.u32 @!p0 $0xF7A, s2;
	p2 =	seq.s32 @!p0 s5, $0x0  }
0x1f: {  	s9 =	smul.u32 $0xF7A, s1;
	s8 =	simm.s32 @!p0 $0x1BF5;
	p2 =	por !p2, p0  }
0x20: {  	[sflag:s8] =	ssyncset.s32 @!p0 $0xFFFFF086;
	s6 =	sadd.s32 @!p0 s3, s7;
	s7 =	simm.s32 @!p0 $0x108  }
0x21: {  	s3 =	sadd.s32 s3, s9;
	s6 =	sadd.s32 @!p0 $0x88, s6;
	s7 =	simm.s32 @p2 $0x1082  }
0x22: {  	[simem:s7], [sflag:s8] =	dma.local @!p0 [hbm:s6], $0xF7A  }
0x23: {  	s9 =	sor.u32 $0xD0000000, s2;
	s6 =	simm.s32 $0x108;
	_ =	swait.ge @!p0 [sflag:s8], $0x0  }
0x24: {  	s3 =	sadd.s32 $0x88, s3;
	s6 =	simm.s32 @!p1 $0x1082;
	[sflag:s4] =	ssyncset.s32 $0xFFFFF086  }
0x25: {  	[simem:s6], [sflag:s4] =	dma.local [hbm:s3], $0xF7A  }
0x26: {  	[smem:$0x3F9C] =	sst s1;
	(tag) =	ssettag s2;
	_ =	strace s9  }
0x27: {  	s1 =	sld [smem:$0x3FAC]  }
0x28: {  	s2 =	sld [smem:$0x3FAD]  }
0x29: {  	s4 =	sld [smem:$0x3FAF]  }
0x2a: {  	p0 =	seq.s32 s5, $0x0;
	s5 =	sld [smem:$0x3FB0]  }
0x2b: {  	s6 =	sld [smem:$0x3FB1]  }
0x2c: {  	s7 =	sld [smem:$0x3FB2]  }
0x2d: {  	s3 =	simm.s32 $0x108;
	s8 =	sld [smem:$0x3FB3]  }
0x2e: {  	s3 =	simm.s32 @!p0 $0x1082;
	s9 =	sld [smem:$0x3FB4]  }
0x2f: {  	lr =	sadd.s32 s0, s3;
	s0 =	sld [smem:$0x3FAB]  }
0x30: {  	s3 =	sld [smem:$0x3FAE]  }
0x31: {  	[smem:$0x3FB7] =	sst s10  }
0x32: {  	s10 =	sld [smem:$0x3FB5];
	_ =	sdelay $0x3  }
0x33: {  	p0 =	seq.s32 s10, $0x1;
	s10 =	sld [smem:$0x3FB7];
	_ =	sdelay $0x3  }
0x34: {  	[smem:$0x3FB7] =	sst s10  }
0x35: {  	s10 =	sld [smem:$0x3FB6];
	_ =	sdelay $0x3  }
0x36: {  	p1 =	seq.s32 s10, $0x1;
	s10 =	sld [smem:$0x3FB7];
	_ =	sdelay $0x3  }
0x37: {  	[smem:$0x3FB7] =	sst s10  }
0x38: {  	s10 =	sld [smem:$0x3FB8]  }
0x39: {  	_ = 	snop;
	(pc) =	sbr.ind lr, $3  }
0x3a: {  	_ = 	snop  }
0x3b: {  	_ = 	snop  }
0x3c: {  	p2 =	seq.s32 s10, $0x1;
	s10 =	sld [smem:$0x3FB7]  }
0x3d: {  	_ =	shalt  }
0x3e: {  	_ =	shalt  }
0x3f: {  	_ =	shalt  }
0x40: {  	_ =	shalt  }
0x41: {  	_ =	shalt  }
0x42: {  	_ =	shalt  }
0x43: {  	_ =	shalt  }
0x44: {  	_ =	shalt  }
0x45: {  	_ =	shalt  }
0x46: {  	_ =	shalt  }
0x47: {  	_ =	shalt  }
0x48: {  	_ =	shalt  }
0x49: {  	_ =	shalt  }
0x4a: {  	_ =	shalt  }
0x4b: {  	_ =	shalt  }
0x4c: {  	_ =	shalt  }
0x4d: {  	_ =	shalt  }
0x4e: {  	_ =	shalt  }
0x4f: {  	_ =	shalt  }
0x50: {  	_ =	shalt  }
0x51: {  	_ =	shalt  }
0x52: {  	_ =	shalt  }
0x53: {  	_ =	shalt  }
0x54: {  	_ =	shalt  }
0x55: {  	_ =	shalt  }
0x56: {  	_ =	shalt  }
0x57: {  	_ =	shalt  }
0x58: {  	_ =	shalt  }
0x59: {  	_ =	shalt  }
0x5a: {  	_ =	shalt  }
0x5b: {  	_ =	shalt  }
0x5c: {  	_ =	shalt  }
0x5d: {  	_ =	shalt  }
0x5e: {  	_ =	shalt  }
0x5f: {  	_ =	shalt  }
0x60: {  	_ =	shalt  }
0x61: {  	_ =	shalt  }
0x62: {  	_ =	shalt  }
0x63: {  	_ =	shalt  }
0x64: {  	_ =	shalt  }
0x65: {  	_ =	shalt  }
0x66: {  	_ =	shalt  }
0x67: {  	_ =	shalt  }
0x68: {  	_ =	shalt  }
0x69: {  	_ =	shalt  }
0x6a: {  	_ =	shalt  }
0x6b: {  	_ =	shalt  }
0x6c: {  	_ =	shalt  }
0x6d: {  	_ =	shalt  }
0x6e: {  	_ =	shalt  }
0x6f: {  	_ =	shalt  }
0x70: {  	_ =	shalt  }
0x71: {  	_ =	shalt  }
0x72: {  	_ =	shalt  }
0x73: {  	_ =	shalt  }
0x74: {  	_ =	shalt  }
0x75: {  	_ =	shalt  }
0x76: {  	_ =	shalt  }
0x77: {  	_ =	shalt  }
0x78: {  	_ =	shalt  }
0x79: {  	_ =	shalt  }
0x7a: {  	_ =	shalt  }
0x7b: {  	_ =	shalt  }
0x7c: {  	_ =	shalt  }
0x7d: {  	_ =	shalt  }
0x7e: {  	_ =	shalt  }
0x7f: {  	_ =	shalt  }
0x80: {  	_ =	shalt  }
0x81: {  	_ =	shalt  }
0x82: {  	_ =	shalt  }
0x83: {  	_ =	shalt  }
0x84: {  	_ =	shalt  }
0x85: {  	_ =	shalt  }
0x86: {  	_ =	shalt  }
0x87: {  	_ =	shalt  }
.Lfunc_end0:
.L_simem_size_0:
called_computation_lowered:
.L_overlay_start_0:
0x88: {  	s2 =	sld [smem:$0x3FD9]  }
0x89: {  	s3 =	sld [smem:$0x3FFE];
	_ =	sdelay $0x1  }
0x8a: {  	s1 =	srdreg.scid  }
0x8b: {  	s0 =	sand.u32 $0x1, s1  }
0x8c: {  	s17 =	sshll.u32 s0, $0xA;
	s2 =	sadd.s32 s3, s2  }
0x8d: {  	s2 =	sadd.s32 s2, s17  }
0x8e: {  	[smem:$0x3FC3] =	sst s2  }
0x8f: {  	_ = 	snop  }
0x90: {  	s2 =	sld [smem:$0x3FC8]  }
0x91: {  	s18 =	sld [smem:$0x3FC7];
	(tm) =	ssettm $0x1  }
0x92: {  	s4 =	sld [smem:$0x3FFB];
	_ =	sdelay $0x3  }
0x93: {  	_ =	strace s4  }
0x94: {  	s4 =	sld [smem:$0x3FFC];
	_ =	sdelay $0x3  }
0x95: {  	_ =	strace s4  }
0x96: {  	s4 =	sld [smem:$0x3FFD];
	_ =	sdelay $0x3  }
0x97: {  	_ =	strace s4  }
0x98: {  	_ =	strace $0x8FFFFFFF  }
0x99: {  	s19 =	sld [smem:$0x3FDB];
	_ =	sdelay $0x1  }
0x9a: {  	s5 =	simm.s32 $_scs_section_size  }
0x9b: {  	s6 =	simm.s32 $_size__tile_overlayer_lowered;
	s7 =	simm.s32 $_tile_overlayer_lowered  }
0x9c: {  	s22 =	simm.s32 $0x1BFF;
	s21 =	sshll.u32 s7, $0x1;
	s4 =	sadd.s32 s5, s19  }
0x9d: {  	s8 =	simm.s32 $0x0;
	s20 =	sshll.u32 s6, $0x1;
	s6 =	sadd.s32 s21, s4  }
0x9e: {  	[timem:s8], [sflag:s22] =	dma.local [hbm:s6], s20  }
0x9f: {  	_ =	swait.ge [sflag:s22], s20  }
0xa0: {  	s5 =	ssub.s32 $0x0, s20;
	[sflag:s22] =	ssyncset.done $0x0  }
0xa1: {  	[sflag:s22] =	ssyncadd.s32 s5;
	_ =	sdelay $0x1  }
0xa2: {  	s23 =	simm.s32 $0x1B8B  }
0xa3: {  	_ =	swait.ge [sflag:s23], $0x1  }
0xa4: {  	[sflag:s23] =	ssyncset.done $0x0  }
0xa5: {  	s25 =	simm.s32 $0x1B8E;
	s24 =	sld [smem:$0x3FFE];
	[sflag:s23] =	ssyncadd.s32 $0xFFFFFFFF  }
0xa6: {  	s26 =	simm.s32 $execute0_lowered;
	[smem:$0x3FD2] =	sst s25  }
0xa7: {  	s6 =	sshll.u32 s26, $0x1;
	_ =	strace $0x80000046;
	[dreg:$0x1] =	wrdreg $0xFFFFFFFF  }
0xa8: {  	s28 =	simm.s32 $_size_execute0_lowered;
	s4 =	sadd.s32 s4, s6;
	[dreg:$0x0] =	wrdreg $0x0  }
0xa9: {  	s6 =	sshll.u32 s28, $0x1;
	[dreg:$0x2] =	wrdreg s4  }
0xaa: {  	[dreg:$0x3] =	wrdreg s6  }
0xab: {  	[dreg:$0x4] =	wrdreg $0xC0  }
0xac: {  	_ =	task [dreg:s8], $0x5FFFF  }
0xad: {  	[dreg:$0x1] =	wrdreg $0xFFFFFFFF  }
0xae: {  	[dreg:$0x0] =	wrdreg $0x60  }
0xaf: {  	[dreg:$0x2] =	wrdreg s2  }
0xb0: {  	[dreg:$0x3] =	wrdreg s18  }
0xb1: {  	[dreg:$0x4] =	wrdreg s24  }
0xb2: {  	[dreg:$0x5] =	wrdreg $0x9  }
0xb3: {  	_ =	task.clear_ibuf [dreg:s8], $0x6FFFF;
	_ =	strace $0x90000046  }
0xb4: {  	s29 =	simm.s32 $0x9;
	_ =	strace $0x80000048  }
0xb5: {  	_ =	swait.ge [sflag:s29], $0x1  }
0xb6: {  	[sflag:s29] =	ssyncadd.s32 $0xFFFFFFFF  }
0xb7: {  	_ =	strace $0x90000048  }
0xb8: {  	_ =	sfence  }
0xb9: {  	s30 =	sld [smem:$0x0];
	_ =	sdelay $0x2  }
0xba: {  	s31 =	sshll.u32 s1, $0xD;
	s1 =	sshrl.u32 s1, $0x2  }
0xbb: {  	s3 =	sand.u32 $0x4000, s31;
	s1 =	sadd.s32 s1, s30  }
0xbc: {  	s0 =	sor.u32 s3, s0;
	s1 =	sshll.u32 s1, $0x11  }
0xbd: {  	s0 =	sor.u32 s1, s0  }
0xbe: {  	s0 =	sadd.s32 $0x8F2B, s0  }
0xbf: {  	[sflag:s0] =	ssyncadd.remote.s32 $0x1  }
0xc0: {  	_ =	sfence.sel $0xFFFF  }
0xc1: {  	[dreg:$0x0] =	wrdreg $0xFFFFFFFF;
	(pc) =	sbr.abs _section_cstart, $3  }
0xc2: {  	[dreg:$0x1] =	wrdreg $0xFFFFFFFF  }
0xc3: {  	_ =	task.clear_ibuf [dreg:s8], $0x2FFFF;
	_ =	strace $0x9FFFFFFF  }
0xc4: {  	(tm) =	ssettm $0x7FFFFFFF  }
0xc5: {  	_ =	shalt  }
tec
execute0_lowered:
.L_overlay_start_1:
0x0: {  	(tag) =	ssettag $0x1  }
0x1: {  	s1 =	rddreg [dreg:$0x0]  }
0x2: {  	s0 =	rddreg [dreg:$0x1]  }
0x3: {  	s2 =	srdreg.scid;
	s3 =	stileid.u32  }
0x4: {  	s4 =	rddreg [dreg:$0x2];
	s15 =	simm.s32 $0x3;
	s17 =	simm.s32 $0x80  }
0x5: {  	s18 =	simm.s32 $0x400;
	s19 =	simm.s32 $0x1;
	s20 =	simm.s32 $0x8000  }
0x6: {  	s21 =	simm.s32 $0x10000;
	s22 =	simm.s32 $0x10800;
	s23 =	simm.s32 $0x2  }
0x7: {  	s24 =	simm.s32 $0x10980;
	s25 =	simm.s32 $0x10A00;
	s26 =	simm.s32 $0x10A80  }
0x8: {  	s28 =	simm.s32 $0x10B00;
	s2 =	sand.u32 $0x1, s2;
	s5 =	sshll.u32 s3, $0x1  }
0x9: {  	v0 =	vlaneseq.u32;
	s29 =	simm.s32 $0x0;
	s3 =	simm.s32 $0x0;
	s5 =	sor.u32 s2, s5  }
0xa: {  	v1 =	vmul.u32 $0x11, v0;
	v4 =	vmul.u32 $0xFFFFFFFF, v0;
	[smem:$0x7FF] =	sst s3;
	s2 =	ssub.s32 $0x2, s2;
	s6 =	sshll.u32 s5, $0x4  }
0xb: {  	v3 =	vor.u32 $0x10, v0;
	v6 =	vor.u32 $0x20, v0;
	v8 =	vor.u32 $0x30, v0;
	_ =	strace $0x80000047;
	s31 =	sshrl.u32 s2, $0x1;
	s8 =	sshll.u32 s5, $0xF  }
0xc: {  	v10 =	vor.u32 $0x40, v0;
	v12 =	vor.u32 $0x50, v0;
	v14 =	vor.u32 $0x60, v0;
	s12 =	sadd.s32 s6, s4;
	s2 =	ssub.s32 s2, s31;
	s4 =	sshll.u32 s5, $0x3  }
0xd: {  	v16 =	vor.u32 $0x70, v0;
	v2 =	vor.u32 $0x100, v1;
	v4 =	vadd.s32 $0xF, v4;
	s7 =	sadd.s32 s1, s8;
	s8 =	sadd.s32 s0, s8;
	s5 =	sadd.s32 $0xC00, s12  }
0xe: {  	v5 =	vor.u32 $0x200, v1;
	v7 =	vor.u32 $0x300, v1;
	v9 =	vor.u32 $0x400, v1;
	s6 =	sadd.s32 $0xA00, s12;
	s9 =	sadd.s32 $0xE00, s12;
	s10 =	sadd.s32 $0x1000, s12  }
0xf: {  	v11 =	vor.u32 $0x500, v1;
	v13 =	vor.u32 $0x600, v1;
	v15 =	vor.u32 $0x700, v1;
	s11 =	sadd.s32 $0x1200, s12;
	s12 =	sadd.s32 $0x1400, s12;
	s13 =	smax.u32 s2, $0x1  }
.LBB2_1:
0x10: {  	s0 =	simm.s32 $0x10880  }
0x11: {  	[tilespmem:s0], [sflag:$0x3] =	stream.linear.gather [hbm4b:s5+s3], $0x80, $0x38;
	[tilespmem:$0x10B80] =	vst v63  }
0x12: {  	_ =	swait.ge [sflag:s15], $0x80  }
0x13: {  	[sflag:s15] =	ssyncset.done $0x0  }
0x14: {  	s31 =	simm.s32 $0x10900;
	[sflag:s15] =	ssyncadd.s32 $0xFFFFFF80  }
0x15: {  	[tilespmem:s31], [sflag:$0x3] =	stream.linear.gather [hbm4b:s6+s3], $0x80, $0x38;
	[tilespmem:$0x10B80] =	vst v63  }
0x16: {  	_ =	swait.ge [sflag:s15], $0x80  }
0x17: {  	[sflag:s15] =	ssyncset.done $0x0  }
0x18: {  	s30 =	simm.s32 $0x0;
	[sflag:s15] =	ssyncadd.s32 $0xFFFFFF80  }
0x19: {  	[tilespmem:s3], [sflag:$0x1] =	stream.strided.gather [hbm4b:s7+s17], $0x8000, s18, s17, $0x38;
	[tilespmem:$0x10B80] =	vst v63  }
.LBB2_2:
0x1a: {  	_ =	swait.ge [sflag:s19], $0x8000  }
0x1b: {  	s31 =	sshll.u32 s30, $0x4;
	[sflag:s19] =	ssyncset.done $0x0  }
0x1c: {  	s0 =	sadd.s32 s31, s8;
	[sflag:s19] =	ssyncadd.s32 $0xFFFF8000  }
0x1d: {  	[tilespmem:s20], [sflag:$0x2] =	stream.strided.gather [hbm4b:s0+s17], $0x8000, s18, s17, $0x38;
	[tilespmem:$0x10B80] =	vst v63  }
0x1e: {  	s16 =	simm.s32 $0x100;
	v17 =	vld [tilespmem:s31+$0x10880]  }
0x1f: {  	v18 =	vld [tilespmem:s16+$0x0]  }
0x20: {  	v19 =	vld [tilespmem:s16+$0x10]  }
0x21: {  	v20 =	vld [tilespmem:s16+$0x20]  }
0x22: {  	v21 =	vld [tilespmem:s16+$0x30]  }
0x23: {  	v22 =	vld [tilespmem:s16+$0x40]  }
0x24: {  	v23 =	vld [tilespmem:s16+$0x50]  }
0x25: {  	v24 =	vld [tilespmem:s16+$0x60]  }
0x26: {  	v25 =	vld [tilespmem:s16+$0x70]  }
0x27: {  	v26 =	vld [tilespmem:s16+$0x80]  }
0x28: {  	v27 =	vld [tilespmem:s16+$0x90]  }
0x29: {  	v28 =	vld [tilespmem:s16+$0xA0]  }
0x2a: {  	v29 =	vld [tilespmem:s16+$0xB0]  }
0x2b: {  	v30 =	vld [tilespmem:s16+$0xC0]  }
0x2c: {  	v31 =	vld [tilespmem:s16+$0xD0]  }
0x2d: {  	v32 =	vld [tilespmem:s16+$0xE0]  }
0x2e: {  	v33 =	vld [tilespmem:s16+$0xF0]  }
0x2f: {  	v34 =	vld [tilespmem:s16+$0xFFFFFF10]  }
0x30: {  	v35 =	vld [tilespmem:s16+$0xFFFFFF20]  }
0x31: {  	v36 =	vld [tilespmem:s16+$0xFFFFFF30]  }
0x32: {  	v37 =	vld [tilespmem:s16+$0xFFFFFF40]  }
0x33: {  	v38 =	vld [tilespmem:s16+$0xFFFFFF50]  }
0x34: {  	v39 =	vld [tilespmem:s16+$0xFFFFFF60]  }
0x35: {  	v40 =	vld [tilespmem:s16+$0xFFFFFF70]  }
0x36: {  	v41 =	vld [tilespmem:s16+$0xFFFFFF80]  }
0x37: {  	v42 =	vld [tilespmem:s16+$0xFFFFFF90]  }
0x38: {  	v43 =	vld [tilespmem:s16+$0xFFFFFFA0]  }
0x39: {  	v44 =	vld [tilespmem:s16+$0xFFFFFFB0]  }
0x3a: {  	v45 =	vld [tilespmem:s16+$0xFFFFFFC0]  }
0x3b: {  	v46 =	vld [tilespmem:s16+$0xFFFFFFD0]  }
0x3c: {  	v47 =	vld [tilespmem:s16+$0xFFFFFFE0]  }
0x3d: {  	v48 =	vld [tilespmem:s16+$0xFFFFFFF0]  }
0x3e: {  	s14 =	simm.s32 $0x300;
	v49 =	vld [tilespmem:s16+$0xFFFFFF00]  }
0x3f: {  	v50 =	vld [tilespmem:s14+$0x0]  }
0x40: {  	v51 =	vld [tilespmem:s14+$0x10]  }
0x41: {  	v52 =	vld [tilespmem:s14+$0x20]  }
0x42: {  	v53 =	vld [tilespmem:s14+$0x30]  }
0x43: {  	v54 =	vld [tilespmem:s14+$0x40]  }
0x44: {  	v55 =	vld [tilespmem:s14+$0x50]  }
0x45: {  	v56 =	vld [tilespmem:s14+$0x60]  }
0x46: {  	v59 =	vld [tilespmem:s14+$0xE0]  }
0x47: {  	v60 =	vld [tilespmem:s14+$0xF0];
	v18 =	vmax.f32 v18, v19;
	v20 =	vmax.f32 v20, v21;
	v21 =	vmax.f32 v22, v23  }
0x48: {  	v19 =	vld [tilespmem:s14+$0x70];
	v22 =	vmax.f32 v24, v25;
	v24 =	vmax.f32 v26, v27;
	v25 =	vmax.f32 v28, v29  }
0x49: {  	v23 =	vld [tilespmem:s14+$0x80];
	v26 =	vmax.f32 v30, v31;
	v28 =	vmax.f32 v32, v33;
	v30 =	vmax.f32 v43, v44  }
0x4a: {  	v27 =	vld [tilespmem:s14+$0x90];
	v57 =	vmax.f32 v45, v46;
	v58 =	vmax.f32 v47, v48;
	v34 =	vmax.f32 v49, v34  }
0x4b: {  	v29 =	vld [tilespmem:s14+$0xC0];
	v61 =	vmax.f32 v54, v55;
	v18 =	vmax.f32 v18, v20;
	v20 =	vmax.f32 v21, v22  }
0x4c: {  	v31 =	vld [tilespmem:s14+$0xD0];
	v22 =	vmax.f32 v24, v25;
	v24 =	vmax.f32 v26, v28;
	v26 =	vmax.f32 v37, v38  }
0x4d: {  	v21 =	vld [tilespmem:s14+$0xA0];
	v28 =	vmax.f32 v39, v40;
	v20 =	vmax.f32 v18, v20;
	v18 =	vmax.f32 v35, v36  }
0x4e: {  	v25 =	vld [tilespmem:s14+$0xB0];
	v26 =	vmax.f32 v26, v28;
	v28 =	vmax.f32 v41, v42;
	v22 =	vmax.f32 v22, v24  }
0x4f: {  	v62 =	vld [tilespmem:s14+$0xFFFFFF40];
	v28 =	vmax.f32 v28, v30;
	v30 =	vmax.f32 v57, v58;
	v18 =	vmax.f32 v34, v18  }
0x50: {  	v20 =	vmax.f32 v20, v22;
	v24 =	vmax.f32 v28, v30;
	v26 =	vmax.f32 v18, v26;
	v18 =	vld [tilespmem:s14+$0xFFFFFF10]  }
0x51: {  	v28 =	vmax.f32 v52, v53;
	v30 =	vld [tilespmem:s14+$0xFFFFFF30];
	v22 =	vmax.f32 v26, v24;
	v26 =	vmax.f32 v50, v51  }
0x52: {  	(xrf0) =	vmax.scan.msk.f32 $0xffff, v20;
	v20 =	vld [tilespmem:s14+$0xFFFFFF60];
	v19 =	vmax.f32 v56, v19;
	v23 =	vmax.f32 v23, v27;
	v27 =	vmax.f32 v29, v31  }
0x53: {  	v24 =	vld [tilespmem:s14+$0xFFFFFF20];
	v29 =	vmax.f32 v59, v60;
	v21 =	vmax.f32 v21, v25;
	v26 =	vmax.f32 v26, v28  }
0x54: {  	v31 =	vld [tilespmem:s14+$0xFFFFFFB0];
	v19 =	vmax.f32 v61, v19;
	v21 =	vmax.f32 v23, v21;
	v23 =	vmax.f32 v27, v29  }
0x55: {  	v25 =	vld [tilespmem:s14+$0xFFFFFF50];
	(xrf0) =	vmax.scan.msk.f32 $0xffff, v22;
	v19 =	vmax.f32 v26, v19;
	v21 =	vmax.f32 v21, v23  }
0x56: {  	v28 =	vld [tilespmem:s14+$0xFFFFFF90];
	v19 =	vmax.f32 v19, v21  }
0x57: {  	v27 =	vld [tilespmem:s14+$0xFFFFFF70];
	(xrf0) =	vmax.scan.msk.f32 $0xffff, v19  }
0x58: {  	v26 =	vld [tilespmem:s14+$0xFFFFFF80]  }
0x59: {  	v29 =	vld [tilespmem:s14+$0xFFFFFFA0]  }
0x5a: {  	v22 =	vld [tilespmem:s14+$0xFFFFFFD0];
	v19, _, _ =	vpop (xrf0)  }
0x5b: {  	v21 =	vld [tilespmem:s14+$0xFFFFFFC0];
	v23, _, _ =	vpop (xrf0);
	v19 =	vbroadcast v19, $0xF  }
0x5c: {  	s0 =	simm.s32 $0x10010;
	v25 =	vmax.f32 v62, v25;
	v63 =	vbroadcast v23, $0xF;
	v23 =	vld [tilespmem:s14+$0xFFFFFFE0]  }
0x5d: {  	v20 =	vmax.f32 v20, v27;
	v27 =	vmax.f32 v26, v28;
	[tilespmem:s0+$0x0] =	vst v19;
	v19 =	vmax.f32 v24, v30;
	v24 =	vld [tilespmem:s14+$0xFFFFFFF0];
	v30, _, _ =	vpop (xrf0)  }
0x5e: {  	s2 =	simm.s32 $0x2;
	v28 =	vmax.f32 v29, v31;
	v20 =	vmax.f32 v25, v20;
	v25 =	vld [tilespmem:s14+$0xFFFFFF00];
	s14 =	simm.s32 $0x500;
	[tilespmem:s0+$0xFFFFFFF0] =	vst v63;
	v26 =	vbroadcast v30, $0xF  }
.LBB2_3:
0x5f: {  	v29 =	vld [tilespmem:s14+$0x0];
	v27 =	vmax.f32 v27, v28;
	s0 =	sadd.s32 $0x20, s0  }
0x60: {  	v28 =	vld [tilespmem:s14+$0x10];
	v21 =	vmax.f32 v21, v22;
	[tilespmem:s0+$0x0] =	vst v26  }
0x61: {  	v22 =	vld [tilespmem:s14+$0x20]  }
0x62: {  	v26 =	vld [tilespmem:s14+$0x30];
	v23 =	vmax.f32 v23, v24  }
0x63: {  	v24 =	vld [tilespmem:s14+$0x40];
	v18 =	vmax.f32 v25, v18;
	v21 =	vmax.f32 v21, v23  }
0x64: {  	v23 =	vld [tilespmem:s14+$0x50];
	v18 =	vmax.f32 v18, v19;
	v19 =	vmax.f32 v27, v21  }
0x65: {  	v21 =	vld [tilespmem:s14+$0x60];
	v18 =	vmax.f32 v18, v20  }
0x66: {  	v20 =	vld [tilespmem:s14+$0x70];
	v18 =	vmax.f32 v18, v19  }
0x67: {  	v19 =	vld [tilespmem:s14+$0x80];
	(xrf0) =	vmax.scan.msk.f32 $0xffff, v18  }
0x68: {  	v25 =	vld [tilespmem:s14+$0x90]  }
0x69: {  	v27 =	vld [tilespmem:s14+$0xA0]  }
0x6a: {  	v30 =	vld [tilespmem:s14+$0xB0]  }
0x6b: {  	v31 =	vld [tilespmem:s14+$0xC0]  }
0x6c: {  	v32 =	vld [tilespmem:s14+$0xD0]  }
0x6d: {  	v33 =	vld [tilespmem:s14+$0xE0];
	v18, _, _ =	vpop (xrf0)  }
0x6e: {  	s2 =	sadd.s32 $0x2, s2;
	v34 =	vld [tilespmem:s14+$0xF0];
	v35 =	vbroadcast v18, $0xF  }
0x6f: {  	p0 =	slt.u32 s2, $0x7E;
	v18 =	vld [tilespmem:s14+$0xFFFFFF10]  }
0x70: {  	v36 =	vld [tilespmem:s14+$0xFFFFFF20];
	[tilespmem:s0+$0xFFFFFFF0] =	vst v35  }
0x71: {  	v28 =	vmax.f32 v29, v28;
	v22 =	vmax.f32 v22, v26;
	v23 =	vmax.f32 v24, v23;
	v35 =	vld [tilespmem:s14+$0xFFFFFF30]  }
0x72: {  	v20 =	vmax.f32 v21, v20;
	v19 =	vmax.f32 v19, v25;
	v21 =	vmax.f32 v27, v30;
	v24 =	vld [tilespmem:s14+$0xFFFFFF40]  }
0x73: {  	v22 =	vmax.f32 v28, v22;
	v26 =	vmax.f32 v31, v32;
	v25 =	vld [tilespmem:s14+$0xFFFFFF50];
	v27 =	vmax.f32 v33, v34  }
0x74: {  	v20 =	vmax.f32 v23, v20;
	v19 =	vmax.f32 v19, v21;
	v28 =	vld [tilespmem:s14+$0xFFFFFF60];
	v21 =	vmax.f32 v26, v27  }
0x75: {  	v20 =	vmax.f32 v22, v20;
	v23 =	vld [tilespmem:s14+$0xFFFFFF70];
	v21 =	vmax.f32 v19, v21  }
0x76: {  	v26 =	vld [tilespmem:s14+$0xFFFFFF80];
	v19 =	vmax.f32 v36, v35;
	v20 =	vmax.f32 v20, v21  }
0x77: {  	v27 =	vld [tilespmem:s14+$0xFFFFFF90];
	(xrf0) =	vmax.scan.msk.f32 $0xffff, v20  }
0x78: {  	v29 =	vld [tilespmem:s14+$0xFFFFFFA0];
	v20 =	vmax.f32 v24, v25  }
0x79: {  	v30 =	vld [tilespmem:s14+$0xFFFFFFB0]  }
.Ltmp0:
0x7a: {  	v21 =	vld [tilespmem:s14+$0xFFFFFFC0];
	v23 =	vmax.f32 v28, v23;
	(pc) =	sbr.rel @p0 .LBB2_3-.Ltmp0, $4  }
0x7b: {  	v22 =	vld [tilespmem:s14+$0xFFFFFFD0];
	v20 =	vmax.f32 v20, v23  }
0x7c: {  	v23 =	vld [tilespmem:s14+$0xFFFFFFE0];
	v27 =	vmax.f32 v26, v27  }
0x7d: {  	v24 =	vld [tilespmem:s14+$0xFFFFFFF0];
	v26, _, _ =	vpop (xrf0)  }
0x7e: {  	v25 =	vld [tilespmem:s14+$0xFFFFFF00];
	v28 =	vmax.f32 v29, v30;
	v26 =	vbroadcast v26, $0xF;
	s14 =	sadd.s32 $0x200, s14  }
0x7f: {  	_ =	sdelay $0x3  }
0x80: {  	v21 =	vmax.f32 v21, v22;
	v22 =	vmax.f32 v23, v24;
	v18 =	vmax.f32 v25, v18  }
0x81: {  	v23 =	vmax.f32 v27, v28;
	v21 =	vmax.f32 v21, v22;
	v18 =	vmax.f32 v18, v19  }
0x82: {  	v19 =	vmax.f32 v23, v21;
	v18 =	vmax.f32 v18, v20  }
0x83: {  	v18 =	vmax.f32 v18, v19  }
0x84: {  	(xrf0) =	vmax.scan.msk.f32 $0xffff, v18;
	_ =	sdelay $0x5  }
0x85: {  	v18, _, _ =	vpop (xrf0)  }
0x86: {  	s0 =	sadd.s32 $0x20, s0;
	v18 =	vbroadcast v18, $0xF  }
0x87: {  	[tilespmem:s0+$0x0] =	vst v26  }
0x88: {  	[tilespmem:s0+$0xFFFFFFF0] =	vst v18  }
0x89: {  	v18 =	vld.idx.msk [tilespmem:v1+s21+$0x0], $0xffff  }
0x8a: {  	v19 =	vld.idx.msk [tilespmem:v2+s21+$0x0], $0xffff;
	_ =	sdelay $0x3  }
0x8b: {  	(xrf1) =	vsort.dscd.msk.f32 $0xffff, v18, v0  }
0x8c: {  	(xrf1) =	vsort.dscd.msk.f32 $0xffff, v19, v3;
	_ =	sdelay $0xc  }
0x8d: {  	v18, v19, _ =	vpop (xrf1)  }
0x8e: {  	v20, v21, _ =	vpop (xrf1)  }
0x8f: {  	v20 =	vperm.xlane v20, v4;
	v21 =	vperm.xlane v21, v4;
	_ =	sdelay $0x1  }
0x90: {  	v22 =	vld.idx.msk [tilespmem:v5+s21+$0x0], $0xffff;
	vm0 =	veq.f32 v18, v20;
	vm1 =	vlt.s32 v19, v21  }
0x91: {  	vm2 =	vgt.f32 v18, v20;
	vm0 =	vmand vm0, vm1  }
0x92: {  	vm0 =	vmor vm2, vm0  }
0x93: {  	v18 =	vsel vm0, v18, v20;
	v19 =	vsel vm0, v19, v21  }
0x94: {  	(xrf1) =	vsort.dscd.msk.f32 $0xffff, v18, v19  }
0x95: {  	(xrf1) =	vsort.dscd.msk.f32 $0xffff, v22, v6;
	_ =	sdelay $0xc  }
0x96: {  	v18, v19, _ =	vpop (xrf1)  }
0x97: {  	v20, v21, _ =	vpop (xrf1)  }
0x98: {  	v20 =	vperm.xlane v20, v4;
	v21 =	vperm.xlane v21, v4;
	_ =	sdelay $0x1  }
0x99: {  	v22 =	vld.idx.msk [tilespmem:v7+s21+$0x0], $0xffff;
	vm8 =	veq.f32 v18, v20;
	vm9 =	vlt.s32 v19, v21  }
0x9a: {  	vm10 =	vgt.f32 v18, v20;
	vm0 =	vmand vm8, vm9  }
0x9b: {  	vm0 =	vmor vm10, vm0  }
0x9c: {  	v18 =	vsel vm0, v18, v20;
	v19 =	vsel vm0, v19, v21  }
0x9d: {  	(xrf1) =	vsort.dscd.msk.f32 $0xffff, v18, v19  }
0x9e: {  	(xrf1) =	vsort.dscd.msk.f32 $0xffff, v22, v8;
	_ =	sdelay $0xc  }
0x9f: {  	v18, v19, _ =	vpop (xrf1)  }
0xa0: {  	v20, v21, _ =	vpop (xrf1)  }
0xa1: {  	v20 =	vperm.xlane v20, v4;
	v21 =	vperm.xlane v21, v4;
	_ =	sdelay $0x1  }
0xa2: {  	v22 =	vld.idx.msk [tilespmem:v9+s21+$0x0], $0xffff;
	vm11 =	veq.f32 v18, v20;
	vm12 =	vlt.s32 v19, v21  }
0xa3: {  	vm13 =	vgt.f32 v18, v20;
	vm0 =	vmand vm11, vm12  }
0xa4: {  	vm0 =	vmor vm13, vm0  }
0xa5: {  	v18 =	vsel vm0, v18, v20;
	v19 =	vsel vm0, v19, v21  }
0xa6: {  	(xrf1) =	vsort.dscd.msk.f32 $0xffff, v18, v19  }
0xa7: {  	(xrf1) =	vsort.dscd.msk.f32 $0xffff, v22, v10;
	_ =	sdelay $0xc  }
0xa8: {  	v18, v19, _ =	vpop (xrf1)  }
0xa9: {  	v20, v21, _ =	vpop (xrf1)  }
0xaa: {  	v20 =	vperm.xlane v20, v4;
	v21 =	vperm.xlane v21, v4;
	_ =	sdelay $0x1  }
0xab: {  	v22 =	vld.idx.msk [tilespmem:v11+s21+$0x0], $0xffff;
	vm14 =	veq.f32 v18, v20;
	vm15 =	vlt.s32 v19, v21  }
0xac: {  	vm4 =	vgt.f32 v18, v20;
	vm0 =	vmand vm14, vm15  }
0xad: {  	vm0 =	vmor vm4, vm0  }
0xae: {  	v18 =	vsel vm0, v18, v20;
	v19 =	vsel vm0, v19, v21  }
0xaf: {  	(xrf1) =	vsort.dscd.msk.f32 $0xffff, v18, v19  }
0xb0: {  	(xrf1) =	vsort.dscd.msk.f32 $0xffff, v22, v12;
	_ =	sdelay $0xc  }
0xb1: {  	v18, v19, _ =	vpop (xrf1)  }
0xb2: {  	v20, v21, _ =	vpop (xrf1)  }
0xb3: {  	v20 =	vperm.xlane v20, v4;
	v21 =	vperm.xlane v21, v4;
	_ =	sdelay $0x1  }
0xb4: {  	v22 =	vld.idx.msk [tilespmem:v13+s21+$0x0], $0xffff;
	vm5 =	veq.f32 v18, v20;
	vm6 =	vlt.s32 v19, v21  }
0xb5: {  	vm7 =	vgt.f32 v18, v20;
	vm0 =	vmand vm5, vm6  }
0xb6: {  	vm0 =	vmor vm7, vm0  }
0xb7: {  	v18 =	vsel vm0, v18, v20;
	v19 =	vsel vm0, v19, v21  }
0xb8: {  	(xrf1) =	vsort.dscd.msk.f32 $0xffff, v18, v19  }
0xb9: {  	(xrf1) =	vsort.dscd.msk.f32 $0xffff, v22, v14;
	_ =	sdelay $0xc  }
0xba: {  	v18, v19, _ =	vpop (xrf1)  }
0xbb: {  	v20, v21, _ =	vpop (xrf1)  }
0xbc: {  	v20 =	vperm.xlane v20, v4;
	v21 =	vperm.xlane v21, v4;
	_ =	sdelay $0x1  }
0xbd: {  	v22 =	vld.idx.msk [tilespmem:v15+s21+$0x0], $0xffff;
	vm8 =	veq.f32 v18, v20;
	vm9 =	vlt.s32 v19, v21  }
0xbe: {  	vm10 =	vgt.f32 v18, v20;
	vm0 =	vmand vm8, vm9  }
0xbf: {  	vm0 =	vmor vm10, vm0  }
0xc0: {  	v18 =	vsel vm0, v18, v20;
	v19 =	vsel vm0, v19, v21  }
0xc1: {  	(xrf1) =	vsort.dscd.msk.f32 $0xffff, v18, v19  }
0xc2: {  	(xrf1) =	vsort.dscd.msk.f32 $0xffff, v22, v16;
	_ =	sdelay $0xc  }
0xc3: {  	v18, v19, _ =	vpop (xrf1)  }
0xc4: {  	v20, v21, _ =	vpop (xrf1)  }
0xc5: {  	v20 =	vperm.xlane v20, v4;
	v21 =	vperm.xlane v21, v4;
	_ =	sdelay $0x1  }
0xc6: {  	vm11 =	veq.f32 v18, v20;
	vm12 =	vlt.s32 v19, v21  }
0xc7: {  	vm13 =	vgt.f32 v18, v20;
	vm0 =	vmand vm11, vm12  }
0xc8: {  	vm0 =	vmor vm13, vm0  }
0xc9: {  	v18 =	vsel vm0, v18, v20;
	v19 =	vsel vm0, v19, v21  }
0xca: {  	(xrf1) =	vsort.dscd.msk.f32 $0xffff, v18, v19;
	_ =	sdelay $0x9  }
0xcb: {  	s2 =	simm.s32 $0x0  }
0xcc: {  	v18 =	vmov s2;
	_ =	sdelay $0x2  }
0xcd: {  	_, v19, _ =	vpop (xrf1)  }
0xce: {  	[tilespmem:$0x10800] =	vst v19  }
0xcf: {  	v18 =	vld.idx.msk [tilespmem:v18+s22+$0x0], $0xffff;
	_ =	sdelay $0x4  }
0xd0: {  	(v2sf) =	vpush v18, $0x0;
	_ =	sdelay $0xe  }
0xd1: {  	s14 =	spop (v2sf)  }
0xd2: {  	s0 =	sshll.u32 s14, $0x8  }
0xd3: {  	v18 =	vld [tilespmem:s0+$0x0]  }
0xd4: {  	v19 =	vld [tilespmem:s0+$0x10]  }
0xd5: {  	v20 =	vld [tilespmem:s0+$0x30]  }
0xd6: {  	v21 =	vld [tilespmem:s0+$0x50]  }
0xd7: {  	v22 =	vld [tilespmem:s0+$0x90]  }
0xd8: {  	v23 =	vld [tilespmem:s0+$0x70];
	v18 =	vadd.f32 v18, v17  }
0xd9: {  	v24 =	vld [tilespmem:s0+$0xB0];
	v25 =	vor.u32 s0, v0;
	s2 =	sor.u32 $0x10, s0;
	v19 =	vadd.f32 v19, v17  }
0xda: {  	v26 =	vld [tilespmem:s0+$0xD0];
	s16 =	sor.u32 $0x30, s0;
	v27 =	vor.u32 s2, v0;
	v20 =	vadd.f32 v20, v17;
	(xrf1) =	vsort.dscd.msk.f32 $0xffff, v18, v25  }
0xdb: {  	s14 =	sor.u32 $0x50, s0;
	v21 =	vadd.f32 v21, v17;
	v18 =	vld [tilespmem:s0+$0xF0];
	v25 =	vor.u32 s16, v0;
	(xrf1) =	vsort.dscd.msk.f32 $0xffff, v19, v27  }
0xdc: {  	s16 =	sor.u32 $0x90, s0;
	v19 =	vadd.f32 v22, v17;
	v22 =	vor.u32 s14, v0;
	(xrf1) =	vsort.dscd.msk.f32 $0xffff, v20, v25;
	v20 =	vld [tilespmem:s0+$0x20]  }
0xdd: {  	v23 =	vadd.f32 v23, v17;
	s14 =	sor.u32 $0x70, s0;
	v25 =	vor.u32 s16, v0;
	(xrf1) =	vsort.dscd.msk.f32 $0xffff, v21, v22;
	v21 =	vld [tilespmem:s0+$0x40]  }
0xde: {  	s16 =	sor.u32 $0xB0, s0;
	v22 =	vadd.f32 v24, v17;
	v24 =	vor.u32 s14, v0;
	(xrf1) =	vsort.dscd.msk.f32 $0xffff, v19, v25;
	v19 =	vld [tilespmem:s0+$0x80]  }
0xdf: {  	s14 =	sor.u32 $0xD0, s0;
	v25 =	vadd.f32 v26, v17;
	v26 =	vor.u32 s16, v0;
	(xrf1) =	vsort.dscd.msk.f32 $0xffff, v23, v24;
	v23 =	vld [tilespmem:s0+$0x60]  }
0xe0: {  	s16 =	sor.u32 $0xF0, s0;
	v18 =	vadd.f32 v18, v17;
	v24 =	vor.u32 s14, v0;
	(xrf1) =	vsort.dscd.msk.f32 $0xffff, v22, v26  }
0xe1: {  	s14 =	sor.u32 $0x20, s0;
	v22 =	vor.u32 s16, v0;
	(xrf1) =	vsort.dscd.msk.f32 $0xffff, v25, v24;
	v20 =	vadd.f32 v20, v17  }
0xe2: {  	s16 =	sor.u32 $0x40, s0;
	v24 =	vld [tilespmem:s0+$0xA0];
	(xrf1) =	vsort.dscd.msk.f32 $0xffff, v18, v22;
	v18 =	vor.u32 s14, v0;
	v21 =	vadd.f32 v21, v17  }
0xe3: {  	v22 =	vor.u32 s16, v0;
	s14 =	sor.u32 $0x80, s0;
	v19 =	vadd.f32 v19, v17;
	(xrf1) =	vsort.dscd.msk.f32 $0xffff, v20, v18  }
0xe4: {  	s16 =	sor.u32 $0x60, s0;
	v20 =	vor.u32 s14, v0;
	v18 =	vadd.f32 v23, v17;
	(xrf1) =	vsort.dscd.msk.f32 $0xffff, v21, v22  }
0xe5: {  	s14 =	simm.s32 $0x1;
	v22 =	vor.u32 s16, v0;
	(xrf1) =	vsort.dscd.msk.f32 $0xffff, v19, v20  }
0xe6: {  	s16 =	sor.u32 $0xA0, s0;
	(xrf1) =	vsort.dscd.msk.f32 $0xffff, v18, v22;
	v18 =	vmov s14  }
0xe7: {  	v21 =	vld [tilespmem:s0+$0xC0];
	v20 =	vadd.f32 v24, v17;
	v22 =	vor.u32 s16, v0  }
0xe8: {  	v19 =	vld [tilespmem:s0+$0xE0];
	_ =	sdelay $0x1  }
0xe9: {  	v23, v24, _ =	vpop (xrf1)  }
0xea: {  	s16 =	sor.u32 $0xC0, s0;
	(xrf1) =	vsort.dscd.msk.f32 $0xffff, v20, v22;
	v20, v22, _ =	vpop (xrf1);
	v18 =	vld.idx.msk [tilespmem:v18+s22+$0x0], $0xffff  }
0xeb: {  	v31 =	vor.u32 s16, v0;
	v21 =	vadd.f32 v21, v17;
	v25, v26, _ =	vpop (xrf1);
	v20 =	vperm.xlane v20, v4  }
0xec: {  	s0 =	sor.u32 $0xE0, s0;
	v19 =	vadd.f32 v19, v17;
	v22 =	vperm.xlane v22, v4;
	v27, v28, _ =	vpop (xrf1);
	v25 =	vperm.xlane v25, v4  }
0xed: {  	v26 =	vperm.xlane v26, v4;
	(xrf1) =	vsort.dscd.msk.f32 $0xffff, v21, v31;
	v21 =	vor.u32 s0, v0;
	v27 =	vperm.xlane v27, v4  }
0xee: {  	v29, v30, _ =	vpop (xrf1);
	v28 =	vperm.xlane v28, v4;
	vm1 =	vgt.f32 v23, v20;
	vm14 =	veq.f32 v23, v20  }
0xef: {  	(xrf1) =	vsort.dscd.msk.f32 $0xffff, v19, v21;
	vm15 =	vlt.s32 v24, v22;
	v32, v33, _ =	vpop (xrf1);
	v29 =	vperm.xlane v29, v4;
	(v2sf) =	vpush v18, $0x0  }
0xf0: {  	v30 =	vperm.xlane v30, v4;
	vm2 =	vmand vm14, vm15;
	v31, v34, _ =	vpop (xrf1);
	v19 =	vperm.xlane v32, v4  }
0xf1: {  	v21 =	vperm.xlane v33, v4;
	vm1 =	vmor vm1, vm2;
	v46, v47, _ =	vpop (xrf1);
	v31 =	vperm.xlane v31, v4  }
0xf2: {  	v34 =	vperm.xlane v34, v4;
	v20 =	vsel vm1, v23, v20;
	v35, v36, _ =	vpop (xrf1);
	v32 =	vperm.xlane v46, v4  }
0xf3: {  	v22 =	vsel vm1, v24, v22;
	v33 =	vperm.xlane v47, v4;
	v18, v37, _ =	vpop (xrf1);
	v35 =	vperm.xlane v35, v4  }
0xf4: {  	v36 =	vperm.xlane v36, v4;
	v38, v39, _ =	vpop (xrf1);
	vm3 =	vgt.f32 v18, v25;
	vm4 =	veq.f32 v18, v25  }
0xf5: {  	vm5 =	vlt.s32 v37, v26;
	vm6 =	veq.f32 v38, v27;
	vm7 =	vlt.s32 v39, v28  }
0xf6: {  	v40, v41, _ =	vpop (xrf1);
	vm4 =	vmand vm4, vm5;
	vm9 =	vgt.f32 v38, v27;
	vm6 =	vmand vm6, vm7  }
0xf7: {  	v42, v43, _ =	vpop (xrf1);
	vm0 =	vgt.f32 v40, v29;
	vm3 =	vmor vm3, vm4;
	vm11 =	veq.f32 v40, v29  }
0xf8: {  	vm8 =	veq.f32 v42, v19;
	vm12 =	vlt.s32 v43, v21;
	vm15 =	vgt.f32 v42, v19  }
0xf9: {  	v44, v45, _ =	vpop (xrf1);
	v18 =	vsel vm3, v18, v25;
	v25 =	vsel vm3, v37, v26;
	vm6 =	vmor vm9, vm6  }
0xfa: {  	vm13 =	veq.f32 v44, v31;
	vm14 =	vlt.s32 v45, v34;
	vm8 =	vmand vm8, vm12  }
0xfb: {  	(xrf1) =	vsort.dscd.msk.f32 $0xffff, v20, v22;
	vm10 =	vgt.f32 v44, v31;
	vm12 =	vlt.s32 v41, v30;
	vm5 =	vmand vm13, vm14  }
0xfc: {  	(xrf1) =	vsort.dscd.msk.f32 $0xffff, v18, v25;
	v18 =	vsel vm6, v38, v27;
	vm2 =	vmor vm15, vm8;
	vm4 =	vmor vm10, vm5;
	v46, v47, _ =	vpop (xrf1)  }
0xfd: {  	v19 =	vsel vm2, v42, v19;
	v21 =	vsel vm2, v43, v21;
	vm5 =	vmand vm11, vm12;
	v23, v24, _ =	vpop (xrf1)  }
0xfe: {  	v26 =	vsel vm4, v44, v31;
	vm14 =	veq.f32 v23, v35;
	vm15 =	vlt.s32 v24, v36;
	s14 =	spop (v2sf)  }
0xff: {  	v31 =	vsel vm4, v45, v34;
	(xrf1) =	vsort.dscd.msk.f32 $0xffff, v19, v21;
	vm9 =	vgt.f32 v23, v35;
	vm2 =	vmand vm14, vm15;
	s0 =	sshll.u32 s14, $0x8  }
0x100: {  	vm8 =	veq.f32 v46, v32;
	vm10 =	vlt.s32 v47, v33;
	vm2 =	vmor vm9, vm2;
	v19 =	vld [tilespmem:s0+$0x0]  }
0x101: {  	vm0 =	vmor vm0, vm5;
	(xrf1) =	vsort.dscd.msk.f32 $0xffff, v26, v31;
	v20 =	vsel vm2, v23, v35;
	v21 =	vsel vm2, v24, v36;
	v22 =	vld [tilespmem:s0+$0x10]  }
0x102: {  	vm13 =	vgt.f32 v46, v32;
	vm11 =	vmand vm8, vm10;
	v23 =	vsel vm6, v39, v28;
	(xrf1) =	vsort.dscd.msk.f32 $0xffff, v20, v21;
	v20 =	vld [tilespmem:s0+$0x30]  }
0x103: {  	vm12 =	vmor vm13, vm11;
	v24 =	vsel vm0, v41, v30;
	v21 =	vsel vm0, v40, v29;
	(xrf1) =	vsort.dscd.msk.f32 $0xffff, v18, v23;
	v18 =	vld [tilespmem:s0+$0x50]  }
0x104: {  	v23 =	vsel vm12, v47, v33;
	v25 =	vld [tilespmem:s0+$0xD0];
	(xrf1) =	vsort.dscd.msk.f32 $0xffff, v21, v24;
	v21 =	vsel vm12, v46, v32  }
0x105: {  	v26 =	vld [tilespmem:s0+$0xF0];
	(xrf1) =	vsort.dscd.msk.f32 $0xffff, v21, v23  }
0x106: {  	v24 =	vld [tilespmem:s0+$0x90]  }
0x107: {  	s16 =	sor.u32 $0x10, s0;
	v21 =	vld [tilespmem:s0+$0x70]  }
0x108: {  	v27 =	vor.u32 s0, v0;
	s14 =	sor.u32 $0x30, s0;
	v28 =	vor.u32 s16, v0;
	v23 =	vld [tilespmem:s0+$0xB0];
	v19 =	vadd.f32 v19, v17  }
0x109: {  	v29 =	vor.u32 s14, v0;
	s16 =	sor.u32 $0x50, s0;
	v22 =	vadd.f32 v22, v17;
	v20 =	vadd.f32 v20, v17  }
0x10a: {  	v31, v48, _ =	vpop (xrf1);
	s14 =	sor.u32 $0x90, s0;
	v30 =	vor.u32 s16, v0;
	v18 =	vadd.f32 v18, v17;
	v25 =	vadd.f32 v25, v17  }
0x10b: {  	s16 =	sor.u32 $0x70, s0;
	v49 =	vor.u32 s14, v0;
	v50, v51, _ =	vpop (xrf1);
	v26 =	vadd.f32 v26, v17;
	v24 =	vadd.f32 v24, v17;
	(xrf1) =	vsort.dscd.msk.f32 $0xffff, v19, v27  }
0x10c: {  	v19 =	vor.u32 s16, v0;
	s16 =	sor.u32 $0xB0, s0;
	v27 =	vperm.xlane v50, v4;
	(xrf1) =	vsort.dscd.msk.f32 $0xffff, v22, v28;
	v22 =	vperm.xlane v51, v4  }
0x10d: {  	v21 =	vadd.f32 v21, v17;
	v23 =	vadd.f32 v23, v17;
	v53, v52, _ =	vpop (xrf1);
	v28 =	vor.u32 s16, v0  }
0x10e: {  	v34 =	vperm.xlane v53, v4;
	vm13 =	veq.f32 v31, v27;
	vm14 =	vlt.s32 v48, v22  }
0x10f: {  	s14 =	sor.u32 $0xD0, s0;
	v55, v54, _ =	vpop (xrf1);
	(xrf1) =	vsort.dscd.msk.f32 $0xffff, v20, v29;
	v20 =	vperm.xlane v52, v4;
	vm0 =	vgt.f32 v31, v27;
	vm1 =	vmand vm13, vm14  }
0x110: {  	s16 =	sor.u32 $0xF0, s0;
	v29 =	vor.u32 s14, v0;
	v35 =	vperm.xlane v55, v4;
	(xrf1) =	vsort.dscd.msk.f32 $0xffff, v18, v30;
	vm0 =	vmor vm0, vm1;
	v57, v56, _ =	vpop (xrf1)  }
0x111: {  	v18 =	vperm.xlane v54, v4;
	v30 =	vor.u32 s16, v0;
	(xrf1) =	vsort.dscd.msk.f32 $0xffff, v24, v49;
	v22 =	vsel vm0, v48, v22;
	v59, v58, _ =	vpop (xrf1)  }
0x112: {  	v36 =	vperm.xlane v57, v4;
	v38 =	vperm.xlane v56, v4;
	v60, v61, _ =	vpop (xrf1);
	vm15 =	veq.f32 v59, v34  }
0x113: {  	vm9 =	vlt.s32 v58, v20;
	v62, v63, _ =	vpop (xrf1);
	vm12 =	veq.f32 v60, v35;
	vm13 =	vlt.s32 v61, v18  }
0x114: {  	(xrf1) =	vsort.dscd.msk.f32 $0xffff, v21, v19;
	vm3 =	vmand vm15, vm9;
	vm10 =	veq.f32 v62, v36;
	vm11 =	vlt.s32 v63, v38  }
0x115: {  	v19 =	vld [tilespmem:s0+$0x20];
	(xrf1) =	vsort.dscd.msk.f32 $0xffff, v23, v28;
	vm15 =	vgt.f32 v59, v34;
	vm14 =	vgt.f32 v62, v36;
	vm5 =	vmand vm10, vm11  }
0x116: {  	v21 =	vld [tilespmem:s0+$0x40];
	(xrf1) =	vsort.dscd.msk.f32 $0xffff, v25, v29;
	vm9 =	vgt.f32 v60, v35;
	vm2 =	vmand vm12, vm13;
	vm4 =	vmor vm14, vm5  }
0x117: {  	v25 =	vld [tilespmem:s0+$0x80];
	(xrf1) =	vsort.dscd.msk.f32 $0xffff, v26, v30;
	vm3 =	vmor vm15, vm3;
	v23 =	vsel vm4, v62, v36;
	v24 =	vsel vm4, v63, v38  }
0x118: {  	v26 =	vsel vm3, v59, v34;
	v20 =	vsel vm3, v58, v20;
	vm2 =	vmor vm9, vm2;
	(xrf1) =	vsort.dscd.msk.f32 $0xffff, v23, v24;
	v23 =	vld [tilespmem:s0+$0x60]  }
0x119: {  	s16 =	sor.u32 $0x20, s0;
	v18 =	vsel vm2, v61, v18;
	v24 =	vsel vm2, v60, v35;
	(xrf1) =	vsort.dscd.msk.f32 $0xffff, v26, v20  }
0x11a: {  	s14 =	simm.s32 $0x2;
	v19 =	vadd.f32 v19, v17;
	v20 =	vsel vm0, v31, v27;
	(xrf1) =	vsort.dscd.msk.f32 $0xffff, v24, v18;
	v24 =	vor.u32 s16, v0;
	s16 =	sor.u32 $0x40, s0  }
0x11b: {  	v21 =	vadd.f32 v21, v17;
	v18 =	vld [tilespmem:s0+$0xA0];
	(xrf1) =	vsort.dscd.msk.f32 $0xffff, v20, v22;
	v22 =	vmov s14;
	v28 =	vor.u32 s16, v0;
	s14 =	sor.u32 $0x80, s0  }
0x11c: {  	v25 =	vadd.f32 v25, v17;
	v20 =	vld [tilespmem:s0+$0xC0];
	s16 =	sor.u32 $0x60, s0;
	v30 =	vor.u32 s14, v0  }
0x11d: {  	v26, v27, _ =	vpop (xrf1);
	v31 =	vor.u32 s16, v0;
	v23 =	vadd.f32 v23, v17  }
0x11e: {  	v29 =	vld [tilespmem:s0+$0xE0];
	(xrf1) =	vsort.dscd.msk.f32 $0xffff, v19, v24;
	v19, v24, _ =	vpop (xrf1)  }
0x11f: {  	s14 =	sor.u32 $0xA0, s0;
	(xrf1) =	vsort.dscd.msk.f32 $0xffff, v21, v28;
	v21, v28, _ =	vpop (xrf1)  }
0x120: {  	s16 =	sor.u32 $0xC0, s0;
	v44 =	vor.u32 s14, v0;
	(xrf1) =	vsort.dscd.msk.f32 $0xffff, v25, v30;
	v18 =	vadd.f32 v18, v17;
	v25, v30, _ =	vpop (xrf1)  }
0x121: {  	v48 =	vor.u32 s16, v0;
	v19 =	vperm.xlane v19, v4;
	(xrf1) =	vsort.dscd.msk.f32 $0xffff, v23, v31;
	v20 =	vadd.f32 v20, v17;
	v23, v31, _ =	vpop (xrf1)  }
0x122: {  	s0 =	sor.u32 $0xE0, s0;
	v24 =	vperm.xlane v24, v4;
	v22 =	vld.idx.msk [tilespmem:v22+s22+$0x0], $0xffff;
	v21 =	vperm.xlane v21, v4;
	(xrf1) =	vsort.dscd.msk.f32 $0xffff, v18, v44;
	v45, v46, _ =	vpop (xrf1)  }
0x123: {  	v28 =	vperm.xlane v28, v4;
	v18 =	vadd.f32 v29, v17;
	v29, v47, _ =	vpop (xrf1);
	(xrf1) =	vsort.dscd.msk.f32 $0xffff, v20, v48;
	v20 =	vor.u32 s0, v0  }
0x124: {  	v25 =	vperm.xlane v25, v4;
	v30 =	vperm.xlane v30, v4;
	vm0 =	vgt.f32 v26, v19  }
0x125: {  	vm1 =	veq.f32 v26, v19;
	vm2 =	vlt.s32 v27, v24;
	v23 =	vperm.xlane v23, v4;
	v49, v37, _ =	vpop (xrf1)  }
0x126: {  	vm1 =	vmand vm1, vm2;
	v33 =	vperm.xlane v45, v4;
	v34 =	vperm.xlane v46, v4;
	v51, v50, _ =	vpop (xrf1)  }
0x127: {  	vm1 =	vmor vm0, vm1;
	v29 =	vperm.xlane v29, v4;
	v32 =	vperm.xlane v47, v4;
	(xrf1) =	vsort.dscd.msk.f32 $0xffff, v18, v20;
	v18, v20, _ =	vpop (xrf1)  }
0x128: {  	(v2sf) =	vpush v22, $0x0;
	v18 =	vperm.xlane v18, v4;
	v20 =	vperm.xlane v20, v4;
	v22, v52, _ =	vpop (xrf1)  }
0x129: {  	v19 =	vsel vm1, v26, v19;
	v24 =	vsel vm1, v27, v24;
	v26 =	vperm.xlane v31, v4;
	v53, v54, _ =	vpop (xrf1)  }
0x12a: {  	v22 =	vperm.xlane v22, v4;
	vm10 =	veq.f32 v53, v18;
	vm11 =	vlt.s32 v54, v20  }
0x12b: {  	v39 =	vperm.xlane v52, v4;
	v55, v56, _ =	vpop (xrf1);
	vm12 =	vgt.f32 v53, v18;
	vm3 =	vmand vm10, vm11  }
0x12c: {  	v36 =	vperm.xlane v49, v4;
	vm13 =	veq.f32 v55, v22;
	vm3 =	vmor vm12, vm3  }
0x12d: {  	vm14 =	vlt.s32 v56, v39;
	v18 =	vsel vm3, v53, v18;
	v20 =	vsel vm3, v54, v20  }
0x12e: {  	v27 =	vperm.xlane v51, v4;
	vm15 =	vgt.f32 v55, v22;
	v57, v58, _ =	vpop (xrf1);
	vm4 =	vmand vm13, vm14;
	(xrf1) =	vsort.dscd.msk.f32 $0xffff, v18, v20  }
0x12f: {  	v38 =	vperm.xlane v50, v4;
	vm9 =	veq.f32 v57, v21;
	vm8 =	vmor vm15, vm4  }
0x130: {  	v59, v60, _ =	vpop (xrf1);
	vm10 =	vlt.s32 v58, v28;
	v18 =	vsel vm8, v55, v22;
	v20 =	vsel vm8, v56, v39  }
0x131: {  	vm11 =	veq.f32 v59, v25;
	vm12 =	vlt.s32 v60, v30;
	vm3 =	vmand vm9, vm10;
	(xrf1) =	vsort.dscd.msk.f32 $0xffff, v18, v20  }
0x132: {  	v61, v62, _ =	vpop (xrf1);
	vm9 =	vgt.f32 v57, v21;
	vm10 =	vgt.f32 v59, v25;
	vm5 =	vmand vm11, vm12  }
0x133: {  	v22, v63, _ =	vpop (xrf1);
	vm3 =	vmor vm9, vm3;
	vm6 =	veq.f32 v61, v23;
	vm7 =	vlt.s32 v62, v26  }
0x134: {  	vm13 =	veq.f32 v22, v33;
	vm14 =	vlt.s32 v63, v34;
	vm11 =	vgt.f32 v22, v33  }
0x135: {  	vm0 =	vmor vm10, vm5;
	v21 =	vsel vm3, v57, v21;
	vm2 =	vmand vm13, vm14  }
0x136: {  	v28 =	vsel vm3, v58, v28;
	(xrf1) =	vsort.dscd.msk.f32 $0xffff, v19, v24;
	v19 =	vperm.xlane v37, v4;
	vm2 =	vmor vm11, vm2  }
0x137: {  	v30 =	vsel vm0, v60, v30;
	v18, v20, _ =	vpop (xrf1);
	v22 =	vsel vm2, v22, v33;
	v51 =	vsel vm2, v63, v34  }
0x138: {  	vm2 =	vmand vm6, vm7;
	vm15 =	veq.f32 v18, v29;
	vm8 =	vlt.s32 v20, v32;
	v31, v48, _ =	vpop (xrf1)  }
0x139: {  	vm12 =	vgt.f32 v18, v29;
	vm4 =	vmand vm15, vm8;
	v49, v50, _ =	vpop (xrf1);
	vm8 =	vgt.f32 v61, v23  }
0x13a: {  	s2 =	spop (v2sf);
	vm4 =	vmor vm12, vm4;
	vm13 =	veq.f32 v49, v27;
	vm14 =	vlt.s32 v50, v38  }
0x13b: {  	(xrf1) =	vsort.dscd.msk.f32 $0xffff, v21, v28;
	vm15 =	vgt.f32 v49, v27;
	s2 =	sshll.u32 s2, $0x8;
	vm12 =	veq.f32 v31, v36;
	vm1 =	vmand vm13, vm14  }
0x13c: {  	v18 =	vsel vm4, v18, v29;
	v20 =	vsel vm4, v20, v32;
	v28 =	vld [tilespmem:s2+$0x0];
	vm1 =	vmor vm15, vm1;
	v21, v24, _ =	vpop (xrf1);
	(xrf1) =	vsort.dscd.msk.f32 $0xffff, v22, v51  }
0x13d: {  	vm9 =	vmor vm8, vm2;
	v54 =	vld [tilespmem:s2+$0x30];
	vm13 =	vlt.s32 v48, v19;
	v27 =	vsel vm1, v49, v27;
	(xrf1) =	vsort.dscd.msk.f32 $0xffff, v18, v20  }
0x13e: {  	v55 =	vld [tilespmem:s2+$0x50];
	v29 =	vsel vm1, v50, v38;
	v21 =	vperm.xlane v21, v4;
	v24 =	vperm.xlane v24, v4  }
0x13f: {  	v56 =	vld [tilespmem:s2+$0x90];
	v23 =	vsel vm9, v61, v23;
	v22 =	vsel vm0, v59, v25;
	v52, v53, _ =	vpop (xrf1);
	(xrf1) =	vsort.dscd.msk.f32 $0xffff, v27, v29  }
0x140: {  	v57 =	vld [tilespmem:s2+$0x70];
	vm10 =	veq.f32 v52, v21;
	vm11 =	vlt.s32 v53, v24;
	(xrf1) =	vsort.dscd.msk.f32 $0xffff, v22, v30  }
0x141: {  	v26 =	vsel vm9, v62, v26;
	v58 =	vld [tilespmem:s2+$0xB0];
	vm14 =	vgt.f32 v52, v21;
	vm2 =	vmand vm10, vm11  }
0x142: {  	vm15 =	vgt.f32 v31, v36;
	v25 =	vld [tilespmem:s2+$0x10];
	vm0 =	vmand vm12, vm13;
	(xrf1) =	vsort.dscd.msk.f32 $0xffff, v23, v26;
	vm1 =	vmor vm14, vm2  }
0x143: {  	s14 =	sor.u32 $0x30, s2;
	v59 =	vld [tilespmem:s2+$0xD0];
	vm0 =	vmor vm15, vm0;
	v21 =	vsel vm1, v52, v21;
	v24 =	vsel vm1, v53, v24  }
0x144: {  	v61 =	vor.u32 s2, v0;
	s0 =	sor.u32 $0x10, s2;
	v34 =	vor.u32 s14, v0;
	s14 =	sor.u32 $0x90, s2;
	v20 =	vsel vm0, v31, v36;
	v29 =	vld [tilespmem:s2+$0xF0];
	(xrf1) =	vsort.dscd.msk.f32 $0xffff, v21, v24  }
0x145: {  	v62 =	vor.u32 s0, v0;
	v33 =	vor.u32 s14, v0;
	v60 =	vadd.f32 v28, v17  }
0x146: {  	v32 =	vadd.f32 v54, v17;
	v28 =	vadd.f32 v56, v17;
	v18 =	vimm.f32 $-Inf  }
0x147: {  	v31 =	vsel vm0, v48, v19;
	v27 =	vadd.f32 v57, v17;
	v30 =	vadd.f32 v55, v17  }
0x148: {  	s16 =	sor.u32 $0x50, s2;
	v19 =	vimm.s32 $0x0;
	v26 =	vadd.f32 v58, v17;
	v25 =	vadd.f32 v25, v17;
	(xrf1) =	vsort.dscd.msk.f32 $0xffff, v20, v31;
	v21, v20, _ =	vpop (xrf1)  }
0x149: {  	v23 =	vadd.f32 v59, v17;
	v22 =	vadd.f32 v29, v17;
	v31 =	vor.u32 s16, v0;
	s16 =	sor.u32 $0x70, s2;
	(xrf1) =	vsort.dscd.msk.f32 $0xffff, v60, v61;
	v24, v63, _ =	vpop (xrf1)  }
0x14a: {  	s0 =	simm.s32 $0x3;
	s14 =	sor.u32 $0xB0, s2;
	v29 =	vor.u32 s16, v0;
	(xrf1) =	vsort.dscd.msk.f32 $0xffff, v25, v62;
	v24 =	vperm.xlane v24, v4;
	v25 =	vperm.xlane v63, v4;
	v36, v35, _ =	vpop (xrf1)  }
.LBB2_5:
0x14b: {  	(xrf1) =	vsort.dscd.msk.f32 $0xffff, v32, v34;
	v49 =	vperm.xlane v36, v4;
	v52, v51, _ =	vpop (xrf1)  }
0x14c: {  	v37 =	vor.u32 s14, v0;
	v50 =	vperm.xlane v35, v4;
	(xrf1) =	vsort.dscd.msk.f32 $0xffff, v30, v31;
	v30 =	vperm.xlane v52, v4  }
0x14d: {  	s16 =	sor.u32 $0xD0, s2;
	v31 =	vperm.xlane v51, v4;
	v53, v54, _ =	vpop (xrf1);
	vm0 =	vgt.f32 v21, v24;
	vm3 =	veq.f32 v21, v24  }
0x14e: {  	v38 =	vor.u32 s16, v0;
	vm4 =	vlt.s32 v20, v25;
	(xrf1) =	vsort.dscd.msk.f32 $0xffff, v28, v33;
	v28 =	vperm.xlane v53, v4;
	v56, v57, _ =	vpop (xrf1)  }
0x14f: {  	v55 =	vperm.xlane v54, v4;
	vm3 =	vmand vm3, vm4;
	vm2 =	vgt.f32 v56, v49  }
0x150: {  	v40, v41, _ =	vpop (xrf1);
	vm5 =	veq.f32 v56, v49;
	vm6 =	vlt.s32 v57, v50;
	vm0 =	vmor vm0, vm3  }
0x151: {  	vm1 =	vgt.f32 v40, v30;
	vm9 =	veq.f32 v40, v30;
	vm12 =	vlt.s32 v41, v31  }
0x152: {  	vm5 =	vmand vm5, vm6;
	v21 =	vsel vm0, v21, v24;
	v20 =	vsel vm0, v20, v25;
	v42, v43, _ =	vpop (xrf1)  }
0x153: {  	v24 =	vmov s0;
	vm7 =	veq.f32 v18, v42;
	vm8 =	vlt.s32 v19, v43  }
0x154: {  	vm2 =	vmor vm2, vm5;
	vm10 =	vgt.f32 v18, v42;
	vm7 =	vmand vm7, vm8  }
0x155: {  	s16 =	sor.u32 $0xF0, s2;
	v60 =	vsel vm2, v56, v49;
	v61 =	vsel vm2, v57, v50;
	(xrf1) =	vsort.dscd.msk.f32 $0xffff, v27, v29;
	vm7 =	vmor vm10, vm7  }
0x156: {  	v39 =	vor.u32 s16, v0;
	v27, v29, _ =	vpop (xrf1);
	(xrf1) =	vsort.dscd.msk.f32 $0xffff, v26, v37;
	v26 =	vld [tilespmem:s2+$0x20];
	v18 =	vsel vm7, v18, v42;
	v19 =	vsel vm7, v19, v43  }
0x157: {  	vm9 =	vmand vm9, vm12;
	vm11 =	veq.f32 v27, v28;
	vm13 =	vlt.s32 v29, v55;
	(xrf1) =	vsort.ascd.msk.f32 $0xffff, v18, v19;
	v19 =	vld [tilespmem:s2+$0x60]  }
0x158: {  	vm1 =	vmor vm1, vm9;
	vm14 =	vgt.f32 v27, v28;
	v18 =	vld [tilespmem:s2+$0x80];
	vm15 =	vmand vm11, vm13;
	(xrf1) =	vsort.dscd.msk.f32 $0xffff, v23, v38  }
0x159: {  	v63 =	vsel vm1, v40, v30;
	v49 =	vld.idx.msk [tilespmem:v24+s22+$0x0], $0xffff;
	vm4 =	vmor vm14, vm15;
	(xrf1) =	vsort.dscd.msk.f32 $0xffff, v22, v39;
	v23, v22, _ =	vpop (xrf1)  }
0x15a: {  	v36 =	vsel vm1, v41, v31;
	v27 =	vsel vm4, v27, v28;
	v59 =	vsel vm4, v29, v55;
	v28, v62, _ =	vpop (xrf1)  }
0x15b: {  	v58 =	vld [tilespmem:s2+$0x40];
	(xrf1) =	vsort.dscd.msk.f32 $0xffff, v27, v59;
	v25 =	vadd.f32 v26, v17;
	v28 =	vperm.xlane v28, v4  }
0x15c: {  	v29 =	vld [tilespmem:s2+$0xA0];
	v45, v44, _ =	vpop (xrf1);
	v34 =	vperm.xlane v62, v4;
	(xrf1) =	vsort.dscd.msk.f32 $0xffff, v60, v61;
	v19 =	vadd.f32 v19, v17  }
0x15d: {  	v27 =	vld [tilespmem:s2+$0xC0];
	v30, v31, _ =	vpop (xrf1);
	v48 =	vadd.f32 v18, v17;
	v32 =	vperm.xlane v45, v4;
	(xrf1) =	vsort.dscd.msk.f32 $0xffff, v63, v36  }
0x15e: {  	s16 =	sor.u32 $0x20, s2;
	(v2sf) =	vpush v49, $0x0;
	v26 =	vld [tilespmem:s2+$0xE0];
	v33 =	vperm.xlane v44, v4;
	v30 =	vperm.xlane v30, v4;
	(xrf1) =	vsort.dscd.msk.f32 $0xffff, v21, v20  }
0x15f: {  	vm10 =	vgt.f32 v23, v28;
	vm11 =	veq.f32 v23, v28;
	v20 =	vor.u32 s16, v0  }
0x160: {  	s14 =	sor.u32 $0x80, s2;
	v49 =	vimm.s32 $0x0;
	v46, v36, _ =	vpop (xrf1);
	vm12 =	vlt.s32 v22, v34;
	s16 =	sor.u32 $0x40, s2;
	v21 =	vadd.f32 v58, v17;
	(xrf1) =	vsort.dscd.msk.f32 $0xffff, v25, v20  }
0x161: {  	v24 =	vperm.xlane v46, v4;
	v47 =	vor.u32 s16, v0;
	s16 =	sor.u32 $0x60, s2;
	v25 =	vor.u32 s14, v0  }
0x162: {  	v29 =	vadd.f32 v29, v17;
	v27 =	vadd.f32 v27, v17;
	(xrf1) =	vsort.dscd.msk.f32 $0xffff, v21, v47;
	v21 =	vor.u32 s16, v0  }
0x163: {  	s16 =	sor.u32 $0xA0, s2;
	v50 =	vadd.f32 v26, v17;
	v26 =	vperm.xlane v31, v4;
	v47 =	vimm.s32 $0x0;
	(xrf1) =	vsort.dscd.msk.f32 $0xffff, v48, v25  }
0x164: {  	v51 =	vor.u32 s16, v0;
	s16 =	sor.u32 $0xC0, s2;
	v25 =	vperm.xlane v36, v4;
	v48 =	vsel vm11, $0xFFFFFFFF, v49;
	v18, v20, _ =	vpop (xrf1);
	(xrf1) =	vsort.dscd.msk.f32 $0xffff, v19, v21  }
0x165: {  	v46 =	vsel vm12, $0xFFFFFFFF, v47;
	v52 =	vor.u32 s16, v0;
	s16 =	sor.u32 $0xE0, s2;
	v35 =	vperm.xlane v20, v4;
	v21, v31, _ =	vpop (xrf1);
	(xrf1) =	vsort.dscd.msk.f32 $0xffff, v29, v51  }
0x166: {  	v53 =	vor.u32 s16, v0;
	v29 =	vperm.xlane v18, v4;
	v51 =	vimm.s32 $0x0;
	(xrf1) =	vsort.dscd.msk.f32 $0xffff, v27, v52;
	v18, v19, _ =	vpop (xrf1)  }
0x167: {  	v36 =	vperm.xlane v21, v4;
	v31 =	vperm.xlane v31, v4;
	v20, v21, _ =	vpop (xrf1);
	(xrf1) =	vsort.dscd.msk.f32 $0xffff, v50, v53;
	v50 =	vsel vm10, $0xFFFFFFFF, v51  }
0x168: {  	v53 =	vimm.s32 $0x0;
	v20 =	vperm.xlane v20, v4;
	v21 =	vperm.xlane v21, v4;
	v27, v54, _ =	vpop (xrf1)  }
0x169: {  	[tilespmem:$0x1FF90] =	vst v50;
	v50 =	vimm.s32 $0x0;
	v27 =	vperm.xlane v27, v4;
	v37 =	vperm.xlane v54, v4;
	v56, v55, _ =	vpop (xrf1)  }
0x16a: {  	v54 =	vimm.s32 $0x0;
	v38 =	vperm.xlane v56, v4;
	v39 =	vperm.xlane v55, v4;
	v58, v57, _ =	vpop (xrf1)  }
0x16b: {  	v55 =	vimm.s32 $0x0;
	v40 =	vperm.xlane v58, v4;
	v59, v60, _ =	vpop (xrf1);
	v41 =	vperm.xlane v57, v4  }
0x16c: {  	v57 =	vimm.s32 $0x0;
	v58 =	vimm.s32 $0x0;
	vm13 =	veq.f32 v59, v38;
	v44, v45, _ =	vpop (xrf1)  }
0x16d: {  	vm14 =	vlt.s32 v60, v39;
	vm12 =	vgt.f32 v59, v38;
	vm15 =	vgt.f32 v44, v40  }
0x16e: {  	[tilespmem:$0x1FF80] =	vst v46;
	vm0 =	vmand vm13, vm14;
	v46, v47, _ =	vpop (xrf1);
	vm13 =	veq.f32 v44, v40;
	vm14 =	vlt.s32 v45, v41  }
0x16f: {  	vm0 =	vmor vm12, vm0;
	vm1 =	vmand vm13, vm14;
	vm9 =	vgt.f32 v46, v32  }
0x170: {  	[tilespmem:$0x1FF70] =	vst v48;
	v48, v49, _ =	vpop (xrf1);
	vm12 =	veq.f32 v46, v32;
	vm13 =	vlt.s32 v47, v33;
	v38 =	vsel vm0, v59, v38  }
0x171: {  	v39 =	vsel vm0, v60, v39;
	vm10 =	vgt.f32 v48, v30;
	v42, v43, _ =	vpop (xrf1);
	vm15 =	vmor vm15, vm1  }
0x172: {  	vm14 =	veq.f32 v48, v30;
	vm12 =	vmand vm12, vm13;
	(xrf1) =	vsort.dscd.msk.f32 $0xffff, v38, v39;
	vm4 =	vgt.f32 v42, v24  }
0x173: {  	v44 =	vsel vm15, v44, v40;
	v62 =	vsel vm15, v45, v41;
	vm15 =	vlt.s32 v49, v26  }
0x174: {  	v59 =	vld [tilespmem:$0x1FF70];
	v40, v41, _ =	vpop (xrf1);
	vm5 =	veq.f32 v42, v24;
	vm6 =	vlt.s32 v43, v25;
	vm12 =	vmor vm9, vm12;
	(xrf1) =	vsort.dscd.msk.f32 $0xffff, v44, v62  }
0x175: {  	v61 =	vsel vm4, $0xFFFFFFFF, v54;
	v52 =	vsel vm5, $0xFFFFFFFF, v53;
	vm7 =	vgt.f32 v40, v29  }
0x176: {  	v60 =	vld [tilespmem:$0x1FF80];
	v56 =	vsel vm6, $0xFFFFFFFF, v57;
	vm4 =	veq.f32 v40, v29;
	vm3 =	vlt.s32 v41, v35  }
0x177: {  	vm14 =	vmand vm14, vm15;
	v47 =	vsel vm12, v47, v33;
	[tilespmem:$0x1FFC0] =	vst v61;
	vm3 =	vmand vm4, vm3;
	v61 =	vld [tilespmem:$0x1FF90];
	v38, v39, _ =	vpop (xrf1)  }
0x178: {  	vm3 =	vmor vm7, vm3;
	vm6 =	vgt.f32 v38, v36;
	vm2 =	veq.f32 v38, v36  }
0x179: {  	v44, v45, _ =	vpop (xrf1);
	vm1 =	vlt.s32 v39, v31;
	vm0 =	vnez.u8 v59;
	v29 =	vsel vm3, v40, v29  }
0x17a: {  	v35 =	vsel vm3, v41, v35;
	vm8 =	vgt.f32 v44, v20;
	vm11 =	veq.f32 v44, v20  }
0x17b: {  	vm5 =	vlt.s32 v45, v21;
	v63 =	vsel vm8, $0xFFFFFFFF, v55;
	vm8 =	vnez.u8 v60  }
0x17c: {  	[tilespmem:$0x1FFB0] =	vst v56;
	v57, v51, _ =	vpop (xrf1);
	v56 =	vsel vm11, $0xFFFFFFFF, v50;
	vm0 =	vmand vm0, vm8;
	vm8 =	vnez.u8 v61  }
0x17d: {  	[tilespmem:$0x1FFA0] =	vst v52;
	v52 =	vsel vm5, $0xFFFFFFFF, v58;
	vm11 =	vgt.f32 v57, v27;
	vm0 =	vmor vm8, vm0  }
0x17e: {  	vm5 =	veq.f32 v57, v27;
	[tilespmem:$0x1FFF0] =	vst v63;
	v62 =	vsel vm0, v23, v28;
	v63 =	vsel vm0, v22, v34  }
0x17f: {  	vm1 =	vmand vm2, vm1;
	vm13 =	vlt.s32 v51, v37;
	v28 =	vsel vm12, v46, v32;
	(xrf1) =	vsort.dscd.msk.f32 $0xffff, v62, v63  }
0x180: {  	vm1 =	vmor vm6, vm1;
	v55 =	vld [tilespmem:$0x1FFA0];
	[tilespmem:$0x1FFD0] =	vst v56;
	vm5 =	vmand vm5, vm13;
	v22, v23, _ =	vpop (xrf1);
	(xrf1) =	vsort.dscd.msk.f32 $0xffff, v28, v47  }
0x181: {  	v54 =	vsel vm1, v38, v36;
	v31 =	vsel vm1, v39, v31;
	v56 =	vld [tilespmem:$0x1FFB0];
	vm0 =	vmor vm11, vm5;
	(xrf1) =	vsort.dscd.msk.f32 $0xffff, v29, v35  }
0x182: {  	vm15 =	vmor vm10, vm14;
	v60 =	vld [tilespmem:$0x1FFC0];
	v27 =	vsel vm0, v57, v27;
	v57 =	vsel vm0, v51, v37;
	v29, v58, _ =	vpop (xrf1);
	(xrf1) =	vsort.dscd.msk.f32 $0xffff, v54, v31  }
0x183: {  	v30 =	vsel vm15, v48, v30;
	v26 =	vsel vm15, v49, v26;
	(xrf1) =	vsort.dscd.msk.f32 $0xffff, v27, v57  }
0x184: {  	(xrf1) =	vsort.dscd.msk.f32 $0xffff, v30, v26;
	v30 =	vld [tilespmem:$0x1FFD0]  }
0x185: {  	s14 =	spop (v2sf)  }
0x186: {  	s2 =	sshll.u32 s14, $0x8;
	vm6 =	vnez.u8 v55;
	vm7 =	vnez.u8 v56  }
0x187: {  	v59 =	vld [tilespmem:s2+$0x10];
	vm8 =	vnez.u8 v60;
	vm1 =	vmand vm6, vm7  }
0x188: {  	[tilespmem:$0x1FFE0] =	vst v52;
	v28 =	vld [tilespmem:s2+$0x0];
	vm0 =	vmor vm8, vm1;
	v22 =	vperm.xlane v22, v4;
	v23 =	vperm.xlane v23, v4  }
0x189: {  	v24 =	vsel vm0, v42, v24;
	v25 =	vsel vm0, v43, v25;
	vm13 =	vnez.u8 v30;
	v30 =	vld [tilespmem:$0x1FFE0]  }
0x18a: {  	(xrf1) =	vsort.dscd.msk.f32 $0xffff, v24, v25;
	v25 =	vld [tilespmem:$0x1FFF0]  }
0x18b: {  	v31 =	vld [tilespmem:s2+$0x30];
	vm9 =	veq.f32 v29, v22;
	vm10 =	vlt.s32 v58, v23  }
0x18c: {  	vm11 =	vgt.f32 v29, v22;
	v27 =	vld [tilespmem:s2+$0x50];
	vm1 =	vmand vm9, vm10  }
0x18d: {  	v26 =	vld [tilespmem:s2+$0x90];
	vm12 =	vmor vm11, vm1  }
0x18e: {  	v24 =	vld [tilespmem:s2+$0x70];
	v22 =	vsel vm12, v29, v22;
	v23 =	vsel vm12, v58, v23;
	vm14 =	vnez.u8 v30  }
0x18f: {  	(xrf1) =	vsort.dscd.msk.f32 $0xffff, v22, v23;
	v22 =	vld [tilespmem:s2+$0xB0];
	vm15 =	vnez.u8 v25;
	vm1 =	vmand vm13, vm14  }
0x190: {  	v23 =	vld [tilespmem:s2+$0xD0];
	vm0 =	vmor vm15, vm1  }
0x191: {  	s14 =	sor.u32 $0x90, s2;
	v25 =	vld [tilespmem:s2+$0xF0];
	v20 =	vsel vm0, v44, v20  }
0x192: {  	p0 =	sne.s32 s0, $0xF;
	v33 =	vor.u32 s14, v0;
	v62 =	vadd.f32 v59, v17;
	v21 =	vsel vm0, v45, v21  }
.Ltmp1:
0x193: {  	s16 =	sor.u32 $0x10, s2;
	v61 =	vor.u32 s2, v0;
	v29 =	vadd.f32 v28, v17;
	v32 =	vadd.f32 v31, v17;
	(pc) =	sbr.rel @p0 .LBB2_5-.Ltmp1, $4  }
0x194: {  	v63 =	vor.u32 s16, v0;
	s16 =	sor.u32 $0x30, s2;
	v28 =	vadd.f32 v26, v17;
	v26 =	vadd.f32 v22, v17  }
0x195: {  	v34 =	vor.u32 s16, v0;
	s16 =	sor.u32 $0x50, s2;
	v23 =	vadd.f32 v23, v17;
	v30 =	vadd.f32 v27, v17;
	(xrf1) =	vsort.dscd.msk.f32 $0xffff, v20, v21;
	v21, v20, _ =	vpop (xrf1)  }
0x196: {  	v31 =	vor.u32 s16, v0;
	s16 =	sor.u32 $0x70, s2;
	v27 =	vadd.f32 v24, v17;
	v22 =	vadd.f32 v25, v17;
	(xrf1) =	vsort.dscd.msk.f32 $0xffff, v29, v61;
	v24, v25, _ =	vpop (xrf1)  }
0x197: {  	s0 =	sadd.s32 $0x1, s0;
	s14 =	sor.u32 $0xB0, s2;
	v29 =	vor.u32 s16, v0;
	(xrf1) =	vsort.dscd.msk.f32 $0xffff, v62, v63;
	v24 =	vperm.xlane v24, v4;
	v25 =	vperm.xlane v25, v4;
	v36, v35, _ =	vpop (xrf1)  }
0x198: {  	_ =	sdelay $0x2  }
0x199: {  	v37, v38, _ =	vpop (xrf1);
	v41 =	vor.u32 s14, v0;
	s0 =	sor.u32 $0xD0, s2;
	v36 =	vperm.xlane v36, v4;
	v35 =	vperm.xlane v35, v4  }
0x19a: {  	s16 =	sor.u32 $0xF0, s2;
	v39, v40, _ =	vpop (xrf1);
	v44 =	vor.u32 s0, v0;
	v37 =	vperm.xlane v37, v4;
	v38 =	vperm.xlane v38, v4  }
0x19b: {  	(xrf1) =	vsort.dscd.msk.f32 $0xffff, v32, v34;
	v60 =	vor.u32 s16, v0;
	vm0 =	vgt.f32 v21, v24;
	vm3 =	veq.f32 v21, v24;
	v42, v43, _ =	vpop (xrf1)  }
0x19c: {  	vm15 =	vlt.s32 v20, v25;
	v61 =	vperm.xlane v39, v4;
	v62 =	vperm.xlane v40, v4;
	v45, v46, _ =	vpop (xrf1)  }
0x19d: {  	vm5 =	veq.f32 v42, v36;
	vm9 =	vlt.s32 v43, v35;
	vm14 =	vgt.f32 v42, v36;
	v63, v47, _ =	vpop (xrf1)  }
0x19e: {  	vm11 =	veq.f32 v45, v37;
	vm1 =	veq.f32 v18, v63;
	vm2 =	vlt.s32 v19, v47  }
0x19f: {  	(xrf1) =	vsort.dscd.msk.f32 $0xffff, v30, v31;
	vm12 =	vlt.s32 v46, v38;
	vm4 =	vgt.f32 v18, v63;
	vm1 =	vmand vm1, vm2  }
0x1a0: {  	(xrf1) =	vsort.dscd.msk.f32 $0xffff, v28, v33;
	vm2 =	vmand vm3, vm15;
	vm15 =	vgt.f32 v45, v37;
	vm1 =	vmor vm4, vm1  }
0x1a1: {  	vm3 =	vmand vm11, vm12;
	v18 =	vsel vm1, v18, v63;
	v19 =	vsel vm1, v19, v47;
	v28, v30, _ =	vpop (xrf1);
	(xrf1) =	vsort.dscd.msk.f32 $0xffff, v27, v29  }
0x1a2: {  	vm4 =	vmand vm5, vm9;
	vm6 =	veq.f32 v28, v61;
	vm10 =	vlt.s32 v30, v62;
	(xrf1) =	vsort.dscd.msk.f32 $0xffff, v26, v41  }
0x1a3: {  	vm0 =	vmor vm0, vm2;
	vm13 =	vgt.f32 v28, v61;
	vm1 =	vmand vm6, vm10;
	(xrf1) =	vsort.ascd.msk.f32 $0xffff, v18, v19  }
0x1a4: {  	v21 =	vsel vm0, v21, v24;
	v20 =	vsel vm0, v20, v25;
	v18 =	vld [tilespmem:s2+$0x20];
	vm1 =	vmor vm13, vm1;
	(xrf1) =	vsort.dscd.msk.f32 $0xffff, v23, v44  }
0x1a5: {  	vm4 =	vmor vm14, vm4;
	v19 =	vld [tilespmem:s2+$0x40];
	(xrf1) =	vsort.dscd.msk.f32 $0xffff, v22, v60;
	v22 =	vsel vm1, v28, v61;
	v23 =	vsel vm1, v30, v62  }
0x1a6: {  	vm5 =	vmor vm15, vm3;
	v27 =	vsel vm4, v42, v36;
	v28 =	vsel vm4, v43, v35;
	(xrf1) =	vsort.dscd.msk.f32 $0xffff, v22, v23  }
0x1a7: {  	v29 =	vsel vm5, v46, v38;
	v26 =	vld [tilespmem:s2+$0x80];
	v23 =	vsel vm5, v45, v37;
	(xrf1) =	vsort.dscd.msk.f32 $0xffff, v27, v28  }
0x1a8: {  	s14 =	sor.u32 $0x20, s2;
	v22 =	vld [tilespmem:s2+$0x60];
	(xrf1) =	vsort.dscd.msk.f32 $0xffff, v23, v29  }
0x1a9: {  	v25 =	vor.u32 s14, v0;
	v18 =	vadd.f32 v18, v17;
	(xrf1) =	vsort.dscd.msk.f32 $0xffff, v21, v20  }
0x1aa: {  	v27 =	vld [tilespmem:s2+$0xA0];
	v19 =	vadd.f32 v19, v17;
	v20, v21, _ =	vpop (xrf1)  }
0x1ab: {  	s16 =	sor.u32 $0x40, s2;
	s14 =	sor.u32 $0x80, s2;
	v23, v24, _ =	vpop (xrf1)  }
0x1ac: {  	v31 =	vor.u32 s14, v0;
	v30 =	vor.u32 s16, v0;
	v26 =	vadd.f32 v26, v17;
	(xrf1) =	vsort.dscd.msk.f32 $0xffff, v18, v25;
	v28, v29, _ =	vpop (xrf1)  }
0x1ad: {  	s16 =	sor.u32 $0x60, s2;
	v22 =	vadd.f32 v22, v17;
	(xrf1) =	vsort.dscd.msk.f32 $0xffff, v19, v30;
	v30 =	vld [tilespmem:s2+$0xC0];
	v23 =	vperm.xlane v23, v4;
	v18, v25, _ =	vpop (xrf1)  }
0x1ae: {  	v42 =	vor.u32 s16, v0;
	v24 =	vperm.xlane v24, v4;
	(xrf1) =	vsort.dscd.msk.f32 $0xffff, v26, v31;
	v26 =	vld [tilespmem:s2+$0xE0];
	v28 =	vperm.xlane v28, v4;
	v19, v41, _ =	vpop (xrf1)  }
0x1af: {  	s14 =	sor.u32 $0xA0, s2;
	v27 =	vadd.f32 v27, v17;
	v29 =	vperm.xlane v29, v4;
	v25 =	vperm.xlane v25, v4;
	v31, v43, _ =	vpop (xrf1)  }
0x1b0: {  	v44 =	vor.u32 s14, v0;
	s16 =	sor.u32 $0xC0, s2;
	v32 =	vperm.xlane v41, v4;
	(xrf1) =	vsort.dscd.msk.f32 $0xffff, v22, v42;
	v22 =	vperm.xlane v18, v4;
	v46, v45, _ =	vpop (xrf1)  }
0x1b1: {  	v53 =	vor.u32 s16, v0;
	(xrf1) =	vsort.dscd.msk.f32 $0xffff, v27, v44;
	v27 =	vperm.xlane v19, v4;
	v31 =	vperm.xlane v31, v4;
	v19, v18, _ =	vpop (xrf1)  }
0x1b2: {  	v34 =	vperm.xlane v43, v4;
	v30 =	vadd.f32 v30, v17;
	v33 =	vperm.xlane v46, v4;
	v48, v47, _ =	vpop (xrf1)  }
0x1b3: {  	v36 =	vperm.xlane v45, v4;
	v17 =	vadd.f32 v26, v17;
	v50, v49, _ =	vpop (xrf1);
	v26 =	vperm.xlane v48, v4  }
0x1b4: {  	vm12 =	veq.f32 v20, v23;
	v35 =	vperm.xlane v47, v4;
	v52, v51, _ =	vpop (xrf1);
	v38 =	vperm.xlane v50, v4  }
0x1b5: {  	s14 =	sor.u32 $0xE0, s2;
	vm13 =	vlt.s32 v21, v24;
	v37 =	vperm.xlane v52, v4;
	v40 =	vperm.xlane v51, v4;
	v54, v55, _ =	vpop (xrf1)  }
0x1b6: {  	(xrf1) =	vsort.dscd.msk.f32 $0xffff, v30, v53;
	v30 =	vor.u32 s14, v0;
	v39 =	vperm.xlane v49, v4;
	v56 =	vperm.xlane v54, v4;
	v58, v57, _ =	vpop (xrf1)  }
0x1b7: {  	v43 =	vperm.xlane v55, v4;
	vm6 =	veq.f32 v58, v37;
	vm7 =	vlt.s32 v57, v40;
	v59, v60, _ =	vpop (xrf1)  }
0x1b8: {  	(xrf1) =	vsort.dscd.msk.f32 $0xffff, v17, v30;
	vm9 =	vgt.f32 v58, v37;
	vm8 =	vgt.f32 v59, v56;
	vm0 =	vmand vm6, vm7  }
0x1b9: {  	vm10 =	veq.f32 v59, v56;
	vm11 =	vlt.s32 v60, v43;
	vm0 =	vmor vm9, vm0  }
0x1ba: {  	v17, v30, _ =	vpop (xrf1);
	vm1 =	vmand vm10, vm11;
	v37 =	vsel vm0, v58, v37;
	v40 =	vsel vm0, v57, v40  }
0x1bb: {  	v61, v62, _ =	vpop (xrf1);
	vm14 =	veq.f32 v17, v28;
	vm15 =	vlt.s32 v30, v29;
	vm1 =	vmor vm8, vm1;
	(xrf1) =	vsort.dscd.msk.f32 $0xffff, v37, v40  }
0x1bc: {  	vm9 =	veq.f32 v61, v22;
	v41 =	vsel vm1, v59, v56;
	v43 =	vsel vm1, v60, v43  }
0x1bd: {  	vm10 =	vlt.s32 v62, v25;
	vm0 =	vmand vm12, vm13;
	vm1 =	vmand vm14, vm15;
	(xrf1) =	vsort.dscd.msk.f32 $0xffff, v41, v43  }
0x1be: {  	vm4 =	vmand vm9, vm10;
	vm15 =	vgt.f32 v20, v23;
	vm9 =	vgt.f32 v17, v28  }
0x1bf: {  	vm10 =	vgt.f32 v61, v22;
	vm6 =	vmor vm15, vm0;
	vm1 =	vmor vm9, vm1  }
0x1c0: {  	vm0 =	vmor vm10, vm4;
	v20 =	vsel vm6, v20, v23;
	v21 =	vsel vm6, v21, v24;
	v37, v40, _ =	vpop (xrf1)  }
0x1c1: {  	v17 =	vsel vm1, v17, v28;
	v28 =	vsel vm1, v30, v29;
	v22 =	vsel vm0, v61, v22;
	v63, v52, _ =	vpop (xrf1)  }
0x1c2: {  	v25 =	vsel vm0, v62, v25;
	vm15 =	vlt.s32 v40, v32;
	v41, v43, _ =	vpop (xrf1);
	vm11 =	veq.f32 v63, v31  }
0x1c3: {  	vm12 =	vlt.s32 v52, v34;
	vm13 =	veq.f32 v41, v33;
	vm14 =	vlt.s32 v43, v36  }
0x1c4: {  	vm2 =	vmand vm11, vm12;
	vm11 =	vgt.f32 v63, v31;
	vm12 =	vgt.f32 v41, v33  }
0x1c5: {  	v53, v48, _ =	vpop (xrf1);
	vm3 =	vmand vm13, vm14;
	vm2 =	vmor vm11, vm2;
	vm13 =	vgt.f32 v37, v27  }
0x1c6: {  	vm14 =	veq.f32 v37, v27;
	v23, v24, _ =	vpop (xrf1);
	vm9 =	vgt.f32 v53, v26;
	vm3 =	vmor vm12, vm3  }
0x1c7: {  	vm7 =	veq.f32 v23, v38;
	v29 =	vsel vm2, v63, v31;
	v30 =	vsel vm2, v52, v34  }
0x1c8: {  	vm8 =	vlt.s32 v24, v39;
	vm10 =	vgt.f32 v23, v38;
	vm12 =	veq.f32 v53, v26  }
0x1c9: {  	(xrf1) =	vsort.dscd.msk.f32 $0xffff, v20, v21;
	v31 =	vsel vm3, v41, v33;
	v54 =	vsel vm3, v43, v36;
	vm2 =	vmand vm7, vm8;
	v20, v21, _ =	vpop (xrf1)  }
0x1ca: {  	(xrf1) =	vsort.dscd.msk.f32 $0xffff, v17, v28;
	vm2 =	vmor vm10, vm2;
	v17 =	vperm.xlane v20, v4;
	v20 =	vperm.xlane v21, v4  }
0x1cb: {  	vm11 =	vmand vm14, vm15;
	(xrf1) =	vsort.dscd.msk.f32 $0xffff, v29, v30;
	v21 =	vsel vm2, v23, v38;
	v23 =	vsel vm2, v24, v39;
	v24, v28, _ =	vpop (xrf1)  }
0x1cc: {  	vm3 =	vmor vm13, vm11;
	(xrf1) =	vsort.dscd.msk.f32 $0xffff, v31, v54;
	vm13 =	veq.f32 v24, v17;
	vm14 =	vlt.s32 v28, v20  }
0x1cd: {  	vm7 =	vlt.s32 v48, v35;
	(xrf1) =	vsort.dscd.msk.f32 $0xffff, v21, v23;
	vm15 =	vgt.f32 v24, v17;
	vm0 =	vmand vm13, vm14  }
0x1ce: {  	v21 =	vsel vm3, v37, v27;
	v23 =	vsel vm3, v40, v32;
	(xrf1) =	vsort.dscd.msk.f32 $0xffff, v22, v25;
	vm0 =	vmor vm15, vm0  }
0x1cf: {  	vm2 =	vmand vm12, vm7;
	(xrf1) =	vsort.dscd.msk.f32 $0xffff, v21, v23;
	v17 =	vsel vm0, v24, v17;
	v20 =	vsel vm0, v28, v20  }
0x1d0: {  	vm8 =	vmor vm9, vm2;
	(xrf1) =	vsort.dscd.msk.f32 $0xffff, v17, v20  }
0x1d1: {  	v17 =	vsel vm8, v53, v26;
	v20 =	vsel vm8, v48, v35  }
0x1d2: {  	(xrf1) =	vsort.dscd.msk.f32 $0xffff, v17, v20;
	_ =	sdelay $0x4  }
0x1d3: {  	v17, v20, _ =	vpop (xrf1)  }
0x1d4: {  	v21, v22, _ =	vpop (xrf1)  }
0x1d5: {  	v23, v24, _ =	vpop (xrf1);
	v21 =	vperm.xlane v21, v4  }
0x1d6: {  	v22 =	vperm.xlane v22, v4;
	v25, v26, _ =	vpop (xrf1);
	v23 =	vperm.xlane v23, v4  }
0x1d7: {  	v24 =	vperm.xlane v24, v4;
	v25 =	vperm.xlane v25, v4;
	v27, v28, _ =	vpop (xrf1)  }
0x1d8: {  	v26 =	vperm.xlane v26, v4;
	vm9 =	veq.f32 v17, v21;
	vm12 =	vlt.s32 v20, v22;
	v29, v30, _ =	vpop (xrf1)  }
0x1d9: {  	vm0 =	vmand vm9, vm12;
	v31, v55, _ =	vpop (xrf1);
	vm14 =	veq.f32 v29, v23;
	vm9 =	vlt.s32 v30, v24  }
0x1da: {  	v27 =	vperm.xlane v27, v4;
	v28 =	vperm.xlane v28, v4;
	vm2 =	vmand vm14, vm9;
	v57, v56, _ =	vpop (xrf1)  }
0x1db: {  	vm12 =	veq.f32 v31, v25;
	vm10 =	veq.f32 v19, v57;
	vm11 =	vlt.s32 v18, v56  }
0x1dc: {  	vm14 =	vgt.f32 v31, v25;
	v59, v58, _ =	vpop (xrf1);
	vm13 =	vgt.f32 v19, v57;
	vm1 =	vmand vm10, vm11  }
0x1dd: {  	vm15 =	veq.f32 v59, v27;
	vm8 =	vlt.s32 v58, v28;
	vm10 =	vgt.f32 v29, v23  }
0x1de: {  	vm11 =	vgt.f32 v59, v27;
	vm1 =	vmor vm13, vm1;
	vm2 =	vmor vm10, vm2  }
0x1df: {  	v19 =	vsel vm1, v19, v57;
	v18 =	vsel vm1, v18, v56;
	vm1 =	vmand vm15, vm8  }
0x1e0: {  	vm13 =	vlt.s32 v55, v26;
	vm15 =	vgt.f32 v17, v21;
	vm1 =	vmor vm11, vm1  }
0x1e1: {  	(xrf1) =	vsort.ascd.msk.f32 $0xffff, v19, v18;
	v27 =	vsel vm1, v59, v27;
	v28 =	vsel vm1, v58, v28;
	vm1 =	vmand vm12, vm13  }
0x1e2: {  	v18 =	vsel vm2, v29, v23;
	v19 =	vsel vm2, v30, v24;
	vm1 =	vmor vm14, vm1;
	(xrf1) =	vsort.dscd.msk.f32 $0xffff, v27, v28  }
0x1e3: {  	vm0 =	vmor vm15, vm0;
	v23 =	vsel vm1, v31, v25;
	v24 =	vsel vm1, v55, v26;
	(xrf1) =	vsort.dscd.msk.f32 $0xffff, v18, v19  }
0x1e4: {  	v17 =	vsel vm0, v17, v21;
	v18 =	vsel vm0, v20, v22;
	(xrf1) =	vsort.dscd.msk.f32 $0xffff, v23, v24  }
0x1e5: {  	(xrf1) =	vsort.dscd.msk.f32 $0xffff, v17, v18;
	_ =	sdelay $0x9  }
0x1e6: {  	v17, v18, _ =	vpop (xrf1)  }
0x1e7: {  	v19, v20, _ =	vpop (xrf1)  }
0x1e8: {  	v19 =	vperm.xlane v19, v4;
	v20 =	vperm.xlane v20, v4;
	v21, v22, _ =	vpop (xrf1)  }
0x1e9: {  	v21 =	vperm.xlane v21, v4;
	v23, v24, _ =	vpop (xrf1)  }
0x1ea: {  	v22 =	vperm.xlane v22, v4;
	vm4 =	veq.f32 v23, v19;
	vm5 =	vlt.s32 v24, v20;
	v25, v26, _ =	vpop (xrf1)  }
0x1eb: {  	vm6 =	vgt.f32 v23, v19;
	vm0 =	vmand vm4, vm5;
	vm7 =	veq.f32 v25, v21  }
0x1ec: {  	vm8 =	vlt.s32 v26, v22;
	vm9 =	vgt.f32 v25, v21;
	vm0 =	vmor vm6, vm0  }
0x1ed: {  	vm1 =	vmand vm7, vm8;
	v19 =	vsel vm0, v23, v19;
	v20 =	vsel vm0, v24, v20  }
0x1ee: {  	vm0 =	vmor vm9, vm1;
	(xrf1) =	vsort.dscd.msk.f32 $0xffff, v19, v20  }
0x1ef: {  	v19 =	vsel vm0, v25, v21;
	v20 =	vsel vm0, v26, v22  }
0x1f0: {  	(xrf1) =	vsort.dscd.msk.f32 $0xffff, v19, v20;
	_ =	sdelay $0xb  }
0x1f1: {  	v19, v20, _ =	vpop (xrf1)  }
0x1f2: {  	v19 =	vperm.xlane v19, v4;
	v20 =	vperm.xlane v20, v4  }
0x1f3: {  	v21, v22, _ =	vpop (xrf1)  }
0x1f4: {  	vm10 =	veq.f32 v21, v19;
	vm11 =	vlt.s32 v22, v20  }
0x1f5: {  	vm12 =	vgt.f32 v21, v19;
	vm0 =	vmand vm10, vm11  }
0x1f6: {  	vm0 =	vmor vm12, vm0  }
0x1f7: {  	v19 =	vsel vm0, v21, v19;
	v20 =	vsel vm0, v22, v20  }
0x1f8: {  	(xrf1) =	vsort.dscd.msk.f32 $0xffff, v19, v20;
	_ =	sdelay $0xd  }
0x1f9: {  	v19, v20, _ =	vpop (xrf1)  }
0x1fa: {  	vm13 =	veq.f32 v17, v19;
	vm14 =	vlt.s32 v18, v20  }
0x1fb: {  	vm15 =	vgt.f32 v17, v19;
	vm0 =	vmand vm13, vm14  }
0x1fc: {  	vm0 =	vmor vm15, vm0  }
0x1fd: {  	v17 =	vsel vm0, v17, v19;
	v18 =	vsel vm0, v18, v20  }
0x1fe: {  	(xrf1) =	vsort.ascd.msk.f32 $0xffff, v17, v18;
	_ =	sdelay $0xd  }
0x1ff: {  	s0 =	sadd.s32 s4, s30;
	v17, v18, _ =	vpop (xrf1)  }
0x200: {  	p0 =	slt.s32 s0, $0xFE;
	v17 =	vperm.xlane v17, v4  }
0x201: {  	s0 =	simm.s32 @!p0 $0xFE;
	v18 =	vperm.xlane v18, v4  }
0x202: {  	s0 =	sadd.s32 $0x1, s0;
	[tilespmem:s31+$0x10980] =	vst v17  }
0x203: {  	s16 =	sshll.u32 s0, $0x4;
	[tilespmem:s31+$0x10A00] =	vst v18  }
0x204: {  	s0 =	sshll.u32 s0, $0xC;
	s2 =	sand.u32 $0x70, s16;
	_ =	swait.ge [sflag:s23], $0x8000  }
0x205: {  	s0 =	sand.u32 $0x1F8000, s0;
	s2 =	sadd.s32 s1, s2;
	[sflag:s23] =	ssyncset.done $0x0  }
0x206: {  	s0 =	sadd.s32 s0, s2;
	[sflag:s23] =	ssyncadd.s32 $0xFFFF8000  }
0x207: {  	[tilespmem:s3], [sflag:$0x1] =	stream.strided.gather [hbm4b:s0+s17], $0x8000, s18, s17, $0x38;
	[tilespmem:$0x10B80] =	vst v63  }
0x208: {  	s14 =	simm.s32 $0x8100;
	v17 =	vld [tilespmem:s31+$0x10900]  }
0x209: {  	v18 =	vld [tilespmem:s14+$0x0]  }
0x20a: {  	v19 =	vld [tilespmem:s14+$0x10]  }
0x20b: {  	v20 =	vld [tilespmem:s14+$0x20]  }
0x20c: {  	v21 =	vld [tilespmem:s14+$0x30]  }
0x20d: {  	v22 =	vld [tilespmem:s14+$0x40]  }
0x20e: {  	v23 =	vld [tilespmem:s14+$0x50]  }
0x20f: {  	v24 =	vld [tilespmem:s14+$0x60]  }
0x210: {  	v25 =	vld [tilespmem:s14+$0x70]  }
0x211: {  	v26 =	vld [tilespmem:s14+$0x80]  }
0x212: {  	v27 =	vld [tilespmem:s14+$0x90]  }
0x213: {  	v28 =	vld [tilespmem:s14+$0xA0]  }
0x214: {  	v29 =	vld [tilespmem:s14+$0xB0]  }
0x215: {  	v30 =	vld [tilespmem:s14+$0xC0]  }
0x216: {  	v31 =	vld [tilespmem:s14+$0xD0]  }
0x217: {  	v32 =	vld [tilespmem:s14+$0xE0]  }
0x218: {  	v33 =	vld [tilespmem:s14+$0xF0]  }
0x219: {  	v34 =	vld [tilespmem:s14+$0xFFFFFF10]  }
0x21a: {  	v35 =	vld [tilespmem:s14+$0xFFFFFF20]  }
0x21b: {  	v36 =	vld [tilespmem:s14+$0xFFFFFF30]  }
0x21c: {  	v37 =	vld [tilespmem:s14+$0xFFFFFF40]  }
0x21d: {  	v38 =	vld [tilespmem:s14+$0xFFFFFF50]  }
0x21e: {  	v39 =	vld [tilespmem:s14+$0xFFFFFF60]  }
0x21f: {  	v40 =	vld [tilespmem:s14+$0xFFFFFF70]  }
0x220: {  	v41 =	vld [tilespmem:s14+$0xFFFFFF80]  }
0x221: {  	v42 =	vld [tilespmem:s14+$0xFFFFFF90]  }
0x222: {  	v43 =	vld [tilespmem:s14+$0xFFFFFFA0]  }
0x223: {  	v44 =	vld [tilespmem:s14+$0xFFFFFFB0]  }
0x224: {  	v60 =	vld [tilespmem:s14+$0xFFFFFFC0]  }
0x225: {  	v61 =	vld [tilespmem:s14+$0xFFFFFFD0]  }
0x226: {  	v62 =	vld [tilespmem:s14+$0xFFFFFFE0]  }
0x227: {  	v63 =	vld [tilespmem:s14+$0xFFFFFFF0]  }
0x228: {  	s16 =	simm.s32 $0x8300;
	v49 =	vld [tilespmem:s14+$0xFFFFFF00]  }
0x229: {  	v50 =	vld [tilespmem:s16+$0x0]  }
0x22a: {  	v51 =	vld [tilespmem:s16+$0x10]  }
0x22b: {  	v52 =	vld [tilespmem:s16+$0x20]  }
0x22c: {  	v53 =	vld [tilespmem:s16+$0x30]  }
0x22d: {  	v54 =	vld [tilespmem:s16+$0x40]  }
0x22e: {  	v55 =	vld [tilespmem:s16+$0x50]  }
0x22f: {  	v56 =	vld [tilespmem:s16+$0x60]  }
0x230: {  	v59 =	vld [tilespmem:s16+$0xE0]  }
0x231: {  	v18 =	vmax.f32 v18, v19;
	v19 =	vld [tilespmem:s16+$0x70];
	v20 =	vmax.f32 v20, v21;
	v21 =	vmax.f32 v22, v23  }
0x232: {  	v22 =	vmax.f32 v24, v25;
	v23 =	vld [tilespmem:s16+$0x80];
	v24 =	vmax.f32 v26, v27;
	v25 =	vmax.f32 v28, v29  }
0x233: {  	v26 =	vmax.f32 v30, v31;
	v27 =	vld [tilespmem:s16+$0x90];
	v28 =	vmax.f32 v32, v33;
	v30 =	vmax.f32 v43, v44  }
0x234: {  	v29 =	vld [tilespmem:s16+$0xC0];
	v57 =	vmax.f32 v60, v61;
	v58 =	vmax.f32 v62, v63;
	v34 =	vmax.f32 v49, v34  }
0x235: {  	v31 =	vld [tilespmem:s16+$0xD0];
	v61 =	vmax.f32 v54, v55;
	v18 =	vmax.f32 v18, v20;
	v20 =	vmax.f32 v21, v22  }
0x236: {  	v60 =	vld [tilespmem:s16+$0xF0];
	v22 =	vmax.f32 v24, v25;
	v24 =	vmax.f32 v26, v28;
	v26 =	vmax.f32 v37, v38  }
0x237: {  	v21 =	vld [tilespmem:s16+$0xA0];
	v28 =	vmax.f32 v39, v40;
	v20 =	vmax.f32 v18, v20;
	v18 =	vmax.f32 v35, v36  }
0x238: {  	v25 =	vld [tilespmem:s16+$0xB0];
	v26 =	vmax.f32 v26, v28;
	v28 =	vmax.f32 v41, v42;
	v22 =	vmax.f32 v22, v24  }
0x239: {  	v62 =	vld [tilespmem:s16+$0xFFFFFF40];
	v28 =	vmax.f32 v28, v30;
	v30 =	vmax.f32 v57, v58;
	v18 =	vmax.f32 v34, v18  }
0x23a: {  	v20 =	vmax.f32 v20, v22;
	v24 =	vmax.f32 v28, v30;
	v26 =	vmax.f32 v18, v26;
	v18 =	vld [tilespmem:s16+$0xFFFFFF10]  }
0x23b: {  	v28 =	vmax.f32 v50, v51;
	v30 =	vmax.f32 v52, v53;
	(xrf0) =	vmax.scan.msk.f32 $0xffff, v20;
	v20 =	vld [tilespmem:s16+$0xFFFFFF60];
	v22 =	vmax.f32 v26, v24  }
0x23c: {  	v24 =	vld [tilespmem:s16+$0xFFFFFF20];
	v19 =	vmax.f32 v56, v19;
	v23 =	vmax.f32 v23, v27;
	v27 =	vmax.f32 v29, v31  }
0x23d: {  	v26 =	vld [tilespmem:s16+$0xFFFFFF30];
	v29 =	vmax.f32 v59, v60;
	v28 =	vmax.f32 v28, v30;
	v21 =	vmax.f32 v21, v25  }
0x23e: {  	v30 =	vld [tilespmem:s16+$0xFFFFFFA0];
	v19 =	vmax.f32 v61, v19;
	v21 =	vmax.f32 v23, v21;
	v23 =	vmax.f32 v27, v29  }
0x23f: {  	v25 =	vld [tilespmem:s16+$0xFFFFFF50];
	(xrf0) =	vmax.scan.msk.f32 $0xffff, v22;
	v19 =	vmax.f32 v28, v19;
	v21 =	vmax.f32 v21, v23  }
0x240: {  	v27 =	vld [tilespmem:s16+$0xFFFFFF70];
	v19 =	vmax.f32 v19, v21  }
0x241: {  	v28 =	vld [tilespmem:s16+$0xFFFFFF80];
	(xrf0) =	vmax.scan.msk.f32 $0xffff, v19  }
0x242: {  	v29 =	vld [tilespmem:s16+$0xFFFFFF90]  }
0x243: {  	v31 =	vld [tilespmem:s16+$0xFFFFFFB0]  }
0x244: {  	v22 =	vld [tilespmem:s16+$0xFFFFFFD0];
	v19, _, _ =	vpop (xrf0)  }
0x245: {  	v21 =	vld [tilespmem:s16+$0xFFFFFFC0];
	v23, _, _ =	vpop (xrf0);
	v19 =	vbroadcast v19, $0xF  }
0x246: {  	s0 =	simm.s32 $0x10010;
	v25 =	vmax.f32 v62, v25;
	v63 =	vbroadcast v23, $0xF;
	v23 =	vld [tilespmem:s16+$0xFFFFFFE0]  }
0x247: {  	v20 =	vmax.f32 v20, v27;
	v27 =	vmax.f32 v28, v29;
	[tilespmem:s0+$0x0] =	vst v19;
	v19 =	vmax.f32 v24, v26;
	v24 =	vld [tilespmem:s16+$0xFFFFFFF0];
	v26, _, _ =	vpop (xrf0)  }
0x248: {  	s2 =	simm.s32 $0x2;
	s14 =	simm.s32 $0x8500;
	v28 =	vmax.f32 v30, v31;
	v20 =	vmax.f32 v25, v20;
	v25 =	vld [tilespmem:s16+$0xFFFFFF00];
	[tilespmem:s0+$0xFFFFFFF0] =	vst v63;
	v26 =	vbroadcast v26, $0xF  }
.LBB2_7:
0x249: {  	v29 =	vld [tilespmem:s14+$0x0];
	v27 =	vmax.f32 v27, v28;
	s0 =	sadd.s32 $0x20, s0  }
0x24a: {  	v28 =	vld [tilespmem:s14+$0x10];
	v21 =	vmax.f32 v21, v22;
	[tilespmem:s0+$0x0] =	vst v26  }
0x24b: {  	v22 =	vld [tilespmem:s14+$0x20]  }
0x24c: {  	v26 =	vld [tilespmem:s14+$0x30];
	v23 =	vmax.f32 v23, v24  }
0x24d: {  	v24 =	vld [tilespmem:s14+$0x40];
	v18 =	vmax.f32 v25, v18;
	v21 =	vmax.f32 v21, v23  }
0x24e: {  	v23 =	vld [tilespmem:s14+$0x50];
	v18 =	vmax.f32 v18, v19;
	v19 =	vmax.f32 v27, v21  }
0x24f: {  	v21 =	vld [tilespmem:s14+$0x60];
	v18 =	vmax.f32 v18, v20  }
0x250: {  	v20 =	vld [tilespmem:s14+$0x70];
	v18 =	vmax.f32 v18, v19  }
0x251: {  	v19 =	vld [tilespmem:s14+$0x80];
	(xrf0) =	vmax.scan.msk.f32 $0xffff, v18  }
0x252: {  	v25 =	vld [tilespmem:s14+$0x90]  }
0x253: {  	v27 =	vld [tilespmem:s14+$0xA0]  }
0x254: {  	v30 =	vld [tilespmem:s14+$0xB0]  }
0x255: {  	v31 =	vld [tilespmem:s14+$0xC0]  }
0x256: {  	v32 =	vld [tilespmem:s14+$0xD0]  }
0x257: {  	v33 =	vld [tilespmem:s14+$0xE0];
	v18, _, _ =	vpop (xrf0)  }
0x258: {  	s2 =	sadd.s32 $0x2, s2;
	v34 =	vld [tilespmem:s14+$0xF0];
	v35 =	vbroadcast v18, $0xF  }
0x259: {  	p0 =	slt.u32 s2, $0x7E;
	v18 =	vld [tilespmem:s14+$0xFFFFFF10]  }
0x25a: {  	v36 =	vld [tilespmem:s14+$0xFFFFFF20];
	[tilespmem:s0+$0xFFFFFFF0] =	vst v35  }
0x25b: {  	v28 =	vmax.f32 v29, v28;
	v22 =	vmax.f32 v22, v26;
	v23 =	vmax.f32 v24, v23;
	v35 =	vld [tilespmem:s14+$0xFFFFFF30]  }
0x25c: {  	v20 =	vmax.f32 v21, v20;
	v19 =	vmax.f32 v19, v25;
	v21 =	vmax.f32 v27, v30;
	v24 =	vld [tilespmem:s14+$0xFFFFFF40]  }
0x25d: {  	v22 =	vmax.f32 v28, v22;
	v26 =	vmax.f32 v31, v32;
	v25 =	vld [tilespmem:s14+$0xFFFFFF50];
	v27 =	vmax.f32 v33, v34  }
0x25e: {  	v20 =	vmax.f32 v23, v20;
	v19 =	vmax.f32 v19, v21;
	v28 =	vld [tilespmem:s14+$0xFFFFFF60];
	v21 =	vmax.f32 v26, v27  }
0x25f: {  	v20 =	vmax.f32 v22, v20;
	v23 =	vld [tilespmem:s14+$0xFFFFFF70];
	v21 =	vmax.f32 v19, v21  }
0x260: {  	v26 =	vld [tilespmem:s14+$0xFFFFFF80];
	v19 =	vmax.f32 v36, v35;
	v20 =	vmax.f32 v20, v21  }
0x261: {  	v27 =	vld [tilespmem:s14+$0xFFFFFF90];
	(xrf0) =	vmax.scan.msk.f32 $0xffff, v20  }
0x262: {  	v29 =	vld [tilespmem:s14+$0xFFFFFFA0];
	v20 =	vmax.f32 v24, v25  }
0x263: {  	v30 =	vld [tilespmem:s14+$0xFFFFFFB0]  }
.Ltmp2:
0x264: {  	v21 =	vld [tilespmem:s14+$0xFFFFFFC0];
	v23 =	vmax.f32 v28, v23;
	(pc) =	sbr.rel @p0 .LBB2_7-.Ltmp2, $4  }
0x265: {  	v22 =	vld [tilespmem:s14+$0xFFFFFFD0];
	v20 =	vmax.f32 v20, v23  }
0x266: {  	v23 =	vld [tilespmem:s14+$0xFFFFFFE0];
	v27 =	vmax.f32 v26, v27  }
0x267: {  	v24 =	vld [tilespmem:s14+$0xFFFFFFF0];
	v26, _, _ =	vpop (xrf0)  }
0x268: {  	v25 =	vld [tilespmem:s14+$0xFFFFFF00];
	v28 =	vmax.f32 v29, v30;
	v26 =	vbroadcast v26, $0xF;
	s14 =	sadd.s32 $0x200, s14  }
0x269: {  	_ =	sdelay $0x3  }
0x26a: {  	v21 =	vmax.f32 v21, v22;
	v22 =	vmax.f32 v23, v24;
	v18 =	vmax.f32 v25, v18  }
0x26b: {  	v23 =	vmax.f32 v27, v28;
	v21 =	vmax.f32 v21, v22;
	v18 =	vmax.f32 v18, v19  }
0x26c: {  	v19 =	vmax.f32 v23, v21;
	v18 =	vmax.f32 v18, v20  }
0x26d: {  	v18 =	vmax.f32 v18, v19  }
0x26e: {  	(xrf0) =	vmax.scan.msk.f32 $0xffff, v18;
	_ =	sdelay $0x5  }
0x26f: {  	v18, _, _ =	vpop (xrf0)  }
0x270: {  	s0 =	sadd.s32 $0x20, s0;
	v18 =	vbroadcast v18, $0xF  }
0x271: {  	[tilespmem:s0+$0x0] =	vst v26  }
0x272: {  	[tilespmem:s0+$0xFFFFFFF0] =	vst v18  }
0x273: {  	v18 =	vld.idx.msk [tilespmem:v1+s21+$0x0], $0xffff  }
0x274: {  	v19 =	vld.idx.msk [tilespmem:v2+s21+$0x0], $0xffff;
	_ =	sdelay $0x3  }
0x275: {  	(xrf1) =	vsort.dscd.msk.f32 $0xffff, v18, v0  }
0x276: {  	(xrf1) =	vsort.dscd.msk.f32 $0xffff, v19, v3;
	_ =	sdelay $0xc  }
0x277: {  	v18, v19, _ =	vpop (xrf1)  }
0x278: {  	v20, v21, _ =	vpop (xrf1)  }
0x279: {  	v20 =	vperm.xlane v20, v4;
	v21 =	vperm.xlane v21, v4;
	_ =	sdelay $0x1  }
0x27a: {  	v22 =	vld.idx.msk [tilespmem:v5+s21+$0x0], $0xffff;
	vm0 =	veq.f32 v18, v20;
	vm1 =	vlt.s32 v19, v21  }
0x27b: {  	vm2 =	vgt.f32 v18, v20;
	vm0 =	vmand vm0, vm1  }
0x27c: {  	vm0 =	vmor vm2, vm0  }
0x27d: {  	v18 =	vsel vm0, v18, v20;
	v19 =	vsel vm0, v19, v21  }
0x27e: {  	(xrf1) =	vsort.dscd.msk.f32 $0xffff, v18, v19  }
0x27f: {  	(xrf1) =	vsort.dscd.msk.f32 $0xffff, v22, v6;
	_ =	sdelay $0xc  }
0x280: {  	v18, v19, _ =	vpop (xrf1)  }
0x281: {  	v20, v21, _ =	vpop (xrf1)  }
0x282: {  	v20 =	vperm.xlane v20, v4;
	v21 =	vperm.xlane v21, v4;
	_ =	sdelay $0x1  }
0x283: {  	v22 =	vld.idx.msk [tilespmem:v7+s21+$0x0], $0xffff;
	vm8 =	veq.f32 v18, v20;
	vm9 =	vlt.s32 v19, v21  }
0x284: {  	vm10 =	vgt.f32 v18, v20;
	vm0 =	vmand vm8, vm9  }
0x285: {  	vm0 =	vmor vm10, vm0  }
0x286: {  	v18 =	vsel vm0, v18, v20;
	v19 =	vsel vm0, v19, v21  }
0x287: {  	(xrf1) =	vsort.dscd.msk.f32 $0xffff, v18, v19  }
0x288: {  	(xrf1) =	vsort.dscd.msk.f32 $0xffff, v22, v8;
	_ =	sdelay $0xc  }
0x289: {  	v18, v19, _ =	vpop (xrf1)  }
0x28a: {  	v20, v21, _ =	vpop (xrf1)  }
0x28b: {  	v20 =	vperm.xlane v20, v4;
	v21 =	vperm.xlane v21, v4;
	_ =	sdelay $0x1  }
0x28c: {  	v22 =	vld.idx.msk [tilespmem:v9+s21+$0x0], $0xffff;
	vm11 =	veq.f32 v18, v20;
	vm12 =	vlt.s32 v19, v21  }
0x28d: {  	vm13 =	vgt.f32 v18, v20;
	vm0 =	vmand vm11, vm12  }
0x28e: {  	vm0 =	vmor vm13, vm0  }
0x28f: {  	v18 =	vsel vm0, v18, v20;
	v19 =	vsel vm0, v19, v21  }
0x290: {  	(xrf1) =	vsort.dscd.msk.f32 $0xffff, v18, v19  }
0x291: {  	(xrf1) =	vsort.dscd.msk.f32 $0xffff, v22, v10;
	_ =	sdelay $0xc  }
0x292: {  	v18, v19, _ =	vpop (xrf1)  }
0x293: {  	v20, v21, _ =	vpop (xrf1)  }
0x294: {  	v20 =	vperm.xlane v20, v4;
	v21 =	vperm.xlane v21, v4;
	_ =	sdelay $0x1  }
0x295: {  	v22 =	vld.idx.msk [tilespmem:v11+s21+$0x0], $0xffff;
	vm14 =	veq.f32 v18, v20;
	vm15 =	vlt.s32 v19, v21  }
0x296: {  	vm4 =	vgt.f32 v18, v20;
	vm0 =	vmand vm14, vm15  }
0x297: {  	vm0 =	vmor vm4, vm0  }
0x298: {  	v18 =	vsel vm0, v18, v20;
	v19 =	vsel vm0, v19, v21  }
0x299: {  	(xrf1) =	vsort.dscd.msk.f32 $0xffff, v18, v19  }
0x29a: {  	(xrf1) =	vsort.dscd.msk.f32 $0xffff, v22, v12;
	_ =	sdelay $0xc  }
0x29b: {  	v18, v19, _ =	vpop (xrf1)  }
0x29c: {  	v20, v21, _ =	vpop (xrf1)  }
0x29d: {  	v20 =	vperm.xlane v20, v4;
	v21 =	vperm.xlane v21, v4;
	_ =	sdelay $0x1  }
0x29e: {  	v22 =	vld.idx.msk [tilespmem:v13+s21+$0x0], $0xffff;
	vm5 =	veq.f32 v18, v20;
	vm6 =	vlt.s32 v19, v21  }
0x29f: {  	vm7 =	vgt.f32 v18, v20;
	vm0 =	vmand vm5, vm6  }
0x2a0: {  	vm0 =	vmor vm7, vm0  }
0x2a1: {  	v18 =	vsel vm0, v18, v20;
	v19 =	vsel vm0, v19, v21  }
0x2a2: {  	(xrf1) =	vsort.dscd.msk.f32 $0xffff, v18, v19  }
0x2a3: {  	(xrf1) =	vsort.dscd.msk.f32 $0xffff, v22, v14;
	_ =	sdelay $0xc  }
0x2a4: {  	v18, v19, _ =	vpop (xrf1)  }
0x2a5: {  	v20, v21, _ =	vpop (xrf1)  }
0x2a6: {  	v20 =	vperm.xlane v20, v4;
	v21 =	vperm.xlane v21, v4;
	_ =	sdelay $0x1  }
0x2a7: {  	v22 =	vld.idx.msk [tilespmem:v15+s21+$0x0], $0xffff;
	vm8 =	veq.f32 v18, v20;
	vm9 =	vlt.s32 v19, v21  }
0x2a8: {  	vm10 =	vgt.f32 v18, v20;
	vm0 =	vmand vm8, vm9  }
0x2a9: {  	vm0 =	vmor vm10, vm0  }
0x2aa: {  	v18 =	vsel vm0, v18, v20;
	v19 =	vsel vm0, v19, v21  }
0x2ab: {  	(xrf1) =	vsort.dscd.msk.f32 $0xffff, v18, v19  }
0x2ac: {  	(xrf1) =	vsort.dscd.msk.f32 $0xffff, v22, v16;
	_ =	sdelay $0xc  }
0x2ad: {  	v18, v19, _ =	vpop (xrf1)  }
0x2ae: {  	v20, v21, _ =	vpop (xrf1)  }
0x2af: {  	v20 =	vperm.xlane v20, v4;
	v21 =	vperm.xlane v21, v4;
	_ =	sdelay $0x1  }
0x2b0: {  	vm11 =	veq.f32 v18, v20;
	vm12 =	vlt.s32 v19, v21  }
0x2b1: {  	vm13 =	vgt.f32 v18, v20;
	vm0 =	vmand vm11, vm12  }
0x2b2: {  	vm0 =	vmor vm13, vm0  }
0x2b3: {  	v18 =	vsel vm0, v18, v20;
	v19 =	vsel vm0, v19, v21  }
0x2b4: {  	(xrf1) =	vsort.dscd.msk.f32 $0xffff, v18, v19;
	_ =	sdelay $0x9  }
0x2b5: {  	s2 =	simm.s32 $0x0  }
0x2b6: {  	v18 =	vmov s2;
	_ =	sdelay $0x2  }
0x2b7: {  	_, v19, _ =	vpop (xrf1)  }
0x2b8: {  	[tilespmem:$0x10800] =	vst v19  }
0x2b9: {  	v18 =	vld.idx.msk [tilespmem:v18+s22+$0x0], $0xffff;
	_ =	sdelay $0x4  }
0x2ba: {  	(v2sf) =	vpush v18, $0x0;
	_ =	sdelay $0xe  }
0x2bb: {  	s14 =	spop (v2sf)  }
0x2bc: {  	s0 =	sshll.u32 s14, $0x8  }
0x2bd: {  	v18 =	vld [tilespmem:s0+$0x8000]  }
0x2be: {  	v19 =	vld [tilespmem:s0+$0x8010]  }
0x2bf: {  	v20 =	vld [tilespmem:s0+$0x8030]  }
0x2c0: {  	v21 =	vld [tilespmem:s0+$0x8050]  }
0x2c1: {  	v22 =	vld [tilespmem:s0+$0x8090]  }
0x2c2: {  	v23 =	vld [tilespmem:s0+$0x8070];
	v18 =	vadd.f32 v18, v17  }
0x2c3: {  	v24 =	vld [tilespmem:s0+$0x80B0];
	v25 =	vor.u32 s0, v0;
	s2 =	sor.u32 $0x10, s0;
	v19 =	vadd.f32 v19, v17  }
0x2c4: {  	v26 =	vld [tilespmem:s0+$0x80D0];
	s16 =	sor.u32 $0x30, s0;
	v27 =	vor.u32 s2, v0;
	v20 =	vadd.f32 v20, v17;
	(xrf1) =	vsort.dscd.msk.f32 $0xffff, v18, v25  }
0x2c5: {  	s14 =	sor.u32 $0x50, s0;
	v21 =	vadd.f32 v21, v17;
	v18 =	vld [tilespmem:s0+$0x80F0];
	v25 =	vor.u32 s16, v0;
	(xrf1) =	vsort.dscd.msk.f32 $0xffff, v19, v27  }
0x2c6: {  	s16 =	sor.u32 $0x90, s0;
	v19 =	vadd.f32 v22, v17;
	v22 =	vor.u32 s14, v0;
	(xrf1) =	vsort.dscd.msk.f32 $0xffff, v20, v25;
	v20 =	vld [tilespmem:s0+$0x8020]  }
0x2c7: {  	v23 =	vadd.f32 v23, v17;
	s14 =	sor.u32 $0x70, s0;
	v25 =	vor.u32 s16, v0;
	(xrf1) =	vsort.dscd.msk.f32 $0xffff, v21, v22;
	v21 =	vld [tilespmem:s0+$0x8040]  }
0x2c8: {  	s16 =	sor.u32 $0xB0, s0;
	v22 =	vadd.f32 v24, v17;
	v24 =	vor.u32 s14, v0;
	(xrf1) =	vsort.dscd.msk.f32 $0xffff, v19, v25;
	v19 =	vld [tilespmem:s0+$0x8080]  }
0x2c9: {  	s14 =	sor.u32 $0xD0, s0;
	v25 =	vadd.f32 v26, v17;
	v26 =	vor.u32 s16, v0;
	(xrf1) =	vsort.dscd.msk.f32 $0xffff, v23, v24;
	v23 =	vld [tilespmem:s0+$0x8060]  }
0x2ca: {  	s16 =	sor.u32 $0xF0, s0;
	v18 =	vadd.f32 v18, v17;
	v24 =	vor.u32 s14, v0;
	(xrf1) =	vsort.dscd.msk.f32 $0xffff, v22, v26  }
0x2cb: {  	s14 =	sor.u32 $0x20, s0;
	v22 =	vor.u32 s16, v0;
	(xrf1) =	vsort.dscd.msk.f32 $0xffff, v25, v24;
	v20 =	vadd.f32 v20, v17  }
0x2cc: {  	s16 =	sor.u32 $0x40, s0;
	v24 =	vld [tilespmem:s0+$0x80A0];
	(xrf1) =	vsort.dscd.msk.f32 $0xffff, v18, v22;
	v18 =	vor.u32 s14, v0;
	v21 =	vadd.f32 v21, v17  }
0x2cd: {  	v22 =	vor.u32 s16, v0;
	s14 =	sor.u32 $0x80, s0;
	v19 =	vadd.f32 v19, v17;
	(xrf1) =	vsort.dscd.msk.f32 $0xffff, v20, v18  }
0x2ce: {  	s16 =	sor.u32 $0x60, s0;
	v20 =	vor.u32 s14, v0;
	v18 =	vadd.f32 v23, v17;
	(xrf1) =	vsort.dscd.msk.f32 $0xffff, v21, v22  }
0x2cf: {  	s14 =	simm.s32 $0x1;
	v22 =	vor.u32 s16, v0;
	(xrf1) =	vsort.dscd.msk.f32 $0xffff, v19, v20  }
0x2d0: {  	s16 =	sor.u32 $0xA0, s0;
	(xrf1) =	vsort.dscd.msk.f32 $0xffff, v18, v22;
	v18 =	vmov s14  }
0x2d1: {  	v21 =	vld [tilespmem:s0+$0x80C0];
	v20 =	vadd.f32 v24, v17;
	v22 =	vor.u32 s16, v0  }
0x2d2: {  	v19 =	vld [tilespmem:s0+$0x80E0];
	_ =	sdelay $0x1  }
0x2d3: {  	v23, v24, _ =	vpop (xrf1)  }
0x2d4: {  	s16 =	sor.u32 $0xC0, s0;
	(xrf1) =	vsort.dscd.msk.f32 $0xffff, v20, v22;
	v20, v22, _ =	vpop (xrf1);
	v18 =	vld.idx.msk [tilespmem:v18+s22+$0x0], $0xffff  }
0x2d5: {  	v31 =	vor.u32 s16, v0;
	v21 =	vadd.f32 v21, v17;
	v25, v26, _ =	vpop (xrf1);
	v20 =	vperm.xlane v20, v4  }
0x2d6: {  	s0 =	sor.u32 $0xE0, s0;
	v19 =	vadd.f32 v19, v17;
	v22 =	vperm.xlane v22, v4;
	v27, v28, _ =	vpop (xrf1);
	v25 =	vperm.xlane v25, v4  }
0x2d7: {  	v26 =	vperm.xlane v26, v4;
	(xrf1) =	vsort.dscd.msk.f32 $0xffff, v21, v31;
	v21 =	vor.u32 s0, v0;
	v27 =	vperm.xlane v27, v4  }
0x2d8: {  	v29, v30, _ =	vpop (xrf1);
	v28 =	vperm.xlane v28, v4;
	vm1 =	vgt.f32 v23, v20;
	vm14 =	veq.f32 v23, v20  }
0x2d9: {  	(xrf1) =	vsort.dscd.msk.f32 $0xffff, v19, v21;
	vm15 =	vlt.s32 v24, v22;
	v32, v33, _ =	vpop (xrf1);
	v29 =	vperm.xlane v29, v4;
	(v2sf) =	vpush v18, $0x0  }
0x2da: {  	v30 =	vperm.xlane v30, v4;
	vm2 =	vmand vm14, vm15;
	v31, v34, _ =	vpop (xrf1);
	v19 =	vperm.xlane v32, v4  }
0x2db: {  	v21 =	vperm.xlane v33, v4;
	vm1 =	vmor vm1, vm2;
	v46, v47, _ =	vpop (xrf1);
	v31 =	vperm.xlane v31, v4  }
0x2dc: {  	v34 =	vperm.xlane v34, v4;
	v20 =	vsel vm1, v23, v20;
	v35, v36, _ =	vpop (xrf1);
	v32 =	vperm.xlane v46, v4  }
0x2dd: {  	v22 =	vsel vm1, v24, v22;
	v33 =	vperm.xlane v47, v4;
	v18, v37, _ =	vpop (xrf1);
	v35 =	vperm.xlane v35, v4  }
0x2de: {  	v36 =	vperm.xlane v36, v4;
	v38, v39, _ =	vpop (xrf1);
	vm3 =	vgt.f32 v18, v25;
	vm4 =	veq.f32 v18, v25  }
0x2df: {  	vm5 =	vlt.s32 v37, v26;
	vm6 =	veq.f32 v38, v27;
	vm7 =	vlt.s32 v39, v28  }
0x2e0: {  	v40, v41, _ =	vpop (xrf1);
	vm4 =	vmand vm4, vm5;
	vm9 =	vgt.f32 v38, v27;
	vm6 =	vmand vm6, vm7  }
0x2e1: {  	v42, v43, _ =	vpop (xrf1);
	vm0 =	vgt.f32 v40, v29;
	vm3 =	vmor vm3, vm4;
	vm11 =	veq.f32 v40, v29  }
0x2e2: {  	vm8 =	veq.f32 v42, v19;
	vm12 =	vlt.s32 v43, v21;
	vm15 =	vgt.f32 v42, v19  }
0x2e3: {  	v44, v45, _ =	vpop (xrf1);
	v18 =	vsel vm3, v18, v25;
	v25 =	vsel vm3, v37, v26;
	vm6 =	vmor vm9, vm6  }
0x2e4: {  	vm13 =	veq.f32 v44, v31;
	vm14 =	vlt.s32 v45, v34;
	vm8 =	vmand vm8, vm12  }
0x2e5: {  	(xrf1) =	vsort.dscd.msk.f32 $0xffff, v20, v22;
	vm10 =	vgt.f32 v44, v31;
	vm12 =	vlt.s32 v41, v30;
	vm5 =	vmand vm13, vm14  }
0x2e6: {  	(xrf1) =	vsort.dscd.msk.f32 $0xffff, v18, v25;
	v18 =	vsel vm6, v38, v27;
	vm2 =	vmor vm15, vm8;
	vm4 =	vmor vm10, vm5;
	v46, v47, _ =	vpop (xrf1)  }
0x2e7: {  	v19 =	vsel vm2, v42, v19;
	v21 =	vsel vm2, v43, v21;
	vm5 =	vmand vm11, vm12;
	v23, v24, _ =	vpop (xrf1)  }
0x2e8: {  	v26 =	vsel vm4, v44, v31;
	vm14 =	veq.f32 v23, v35;
	vm15 =	vlt.s32 v24, v36;
	s14 =	spop (v2sf)  }
0x2e9: {  	v31 =	vsel vm4, v45, v34;
	(xrf1) =	vsort.dscd.msk.f32 $0xffff, v19, v21;
	vm9 =	vgt.f32 v23, v35;
	vm2 =	vmand vm14, vm15;
	s0 =	sshll.u32 s14, $0x8  }
0x2ea: {  	vm8 =	veq.f32 v46, v32;
	vm10 =	vlt.s32 v47, v33;
	vm2 =	vmor vm9, vm2;
	v19 =	vld [tilespmem:s0+$0x8000]  }
0x2eb: {  	vm0 =	vmor vm0, vm5;
	(xrf1) =	vsort.dscd.msk.f32 $0xffff, v26, v31;
	v20 =	vsel vm2, v23, v35;
	v21 =	vsel vm2, v24, v36;
	v22 =	vld [tilespmem:s0+$0x8010]  }
0x2ec: {  	vm13 =	vgt.f32 v46, v32;
	vm11 =	vmand vm8, vm10;
	v23 =	vsel vm6, v39, v28;
	(xrf1) =	vsort.dscd.msk.f32 $0xffff, v20, v21;
	v20 =	vld [tilespmem:s0+$0x8030]  }
0x2ed: {  	vm12 =	vmor vm13, vm11;
	v24 =	vsel vm0, v41, v30;
	v21 =	vsel vm0, v40, v29;
	(xrf1) =	vsort.dscd.msk.f32 $0xffff, v18, v23;
	v18 =	vld [tilespmem:s0+$0x8050]  }
0x2ee: {  	v23 =	vsel vm12, v47, v33;
	v25 =	vld [tilespmem:s0+$0x80D0];
	(xrf1) =	vsort.dscd.msk.f32 $0xffff, v21, v24;
	v21 =	vsel vm12, v46, v32  }
0x2ef: {  	v26 =	vld [tilespmem:s0+$0x80F0];
	(xrf1) =	vsort.dscd.msk.f32 $0xffff, v21, v23  }
0x2f0: {  	v24 =	vld [tilespmem:s0+$0x8090]  }
0x2f1: {  	s16 =	sor.u32 $0x10, s0;
	v21 =	vld [tilespmem:s0+$0x8070]  }
0x2f2: {  	v27 =	vor.u32 s0, v0;
	s14 =	sor.u32 $0x30, s0;
	v28 =	vor.u32 s16, v0;
	v23 =	vld [tilespmem:s0+$0x80B0];
	v19 =	vadd.f32 v19, v17  }
0x2f3: {  	v29 =	vor.u32 s14, v0;
	s16 =	sor.u32 $0x50, s0;
	v22 =	vadd.f32 v22, v17;
	v20 =	vadd.f32 v20, v17  }
0x2f4: {  	v31, v48, _ =	vpop (xrf1);
	s14 =	sor.u32 $0x90, s0;
	v30 =	vor.u32 s16, v0;
	v18 =	vadd.f32 v18, v17;
	v25 =	vadd.f32 v25, v17  }
0x2f5: {  	s16 =	sor.u32 $0x70, s0;
	v49 =	vor.u32 s14, v0;
	v50, v51, _ =	vpop (xrf1);
	v26 =	vadd.f32 v26, v17;
	v24 =	vadd.f32 v24, v17;
	(xrf1) =	vsort.dscd.msk.f32 $0xffff, v19, v27  }
0x2f6: {  	v19 =	vor.u32 s16, v0;
	s16 =	sor.u32 $0xB0, s0;
	v27 =	vperm.xlane v50, v4;
	(xrf1) =	vsort.dscd.msk.f32 $0xffff, v22, v28;
	v22 =	vperm.xlane v51, v4  }
0x2f7: {  	v21 =	vadd.f32 v21, v17;
	v23 =	vadd.f32 v23, v17;
	v53, v52, _ =	vpop (xrf1);
	v28 =	vor.u32 s16, v0  }
0x2f8: {  	v34 =	vperm.xlane v53, v4;
	vm13 =	veq.f32 v31, v27;
	vm14 =	vlt.s32 v48, v22  }
0x2f9: {  	s14 =	sor.u32 $0xD0, s0;
	v55, v54, _ =	vpop (xrf1);
	(xrf1) =	vsort.dscd.msk.f32 $0xffff, v20, v29;
	v20 =	vperm.xlane v52, v4;
	vm0 =	vgt.f32 v31, v27;
	vm1 =	vmand vm13, vm14  }
0x2fa: {  	s16 =	sor.u32 $0xF0, s0;
	v29 =	vor.u32 s14, v0;
	v35 =	vperm.xlane v55, v4;
	(xrf1) =	vsort.dscd.msk.f32 $0xffff, v18, v30;
	vm0 =	vmor vm0, vm1;
	v57, v56, _ =	vpop (xrf1)  }
0x2fb: {  	v18 =	vperm.xlane v54, v4;
	v30 =	vor.u32 s16, v0;
	(xrf1) =	vsort.dscd.msk.f32 $0xffff, v24, v49;
	v22 =	vsel vm0, v48, v22;
	v59, v58, _ =	vpop (xrf1)  }
0x2fc: {  	v36 =	vperm.xlane v57, v4;
	v38 =	vperm.xlane v56, v4;
	v60, v61, _ =	vpop (xrf1);
	vm15 =	veq.f32 v59, v34  }
0x2fd: {  	vm9 =	vlt.s32 v58, v20;
	v62, v63, _ =	vpop (xrf1);
	vm12 =	veq.f32 v60, v35;
	vm13 =	vlt.s32 v61, v18  }
0x2fe: {  	(xrf1) =	vsort.dscd.msk.f32 $0xffff, v21, v19;
	vm3 =	vmand vm15, vm9;
	vm10 =	veq.f32 v62, v36;
	vm11 =	vlt.s32 v63, v38  }
0x2ff: {  	v19 =	vld [tilespmem:s0+$0x8020];
	(xrf1) =	vsort.dscd.msk.f32 $0xffff, v23, v28;
	vm15 =	vgt.f32 v59, v34;
	vm14 =	vgt.f32 v62, v36;
	vm5 =	vmand vm10, vm11  }
0x300: {  	v21 =	vld [tilespmem:s0+$0x8040];
	(xrf1) =	vsort.dscd.msk.f32 $0xffff, v25, v29;
	vm9 =	vgt.f32 v60, v35;
	vm2 =	vmand vm12, vm13;
	vm4 =	vmor vm14, vm5  }
0x301: {  	v25 =	vld [tilespmem:s0+$0x8080];
	(xrf1) =	vsort.dscd.msk.f32 $0xffff, v26, v30;
	vm3 =	vmor vm15, vm3;
	v23 =	vsel vm4, v62, v36;
	v24 =	vsel vm4, v63, v38  }
0x302: {  	v26 =	vsel vm3, v59, v34;
	v20 =	vsel vm3, v58, v20;
	vm2 =	vmor vm9, vm2;
	(xrf1) =	vsort.dscd.msk.f32 $0xffff, v23, v24;
	v23 =	vld [tilespmem:s0+$0x8060]  }
0x303: {  	s16 =	sor.u32 $0x20, s0;
	v18 =	vsel vm2, v61, v18;
	v24 =	vsel vm2, v60, v35;
	(xrf1) =	vsort.dscd.msk.f32 $0xffff, v26, v20  }
0x304: {  	s14 =	simm.s32 $0x2;
	v19 =	vadd.f32 v19, v17;
	v20 =	vsel vm0, v31, v27;
	(xrf1) =	vsort.dscd.msk.f32 $0xffff, v24, v18;
	v24 =	vor.u32 s16, v0;
	s16 =	sor.u32 $0x40, s0  }
0x305: {  	v21 =	vadd.f32 v21, v17;
	v18 =	vld [tilespmem:s0+$0x80A0];
	(xrf1) =	vsort.dscd.msk.f32 $0xffff, v20, v22;
	v22 =	vmov s14;
	v28 =	vor.u32 s16, v0;
	s14 =	sor.u32 $0x80, s0  }
0x306: {  	v25 =	vadd.f32 v25, v17;
	v20 =	vld [tilespmem:s0+$0x80C0];
	s16 =	sor.u32 $0x60, s0;
	v30 =	vor.u32 s14, v0  }
0x307: {  	v26, v27, _ =	vpop (xrf1);
	v31 =	vor.u32 s16, v0;
	v23 =	vadd.f32 v23, v17  }
0x308: {  	v29 =	vld [tilespmem:s0+$0x80E0];
	(xrf1) =	vsort.dscd.msk.f32 $0xffff, v19, v24;
	v19, v24, _ =	vpop (xrf1)  }
0x309: {  	s14 =	sor.u32 $0xA0, s0;
	(xrf1) =	vsort.dscd.msk.f32 $0xffff, v21, v28;
	v21, v28, _ =	vpop (xrf1)  }
0x30a: {  	s16 =	sor.u32 $0xC0, s0;
	v44 =	vor.u32 s14, v0;
	(xrf1) =	vsort.dscd.msk.f32 $0xffff, v25, v30;
	v18 =	vadd.f32 v18, v17;
	v25, v30, _ =	vpop (xrf1)  }
0x30b: {  	v48 =	vor.u32 s16, v0;
	v19 =	vperm.xlane v19, v4;
	(xrf1) =	vsort.dscd.msk.f32 $0xffff, v23, v31;
	v20 =	vadd.f32 v20, v17;
	v23, v31, _ =	vpop (xrf1)  }
0x30c: {  	s0 =	sor.u32 $0xE0, s0;
	v24 =	vperm.xlane v24, v4;
	v22 =	vld.idx.msk [tilespmem:v22+s22+$0x0], $0xffff;
	v21 =	vperm.xlane v21, v4;
	(xrf1) =	vsort.dscd.msk.f32 $0xffff, v18, v44;
	v45, v46, _ =	vpop (xrf1)  }
0x30d: {  	v28 =	vperm.xlane v28, v4;
	v18 =	vadd.f32 v29, v17;
	v29, v47, _ =	vpop (xrf1);
	(xrf1) =	vsort.dscd.msk.f32 $0xffff, v20, v48;
	v20 =	vor.u32 s0, v0  }
0x30e: {  	v25 =	vperm.xlane v25, v4;
	v30 =	vperm.xlane v30, v4;
	vm0 =	vgt.f32 v26, v19  }
0x30f: {  	vm1 =	veq.f32 v26, v19;
	vm2 =	vlt.s32 v27, v24;
	v23 =	vperm.xlane v23, v4;
	v49, v37, _ =	vpop (xrf1)  }
0x310: {  	vm1 =	vmand vm1, vm2;
	v33 =	vperm.xlane v45, v4;
	v34 =	vperm.xlane v46, v4;
	v51, v50, _ =	vpop (xrf1)  }
0x311: {  	vm1 =	vmor vm0, vm1;
	v29 =	vperm.xlane v29, v4;
	v32 =	vperm.xlane v47, v4;
	(xrf1) =	vsort.dscd.msk.f32 $0xffff, v18, v20;
	v18, v20, _ =	vpop (xrf1)  }
0x312: {  	(v2sf) =	vpush v22, $0x0;
	v18 =	vperm.xlane v18, v4;
	v20 =	vperm.xlane v20, v4;
	v22, v52, _ =	vpop (xrf1)  }
0x313: {  	v19 =	vsel vm1, v26, v19;
	v24 =	vsel vm1, v27, v24;
	v26 =	vperm.xlane v31, v4;
	v53, v54, _ =	vpop (xrf1)  }
0x314: {  	v22 =	vperm.xlane v22, v4;
	vm10 =	veq.f32 v53, v18;
	vm11 =	vlt.s32 v54, v20  }
0x315: {  	v39 =	vperm.xlane v52, v4;
	v55, v56, _ =	vpop (xrf1);
	vm12 =	vgt.f32 v53, v18;
	vm3 =	vmand vm10, vm11  }
0x316: {  	v36 =	vperm.xlane v49, v4;
	vm13 =	veq.f32 v55, v22;
	vm3 =	vmor vm12, vm3  }
0x317: {  	vm14 =	vlt.s32 v56, v39;
	v18 =	vsel vm3, v53, v18;
	v20 =	vsel vm3, v54, v20  }
0x318: {  	v27 =	vperm.xlane v51, v4;
	vm15 =	vgt.f32 v55, v22;
	v57, v58, _ =	vpop (xrf1);
	vm4 =	vmand vm13, vm14;
	(xrf1) =	vsort.dscd.msk.f32 $0xffff, v18, v20  }
0x319: {  	v38 =	vperm.xlane v50, v4;
	vm9 =	veq.f32 v57, v21;
	vm8 =	vmor vm15, vm4  }
0x31a: {  	v59, v60, _ =	vpop (xrf1);
	vm10 =	vlt.s32 v58, v28;
	v18 =	vsel vm8, v55, v22;
	v20 =	vsel vm8, v56, v39  }
0x31b: {  	vm11 =	veq.f32 v59, v25;
	vm12 =	vlt.s32 v60, v30;
	vm3 =	vmand vm9, vm10;
	(xrf1) =	vsort.dscd.msk.f32 $0xffff, v18, v20  }
0x31c: {  	v61, v62, _ =	vpop (xrf1);
	vm9 =	vgt.f32 v57, v21;
	vm10 =	vgt.f32 v59, v25;
	vm5 =	vmand vm11, vm12  }
0x31d: {  	v22, v63, _ =	vpop (xrf1);
	vm3 =	vmor vm9, vm3;
	vm6 =	veq.f32 v61, v23;
	vm7 =	vlt.s32 v62, v26  }
0x31e: {  	vm13 =	veq.f32 v22, v33;
	vm14 =	vlt.s32 v63, v34;
	vm11 =	vgt.f32 v22, v33  }
0x31f: {  	vm0 =	vmor vm10, vm5;
	v21 =	vsel vm3, v57, v21;
	vm2 =	vmand vm13, vm14  }
0x320: {  	v28 =	vsel vm3, v58, v28;
	(xrf1) =	vsort.dscd.msk.f32 $0xffff, v19, v24;
	v19 =	vperm.xlane v37, v4;
	vm2 =	vmor vm11, vm2  }
0x321: {  	v30 =	vsel vm0, v60, v30;
	v18, v20, _ =	vpop (xrf1);
	v22 =	vsel vm2, v22, v33;
	v51 =	vsel vm2, v63, v34  }
0x322: {  	vm2 =	vmand vm6, vm7;
	vm15 =	veq.f32 v18, v29;
	vm8 =	vlt.s32 v20, v32;
	v31, v48, _ =	vpop (xrf1)  }
0x323: {  	vm12 =	vgt.f32 v18, v29;
	vm4 =	vmand vm15, vm8;
	v49, v50, _ =	vpop (xrf1);
	vm8 =	vgt.f32 v61, v23  }
0x324: {  	s2 =	spop (v2sf);
	vm4 =	vmor vm12, vm4;
	vm13 =	veq.f32 v49, v27;
	vm14 =	vlt.s32 v50, v38  }
0x325: {  	(xrf1) =	vsort.dscd.msk.f32 $0xffff, v21, v28;
	vm15 =	vgt.f32 v49, v27;
	s2 =	sshll.u32 s2, $0x8;
	vm12 =	veq.f32 v31, v36;
	vm1 =	vmand vm13, vm14  }
0x326: {  	v18 =	vsel vm4, v18, v29;
	v20 =	vsel vm4, v20, v32;
	v28 =	vld [tilespmem:s2+$0x8000];
	vm1 =	vmor vm15, vm1;
	v21, v24, _ =	vpop (xrf1);
	(xrf1) =	vsort.dscd.msk.f32 $0xffff, v22, v51  }
0x327: {  	vm9 =	vmor vm8, vm2;
	v54 =	vld [tilespmem:s2+$0x8030];
	vm13 =	vlt.s32 v48, v19;
	v27 =	vsel vm1, v49, v27;
	(xrf1) =	vsort.dscd.msk.f32 $0xffff, v18, v20  }
0x328: {  	v55 =	vld [tilespmem:s2+$0x8050];
	v29 =	vsel vm1, v50, v38;
	v21 =	vperm.xlane v21, v4;
	v24 =	vperm.xlane v24, v4  }
0x329: {  	v56 =	vld [tilespmem:s2+$0x8090];
	v23 =	vsel vm9, v61, v23;
	v22 =	vsel vm0, v59, v25;
	v52, v53, _ =	vpop (xrf1);
	(xrf1) =	vsort.dscd.msk.f32 $0xffff, v27, v29  }
0x32a: {  	v57 =	vld [tilespmem:s2+$0x8070];
	vm10 =	veq.f32 v52, v21;
	vm11 =	vlt.s32 v53, v24;
	(xrf1) =	vsort.dscd.msk.f32 $0xffff, v22, v30  }
0x32b: {  	v26 =	vsel vm9, v62, v26;
	v58 =	vld [tilespmem:s2+$0x80B0];
	vm14 =	vgt.f32 v52, v21;
	vm2 =	vmand vm10, vm11  }
0x32c: {  	vm15 =	vgt.f32 v31, v36;
	v25 =	vld [tilespmem:s2+$0x8010];
	vm0 =	vmand vm12, vm13;
	(xrf1) =	vsort.dscd.msk.f32 $0xffff, v23, v26;
	vm1 =	vmor vm14, vm2  }
0x32d: {  	s14 =	sor.u32 $0x30, s2;
	v59 =	vld [tilespmem:s2+$0x80D0];
	vm0 =	vmor vm15, vm0;
	v21 =	vsel vm1, v52, v21;
	v24 =	vsel vm1, v53, v24  }
0x32e: {  	v61 =	vor.u32 s2, v0;
	s0 =	sor.u32 $0x10, s2;
	v34 =	vor.u32 s14, v0;
	s14 =	sor.u32 $0x90, s2;
	v20 =	vsel vm0, v31, v36;
	v29 =	vld [tilespmem:s2+$0x80F0];
	(xrf1) =	vsort.dscd.msk.f32 $0xffff, v21, v24  }
0x32f: {  	v62 =	vor.u32 s0, v0;
	v33 =	vor.u32 s14, v0;
	v60 =	vadd.f32 v28, v17  }
0x330: {  	v32 =	vadd.f32 v54, v17;
	v28 =	vadd.f32 v56, v17;
	v18 =	vimm.f32 $-Inf  }
0x331: {  	v31 =	vsel vm0, v48, v19;
	v27 =	vadd.f32 v57, v17;
	v30 =	vadd.f32 v55, v17  }
0x332: {  	s16 =	sor.u32 $0x50, s2;
	v19 =	vimm.s32 $0x0;
	v26 =	vadd.f32 v58, v17;
	v25 =	vadd.f32 v25, v17;
	(xrf1) =	vsort.dscd.msk.f32 $0xffff, v20, v31;
	v21, v20, _ =	vpop (xrf1)  }
0x333: {  	v23 =	vadd.f32 v59, v17;
	v22 =	vadd.f32 v29, v17;
	v31 =	vor.u32 s16, v0;
	s16 =	sor.u32 $0x70, s2;
	(xrf1) =	vsort.dscd.msk.f32 $0xffff, v60, v61;
	v24, v63, _ =	vpop (xrf1)  }
0x334: {  	s0 =	simm.s32 $0x3;
	s14 =	sor.u32 $0xB0, s2;
	v29 =	vor.u32 s16, v0;
	(xrf1) =	vsort.dscd.msk.f32 $0xffff, v25, v62;
	v24 =	vperm.xlane v24, v4;
	v25 =	vperm.xlane v63, v4;
	v36, v35, _ =	vpop (xrf1)  }
.LBB2_9:
0x335: {  	(xrf1) =	vsort.dscd.msk.f32 $0xffff, v32, v34;
	v49 =	vperm.xlane v36, v4;
	v52, v51, _ =	vpop (xrf1)  }
0x336: {  	v37 =	vor.u32 s14, v0;
	v50 =	vperm.xlane v35, v4;
	(xrf1) =	vsort.dscd.msk.f32 $0xffff, v30, v31;
	v30 =	vperm.xlane v52, v4  }
0x337: {  	s16 =	sor.u32 $0xD0, s2;
	v31 =	vperm.xlane v51, v4;
	v53, v54, _ =	vpop (xrf1);
	vm0 =	vgt.f32 v21, v24;
	vm3 =	veq.f32 v21, v24  }
0x338: {  	v38 =	vor.u32 s16, v0;
	vm4 =	vlt.s32 v20, v25;
	(xrf1) =	vsort.dscd.msk.f32 $0xffff, v28, v33;
	v28 =	vperm.xlane v53, v4;
	v56, v57, _ =	vpop (xrf1)  }
0x339: {  	v55 =	vperm.xlane v54, v4;
	vm3 =	vmand vm3, vm4;
	vm2 =	vgt.f32 v56, v49  }
0x33a: {  	v40, v41, _ =	vpop (xrf1);
	vm5 =	veq.f32 v56, v49;
	vm6 =	vlt.s32 v57, v50;
	vm0 =	vmor vm0, vm3  }
0x33b: {  	vm1 =	vgt.f32 v40, v30;
	vm9 =	veq.f32 v40, v30;
	vm12 =	vlt.s32 v41, v31  }
0x33c: {  	vm5 =	vmand vm5, vm6;
	v21 =	vsel vm0, v21, v24;
	v20 =	vsel vm0, v20, v25;
	v42, v43, _ =	vpop (xrf1)  }
0x33d: {  	v24 =	vmov s0;
	vm7 =	veq.f32 v18, v42;
	vm8 =	vlt.s32 v19, v43  }
0x33e: {  	vm2 =	vmor vm2, vm5;
	vm10 =	vgt.f32 v18, v42;
	vm7 =	vmand vm7, vm8  }
0x33f: {  	s16 =	sor.u32 $0xF0, s2;
	v60 =	vsel vm2, v56, v49;
	v61 =	vsel vm2, v57, v50;
	(xrf1) =	vsort.dscd.msk.f32 $0xffff, v27, v29;
	vm7 =	vmor vm10, vm7  }
0x340: {  	v39 =	vor.u32 s16, v0;
	v27, v29, _ =	vpop (xrf1);
	(xrf1) =	vsort.dscd.msk.f32 $0xffff, v26, v37;
	v26 =	vld [tilespmem:s2+$0x8020];
	v18 =	vsel vm7, v18, v42;
	v19 =	vsel vm7, v19, v43  }
0x341: {  	vm9 =	vmand vm9, vm12;
	vm11 =	veq.f32 v27, v28;
	vm13 =	vlt.s32 v29, v55;
	(xrf1) =	vsort.ascd.msk.f32 $0xffff, v18, v19;
	v19 =	vld [tilespmem:s2+$0x8060]  }
0x342: {  	vm1 =	vmor vm1, vm9;
	vm14 =	vgt.f32 v27, v28;
	v18 =	vld [tilespmem:s2+$0x8080];
	vm15 =	vmand vm11, vm13;
	(xrf1) =	vsort.dscd.msk.f32 $0xffff, v23, v38  }
0x343: {  	v63 =	vsel vm1, v40, v30;
	v49 =	vld.idx.msk [tilespmem:v24+s22+$0x0], $0xffff;
	vm4 =	vmor vm14, vm15;
	(xrf1) =	vsort.dscd.msk.f32 $0xffff, v22, v39;
	v23, v22, _ =	vpop (xrf1)  }
0x344: {  	v36 =	vsel vm1, v41, v31;
	v27 =	vsel vm4, v27, v28;
	v59 =	vsel vm4, v29, v55;
	v28, v62, _ =	vpop (xrf1)  }
0x345: {  	v58 =	vld [tilespmem:s2+$0x8040];
	(xrf1) =	vsort.dscd.msk.f32 $0xffff, v27, v59;
	v25 =	vadd.f32 v26, v17;
	v28 =	vperm.xlane v28, v4  }
0x346: {  	v29 =	vld [tilespmem:s2+$0x80A0];
	v45, v44, _ =	vpop (xrf1);
	v34 =	vperm.xlane v62, v4;
	(xrf1) =	vsort.dscd.msk.f32 $0xffff, v60, v61;
	v19 =	vadd.f32 v19, v17  }
0x347: {  	v27 =	vld [tilespmem:s2+$0x80C0];
	v30, v31, _ =	vpop (xrf1);
	v48 =	vadd.f32 v18, v17;
	v32 =	vperm.xlane v45, v4;
	(xrf1) =	vsort.dscd.msk.f32 $0xffff, v63, v36  }
0x348: {  	s16 =	sor.u32 $0x20, s2;
	(v2sf) =	vpush v49, $0x0;
	v26 =	vld [tilespmem:s2+$0x80E0];
	v33 =	vperm.xlane v44, v4;
	v30 =	vperm.xlane v30, v4;
	(xrf1) =	vsort.dscd.msk.f32 $0xffff, v21, v20  }
0x349: {  	vm10 =	vgt.f32 v23, v28;
	vm11 =	veq.f32 v23, v28;
	v20 =	vor.u32 s16, v0  }
0x34a: {  	s14 =	sor.u32 $0x80, s2;
	v49 =	vimm.s32 $0x0;
	v46, v36, _ =	vpop (xrf1);
	vm12 =	vlt.s32 v22, v34;
	s16 =	sor.u32 $0x40, s2;
	v21 =	vadd.f32 v58, v17;
	(xrf1) =	vsort.dscd.msk.f32 $0xffff, v25, v20  }
0x34b: {  	v24 =	vperm.xlane v46, v4;
	v47 =	vor.u32 s16, v0;
	s16 =	sor.u32 $0x60, s2;
	v25 =	vor.u32 s14, v0  }
0x34c: {  	v29 =	vadd.f32 v29, v17;
	v27 =	vadd.f32 v27, v17;
	(xrf1) =	vsort.dscd.msk.f32 $0xffff, v21, v47;
	v21 =	vor.u32 s16, v0  }
0x34d: {  	s16 =	sor.u32 $0xA0, s2;
	v50 =	vadd.f32 v26, v17;
	v26 =	vperm.xlane v31, v4;
	v47 =	vimm.s32 $0x0;
	(xrf1) =	vsort.dscd.msk.f32 $0xffff, v48, v25  }
0x34e: {  	v51 =	vor.u32 s16, v0;
	s16 =	sor.u32 $0xC0, s2;
	v25 =	vperm.xlane v36, v4;
	v48 =	vsel vm11, $0xFFFFFFFF, v49;
	v18, v20, _ =	vpop (xrf1);
	(xrf1) =	vsort.dscd.msk.f32 $0xffff, v19, v21  }
0x34f: {  	v46 =	vsel vm12, $0xFFFFFFFF, v47;
	v52 =	vor.u32 s16, v0;
	s16 =	sor.u32 $0xE0, s2;
	v35 =	vperm.xlane v20, v4;
	v21, v31, _ =	vpop (xrf1);
	(xrf1) =	vsort.dscd.msk.f32 $0xffff, v29, v51  }
0x350: {  	v53 =	vor.u32 s16, v0;
	v29 =	vperm.xlane v18, v4;
	v51 =	vimm.s32 $0x0;
	(xrf1) =	vsort.dscd.msk.f32 $0xffff, v27, v52;
	v18, v19, _ =	vpop (xrf1)  }
0x351: {  	v36 =	vperm.xlane v21, v4;
	v31 =	vperm.xlane v31, v4;
	v20, v21, _ =	vpop (xrf1);
	(xrf1) =	vsort.dscd.msk.f32 $0xffff, v50, v53;
	v50 =	vsel vm10, $0xFFFFFFFF, v51  }
0x352: {  	v53 =	vimm.s32 $0x0;
	v20 =	vperm.xlane v20, v4;
	v21 =	vperm.xlane v21, v4;
	v27, v54, _ =	vpop (xrf1)  }
0x353: {  	[tilespmem:$0x1FF00] =	vst v50;
	v50 =	vimm.s32 $0x0;
	v27 =	vperm.xlane v27, v4;
	v37 =	vperm.xlane v54, v4;
	v56, v55, _ =	vpop (xrf1)  }
0x354: {  	v54 =	vimm.s32 $0x0;
	v38 =	vperm.xlane v56, v4;
	v39 =	vperm.xlane v55, v4;
	v58, v57, _ =	vpop (xrf1)  }
0x355: {  	v55 =	vimm.s32 $0x0;
	v40 =	vperm.xlane v58, v4;
	v59, v60, _ =	vpop (xrf1);
	v41 =	vperm.xlane v57, v4  }
0x356: {  	v57 =	vimm.s32 $0x0;
	v58 =	vimm.s32 $0x0;
	vm13 =	veq.f32 v59, v38;
	v44, v45, _ =	vpop (xrf1)  }
0x357: {  	vm14 =	vlt.s32 v60, v39;
	vm12 =	vgt.f32 v59, v38;
	vm15 =	vgt.f32 v44, v40  }
0x358: {  	[tilespmem:$0x1FEF0] =	vst v46;
	vm0 =	vmand vm13, vm14;
	v46, v47, _ =	vpop (xrf1);
	vm13 =	veq.f32 v44, v40;
	vm14 =	vlt.s32 v45, v41  }
0x359: {  	vm0 =	vmor vm12, vm0;
	vm1 =	vmand vm13, vm14;
	vm9 =	vgt.f32 v46, v32  }
0x35a: {  	[tilespmem:$0x1FEE0] =	vst v48;
	v48, v49, _ =	vpop (xrf1);
	vm12 =	veq.f32 v46, v32;
	vm13 =	vlt.s32 v47, v33;
	v38 =	vsel vm0, v59, v38  }
0x35b: {  	v39 =	vsel vm0, v60, v39;
	vm10 =	vgt.f32 v48, v30;
	v42, v43, _ =	vpop (xrf1);
	vm15 =	vmor vm15, vm1  }
0x35c: {  	vm14 =	veq.f32 v48, v30;
	vm12 =	vmand vm12, vm13;
	(xrf1) =	vsort.dscd.msk.f32 $0xffff, v38, v39;
	vm4 =	vgt.f32 v42, v24  }
0x35d: {  	v44 =	vsel vm15, v44, v40;
	v62 =	vsel vm15, v45, v41;
	vm15 =	vlt.s32 v49, v26  }
0x35e: {  	v59 =	vld [tilespmem:$0x1FEE0];
	v40, v41, _ =	vpop (xrf1);
	vm5 =	veq.f32 v42, v24;
	vm6 =	vlt.s32 v43, v25;
	vm12 =	vmor vm9, vm12;
	(xrf1) =	vsort.dscd.msk.f32 $0xffff, v44, v62  }
0x35f: {  	v61 =	vsel vm4, $0xFFFFFFFF, v54;
	v52 =	vsel vm5, $0xFFFFFFFF, v53;
	vm7 =	vgt.f32 v40, v29  }
0x360: {  	v60 =	vld [tilespmem:$0x1FEF0];
	v56 =	vsel vm6, $0xFFFFFFFF, v57;
	vm4 =	veq.f32 v40, v29;
	vm3 =	vlt.s32 v41, v35  }
0x361: {  	vm14 =	vmand vm14, vm15;
	v47 =	vsel vm12, v47, v33;
	[tilespmem:$0x1FF30] =	vst v61;
	vm3 =	vmand vm4, vm3;
	v61 =	vld [tilespmem:$0x1FF00];
	v38, v39, _ =	vpop (xrf1)  }
0x362: {  	vm3 =	vmor vm7, vm3;
	vm6 =	vgt.f32 v38, v36;
	vm2 =	veq.f32 v38, v36  }
0x363: {  	v44, v45, _ =	vpop (xrf1);
	vm1 =	vlt.s32 v39, v31;
	vm0 =	vnez.u8 v59;
	v29 =	vsel vm3, v40, v29  }
0x364: {  	v35 =	vsel vm3, v41, v35;
	vm8 =	vgt.f32 v44, v20;
	vm11 =	veq.f32 v44, v20  }
0x365: {  	vm5 =	vlt.s32 v45, v21;
	v63 =	vsel vm8, $0xFFFFFFFF, v55;
	vm8 =	vnez.u8 v60  }
0x366: {  	[tilespmem:$0x1FF20] =	vst v56;
	v57, v51, _ =	vpop (xrf1);
	v56 =	vsel vm11, $0xFFFFFFFF, v50;
	vm0 =	vmand vm0, vm8;
	vm8 =	vnez.u8 v61  }
0x367: {  	[tilespmem:$0x1FF10] =	vst v52;
	v52 =	vsel vm5, $0xFFFFFFFF, v58;
	vm11 =	vgt.f32 v57, v27;
	vm0 =	vmor vm8, vm0  }
0x368: {  	vm5 =	veq.f32 v57, v27;
	[tilespmem:$0x1FF60] =	vst v63;
	v62 =	vsel vm0, v23, v28;
	v63 =	vsel vm0, v22, v34  }
0x369: {  	vm1 =	vmand vm2, vm1;
	vm13 =	vlt.s32 v51, v37;
	v28 =	vsel vm12, v46, v32;
	(xrf1) =	vsort.dscd.msk.f32 $0xffff, v62, v63  }
0x36a: {  	vm1 =	vmor vm6, vm1;
	v55 =	vld [tilespmem:$0x1FF10];
	[tilespmem:$0x1FF40] =	vst v56;
	vm5 =	vmand vm5, vm13;
	v22, v23, _ =	vpop (xrf1);
	(xrf1) =	vsort.dscd.msk.f32 $0xffff, v28, v47  }
0x36b: {  	v54 =	vsel vm1, v38, v36;
	v31 =	vsel vm1, v39, v31;
	v56 =	vld [tilespmem:$0x1FF20];
	vm0 =	vmor vm11, vm5;
	(xrf1) =	vsort.dscd.msk.f32 $0xffff, v29, v35  }
0x36c: {  	vm15 =	vmor vm10, vm14;
	v60 =	vld [tilespmem:$0x1FF30];
	v27 =	vsel vm0, v57, v27;
	v57 =	vsel vm0, v51, v37;
	v29, v58, _ =	vpop (xrf1);
	(xrf1) =	vsort.dscd.msk.f32 $0xffff, v54, v31  }
0x36d: {  	v30 =	vsel vm15, v48, v30;
	v26 =	vsel vm15, v49, v26;
	(xrf1) =	vsort.dscd.msk.f32 $0xffff, v27, v57  }
0x36e: {  	(xrf1) =	vsort.dscd.msk.f32 $0xffff, v30, v26;
	v30 =	vld [tilespmem:$0x1FF40]  }
0x36f: {  	s14 =	spop (v2sf)  }
0x370: {  	s2 =	sshll.u32 s14, $0x8;
	vm6 =	vnez.u8 v55;
	vm7 =	vnez.u8 v56  }
0x371: {  	v59 =	vld [tilespmem:s2+$0x8010];
	vm8 =	vnez.u8 v60;
	vm1 =	vmand vm6, vm7  }
0x372: {  	[tilespmem:$0x1FF50] =	vst v52;
	v28 =	vld [tilespmem:s2+$0x8000];
	vm0 =	vmor vm8, vm1;
	v22 =	vperm.xlane v22, v4;
	v23 =	vperm.xlane v23, v4  }
0x373: {  	v24 =	vsel vm0, v42, v24;
	v25 =	vsel vm0, v43, v25;
	vm13 =	vnez.u8 v30;
	v30 =	vld [tilespmem:$0x1FF50]  }
0x374: {  	(xrf1) =	vsort.dscd.msk.f32 $0xffff, v24, v25;
	v25 =	vld [tilespmem:$0x1FF60]  }
0x375: {  	v31 =	vld [tilespmem:s2+$0x8030];
	vm9 =	veq.f32 v29, v22;
	vm10 =	vlt.s32 v58, v23  }
0x376: {  	vm11 =	vgt.f32 v29, v22;
	v27 =	vld [tilespmem:s2+$0x8050];
	vm1 =	vmand vm9, vm10  }
0x377: {  	v26 =	vld [tilespmem:s2+$0x8090];
	vm12 =	vmor vm11, vm1  }
0x378: {  	v24 =	vld [tilespmem:s2+$0x8070];
	v22 =	vsel vm12, v29, v22;
	v23 =	vsel vm12, v58, v23;
	vm14 =	vnez.u8 v30  }
0x379: {  	(xrf1) =	vsort.dscd.msk.f32 $0xffff, v22, v23;
	v22 =	vld [tilespmem:s2+$0x80B0];
	vm15 =	vnez.u8 v25;
	vm1 =	vmand vm13, vm14  }
0x37a: {  	v23 =	vld [tilespmem:s2+$0x80D0];
	vm0 =	vmor vm15, vm1  }
0x37b: {  	s14 =	sor.u32 $0x90, s2;
	v25 =	vld [tilespmem:s2+$0x80F0];
	v20 =	vsel vm0, v44, v20  }
0x37c: {  	p0 =	sne.s32 s0, $0xF;
	v33 =	vor.u32 s14, v0;
	v62 =	vadd.f32 v59, v17;
	v21 =	vsel vm0, v45, v21  }
.Ltmp3:
0x37d: {  	s16 =	sor.u32 $0x10, s2;
	v61 =	vor.u32 s2, v0;
	v29 =	vadd.f32 v28, v17;
	v32 =	vadd.f32 v31, v17;
	(pc) =	sbr.rel @p0 .LBB2_9-.Ltmp3, $4  }
0x37e: {  	v63 =	vor.u32 s16, v0;
	s16 =	sor.u32 $0x30, s2;
	v28 =	vadd.f32 v26, v17;
	v26 =	vadd.f32 v22, v17  }
0x37f: {  	v34 =	vor.u32 s16, v0;
	s16 =	sor.u32 $0x50, s2;
	v23 =	vadd.f32 v23, v17;
	v30 =	vadd.f32 v27, v17;
	(xrf1) =	vsort.dscd.msk.f32 $0xffff, v20, v21;
	v21, v20, _ =	vpop (xrf1)  }
0x380: {  	v31 =	vor.u32 s16, v0;
	s16 =	sor.u32 $0x70, s2;
	v27 =	vadd.f32 v24, v17;
	v22 =	vadd.f32 v25, v17;
	(xrf1) =	vsort.dscd.msk.f32 $0xffff, v29, v61;
	v24, v25, _ =	vpop (xrf1)  }
0x381: {  	s0 =	sadd.s32 $0x1, s0;
	s14 =	sor.u32 $0xB0, s2;
	v29 =	vor.u32 s16, v0;
	(xrf1) =	vsort.dscd.msk.f32 $0xffff, v62, v63;
	v24 =	vperm.xlane v24, v4;
	v25 =	vperm.xlane v25, v4;
	v36, v35, _ =	vpop (xrf1)  }
0x382: {  	_ =	sdelay $0x2  }
0x383: {  	v37, v38, _ =	vpop (xrf1)  }
0x384: {  	v41 =	vor.u32 s14, v0;
	s0 =	sor.u32 $0xD0, s2;
	v36 =	vperm.xlane v36, v4;
	v35 =	vperm.xlane v35, v4;
	v39, v40, _ =	vpop (xrf1)  }
0x385: {  	(xrf1) =	vsort.dscd.msk.f32 $0xffff, v32, v34;
	v44 =	vor.u32 s0, v0;
	v37 =	vperm.xlane v37, v4;
	v38 =	vperm.xlane v38, v4;
	v42, v43, _ =	vpop (xrf1)  }
0x386: {  	vm0 =	vgt.f32 v21, v24;
	vm3 =	veq.f32 v21, v24;
	vm15 =	vlt.s32 v20, v25;
	v45, v46, _ =	vpop (xrf1)  }
0x387: {  	v60 =	vperm.xlane v39, v4;
	v61 =	vperm.xlane v40, v4;
	vm5 =	veq.f32 v42, v36;
	v62, v47, _ =	vpop (xrf1)  }
0x388: {  	vm9 =	vlt.s32 v43, v35;
	vm1 =	veq.f32 v18, v62;
	vm2 =	vlt.s32 v19, v47  }
0x389: {  	(xrf1) =	vsort.dscd.msk.f32 $0xffff, v30, v31;
	vm14 =	vgt.f32 v42, v36;
	vm4 =	vgt.f32 v18, v62;
	vm1 =	vmand vm1, vm2  }
0x38a: {  	s16 =	sor.u32 $0xF0, s2;
	(xrf1) =	vsort.dscd.msk.f32 $0xffff, v28, v33;
	vm11 =	veq.f32 v45, v37;
	vm12 =	vlt.s32 v46, v38;
	vm1 =	vmor vm4, vm1  }
0x38b: {  	v59 =	vor.u32 s16, v0;
	v18 =	vsel vm1, v18, v62;
	v19 =	vsel vm1, v19, v47;
	v33, v63, _ =	vpop (xrf1);
	(xrf1) =	vsort.dscd.msk.f32 $0xffff, v27, v29  }
0x38c: {  	vm2 =	vmand vm3, vm15;
	vm6 =	veq.f32 v33, v60;
	vm10 =	vlt.s32 v63, v61;
	(xrf1) =	vsort.dscd.msk.f32 $0xffff, v26, v41  }
0x38d: {  	vm3 =	vmand vm11, vm12;
	vm13 =	vgt.f32 v33, v60;
	vm1 =	vmand vm6, vm10;
	(xrf1) =	vsort.ascd.msk.f32 $0xffff, v18, v19  }
0x38e: {  	vm15 =	vgt.f32 v45, v37;
	vm4 =	vmand vm5, vm9;
	v18 =	vld [tilespmem:s2+$0x8020];
	vm1 =	vmor vm13, vm1;
	(xrf1) =	vsort.dscd.msk.f32 $0xffff, v23, v44  }
0x38f: {  	vm4 =	vmor vm14, vm4;
	v19 =	vld [tilespmem:s2+$0x8040];
	(xrf1) =	vsort.dscd.msk.f32 $0xffff, v22, v59;
	v41 =	vsel vm1, v33, v60;
	v44 =	vsel vm1, v63, v61  }
0x390: {  	v53 =	vld [tilespmem:s2+$0x80A0];
	vm5 =	vmor vm15, vm3;
	v48 =	vsel vm4, v42, v36;
	v49 =	vsel vm4, v43, v35;
	(xrf1) =	vsort.dscd.msk.f32 $0xffff, v41, v44  }
0x391: {  	vm0 =	vmor vm0, vm2;
	v47 =	vld [tilespmem:s2+$0x8080];
	v51 =	vsel vm5, v45, v37;
	v52 =	vsel vm5, v46, v38;
	(xrf1) =	vsort.dscd.msk.f32 $0xffff, v48, v49  }
0x392: {  	v54 =	vsel vm0, v21, v24;
	v55 =	vsel vm0, v20, v25;
	(xrf1) =	vsort.dscd.msk.f32 $0xffff, v51, v52  }
0x393: {  	v50 =	vld [tilespmem:s2+$0x8060];
	v18 =	vadd.f32 v18, v17;
	(xrf1) =	vsort.dscd.msk.f32 $0xffff, v54, v55  }
0x394: {  	s14 =	sor.u32 $0x20, s2;
	v20, v21, _ =	vpop (xrf1);
	v19 =	vadd.f32 v19, v17  }
0x395: {  	v58 =	vor.u32 s14, v0;
	s16 =	sor.u32 $0x40, s2;
	v57, v56, _ =	vpop (xrf1)  }
0x396: {  	s14 =	sor.u32 $0x80, s2;
	v27 =	vadd.f32 v53, v17;
	v26 =	vadd.f32 v47, v17;
	v59, v60, _ =	vpop (xrf1);
	v61 =	vor.u32 s16, v0;
	(xrf1) =	vsort.dscd.msk.f32 $0xffff, v18, v58  }
0x397: {  	v62 =	vor.u32 s14, v0;
	v23 =	vperm.xlane v57, v4;
	v24 =	vperm.xlane v56, v4;
	(xrf1) =	vsort.dscd.msk.f32 $0xffff, v19, v61;
	v18, v25, _ =	vpop (xrf1)  }
0x398: {  	v22 =	vadd.f32 v50, v17;
	s16 =	sor.u32 $0x60, s2;
	v28 =	vperm.xlane v59, v4;
	v29 =	vperm.xlane v60, v4;
	v19, v40, _ =	vpop (xrf1)  }
0x399: {  	v63 =	vld [tilespmem:s2+$0x80C0];
	v41 =	vor.u32 s16, v0;
	s16 =	sor.u32 $0xA0, s2;
	vm12 =	veq.f32 v20, v23;
	(xrf1) =	vsort.dscd.msk.f32 $0xffff, v26, v62;
	v25 =	vperm.xlane v25, v4;
	v44, v43, _ =	vpop (xrf1)  }
0x39a: {  	v42 =	vld [tilespmem:s2+$0x80E0];
	v45 =	vor.u32 s16, v0;
	v32 =	vperm.xlane v40, v4;
	(xrf1) =	vsort.dscd.msk.f32 $0xffff, v22, v41;
	v22 =	vperm.xlane v18, v4;
	v47, v46, _ =	vpop (xrf1)  }
0x39b: {  	(xrf1) =	vsort.dscd.msk.f32 $0xffff, v27, v45;
	v27 =	vperm.xlane v19, v4;
	v31 =	vperm.xlane v44, v4;
	v19, v18, _ =	vpop (xrf1)  }
0x39c: {  	s14 =	sor.u32 $0xC0, s2;
	vm13 =	vlt.s32 v21, v24;
	v34 =	vperm.xlane v43, v4;
	v33 =	vperm.xlane v47, v4;
	v49, v48, _ =	vpop (xrf1)  }
0x39d: {  	v54 =	vor.u32 s14, v0;
	v36 =	vperm.xlane v46, v4;
	v51, v50, _ =	vpop (xrf1);
	v26 =	vperm.xlane v49, v4  }
0x39e: {  	v30 =	vadd.f32 v63, v17;
	v35 =	vperm.xlane v48, v4;
	v53, v52, _ =	vpop (xrf1);
	v38 =	vperm.xlane v51, v4  }
0x39f: {  	s16 =	sor.u32 $0xE0, s2;
	v17 =	vadd.f32 v42, v17;
	v37 =	vperm.xlane v53, v4;
	v40 =	vperm.xlane v52, v4;
	v55, v56, _ =	vpop (xrf1)  }
0x3a0: {  	v57 =	vor.u32 s16, v0;
	(xrf1) =	vsort.dscd.msk.f32 $0xffff, v30, v54;
	v39 =	vperm.xlane v50, v4;
	v58 =	vperm.xlane v55, v4;
	v60, v59, _ =	vpop (xrf1)  }
0x3a1: {  	v43 =	vperm.xlane v56, v4;
	vm6 =	veq.f32 v60, v37;
	vm7 =	vlt.s32 v59, v40;
	v61, v62, _ =	vpop (xrf1)  }
0x3a2: {  	(xrf1) =	vsort.dscd.msk.f32 $0xffff, v17, v57;
	vm9 =	vgt.f32 v60, v37;
	vm8 =	vgt.f32 v61, v58;
	vm0 =	vmand vm6, vm7  }
0x3a3: {  	vm10 =	veq.f32 v61, v58;
	vm11 =	vlt.s32 v62, v43;
	vm0 =	vmor vm9, vm0  }
0x3a4: {  	v17, v30, _ =	vpop (xrf1);
	vm1 =	vmand vm10, vm11;
	v37 =	vsel vm0, v60, v37;
	v40 =	vsel vm0, v59, v40  }
0x3a5: {  	v42, v44, _ =	vpop (xrf1);
	vm14 =	veq.f32 v17, v28;
	vm15 =	vlt.s32 v30, v29;
	vm1 =	vmor vm8, vm1;
	(xrf1) =	vsort.dscd.msk.f32 $0xffff, v37, v40  }
0x3a6: {  	vm9 =	veq.f32 v42, v22;
	v41 =	vsel vm1, v61, v58;
	v43 =	vsel vm1, v62, v43  }
0x3a7: {  	vm10 =	vlt.s32 v44, v25;
	vm0 =	vmand vm12, vm13;
	vm1 =	vmand vm14, vm15;
	(xrf1) =	vsort.dscd.msk.f32 $0xffff, v41, v43  }
0x3a8: {  	vm4 =	vmand vm9, vm10;
	vm15 =	vgt.f32 v20, v23;
	vm9 =	vgt.f32 v17, v28  }
0x3a9: {  	vm10 =	vgt.f32 v42, v22;
	vm6 =	vmor vm15, vm0;
	vm1 =	vmor vm9, vm1  }
0x3aa: {  	vm0 =	vmor vm10, vm4;
	v20 =	vsel vm6, v20, v23;
	v21 =	vsel vm6, v21, v24;
	v37, v40, _ =	vpop (xrf1)  }
0x3ab: {  	v17 =	vsel vm1, v17, v28;
	v56 =	vsel vm1, v30, v29;
	v22 =	vsel vm0, v42, v22;
	v63, v52, _ =	vpop (xrf1)  }
0x3ac: {  	v25 =	vsel vm0, v44, v25;
	vm15 =	vlt.s32 v40, v32;
	v41, v43, _ =	vpop (xrf1);
	vm11 =	veq.f32 v63, v31  }
0x3ad: {  	vm12 =	vlt.s32 v52, v34;
	vm13 =	veq.f32 v41, v33;
	vm14 =	vlt.s32 v43, v36  }
0x3ae: {  	vm2 =	vmand vm11, vm12;
	vm11 =	vgt.f32 v63, v31;
	vm12 =	vgt.f32 v41, v33  }
0x3af: {  	v53, v48, _ =	vpop (xrf1);
	vm3 =	vmand vm13, vm14;
	vm2 =	vmor vm11, vm2;
	vm13 =	vgt.f32 v37, v27  }
0x3b0: {  	vm14 =	veq.f32 v37, v27;
	v54, v55, _ =	vpop (xrf1);
	vm9 =	vgt.f32 v53, v26;
	vm3 =	vmor vm12, vm3  }
0x3b1: {  	vm7 =	veq.f32 v54, v38;
	v57 =	vsel vm2, v63, v31;
	v58 =	vsel vm2, v52, v34  }
0x3b2: {  	(xrf1) =	vsort.dscd.msk.f32 $0xffff, v20, v21;
	vm8 =	vlt.s32 v55, v39;
	vm10 =	vgt.f32 v54, v38;
	vm11 =	vmand vm14, vm15  }
0x3b3: {  	(xrf1) =	vsort.dscd.msk.f32 $0xffff, v17, v56;
	v59 =	vsel vm3, v41, v33;
	v60 =	vsel vm3, v43, v36;
	vm2 =	vmand vm7, vm8;
	v20, v21, _ =	vpop (xrf1)  }
0x3b4: {  	(xrf1) =	vsort.dscd.msk.f32 $0xffff, v57, v58;
	vm2 =	vmor vm10, vm2;
	v17 =	vperm.xlane v20, v4;
	v61 =	vperm.xlane v21, v4  }
0x3b5: {  	vm12 =	veq.f32 v53, v26;
	vm3 =	vmor vm13, vm11;
	(xrf1) =	vsort.dscd.msk.f32 $0xffff, v59, v60;
	v62 =	vsel vm2, v54, v38;
	v36, v34, _ =	vpop (xrf1)  }
0x3b6: {  	v63 =	vsel vm2, v55, v39;
	vm13 =	veq.f32 v36, v17;
	vm14 =	vlt.s32 v34, v61  }
0x3b7: {  	vm7 =	vlt.s32 v48, v35;
	(xrf1) =	vsort.dscd.msk.f32 $0xffff, v62, v63;
	vm15 =	vgt.f32 v36, v17;
	vm0 =	vmand vm13, vm14  }
0x3b8: {  	v37 =	vsel vm3, v37, v27;
	v38 =	vsel vm3, v40, v32;
	(xrf1) =	vsort.dscd.msk.f32 $0xffff, v22, v25;
	vm0 =	vmor vm15, vm0  }
0x3b9: {  	vm2 =	vmand vm12, vm7;
	(xrf1) =	vsort.dscd.msk.f32 $0xffff, v37, v38;
	v17 =	vsel vm0, v36, v17;
	v20 =	vsel vm0, v34, v61  }
0x3ba: {  	vm8 =	vmor vm9, vm2;
	(xrf1) =	vsort.dscd.msk.f32 $0xffff, v17, v20  }
0x3bb: {  	v39 =	vsel vm8, v48, v35;
	v17 =	vsel vm8, v53, v26  }
0x3bc: {  	(xrf1) =	vsort.dscd.msk.f32 $0xffff, v17, v39;
	_ =	sdelay $0x4  }
0x3bd: {  	v17, v20, _ =	vpop (xrf1)  }
0x3be: {  	v41, v40, _ =	vpop (xrf1)  }
0x3bf: {  	v42, v43, _ =	vpop (xrf1);
	v21 =	vperm.xlane v41, v4  }
0x3c0: {  	v22 =	vperm.xlane v40, v4;
	v44, v45, _ =	vpop (xrf1);
	v23 =	vperm.xlane v42, v4  }
0x3c1: {  	v24 =	vperm.xlane v43, v4;
	v46, v47, _ =	vpop (xrf1);
	v25 =	vperm.xlane v44, v4  }
0x3c2: {  	v26 =	vperm.xlane v45, v4;
	vm9 =	veq.f32 v17, v21;
	vm12 =	vlt.s32 v20, v22;
	v29, v30, _ =	vpop (xrf1)  }
0x3c3: {  	vm0 =	vmand vm9, vm12;
	v48, v49, _ =	vpop (xrf1);
	vm14 =	veq.f32 v29, v23;
	vm9 =	vlt.s32 v30, v24  }
0x3c4: {  	v27 =	vperm.xlane v46, v4;
	v28 =	vperm.xlane v47, v4;
	vm2 =	vmand vm14, vm9;
	v51, v50, _ =	vpop (xrf1)  }
0x3c5: {  	vm12 =	veq.f32 v48, v25;
	vm10 =	veq.f32 v19, v51;
	vm11 =	vlt.s32 v18, v50  }
0x3c6: {  	vm14 =	vgt.f32 v48, v25;
	v53, v52, _ =	vpop (xrf1);
	vm13 =	vgt.f32 v19, v51;
	vm1 =	vmand vm10, vm11  }
0x3c7: {  	vm15 =	veq.f32 v53, v27;
	vm8 =	vlt.s32 v52, v28;
	vm10 =	vgt.f32 v29, v23  }
0x3c8: {  	vm11 =	vgt.f32 v53, v27;
	vm1 =	vmor vm13, vm1;
	vm2 =	vmor vm10, vm2  }
0x3c9: {  	v19 =	vsel vm1, v19, v51;
	v18 =	vsel vm1, v18, v50;
	vm1 =	vmand vm15, vm8  }
0x3ca: {  	vm13 =	vlt.s32 v49, v26;
	vm15 =	vgt.f32 v17, v21;
	vm1 =	vmor vm11, vm1  }
0x3cb: {  	(xrf1) =	vsort.ascd.msk.f32 $0xffff, v19, v18;
	v27 =	vsel vm1, v53, v27;
	v28 =	vsel vm1, v52, v28;
	vm1 =	vmand vm12, vm13  }
0x3cc: {  	v18 =	vsel vm2, v29, v23;
	v19 =	vsel vm2, v30, v24;
	vm1 =	vmor vm14, vm1;
	(xrf1) =	vsort.dscd.msk.f32 $0xffff, v27, v28  }
0x3cd: {  	vm0 =	vmor vm15, vm0;
	v54 =	vsel vm1, v48, v25;
	v55 =	vsel vm1, v49, v26;
	(xrf1) =	vsort.dscd.msk.f32 $0xffff, v18, v19  }
0x3ce: {  	v17 =	vsel vm0, v17, v21;
	v18 =	vsel vm0, v20, v22;
	(xrf1) =	vsort.dscd.msk.f32 $0xffff, v54, v55  }
0x3cf: {  	(xrf1) =	vsort.dscd.msk.f32 $0xffff, v17, v18;
	_ =	sdelay $0x9  }
0x3d0: {  	v17, v18, _ =	vpop (xrf1)  }
0x3d1: {  	v19, v56, _ =	vpop (xrf1)  }
0x3d2: {  	v19 =	vperm.xlane v19, v4;
	v20 =	vperm.xlane v56, v4;
	v57, v58, _ =	vpop (xrf1)  }
0x3d3: {  	v21 =	vperm.xlane v57, v4;
	v23, v24, _ =	vpop (xrf1)  }
0x3d4: {  	v22 =	vperm.xlane v58, v4;
	vm4 =	veq.f32 v23, v19;
	vm5 =	vlt.s32 v24, v20;
	v59, v60, _ =	vpop (xrf1)  }
0x3d5: {  	vm6 =	vgt.f32 v23, v19;
	vm0 =	vmand vm4, vm5;
	vm7 =	veq.f32 v59, v21  }
0x3d6: {  	vm8 =	vlt.s32 v60, v22;
	vm9 =	vgt.f32 v59, v21;
	vm0 =	vmor vm6, vm0  }
0x3d7: {  	vm1 =	vmand vm7, vm8;
	v19 =	vsel vm0, v23, v19;
	v20 =	vsel vm0, v24, v20  }
0x3d8: {  	vm0 =	vmor vm9, vm1;
	(xrf1) =	vsort.dscd.msk.f32 $0xffff, v19, v20  }
0x3d9: {  	v19 =	vsel vm0, v59, v21;
	v61 =	vsel vm0, v60, v22  }
0x3da: {  	(xrf1) =	vsort.dscd.msk.f32 $0xffff, v19, v61;
	_ =	sdelay $0xb  }
0x3db: {  	v19, v20, _ =	vpop (xrf1)  }
0x3dc: {  	v19 =	vperm.xlane v19, v4;
	v20 =	vperm.xlane v20, v4  }
0x3dd: {  	v62, v63, _ =	vpop (xrf1)  }
0x3de: {  	vm10 =	veq.f32 v62, v19;
	vm11 =	vlt.s32 v63, v20  }
0x3df: {  	vm12 =	vgt.f32 v62, v19;
	vm0 =	vmand vm10, vm11  }
0x3e0: {  	vm0 =	vmor vm12, vm0  }
0x3e1: {  	v19 =	vsel vm0, v62, v19;
	v20 =	vsel vm0, v63, v20  }
0x3e2: {  	(xrf1) =	vsort.dscd.msk.f32 $0xffff, v19, v20;
	_ =	sdelay $0xd  }
0x3e3: {  	v19, v20, _ =	vpop (xrf1)  }
0x3e4: {  	vm13 =	veq.f32 v17, v19;
	vm14 =	vlt.s32 v18, v20  }
0x3e5: {  	vm15 =	vgt.f32 v17, v19;
	vm0 =	vmand vm13, vm14  }
0x3e6: {  	vm0 =	vmor vm15, vm0  }
0x3e7: {  	v17 =	vsel vm0, v17, v19;
	v18 =	vsel vm0, v18, v20  }
0x3e8: {  	(xrf1) =	vsort.ascd.msk.f32 $0xffff, v17, v18;
	_ =	sdelay $0xb  }
0x3e9: {  	s30 =	sadd.s32 $0x1, s30  }
0x3ea: {  	p0 =	sne.s32 s30, $0x8  }
.Ltmp4:
0x3eb: {  	v17, v18, _ =	vpop (xrf1);
	(pc) =	sbr.rel @p0 .LBB2_2-.Ltmp4, $4  }
0x3ec: {  	v17 =	vperm.xlane v17, v4  }
0x3ed: {  	v18 =	vperm.xlane v18, v4  }
0x3ee: {  	[tilespmem:s31+$0x10A80] =	vst v17  }
0x3ef: {  	[tilespmem:s31+$0x10B00] =	vst v18  }
0x3f0: {  	_ =	swait.ge [sflag:s19], $0x8000  }
0x3f1: {  	[sflag:s19] =	ssyncset.done $0x0  }
0x3f2: {  	[sflag:s19] =	ssyncadd.s32 $0xFFFF8000  }
0x3f3: {  	[hbm4b:s9+s3] =	stream.linear.scatter [tilespmem:s24], [sflag:$0x3], $0x80, $0x38;
	[tilespmem:$0x10B80] =	vst v63  }
0x3f4: {  	_ =	swait.ge [sflag:s15], $0x80  }
0x3f5: {  	[sflag:s15] =	ssyncset.done $0x0  }
0x3f6: {  	[sflag:s15] =	ssyncadd.s32 $0xFFFFFF80  }
0x3f7: {  	[hbm4b:s10+s3] =	stream.linear.scatter [tilespmem:s25], [sflag:$0x3], $0x80, $0x38;
	[tilespmem:$0x10B80] =	vst v63  }
0x3f8: {  	_ =	swait.ge [sflag:s15], $0x80  }
0x3f9: {  	[sflag:s15] =	ssyncset.done $0x0  }
0x3fa: {  	[sflag:s15] =	ssyncadd.s32 $0xFFFFFF80  }
0x3fb: {  	[hbm4b:s11+s3] =	stream.linear.scatter [tilespmem:s26], [sflag:$0x3], $0x80, $0x38;
	[tilespmem:$0x10B80] =	vst v63  }
0x3fc: {  	s29 =	sadd.s32 $0x1, s29;
	_ =	swait.ge [sflag:s15], $0x80  }
0x3fd: {  	p0 =	sne.s32 s29, s13;
	[sflag:s15] =	ssyncset.done $0x0  }
.Ltmp5:
0x3fe: {  	[sflag:s15] =	ssyncadd.s32 $0xFFFFFF80;
	(pc) =	sbr.rel @p0 .LBB2_1-.Ltmp5, $4  }
0x3ff: {  	[hbm4b:s12+s3] =	stream.linear.scatter [tilespmem:s28], [sflag:$0x3], $0x80, $0x38;
	[tilespmem:$0x10B80] =	vst v63  }
0x400: {  	_ =	swait.ge [sflag:s15], $0x80  }
0x401: {  	[sflag:s15] =	ssyncset.done $0x0  }
0x402: {  	[sflag:s15] =	ssyncadd.s32 $0xFFFFFF80  }
0x403: {  	_ =	sfence.sel $0x180000  }
0x404: {  	[bflag:$0x0] =	sbarrier.arrive $0xFFFF  }
0x405: {  	_ =	strace $0x90000047  }
0x406: {  	s0 =	stileid.u32;
	[bflag:$0x2] =	sbarrier.arrive $0xFFFF  }
0x407: {  	p0 =	sne.s32 s0, $0x0;
	s0 =	rddreg [dreg:$0x3]  }
0x408: {  	s0 =	sadd.s32 @!p0 $0x100000, s0  }
0x409: {  	[sflag:s0] =	ssyncadd.tile.s32 @!p0 $0x1;
	_ =	shalt  }
.Lfunc_end2:
_tile_overlayer_lowered:
.L_overlay_start_2:
0x40a: {  	(tag) =	ssettag $0x2  }
0x40b: {  	s0 =	rddreg [dreg:$0x0];
	s2 =	stileid.u32  }
0x40c: {  	s1 =	rddreg [dreg:$0x1];
	p0 =	sne.s32 s2, $0x0  }
0x40d: {  	s3 =	rddreg [dreg:$0x2];
	[bflag:$0x3] =	sbarrier.arrive $0xFFFF;
	s2 =	simm.s32 @!p0 $0x1C03  }
0x40e: {  	[timem:s3], [sflag:s2] =	dma.local @!p0 [hbm:s0], s1  }
0x40f: {  	s0 =	simm.s32 @!p0 $0x3  }
0x410: {  	_ =	swait.ge @!p0 [sflag:s0], s1  }
0x411: {  	s1 =	ssub.s32 @!p0 $0x0, s1;
	[sflag:s0] =	ssyncset.done @!p0 $0x0  }
0x412: {  	[sflag:s0] =	ssyncadd.s32 @!p0 s1  }
0x413: {  	[bflag:$0x3] =	sbarrier.arrive $0xFFFF  }
0x414: {  	_ =	shalt  }

</sc_bundles>
